<compile_context>
chip_gen: v7x
topology: tpu7x:2x2x1
jax: 0.10.2.dev20260603
libtpu: 0.0.44.dev20260713+nightly
codegen_flags: <defaults>
</compile_context>

<pallas_src>
import jax
import jax.numpy as jnp
from jax import lax
from jax.experimental import pallas as pl
from jax.experimental.pallas import tpu as pltpu
from jax.experimental.pallas import tpu_sc as plsc

N_NODES = 10000
DIM = 128
N_EDGES = 320000

NC = 2
NS = 16
LANES = 16

CHUNK = 128
N_CHUNKS_PAD = 2560
N_EDGES_PAD = N_CHUNKS_PAD * CHUNK
CHUNKS_PER_TILE = N_CHUNKS_PAD // NS
VREGS_PER_ROW = DIM // LANES

RCHUNK = 80
N_RCHUNKS = N_NODES // RCHUNK
RCHUNKS_PER_TILE = -(-N_RCHUNKS // NS)


G = 32
N_GROUPS = CHUNKS_PER_TILE // G


def _sc_body(src_hbm, dst_hbm, attr_hbm, x_hbm, out_hbm,
             acc, idx_s, idx_d, attr_a, rows0, rows1,
             semi, sem0, sem1):
    c = lax.axis_index("c")
    t = lax.axis_index("s")

    def _issue_idx(g):
        base = t * CHUNKS_PER_TILE + g * G
        pltpu.async_copy(src_hbm.at[c, pl.ds(base, G)], idx_s, semi)
        pltpu.async_copy(dst_hbm.at[c, pl.ds(base, G)], idx_d, semi)
        pltpu.async_copy(attr_hbm.at[c, pl.ds(base, G)], attr_a, semi)

    def _wait_idx(g):
        base = t * CHUNKS_PER_TILE + g * G
        pltpu.make_async_copy(src_hbm.at[c, pl.ds(base, G)], idx_s,
                              semi).wait()
        pltpu.make_async_copy(dst_hbm.at[c, pl.ds(base, G)], idx_d,
                              semi).wait()
        pltpu.make_async_copy(attr_hbm.at[c, pl.ds(base, G)], attr_a,
                              semi).wait()

    _issue_idx(0)

    @pl.loop(0, CHUNK)
    def _zero_rows(r):
        for k in range(VREGS_PER_ROW):
            rows0[r, pl.ds(k * LANES, LANES)] = jnp.zeros((LANES,), jnp.float32)

    @pl.loop(0, RCHUNKS_PER_TILE)
    def _zero_acc(i):
        rc = i * NS + t

        @pl.when(rc < N_RCHUNKS)
        def _():
            pltpu.sync_copy(rows0.at[pl.ds(0, RCHUNK)],
                            acc.at[pl.ds(rc * RCHUNK, RCHUNK)])

    plsc.subcore_barrier()

    def _process(j, cur, nxt, sem_cur, sem_nxt):
        @pl.when(j + 1 < G)
        def _():
            pltpu.async_copy(x_hbm.at[idx_s.at[j + 1]], nxt, sem_nxt)

        pltpu.make_async_copy(x_hbm.at[idx_s.at[j]], cur, sem_cur).wait()

        @plsc.parallel_loop(0, CHUNK // LANES, unroll=2)
        def _scale(gg):
            a16 = attr_a[j, pl.ds(gg * LANES, LANES)]
            for jj in range(LANES):
                av = jnp.full((LANES,), a16[jj], jnp.float32)
                e = gg * LANES + jj
                for k in range(VREGS_PER_ROW):
                    sl = pl.ds(k * LANES, LANES)
                    cur[e, sl] = cur[e, sl] * av

        pltpu.sync_copy(cur, acc.at[idx_d.at[j]], add=True)

    @pl.loop(0, N_GROUPS)
    def _group_loop(g):
        @pl.when(g > 0)
        def _():
            _issue_idx(g)

        _wait_idx(g)
        pltpu.async_copy(x_hbm.at[idx_s.at[0]], rows0, sem0)

        @pl.loop(0, G)
        def _chunk_loop(j):
            @pl.when(j % 2 == 0)
            def _():
                _process(j, rows0, rows1, sem0, sem1)

            @pl.when(j % 2 == 1)
            def _():
                _process(j, rows1, rows0, sem1, sem0)

    plsc.subcore_barrier()

    @pl.loop(0, RCHUNKS_PER_TILE)
    def _drain(i):
        rc = i * NS + t

        @pl.when(rc < N_RCHUNKS)
        def _():
            pltpu.sync_copy(acc.at[pl.ds(rc * RCHUNK, RCHUNK)],
                            rows0.at[pl.ds(0, RCHUNK)])
            pltpu.sync_copy(rows0.at[pl.ds(0, RCHUNK)],
                            out_hbm.at[c, pl.ds(rc * RCHUNK, RCHUNK)])


_SC_AGG_CACHE = []


def _sc_agg_fn():
    if not _SC_AGG_CACHE:
        _SC_AGG_CACHE.append(pl.kernel(
            _sc_body,
            out_type=jax.ShapeDtypeStruct((NC, N_NODES, DIM), jnp.float32),
            mesh=plsc.VectorSubcoreMesh(core_axis_name="c",
                                        subcore_axis_name="s",
                                        num_cores=NC, num_subcores=NS),
            scratch_types=[
                pltpu.VMEM_SHARED((N_NODES, DIM), jnp.float32),
                pltpu.VMEM((G, CHUNK), jnp.int32),
                pltpu.VMEM((G, CHUNK), jnp.int32),
                pltpu.VMEM((G, CHUNK), jnp.float32),
                pltpu.VMEM((CHUNK, DIM), jnp.float32),
                pltpu.VMEM((CHUNK, DIM), jnp.float32),
                pltpu.SemaphoreType.DMA,
                pltpu.SemaphoreType.DMA,
                pltpu.SemaphoreType.DMA,
            ],
        ))
    return _SC_AGG_CACHE[0]


BM = 1000


def _mm_body(x_ref, a1_ref, a2_ref, wln_ref, w1_ref, w2_ref,
             o0_ref, o1_ref, o2_ref):
    o0_ref[...] = jnp.dot(x_ref[...], wln_ref[...],
                          preferred_element_type=jnp.float32)
    o1_ref[...] = jnp.dot(a1_ref[0], w1_ref[...],
                          preferred_element_type=jnp.float32)
    o2_ref[...] = jnp.dot(a2_ref[0], w2_ref[...],
                          preferred_element_type=jnp.float32)


_row_spec = pl.BlockSpec((BM, DIM), lambda i: (i, 0))
_w_spec = pl.BlockSpec((DIM, DIM), lambda i: (0, 0))

_tc_matmul = pl.pallas_call(
    _mm_body,
    grid=(N_NODES // BM,),
    in_specs=[_row_spec,
              pl.BlockSpec((1, BM, DIM), lambda i: (0, i, 0)),
              pl.BlockSpec((1, BM, DIM), lambda i: (1, i, 0)),
              _w_spec, _w_spec, _w_spec],
    out_specs=[_row_spec, _row_spec, _row_spec],
    out_shape=[jax.ShapeDtypeStruct((N_NODES, DIM), jnp.float32)] * 3,
)


def kernel(x, edge_index, edge_attr, edge_index2, edge_attr2, W_ln, W1, W2):
    ei1 = edge_index.astype(jnp.int32)
    ei2 = edge_index2.astype(jnp.int32)
    npad = N_EDGES_PAD - N_EDGES
    pad_idx = (jnp.arange(npad, dtype=jnp.int32) * 8) % N_NODES
    pad_attr = jnp.zeros((npad,), jnp.float32)

    def _pad(a, p):
        return jnp.concatenate([a, p])

    src = jnp.stack([_pad(ei1[0], pad_idx), _pad(ei2[0], pad_idx)])
    dst = jnp.stack([_pad(ei1[1], pad_idx), _pad(ei2[1], pad_idx)])
    attr = jnp.stack([_pad(edge_attr, pad_attr), _pad(edge_attr2, pad_attr)])
    src = src.reshape(NC, N_CHUNKS_PAD, CHUNK)
    dst = dst.reshape(NC, N_CHUNKS_PAD, CHUNK)
    attr = attr.reshape(NC, N_CHUNKS_PAD, CHUNK)
    agg = _sc_agg_fn()(src, dst, attr, x)
    x0, x1, x2 = _tc_matmul(x, agg, agg, W_ln, W1, W2)
    return (x0, x1, x2)

# --- scband reference (transcript-rebuilt; emitter-appended) ---
"""Pipeline reference for scband-inception-block-15908558864506 (READ-ONLY COPY).

The authoritative reference and input builder live on the scoring server;
editing this copy changes nothing except your own understanding.
"""

import jax, jax.numpy as jnp
import numpy as np

N_NODES = 10000
N_EDGES = 320000
IN_DIM = 128
OUT_DIM = 128


def setup_inputs(seed: int = 0) -> dict:
    key = jax.random.key(seed)
    k_x, k_ei, k_ea, k_ei2, k_ea2, k_wln, k_w1, k_w2 = jax.random.split(key, 8)
    x = jax.random.normal(k_x, (N_NODES, IN_DIM), dtype=jnp.float32)
    edge_index = jax.random.randint(k_ei, (2, N_EDGES), 0, N_NODES, dtype=jnp.int64 if jax.config.read('jax_enable_x64') else jnp.int32)
    edge_attr = jax.random.uniform(k_ea, (N_EDGES,), dtype=jnp.float32)
    edge_index2 = jax.random.randint(k_ei2, (2, N_EDGES), 0, N_NODES, dtype=jnp.int64 if jax.config.read('jax_enable_x64') else jnp.int32)
    edge_attr2 = jax.random.uniform(k_ea2, (N_EDGES,), dtype=jnp.float32)
    # Learned parameters (bias=False). Glorot-style init like PyG / nn.Linear.
    s = 1.0 / np.sqrt(IN_DIM)
    W_ln = jax.random.uniform(k_wln, (IN_DIM, OUT_DIM), dtype=jnp.float32, minval=-s, maxval=s)
    W1 = jax.random.uniform(k_w1, (IN_DIM, OUT_DIM), dtype=jnp.float32, minval=-s, maxval=s)
    W2 = jax.random.uniform(k_w2, (IN_DIM, OUT_DIM), dtype=jnp.float32, minval=-s, maxval=s)
    return {"x": x, "edge_index": edge_index, "edge_attr": edge_attr,
            "edge_index2": edge_index2, "edge_attr2": edge_attr2,
            "W_ln": W_ln, "W1": W1, "W2": W2}


def _digcn_conv(x, edge_index, edge_attr, W):
    # DIGCNConv: x' = x @ W, then message m_e = edge_attr_e * x'[src_e],
    # aggregated by sum at dst nodes (PyG source_to_target flow).
    h = x @ W
    src = edge_index[0]
    dst = edge_index[1]
    msg = edge_attr[:, None] * jnp.take(h, src, axis=0)
    out = jax.ops.segment_sum(msg, dst, num_segments=x.shape[0])
    return out


def reference(x, edge_index, edge_attr, edge_index2, edge_attr2, W_ln, W1, W2):
    x0 = x @ W_ln
    x1 = _digcn_conv(x, edge_index, edge_attr, W1)
    x2 = _digcn_conv(x, edge_index2, edge_attr2, W2)
    return (x0, x1, x2)

if __name__ == "__main__":
    import jax
    _d = setup_inputs()
    print(jax.jit(kernel)(*tuple(_d.values())))

</pallas_src>

<mosaic_0001>
#map = affine_map<(d0, d1) -> (0, 0, 0)>
#map1 = affine_map<(d0, d1) -> (0, 0)>
module attributes {stable_mosaic.version = 14 : i64} {
  func.func @_sc_body(%arg0: i32, %arg1: i32, %arg2: memref<2x2560x128xi32, #tpu.memory_space<hbm>>, %arg3: memref<2x2560x128xi32, #tpu.memory_space<hbm>>, %arg4: memref<2x2560x128xf32, #tpu.memory_space<hbm>>, %arg5: memref<10000x128xf32, #tpu.memory_space<hbm>>, %arg6: memref<2x10000x128xf32, #tpu.memory_space<hbm>>, %arg7: memref<10000x128xf32, #tpu.memory_space<vmem_shared>>, %arg8: memref<32x128xi32, #tpu.memory_space<vmem>>, %arg9: memref<32x128xi32, #tpu.memory_space<vmem>>, %arg10: memref<32x128xf32, #tpu.memory_space<vmem>>, %arg11: memref<128x128xf32, #tpu.memory_space<vmem>>, %arg12: memref<128x128xf32, #tpu.memory_space<vmem>>, %arg13: memref<!tpu.dma_semaphore, #tpu.memory_space<semaphore_mem>>, %arg14: memref<!tpu.dma_semaphore, #tpu.memory_space<semaphore_mem>>, %arg15: memref<!tpu.dma_semaphore, #tpu.memory_space<semaphore_mem>>) attributes {dimension_semantics = [#tpu.dimension_semantics<core_parallel>, #tpu.dimension_semantics<subcore_parallel>], iteration_bounds = array<i64: 2, 16>, scalar_prefetch = 0 : i64, scratch_operands = 9 : i64, tpu.core_type = #tpu.core_type<sc_vector_subcore>, window_params = [{transform_indices = #map}, {transform_indices = #map}, {transform_indices = #map}, {transform_indices = #map1}, {transform_indices = #map}]} {
    %mul3A = arith.constant 160 : i32
    %mul3A_0 = arith.muli %arg1, %mul3A : i32
    %add3A = arith.constant 0 : i32
    %add3A_1 = arith.addi %mul3A_0, %add3A : i32
    %dma_start3A = arith.constant 0 : i32
    %dma_start3A_2 = tpu.memref_slice %arg2[%arg0, %add3A_1, %dma_start3A] : memref<2x2560x128xi32, #tpu.memory_space<hbm>> -> memref<1x32x128xi32, #tpu.memory_space<hbm>>
    %dma_start3A_3 = tpu.memref_squeeze %dma_start3A_2 : memref<1x32x128xi32, #tpu.memory_space<hbm>> -> memref<32x128xi32, #tpu.memory_space<hbm>>
    %dma_start3A_4 = arith.constant 0 : i32
    %dma_start3A_5 = tpu.memref_slice %arg2[%arg0, %add3A_1, %dma_start3A_4] : memref<2x2560x128xi32, #tpu.memory_space<hbm>> -> memref<1x32x128xi32, #tpu.memory_space<hbm>>
    %dma_start3A_6 = tpu.memref_squeeze %dma_start3A_5 : memref<1x32x128xi32, #tpu.memory_space<hbm>> -> memref<32x128xi32, #tpu.memory_space<hbm>>
    tpu.enqueue_dma source(%dma_start3A_6 : memref<32x128xi32, #tpu.memory_space<hbm>>) target(%arg8 : memref<32x128xi32, #tpu.memory_space<vmem>>) target_semaphore(%arg13 : memref<!tpu.dma_semaphore, #tpu.memory_space<semaphore_mem>>)
    %dma_start3A_7 = arith.constant 0 : i32
    %dma_start3A_8 = tpu.memref_slice %arg3[%arg0, %add3A_1, %dma_start3A_7] : memref<2x2560x128xi32, #tpu.memory_space<hbm>> -> memref<1x32x128xi32, #tpu.memory_space<hbm>>
    %dma_start3A_9 = tpu.memref_squeeze %dma_start3A_8 : memref<1x32x128xi32, #tpu.memory_space<hbm>> -> memref<32x128xi32, #tpu.memory_space<hbm>>
    %dma_start3A_10 = arith.constant 0 : i32
    %dma_start3A_11 = tpu.memref_slice %arg3[%arg0, %add3A_1, %dma_start3A_10] : memref<2x2560x128xi32, #tpu.memory_space<hbm>> -> memref<1x32x128xi32, #tpu.memory_space<hbm>>
    %dma_start3A_12 = tpu.memref_squeeze %dma_start3A_11 : memref<1x32x128xi32, #tpu.memory_space<hbm>> -> memref<32x128xi32, #tpu.memory_space<hbm>>
    tpu.enqueue_dma source(%dma_start3A_12 : memref<32x128xi32, #tpu.memory_space<hbm>>) target(%arg9 : memref<32x128xi32, #tpu.memory_space<vmem>>) target_semaphore(%arg13 : memref<!tpu.dma_semaphore, #tpu.memory_space<semaphore_mem>>)
    %dma_start3A_13 = arith.constant 0 : i32
    %dma_start3A_14 = tpu.memref_slice %arg4[%arg0, %add3A_1, %dma_start3A_13] : memref<2x2560x128xf32, #tpu.memory_space<hbm>> -> memref<1x32x128xf32, #tpu.memory_space<hbm>>
    %dma_start3A_15 = tpu.memref_squeeze %dma_start3A_14 : memref<1x32x128xf32, #tpu.memory_space<hbm>> -> memref<32x128xf32, #tpu.memory_space<hbm>>
    %dma_start3A_16 = arith.constant 0 : i32
    %dma_start3A_17 = tpu.memref_slice %arg4[%arg0, %add3A_1, %dma_start3A_16] : memref<2x2560x128xf32, #tpu.memory_space<hbm>> -> memref<1x32x128xf32, #tpu.memory_space<hbm>>
    %dma_start3A_18 = tpu.memref_squeeze %dma_start3A_17 : memref<1x32x128xf32, #tpu.memory_space<hbm>> -> memref<32x128xf32, #tpu.memory_space<hbm>>
    tpu.enqueue_dma source(%dma_start3A_18 : memref<32x128xf32, #tpu.memory_space<hbm>>) target(%arg10 : memref<32x128xf32, #tpu.memory_space<vmem>>) target_semaphore(%arg13 : memref<!tpu.dma_semaphore, #tpu.memory_space<semaphore_mem>>)
    %scan3A = arith.constant 0 : i32
    %scan3A_19 = arith.constant 128 : i32
    %scan3A_20 = arith.addi %scan3A, %scan3A_19 : i32
    %scan3A_21 = arith.constant 1 : i32
    scf.for %scan3A_39 = %scan3A to %scan3A_20 step %scan3A_21  : i32 {
      %mul3A_40 = arith.constant 1 : i32
      %mul3A_41 = arith.muli %scan3A_39, %mul3A_40 : i32
      %add3A_42 = arith.constant 0 : i32
      %add3A_43 = arith.addi %add3A_42, %mul3A_41 : i32
      %broadcast_in_dim3A = arith.constant 0.000000e+00 : f32
      %broadcast_in_dim3A_44 = vector.broadcast %broadcast_in_dim3A : f32 to vector<16xf32>
      %swap3A = arith.index_cast %add3A_43 : i32 to index
      %swap3A_45 = arith.constant 0 : index
      %swap3A_46 = tpu.vector_load %arg11[%swap3A, %swap3A_45] {strides = array<i32>} : memref<128x128xf32, #tpu.memory_space<vmem>>, vector<1x16xf32>,
      %swap3A_47 = vector.shape_cast %swap3A_46 : vector<1x16xf32> to vector<16xf32>
      %swap3A_48 = vector.shape_cast %broadcast_in_dim3A_44 : vector<16xf32> to vector<1x16xf32>
      tpu.vector_store %arg11[%swap3A, %swap3A_45], %swap3A_48 {strides = array<i32>} : memref<128x128xf32, #tpu.memory_space<vmem>>, vector<1x16xf32>,
      %broadcast_in_dim3A_49 = arith.constant 0.000000e+00 : f32
      %broadcast_in_dim3A_50 = vector.broadcast %broadcast_in_dim3A_49 : f32 to vector<16xf32>
      %swap3A_51 = arith.index_cast %add3A_43 : i32 to index
      %swap3A_52 = arith.constant 16 : index
      %swap3A_53 = tpu.vector_load %arg11[%swap3A_51, %swap3A_52] {strides = array<i32>} : memref<128x128xf32, #tpu.memory_space<vmem>>, vector<1x16xf32>,
      %swap3A_54 = vector.shape_cast %swap3A_53 : vector<1x16xf32> to vector<16xf32>
      %swap3A_55 = vector.shape_cast %broadcast_in_dim3A_50 : vector<16xf32> to vector<1x16xf32>
      tpu.vector_store %arg11[%swap3A_51, %swap3A_52], %swap3A_55 {strides = array<i32>} : memref<128x128xf32, #tpu.memory_space<vmem>>, vector<1x16xf32>,
      %broadcast_in_dim3A_56 = arith.constant 0.000000e+00 : f32
      %broadcast_in_dim3A_57 = vector.broadcast %broadcast_in_dim3A_56 : f32 to vector<16xf32>
      %swap3A_58 = arith.index_cast %add3A_43 : i32 to index
      %swap3A_59 = arith.constant 32 : index
      %swap3A_60 = tpu.vector_load %arg11[%swap3A_58, %swap3A_59] {strides = array<i32>} : memref<128x128xf32, #tpu.memory_space<vmem>>, vector<1x16xf32>,
      %swap3A_61 = vector.shape_cast %swap3A_60 : vector<1x16xf32> to vector<16xf32>
      %swap3A_62 = vector.shape_cast %broadcast_in_dim3A_57 : vector<16xf32> to vector<1x16xf32>
      tpu.vector_store %arg11[%swap3A_58, %swap3A_59], %swap3A_62 {strides = array<i32>} : memref<128x128xf32, #tpu.memory_space<vmem>>, vector<1x16xf32>,
      %broadcast_in_dim3A_63 = arith.constant 0.000000e+00 : f32
      %broadcast_in_dim3A_64 = vector.broadcast %broadcast_in_dim3A_63 : f32 to vector<16xf32>
      %swap3A_65 = arith.index_cast %add3A_43 : i32 to index
      %swap3A_66 = arith.constant 48 : index
      %swap3A_67 = tpu.vector_load %arg11[%swap3A_65, %swap3A_66] {strides = array<i32>} : memref<128x128xf32, #tpu.memory_space<vmem>>, vector<1x16xf32>,
      %swap3A_68 = vector.shape_cast %swap3A_67 : vector<1x16xf32> to vector<16xf32>
      %swap3A_69 = vector.shape_cast %broadcast_in_dim3A_64 : vector<16xf32> to vector<1x16xf32>
      tpu.vector_store %arg11[%swap3A_65, %swap3A_66], %swap3A_69 {strides = array<i32>} : memref<128x128xf32, #tpu.memory_space<vmem>>, vector<1x16xf32>,
      %broadcast_in_dim3A_70 = arith.constant 0.000000e+00 : f32
      %broadcast_in_dim3A_71 = vector.broadcast %broadcast_in_dim3A_70 : f32 to vector<16xf32>
      %swap3A_72 = arith.index_cast %add3A_43 : i32 to index
      %swap3A_73 = arith.constant 64 : index
      %swap3A_74 = tpu.vector_load %arg11[%swap3A_72, %swap3A_73] {strides = array<i32>} : memref<128x128xf32, #tpu.memory_space<vmem>>, vector<1x16xf32>,
      %swap3A_75 = vector.shape_cast %swap3A_74 : vector<1x16xf32> to vector<16xf32>
      %swap3A_76 = vector.shape_cast %broadcast_in_dim3A_71 : vector<16xf32> to vector<1x16xf32>
      tpu.vector_store %arg11[%swap3A_72, %swap3A_73], %swap3A_76 {strides = array<i32>} : memref<128x128xf32, #tpu.memory_space<vmem>>, vector<1x16xf32>,
      %broadcast_in_dim3A_77 = arith.constant 0.000000e+00 : f32
      %broadcast_in_dim3A_78 = vector.broadcast %broadcast_in_dim3A_77 : f32 to vector<16xf32>
      %swap3A_79 = arith.index_cast %add3A_43 : i32 to index
      %swap3A_80 = arith.constant 80 : index
      %swap3A_81 = tpu.vector_load %arg11[%swap3A_79, %swap3A_80] {strides = array<i32>} : memref<128x128xf32, #tpu.memory_space<vmem>>, vector<1x16xf32>,
      %swap3A_82 = vector.shape_cast %swap3A_81 : vector<1x16xf32> to vector<16xf32>
      %swap3A_83 = vector.shape_cast %broadcast_in_dim3A_78 : vector<16xf32> to vector<1x16xf32>
      tpu.vector_store %arg11[%swap3A_79, %swap3A_80], %swap3A_83 {strides = array<i32>} : memref<128x128xf32, #tpu.memory_space<vmem>>, vector<1x16xf32>,
      %broadcast_in_dim3A_84 = arith.constant 0.000000e+00 : f32
      %broadcast_in_dim3A_85 = vector.broadcast %broadcast_in_dim3A_84 : f32 to vector<16xf32>
      %swap3A_86 = arith.index_cast %add3A_43 : i32 to index
      %swap3A_87 = arith.constant 96 : index
      %swap3A_88 = tpu.vector_load %arg11[%swap3A_86, %swap3A_87] {strides = array<i32>} : memref<128x128xf32, #tpu.memory_space<vmem>>, vector<1x16xf32>,
      %swap3A_89 = vector.shape_cast %swap3A_88 : vector<1x16xf32> to vector<16xf32>
      %swap3A_90 = vector.shape_cast %broadcast_in_dim3A_85 : vector<16xf32> to vector<1x16xf32>
      tpu.vector_store %arg11[%swap3A_86, %swap3A_87], %swap3A_90 {strides = array<i32>} : memref<128x128xf32, #tpu.memory_space<vmem>>, vector<1x16xf32>,
      %broadcast_in_dim3A_91 = arith.constant 0.000000e+00 : f32
      %broadcast_in_dim3A_92 = vector.broadcast %broadcast_in_dim3A_91 : f32 to vector<16xf32>
      %swap3A_93 = arith.index_cast %add3A_43 : i32 to index
      %swap3A_94 = arith.constant 112 : index
      %swap3A_95 = tpu.vector_load %arg11[%swap3A_93, %swap3A_94] {strides = array<i32>} : memref<128x128xf32, #tpu.memory_space<vmem>>, vector<1x16xf32>,
      %swap3A_96 = vector.shape_cast %swap3A_95 : vector<1x16xf32> to vector<16xf32>
      %swap3A_97 = vector.shape_cast %broadcast_in_dim3A_92 : vector<16xf32> to vector<1x16xf32>
      tpu.vector_store %arg11[%swap3A_93, %swap3A_94], %swap3A_97 {strides = array<i32>} : memref<128x128xf32, #tpu.memory_space<vmem>>, vector<1x16xf32>,
    }
    %scan3A_22 = arith.constant 128 : i32
    %scan3A_23 = arith.constant 0 : i32
    %scan3A_24 = arith.constant 8 : i32
    %scan3A_25 = arith.addi %scan3A_23, %scan3A_24 : i32
    %scan3A_26 = arith.constant 1 : i32
    scf.for %scan3A_39 = %scan3A_23 to %scan3A_25 step %scan3A_26  : i32 {
      %mul3A_40 = arith.constant 1 : i32
      %mul3A_41 = arith.muli %scan3A_39, %mul3A_40 : i32
      %add3A_42 = arith.constant 0 : i32
      %add3A_43 = arith.addi %add3A_42, %mul3A_41 : i32
      %mul3A_44 = arith.constant 16 : i32
      %mul3A_45 = arith.muli %add3A_43, %mul3A_44 : i32
      %add3A_46 = arith.addi %mul3A_45, %arg1 : i32
      %lt3A = arith.constant 125 : i32
      %lt3A_47 = arith.cmpi slt, %add3A_46, %lt3A : i32
      %convert_element_type3A = arith.extui %lt3A_47 : i1 to i32
      %cond3A = arith.constant 0 : i32
      %cond3A_48 = arith.cmpi ne, %convert_element_type3A, %cond3A : i32
      scf.if %cond3A_48 {
        %mul3A_49 = arith.constant 80 : i32
        %mul3A_50 = arith.muli %add3A_46, %mul3A_49 : i32
        "tpu.region"() ({
          %run_scoped3A = tpu.sem_alloc : memref<!tpu.dma_semaphore, #tpu.memory_space<semaphore_mem>>
          %dma_start3A_51 = arith.constant 0 : i32
          %dma_start3A_52 = arith.constant 0 : i32
          %dma_start3A_53 = tpu.memref_slice %arg11[%dma_start3A_51, %dma_start3A_52] : memref<128x128xf32, #tpu.memory_space<vmem>> -> memref<80x128xf32, #tpu.memory_space<vmem>>
          %dma_start3A_54 = arith.constant 0 : i32
          %dma_start3A_55 = tpu.memref_slice %arg7[%mul3A_50, %dma_start3A_54] : memref<10000x128xf32, #tpu.memory_space<vmem_shared>> -> memref<80x128xf32, #tpu.memory_space<vmem_shared>>
          %dma_start3A_56 = arith.constant 0 : i32
          %dma_start3A_57 = tpu.memref_slice %arg7[%mul3A_50, %dma_start3A_56] : memref<10000x128xf32, #tpu.memory_space<vmem_shared>> -> memref<80x128xf32, #tpu.memory_space<vmem_shared>>
          %dma_start3A_58 = arith.constant 0 : i32
          %dma_start3A_59 = arith.constant 0 : i32
          %dma_start3A_60 = tpu.memref_slice %arg11[%dma_start3A_58, %dma_start3A_59] : memref<128x128xf32, #tpu.memory_space<vmem>> -> memref<80x128xf32, #tpu.memory_space<vmem>>
          tpu.enqueue_dma source(%dma_start3A_60 : memref<80x128xf32, #tpu.memory_space<vmem>>) target(%dma_start3A_57 : memref<80x128xf32, #tpu.memory_space<vmem_shared>>) target_semaphore(%run_scoped3A : memref<!tpu.dma_semaphore, #tpu.memory_space<semaphore_mem>>)
          %dma_wait3A = arith.constant 0 : i32
          %dma_wait3A_61 = arith.constant 0 : i32
          %dma_wait3A_62 = tpu.memref_slice %arg11[%dma_wait3A, %dma_wait3A_61] : memref<128x128xf32, #tpu.memory_space<vmem>> -> memref<80x128xf32, #tpu.memory_space<vmem>>
          %dma_wait3A_63 = arith.constant 0 : i32
          %dma_wait3A_64 = tpu.memref_slice %arg7[%mul3A_50, %dma_wait3A_63] : memref<10000x128xf32, #tpu.memory_space<vmem_shared>> -> memref<80x128xf32, #tpu.memory_space<vmem_shared>>
          %dma_wait3A_65 = arith.constant 0 : i32
          %dma_wait3A_66 = tpu.memref_slice %arg7[%mul3A_50, %dma_wait3A_65] : memref<10000x128xf32, #tpu.memory_space<vmem_shared>> -> memref<80x128xf32, #tpu.memory_space<vmem_shared>>
          %dma_wait3A_67 = arith.constant 0 : i32
          %dma_wait3A_68 = arith.constant 0 : i32
          %dma_wait3A_69 = tpu.memref_slice %arg11[%dma_wait3A_67, %dma_wait3A_68] : memref<128x128xf32, #tpu.memory_space<vmem>> -> memref<80x128xf32, #tpu.memory_space<vmem>>
          tpu.wait_dma2 semaphore(%run_scoped3A : memref<!tpu.dma_semaphore, #tpu.memory_space<semaphore_mem>>) src(%dma_wait3A_69 : memref<80x128xf32, #tpu.memory_space<vmem>>) dst(%dma_wait3A_66 : memref<80x128xf32, #tpu.memory_space<vmem_shared>>)
          tpu.yield
        }) : () -> ()
      } else {
      }
    }
    %scan3A_27 = arith.constant 8 : i32
    %barrier3A = arith.constant 0 : index
    tpu.barrier barrier_id(%barrier3A)
    %scan3A_28 = arith.constant 0 : i32
    %scan3A_29 = arith.constant 5 : i32
    %scan3A_30 = arith.addi %scan3A_28, %scan3A_29 : i32
    %scan3A_31 = arith.constant 1 : i32
    scf.for %scan3A_39 = %scan3A_28 to %scan3A_30 step %scan3A_31  : i32 {
      %mul3A_40 = arith.constant 1 : i32
      %mul3A_41 = arith.muli %scan3A_39, %mul3A_40 : i32
      %add3A_42 = arith.constant 0 : i32
      %add3A_43 = arith.addi %add3A_42, %mul3A_41 : i32
      %gt3A = arith.constant 0 : i32
      %gt3A_44 = arith.cmpi sgt, %add3A_43, %gt3A : i32
      %convert_element_type3A = arith.extui %gt3A_44 : i1 to i32
      %cond3A = arith.constant 0 : i32
      %cond3A_45 = arith.cmpi ne, %convert_element_type3A, %cond3A : i32
      scf.if %cond3A_45 {
        %mul3A_80 = arith.constant 160 : i32
        %mul3A_81 = arith.muli %arg1, %mul3A_80 : i32
        %mul3A_82 = arith.constant 32 : i32
        %mul3A_83 = arith.muli %add3A_43, %mul3A_82 : i32
        %add3A_84 = arith.addi %mul3A_81, %mul3A_83 : i32
        %dma_start3A_85 = arith.constant 0 : i32
        %dma_start3A_86 = tpu.memref_slice %arg2[%arg0, %add3A_84, %dma_start3A_85] : memref<2x2560x128xi32, #tpu.memory_space<hbm>> -> memref<1x32x128xi32, #tpu.memory_space<hbm>>
        %dma_start3A_87 = tpu.memref_squeeze %dma_start3A_86 : memref<1x32x128xi32, #tpu.memory_space<hbm>> -> memref<32x128xi32, #tpu.memory_space<hbm>>
        %dma_start3A_88 = arith.constant 0 : i32
        %dma_start3A_89 = tpu.memref_slice %arg2[%arg0, %add3A_84, %dma_start3A_88] : memref<2x2560x128xi32, #tpu.memory_space<hbm>> -> memref<1x32x128xi32, #tpu.memory_space<hbm>>
        %dma_start3A_90 = tpu.memref_squeeze %dma_start3A_89 : memref<1x32x128xi32, #tpu.memory_space<hbm>> -> memref<32x128xi32, #tpu.memory_space<hbm>>
        tpu.enqueue_dma source(%dma_start3A_90 : memref<32x128xi32, #tpu.memory_space<hbm>>) target(%arg8 : memref<32x128xi32, #tpu.memory_space<vmem>>) target_semaphore(%arg13 : memref<!tpu.dma_semaphore, #tpu.memory_space<semaphore_mem>>)
        %dma_start3A_91 = arith.constant 0 : i32
        %dma_start3A_92 = tpu.memref_slice %arg3[%arg0, %add3A_84, %dma_start3A_91] : memref<2x2560x128xi32, #tpu.memory_space<hbm>> -> memref<1x32x128xi32, #tpu.memory_space<hbm>>
        %dma_start3A_93 = tpu.memref_squeeze %dma_start3A_92 : memref<1x32x128xi32, #tpu.memory_space<hbm>> -> memref<32x128xi32, #tpu.memory_space<hbm>>
        %dma_start3A_94 = arith.constant 0 : i32
        %dma_start3A_95 = tpu.memref_slice %arg3[%arg0, %add3A_84, %dma_start3A_94] : memref<2x2560x128xi32, #tpu.memory_space<hbm>> -> memref<1x32x128xi32, #tpu.memory_space<hbm>>
        %dma_start3A_96 = tpu.memref_squeeze %dma_start3A_95 : memref<1x32x128xi32, #tpu.memory_space<hbm>> -> memref<32x128xi32, #tpu.memory_space<hbm>>
        tpu.enqueue_dma source(%dma_start3A_96 : memref<32x128xi32, #tpu.memory_space<hbm>>) target(%arg9 : memref<32x128xi32, #tpu.memory_space<vmem>>) target_semaphore(%arg13 : memref<!tpu.dma_semaphore, #tpu.memory_space<semaphore_mem>>)
        %dma_start3A_97 = arith.constant 0 : i32
        %dma_start3A_98 = tpu.memref_slice %arg4[%arg0, %add3A_84, %dma_start3A_97] : memref<2x2560x128xf32, #tpu.memory_space<hbm>> -> memref<1x32x128xf32, #tpu.memory_space<hbm>>
        %dma_start3A_99 = tpu.memref_squeeze %dma_start3A_98 : memref<1x32x128xf32, #tpu.memory_space<hbm>> -> memref<32x128xf32, #tpu.memory_space<hbm>>
        %dma_start3A_100 = arith.constant 0 : i32
        %dma_start3A_101 = tpu.memref_slice %arg4[%arg0, %add3A_84, %dma_start3A_100] : memref<2x2560x128xf32, #tpu.memory_space<hbm>> -> memref<1x32x128xf32, #tpu.memory_space<hbm>>
        %dma_start3A_102 = tpu.memref_squeeze %dma_start3A_101 : memref<1x32x128xf32, #tpu.memory_space<hbm>> -> memref<32x128xf32, #tpu.memory_space<hbm>>
        tpu.enqueue_dma source(%dma_start3A_102 : memref<32x128xf32, #tpu.memory_space<hbm>>) target(%arg10 : memref<32x128xf32, #tpu.memory_space<vmem>>) target_semaphore(%arg13 : memref<!tpu.dma_semaphore, #tpu.memory_space<semaphore_mem>>)
      } else {
      }
      %mul3A_46 = arith.constant 160 : i32
      %mul3A_47 = arith.muli %arg1, %mul3A_46 : i32
      %mul3A_48 = arith.constant 32 : i32
      %mul3A_49 = arith.muli %add3A_43, %mul3A_48 : i32
      %add3A_50 = arith.addi %mul3A_47, %mul3A_49 : i32
      %dma_wait3A = arith.constant 0 : i32
      %dma_wait3A_51 = tpu.memref_slice %arg2[%arg0, %add3A_50, %dma_wait3A] : memref<2x2560x128xi32, #tpu.memory_space<hbm>> -> memref<1x32x128xi32, #tpu.memory_space<hbm>>
      %dma_wait3A_52 = tpu.memref_squeeze %dma_wait3A_51 : memref<1x32x128xi32, #tpu.memory_space<hbm>> -> memref<32x128xi32, #tpu.memory_space<hbm>>
      %dma_wait3A_53 = arith.constant 0 : i32
      %dma_wait3A_54 = tpu.memref_slice %arg2[%arg0, %add3A_50, %dma_wait3A_53] : memref<2x2560x128xi32, #tpu.memory_space<hbm>> -> memref<1x32x128xi32, #tpu.memory_space<hbm>>
      %dma_wait3A_55 = tpu.memref_squeeze %dma_wait3A_54 : memref<1x32x128xi32, #tpu.memory_space<hbm>> -> memref<32x128xi32, #tpu.memory_space<hbm>>
      tpu.wait_dma2 semaphore(%arg13 : memref<!tpu.dma_semaphore, #tpu.memory_space<semaphore_mem>>) src(%dma_wait3A_55 : memref<32x128xi32, #tpu.memory_space<hbm>>) dst(%arg8 : memref<32x128xi32, #tpu.memory_space<vmem>>)
      %dma_wait3A_56 = arith.constant 0 : i32
      %dma_wait3A_57 = tpu.memref_slice %arg3[%arg0, %add3A_50, %dma_wait3A_56] : memref<2x2560x128xi32, #tpu.memory_space<hbm>> -> memref<1x32x128xi32, #tpu.memory_space<hbm>>
      %dma_wait3A_58 = tpu.memref_squeeze %dma_wait3A_57 : memref<1x32x128xi32, #tpu.memory_space<hbm>> -> memref<32x128xi32, #tpu.memory_space<hbm>>
      %dma_wait3A_59 = arith.constant 0 : i32
      %dma_wait3A_60 = tpu.memref_slice %arg3[%arg0, %add3A_50, %dma_wait3A_59] : memref<2x2560x128xi32, #tpu.memory_space<hbm>> -> memref<1x32x128xi32, #tpu.memory_space<hbm>>
      %dma_wait3A_61 = tpu.memref_squeeze %dma_wait3A_60 : memref<1x32x128xi32, #tpu.memory_space<hbm>> -> memref<32x128xi32, #tpu.memory_space<hbm>>
      tpu.wait_dma2 semaphore(%arg13 : memref<!tpu.dma_semaphore, #tpu.memory_space<semaphore_mem>>) src(%dma_wait3A_61 : memref<32x128xi32, #tpu.memory_space<hbm>>) dst(%arg9 : memref<32x128xi32, #tpu.memory_space<vmem>>)
      %dma_wait3A_62 = arith.constant 0 : i32
      %dma_wait3A_63 = tpu.memref_slice %arg4[%arg0, %add3A_50, %dma_wait3A_62] : memref<2x2560x128xf32, #tpu.memory_space<hbm>> -> memref<1x32x128xf32, #tpu.memory_space<hbm>>
      %dma_wait3A_64 = tpu.memref_squeeze %dma_wait3A_63 : memref<1x32x128xf32, #tpu.memory_space<hbm>> -> memref<32x128xf32, #tpu.memory_space<hbm>>
      %dma_wait3A_65 = arith.constant 0 : i32
      %dma_wait3A_66 = tpu.memref_slice %arg4[%arg0, %add3A_50, %dma_wait3A_65] : memref<2x2560x128xf32, #tpu.memory_space<hbm>> -> memref<1x32x128xf32, #tpu.memory_space<hbm>>
      %dma_wait3A_67 = tpu.memref_squeeze %dma_wait3A_66 : memref<1x32x128xf32, #tpu.memory_space<hbm>> -> memref<32x128xf32, #tpu.memory_space<hbm>>
      tpu.wait_dma2 semaphore(%arg13 : memref<!tpu.dma_semaphore, #tpu.memory_space<semaphore_mem>>) src(%dma_wait3A_67 : memref<32x128xf32, #tpu.memory_space<hbm>>) dst(%arg10 : memref<32x128xf32, #tpu.memory_space<vmem>>)
      %dma_start3A_68 = arith.constant 0 : i32
      %dma_start3A_69 = arith.constant 0 : i32
      %dma_start3A_70 = tpu.memref_slice %arg8[%dma_start3A_68, %dma_start3A_69] : memref<32x128xi32, #tpu.memory_space<vmem>> -> memref<1x128xi32, #tpu.memory_space<vmem>>
      %dma_start3A_71 = tpu.memref_squeeze %dma_start3A_70 : memref<1x128xi32, #tpu.memory_space<vmem>> -> memref<128xi32, #tpu.memory_space<vmem>>
      %dma_start3A_72 = arith.constant 0 : i32
      %dma_start3A_73 = arith.constant 0 : i32
      %dma_start3A_74 = tpu.memref_slice %arg5[%dma_start3A_72, %dma_start3A_73] : memref<10000x128xf32, #tpu.memory_space<hbm>> -> memref<10000x128xf32, #tpu.memory_space<hbm>>
      tpu.enqueue_indirect_dma source(%dma_start3A_74 : memref<10000x128xf32, #tpu.memory_space<hbm>>) target(%arg11 : memref<128x128xf32, #tpu.memory_space<vmem>>) offsets(%dma_start3A_71 : memref<128xi32, #tpu.memory_space<vmem>>) semaphore(%arg14 : memref<!tpu.dma_semaphore, #tpu.memory_space<semaphore_mem>>)
      %scan3A_75 = arith.constant 0 : i32
      %scan3A_76 = arith.constant 32 : i32
      %scan3A_77 = arith.addi %scan3A_75, %scan3A_76 : i32
      %scan3A_78 = arith.constant 1 : i32
      scf.for %scan3A_80 = %scan3A_75 to %scan3A_77 step %scan3A_78  : i32 {
        %mul3A_81 = arith.constant 1 : i32
        %mul3A_82 = arith.muli %scan3A_80, %mul3A_81 : i32
        %add3A_83 = arith.constant 0 : i32
        %add3A_84 = arith.addi %add3A_83, %mul3A_82 : i32
        %jit3A = arith.constant 2 : i32
        %eq3A = arith.constant 0 : i32
        %eq3A_85 = arith.cmpi eq, %jit3A, %eq3A : i32
        %jit3A_86 = arith.constant 1 : i32
        %select_n3A = arith.select %eq3A_85, %jit3A_86, %jit3A : i32
        %rem3A = arith.remsi %add3A_84, %select_n3A : i32
        %ne3A = arith.constant 0 : i32
        %ne3A_87 = arith.cmpi ne, %rem3A, %ne3A : i32
        %lt3A = arith.constant 0 : i32
        %lt3A_88 = arith.cmpi slt, %rem3A, %lt3A : i32
        %lt3A_89 = arith.constant 0 : i32
        %lt3A_90 = arith.cmpi slt, %select_n3A, %lt3A_89 : i32
        %ne3A_91 = arith.xori %lt3A_88, %lt3A_90 : i1
        %and3A = arith.andi %ne3A_91, %ne3A_87 : i1
        %add3A_92 = arith.addi %rem3A, %select_n3A : i32
        %select_n3A_93 = arith.select %and3A, %add3A_92, %rem3A : i32
        %eq3A_94 = arith.constant 0 : i32
        %eq3A_95 = arith.cmpi eq, %select_n3A_93, %eq3A_94 : i32
        %convert_element_type3A_96 = arith.extui %eq3A_95 : i1 to i32
        %cond3A_97 = arith.constant 0 : i32
        %cond3A_98 = arith.cmpi ne, %convert_element_type3A_96, %cond3A_97 : i32
        scf.if %cond3A_98 {
          %add3A_120 = arith.constant 1 : i32
          %add3A_121 = arith.addi %add3A_84, %add3A_120 : i32
          %lt3A_122 = arith.constant 32 : i32
          %lt3A_123 = arith.cmpi slt, %add3A_121, %lt3A_122 : i32
          %convert_element_type3A_124 = arith.extui %lt3A_123 : i1 to i32
          %cond3A_125 = arith.constant 0 : i32
          %cond3A_126 = arith.cmpi ne, %convert_element_type3A_124, %cond3A_125 : i32
          scf.if %cond3A_126 {
            %add3A_135 = arith.constant 1 : i32
            %add3A_136 = arith.addi %add3A_84, %add3A_135 : i32
            %dma_start3A_137 = arith.constant 0 : i32
            %dma_start3A_138 = tpu.memref_slice %arg8[%add3A_136, %dma_start3A_137] : memref<32x128xi32, #tpu.memory_space<vmem>> -> memref<1x128xi32, #tpu.memory_space<vmem>>
            %dma_start3A_139 = tpu.memref_squeeze %dma_start3A_138 : memref<1x128xi32, #tpu.memory_space<vmem>> -> memref<128xi32, #tpu.memory_space<vmem>>
            %dma_start3A_140 = arith.constant 0 : i32
            %dma_start3A_141 = arith.constant 0 : i32
            %dma_start3A_142 = tpu.memref_slice %arg5[%dma_start3A_140, %dma_start3A_141] : memref<10000x128xf32, #tpu.memory_space<hbm>> -> memref<10000x128xf32, #tpu.memory_space<hbm>>
            tpu.enqueue_indirect_dma source(%dma_start3A_142 : memref<10000x128xf32, #tpu.memory_space<hbm>>) target(%arg12 : memref<128x128xf32, #tpu.memory_space<vmem>>) offsets(%dma_start3A_139 : memref<128xi32, #tpu.memory_space<vmem>>) semaphore(%arg15 : memref<!tpu.dma_semaphore, #tpu.memory_space<semaphore_mem>>)
          } else {
          }
          %dma_wait3A_127 = arith.constant 0 : i32
          %dma_wait3A_128 = tpu.memref_slice %arg8[%add3A_84, %dma_wait3A_127] : memref<32x128xi32, #tpu.memory_space<vmem>> -> memref<1x128xi32, #tpu.memory_space<vmem>>
          %dma_wait3A_129 = tpu.memref_squeeze %dma_wait3A_128 : memref<1x128xi32, #tpu.memory_space<vmem>> -> memref<128xi32, #tpu.memory_space<vmem>>
          %dma_wait3A_130 = arith.constant 0 : i32
          %dma_wait3A_131 = arith.constant 0 : i32
          %dma_wait3A_132 = tpu.memref_slice %arg5[%dma_wait3A_130, %dma_wait3A_131] : memref<10000x128xf32, #tpu.memory_space<hbm>> -> memref<10000x128xf32, #tpu.memory_space<hbm>>
          tpu.wait_indirect_dma semaphore(%arg14 : memref<!tpu.dma_semaphore, #tpu.memory_space<semaphore_mem>>) src(%dma_wait3A_132 : memref<10000x128xf32, #tpu.memory_space<hbm>>) dst(%arg11 : memref<128x128xf32, #tpu.memory_space<vmem>>)
          %parallel_loop3A = arith.constant 0 : i32
          %parallel_loop3A_133 = arith.constant 8 : i32
          %parallel_loop3A_134 = arith.constant 1 : i32
          scf.for %parallel_loop3A_135 = %parallel_loop3A to %parallel_loop3A_133 step %parallel_loop3A_134  : i32 {
            %parallel_loop3A_136 = arith.constant 16 : i32
            %parallel_loop3A_137 = arith.muli %parallel_loop3A_135, %parallel_loop3A_136 : i32
            %parallel_loop3A_138 = arith.index_cast %add3A_84 : i32 to index
            %parallel_loop3A_139 = arith.index_cast %parallel_loop3A_137 : i32 to index
            %parallel_loop3A_140 = tpu.vector_load %arg10[%parallel_loop3A_138, %parallel_loop3A_139] {strides = array<i32>} : memref<32x128xf32, #tpu.memory_space<vmem>>, vector<1x16xf32>,
            %parallel_loop3A_141 = vector.shape_cast %parallel_loop3A_140 : vector<1x16xf32> to vector<16xf32>
            %parallel_loop3A_142 = vector.extract_strided_slice %parallel_loop3A_141 {offsets = [0], sizes = [1], strides = [1]} : vector<16xf32> to vector<1xf32>
            %parallel_loop3A_143 = vector.extract %parallel_loop3A_142[0] : f32 from vector<1xf32>
            %parallel_loop3A_144 = vector.broadcast %parallel_loop3A_143 : f32 to vector<16xf32>
            %parallel_loop3A_145 = arith.constant 16 : i32
            %parallel_loop3A_146 = arith.muli %parallel_loop3A_135, %parallel_loop3A_145 : i32
            %parallel_loop3A_147 = arith.constant 0 : i32
            %parallel_loop3A_148 = arith.addi %parallel_loop3A_146, %parallel_loop3A_147 : i32
            %parallel_loop3A_149 = arith.index_cast %parallel_loop3A_148 : i32 to index
            %parallel_loop3A_150 = arith.constant 0 : index
            %parallel_loop3A_151 = tpu.vector_load %arg11[%parallel_loop3A_149, %parallel_loop3A_150] {strides = array<i32>} : memref<128x128xf32, #tpu.memory_space<vmem>>, vector<1x16xf32>,
            %parallel_loop3A_152 = vector.shape_cast %parallel_loop3A_151 : vector<1x16xf32> to vector<16xf32>
            %parallel_loop3A_153 = arith.mulf %parallel_loop3A_152, %parallel_loop3A_144 : vector<16xf32>
            %parallel_loop3A_154 = arith.index_cast %parallel_loop3A_148 : i32 to index
            %parallel_loop3A_155 = arith.constant 0 : index
            %parallel_loop3A_156 = tpu.vector_load %arg11[%parallel_loop3A_154, %parallel_loop3A_155] {strides = array<i32>} : memref<128x128xf32, #tpu.memory_space<vmem>>, vector<1x16xf32>,
            %parallel_loop3A_157 = vector.shape_cast %parallel_loop3A_156 : vector<1x16xf32> to vector<16xf32>
            %parallel_loop3A_158 = vector.shape_cast %parallel_loop3A_153 : vector<16xf32> to vector<1x16xf32>
            tpu.vector_store %arg11[%parallel_loop3A_154, %parallel_loop3A_155], %parallel_loop3A_158 {strides = array<i32>} : memref<128x128xf32, #tpu.memory_space<vmem>>, vector<1x16xf32>,
            %parallel_loop3A_159 = arith.index_cast %parallel_loop3A_148 : i32 to index
            %parallel_loop3A_160 = arith.constant 16 : index
            %parallel_loop3A_161 = tpu.vector_load %arg11[%parallel_loop3A_159, %parallel_loop3A_160] {strides = array<i32>} : memref<128x128xf32, #tpu.memory_space<vmem>>, vector<1x16xf32>,
            %parallel_loop3A_162 = vector.shape_cast %parallel_loop3A_161 : vector<1x16xf32> to vector<16xf32>
            %parallel_loop3A_163 = arith.mulf %parallel_loop3A_162, %parallel_loop3A_144 : vector<16xf32>
            %parallel_loop3A_164 = arith.index_cast %parallel_loop3A_148 : i32 to index
            %parallel_loop3A_165 = arith.constant 16 : index
            %parallel_loop3A_166 = tpu.vector_load %arg11[%parallel_loop3A_164, %parallel_loop3A_165] {strides = array<i32>} : memref<128x128xf32, #tpu.memory_space<vmem>>, vector<1x16xf32>,
            %parallel_loop3A_167 = vector.shape_cast %parallel_loop3A_166 : vector<1x16xf32> to vector<16xf32>
            %parallel_loop3A_168 = vector.shape_cast %parallel_loop3A_163 : vector<16xf32> to vector<1x16xf32>
            tpu.vector_store %arg11[%parallel_loop3A_164, %parallel_loop3A_165], %parallel_loop3A_168 {strides = array<i32>} : memref<128x128xf32, #tpu.memory_space<vmem>>, vector<1x16xf32>,
            %parallel_loop3A_169 = arith.index_cast %parallel_loop3A_148 : i32 to index
            %parallel_loop3A_170 = arith.constant 32 : index
            %parallel_loop3A_171 = tpu.vector_load %arg11[%parallel_loop3A_169, %parallel_loop3A_170] {strides = array<i32>} : memref<128x128xf32, #tpu.memory_space<vmem>>, vector<1x16xf32>,
            %parallel_loop3A_172 = vector.shape_cast %parallel_loop3A_171 : vector<1x16xf32> to vector<16xf32>
            %parallel_loop3A_173 = arith.mulf %parallel_loop3A_172, %parallel_loop3A_144 : vector<16xf32>
            %parallel_loop3A_174 = arith.index_cast %parallel_loop3A_148 : i32 to index
            %parallel_loop3A_175 = arith.constant 32 : index
            %parallel_loop3A_176 = tpu.vector_load %arg11[%parallel_loop3A_174, %parallel_loop3A_175] {strides = array<i32>} : memref<128x128xf32, #tpu.memory_space<vmem>>, vector<1x16xf32>,
            %parallel_loop3A_177 = vector.shape_cast %parallel_loop3A_176 : vector<1x16xf32> to vector<16xf32>
            %parallel_loop3A_178 = vector.shape_cast %parallel_loop3A_173 : vector<16xf32> to vector<1x16xf32>
            tpu.vector_store %arg11[%parallel_loop3A_174, %parallel_loop3A_175], %parallel_loop3A_178 {strides = array<i32>} : memref<128x128xf32, #tpu.memory_space<vmem>>, vector<1x16xf32>,
            %parallel_loop3A_179 = arith.index_cast %parallel_loop3A_148 : i32 to index
            %parallel_loop3A_180 = arith.constant 48 : index
            %parallel_loop3A_181 = tpu.vector_load %arg11[%parallel_loop3A_179, %parallel_loop3A_180] {strides = array<i32>} : memref<128x128xf32, #tpu.memory_space<vmem>>, vector<1x16xf32>,
            %parallel_loop3A_182 = vector.shape_cast %parallel_loop3A_181 : vector<1x16xf32> to vector<16xf32>
            %parallel_loop3A_183 = arith.mulf %parallel_loop3A_182, %parallel_loop3A_144 : vector<16xf32>
            %parallel_loop3A_184 = arith.index_cast %parallel_loop3A_148 : i32 to index
            %parallel_loop3A_185 = arith.constant 48 : index
            %parallel_loop3A_186 = tpu.vector_load %arg11[%parallel_loop3A_184, %parallel_loop3A_185] {strides = array<i32>} : memref<128x128xf32, #tpu.memory_space<vmem>>, vector<1x16xf32>,
            %parallel_loop3A_187 = vector.shape_cast %parallel_loop3A_186 : vector<1x16xf32> to vector<16xf32>
            %parallel_loop3A_188 = vector.shape_cast %parallel_loop3A_183 : vector<16xf32> to vector<1x16xf32>
            tpu.vector_store %arg11[%parallel_loop3A_184, %parallel_loop3A_185], %parallel_loop3A_188 {strides = array<i32>} : memref<128x128xf32, #tpu.memory_space<vmem>>, vector<1x16xf32>,
            %parallel_loop3A_189 = arith.index_cast %parallel_loop3A_148 : i32 to index
            %parallel_loop3A_190 = arith.constant 64 : index
            %parallel_loop3A_191 = tpu.vector_load %arg11[%parallel_loop3A_189, %parallel_loop3A_190] {strides = array<i32>} : memref<128x128xf32, #tpu.memory_space<vmem>>, vector<1x16xf32>,
            %parallel_loop3A_192 = vector.shape_cast %parallel_loop3A_191 : vector<1x16xf32> to vector<16xf32>
            %parallel_loop3A_193 = arith.mulf %parallel_loop3A_192, %parallel_loop3A_144 : vector<16xf32>
            %parallel_loop3A_194 = arith.index_cast %parallel_loop3A_148 : i32 to index
            %parallel_loop3A_195 = arith.constant 64 : index
            %parallel_loop3A_196 = tpu.vector_load %arg11[%parallel_loop3A_194, %parallel_loop3A_195] {strides = array<i32>} : memref<128x128xf32, #tpu.memory_space<vmem>>, vector<1x16xf32>,
            %parallel_loop3A_197 = vector.shape_cast %parallel_loop3A_196 : vector<1x16xf32> to vector<16xf32>
            %parallel_loop3A_198 = vector.shape_cast %parallel_loop3A_193 : vector<16xf32> to vector<1x16xf32>
            tpu.vector_store %arg11[%parallel_loop3A_194, %parallel_loop3A_195], %parallel_loop3A_198 {strides = array<i32>} : memref<128x128xf32, #tpu.memory_space<vmem>>, vector<1x16xf32>,
            %parallel_loop3A_199 = arith.index_cast %parallel_loop3A_148 : i32 to index
            %parallel_loop3A_200 = arith.constant 80 : index
            %parallel_loop3A_201 = tpu.vector_load %arg11[%parallel_loop3A_199, %parallel_loop3A_200] {strides = array<i32>} : memref<128x128xf32, #tpu.memory_space<vmem>>, vector<1x16xf32>,
            %parallel_loop3A_202 = vector.shape_cast %parallel_loop3A_201 : vector<1x16xf32> to vector<16xf32>
            %parallel_loop3A_203 = arith.mulf %parallel_loop3A_202, %parallel_loop3A_144 : vector<16xf32>
            %parallel_loop3A_204 = arith.index_cast %parallel_loop3A_148 : i32 to index
            %parallel_loop3A_205 = arith.constant 80 : index
            %parallel_loop3A_206 = tpu.vector_load %arg11[%parallel_loop3A_204, %parallel_loop3A_205] {strides = array<i32>} : memref<128x128xf32, #tpu.memory_space<vmem>>, vector<1x16xf32>,
            %parallel_loop3A_207 = vector.shape_cast %parallel_loop3A_206 : vector<1x16xf32> to vector<16xf32>
            %parallel_loop3A_208 = vector.shape_cast %parallel_loop3A_203 : vector<16xf32> to vector<1x16xf32>
            tpu.vector_store %arg11[%parallel_loop3A_204, %parallel_loop3A_205], %parallel_loop3A_208 {strides = array<i32>} : memref<128x128xf32, #tpu.memory_space<vmem>>, vector<1x16xf32>,
            %parallel_loop3A_209 = arith.index_cast %parallel_loop3A_148 : i32 to index
            %parallel_loop3A_210 = arith.constant 96 : index
            %parallel_loop3A_211 = tpu.vector_load %arg11[%parallel_loop3A_209, %parallel_loop3A_210] {strides = array<i32>} : memref<128x128xf32, #tpu.memory_space<vmem>>, vector<1x16xf32>,
            %parallel_loop3A_212 = vector.shape_cast %parallel_loop3A_211 : vector<1x16xf32> to vector<16xf32>
            %parallel_loop3A_213 = arith.mulf %parallel_loop3A_212, %parallel_loop3A_144 : vector<16xf32>
            %parallel_loop3A_214 = arith.index_cast %parallel_loop3A_148 : i32 to index
            %parallel_loop3A_215 = arith.constant 96 : index
            %parallel_loop3A_216 = tpu.vector_load %arg11[%parallel_loop3A_214, %parallel_loop3A_215] {strides = array<i32>} : memref<128x128xf32, #tpu.memory_space<vmem>>, vector<1x16xf32>,
            %parallel_loop3A_217 = vector.shape_cast %parallel_loop3A_216 : vector<1x16xf32> to vector<16xf32>
            %parallel_loop3A_218 = vector.shape_cast %parallel_loop3A_213 : vector<16xf32> to vector<1x16xf32>
            tpu.vector_store %arg11[%parallel_loop3A_214, %parallel_loop3A_215], %parallel_loop3A_218 {strides = array<i32>} : memref<128x128xf32, #tpu.memory_space<vmem>>, vector<1x16xf32>,
            %parallel_loop3A_219 = arith.index_cast %parallel_loop3A_148 : i32 to index
            %parallel_loop3A_220 = arith.constant 112 : index
            %parallel_loop3A_221 = tpu.vector_load %arg11[%parallel_loop3A_219, %parallel_loop3A_220] {strides = array<i32>} : memref<128x128xf32, #tpu.memory_space<vmem>>, vector<1x16xf32>,
            %parallel_loop3A_222 = vector.shape_cast %parallel_loop3A_221 : vector<1x16xf32> to vector<16xf32>
            %parallel_loop3A_223 = arith.mulf %parallel_loop3A_222, %parallel_loop3A_144 : vector<16xf32>
            %parallel_loop3A_224 = arith.index_cast %parallel_loop3A_148 : i32 to index
            %parallel_loop3A_225 = arith.constant 112 : index
            %parallel_loop3A_226 = tpu.vector_load %arg11[%parallel_loop3A_224, %parallel_loop3A_225] {strides = array<i32>} : memref<128x128xf32, #tpu.memory_space<vmem>>, vector<1x16xf32>,
            %parallel_loop3A_227 = vector.shape_cast %parallel_loop3A_226 : vector<1x16xf32> to vector<16xf32>
            %parallel_loop3A_228 = vector.shape_cast %parallel_loop3A_223 : vector<16xf32> to vector<1x16xf32>
            tpu.vector_store %arg11[%parallel_loop3A_224, %parallel_loop3A_225], %parallel_loop3A_228 {strides = array<i32>} : memref<128x128xf32, #tpu.memory_space<vmem>>, vector<1x16xf32>,
            %parallel_loop3A_229 = vector.extract_strided_slice %parallel_loop3A_141 {offsets = [1], sizes = [1], strides = [1]} : vector<16xf32> to vector<1xf32>
            %parallel_loop3A_230 = vector.extract %parallel_loop3A_229[0] : f32 from vector<1xf32>
            %parallel_loop3A_231 = vector.broadcast %parallel_loop3A_230 : f32 to vector<16xf32>
            %parallel_loop3A_232 = arith.constant 16 : i32
            %parallel_loop3A_233 = arith.muli %parallel_loop3A_135, %parallel_loop3A_232 : i32
            %parallel_loop3A_234 = arith.constant 1 : i32
            %parallel_loop3A_235 = arith.addi %parallel_loop3A_233, %parallel_loop3A_234 : i32
            %parallel_loop3A_236 = arith.index_cast %parallel_loop3A_235 : i32 to index
            %parallel_loop3A_237 = arith.constant 0 : index
            %parallel_loop3A_238 = tpu.vector_load %arg11[%parallel_loop3A_236, %parallel_loop3A_237] {strides = array<i32>} : memref<128x128xf32, #tpu.memory_space<vmem>>, vector<1x16xf32>,
            %parallel_loop3A_239 = vector.shape_cast %parallel_loop3A_238 : vector<1x16xf32> to vector<16xf32>
            %parallel_loop3A_240 = arith.mulf %parallel_loop3A_239, %parallel_loop3A_231 : vector<16xf32>
            %parallel_loop3A_241 = arith.index_cast %parallel_loop3A_235 : i32 to index
            %parallel_loop3A_242 = arith.constant 0 : index
            %parallel_loop3A_243 = tpu.vector_load %arg11[%parallel_loop3A_241, %parallel_loop3A_242] {strides = array<i32>} : memref<128x128xf32, #tpu.memory_space<vmem>>, vector<1x16xf32>,
            %parallel_loop3A_244 = vector.shape_cast %parallel_loop3A_243 : vector<1x16xf32> to vector<16xf32>
            %parallel_loop3A_245 = vector.shape_cast %parallel_loop3A_240 : vector<16xf32> to vector<1x16xf32>
            tpu.vector_store %arg11[%parallel_loop3A_241, %parallel_loop3A_242], %parallel_loop3A_245 {strides = array<i32>} : memref<128x128xf32, #tpu.memory_space<vmem>>, vector<1x16xf32>,
            %parallel_loop3A_246 = arith.index_cast %parallel_loop3A_235 : i32 to index
            %parallel_loop3A_247 = arith.constant 16 : index
            %parallel_loop3A_248 = tpu.vector_load %arg11[%parallel_loop3A_246, %parallel_loop3A_247] {strides = array<i32>} : memref<128x128xf32, #tpu.memory_space<vmem>>, vector<1x16xf32>,
            %parallel_loop3A_249 = vector.shape_cast %parallel_loop3A_248 : vector<1x16xf32> to vector<16xf32>
            %parallel_loop3A_250 = arith.mulf %parallel_loop3A_249, %parallel_loop3A_231 : vector<16xf32>
            %parallel_loop3A_251 = arith.index_cast %parallel_loop3A_235 : i32 to index
            %parallel_loop3A_252 = arith.constant 16 : index
            %parallel_loop3A_253 = tpu.vector_load %arg11[%parallel_loop3A_251, %parallel_loop3A_252] {strides = array<i32>} : memref<128x128xf32, #tpu.memory_space<vmem>>, vector<1x16xf32>,
            %parallel_loop3A_254 = vector.shape_cast %parallel_loop3A_253 : vector<1x16xf32> to vector<16xf32>
            %parallel_loop3A_255 = vector.shape_cast %parallel_loop3A_250 : vector<16xf32> to vector<1x16xf32>
            tpu.vector_store %arg11[%parallel_loop3A_251, %parallel_loop3A_252], %parallel_loop3A_255 {strides = array<i32>} : memref<128x128xf32, #tpu.memory_space<vmem>>, vector<1x16xf32>,
            %parallel_loop3A_256 = arith.index_cast %parallel_loop3A_235 : i32 to index
            %parallel_loop3A_257 = arith.constant 32 : index
            %parallel_loop3A_258 = tpu.vector_load %arg11[%parallel_loop3A_256, %parallel_loop3A_257] {strides = array<i32>} : memref<128x128xf32, #tpu.memory_space<vmem>>, vector<1x16xf32>,
            %parallel_loop3A_259 = vector.shape_cast %parallel_loop3A_258 : vector<1x16xf32> to vector<16xf32>
            %parallel_loop3A_260 = arith.mulf %parallel_loop3A_259, %parallel_loop3A_231 : vector<16xf32>
            %parallel_loop3A_261 = arith.index_cast %parallel_loop3A_235 : i32 to index
            %parallel_loop3A_262 = arith.constant 32 : index
            %parallel_loop3A_263 = tpu.vector_load %arg11[%parallel_loop3A_261, %parallel_loop3A_262] {strides = array<i32>} : memref<128x128xf32, #tpu.memory_space<vmem>>, vector<1x16xf32>,
            %parallel_loop3A_264 = vector.shape_cast %parallel_loop3A_263 : vector<1x16xf32> to vector<16xf32>
            %parallel_loop3A_265 = vector.shape_cast %parallel_loop3A_260 : vector<16xf32> to vector<1x16xf32>
            tpu.vector_store %arg11[%parallel_loop3A_261, %parallel_loop3A_262], %parallel_loop3A_265 {strides = array<i32>} : memref<128x128xf32, #tpu.memory_space<vmem>>, vector<1x16xf32>,
            %parallel_loop3A_266 = arith.index_cast %parallel_loop3A_235 : i32 to index
            %parallel_loop3A_267 = arith.constant 48 : index
            %parallel_loop3A_268 = tpu.vector_load %arg11[%parallel_loop3A_266, %parallel_loop3A_267] {strides = array<i32>} : memref<128x128xf32, #tpu.memory_space<vmem>>, vector<1x16xf32>,
            %parallel_loop3A_269 = vector.shape_cast %parallel_loop3A_268 : vector<1x16xf32> to vector<16xf32>
            %parallel_loop3A_270 = arith.mulf %parallel_loop3A_269, %parallel_loop3A_231 : vector<16xf32>
            %parallel_loop3A_271 = arith.index_cast %parallel_loop3A_235 : i32 to index
            %parallel_loop3A_272 = arith.constant 48 : index
            %parallel_loop3A_273 = tpu.vector_load %arg11[%parallel_loop3A_271, %parallel_loop3A_272] {strides = array<i32>} : memref<128x128xf32, #tpu.memory_space<vmem>>, vector<1x16xf32>,
            %parallel_loop3A_274 = vector.shape_cast %parallel_loop3A_273 : vector<1x16xf32> to vector<16xf32>
            %parallel_loop3A_275 = vector.shape_cast %parallel_loop3A_270 : vector<16xf32> to vector<1x16xf32>
            tpu.vector_store %arg11[%parallel_loop3A_271, %parallel_loop3A_272], %parallel_loop3A_275 {strides = array<i32>} : memref<128x128xf32, #tpu.memory_space<vmem>>, vector<1x16xf32>,
            %parallel_loop3A_276 = arith.index_cast %parallel_loop3A_235 : i32 to index
            %parallel_loop3A_277 = arith.constant 64 : index
            %parallel_loop3A_278 = tpu.vector_load %arg11[%parallel_loop3A_276, %parallel_loop3A_277] {strides = array<i32>} : memref<128x128xf32, #tpu.memory_space<vmem>>, vector<1x16xf32>,
            %parallel_loop3A_279 = vector.shape_cast %parallel_loop3A_278 : vector<1x16xf32> to vector<16xf32>
            %parallel_loop3A_280 = arith.mulf %parallel_loop3A_279, %parallel_loop3A_231 : vector<16xf32>
            %parallel_loop3A_281 = arith.index_cast %parallel_loop3A_235 : i32 to index
            %parallel_loop3A_282 = arith.constant 64 : index
            %parallel_loop3A_283 = tpu.vector_load %arg11[%parallel_loop3A_281, %parallel_loop3A_282] {strides = array<i32>} : memref<128x128xf32, #tpu.memory_space<vmem>>, vector<1x16xf32>,
            %parallel_loop3A_284 = vector.shape_cast %parallel_loop3A_283 : vector<1x16xf32> to vector<16xf32>
            %parallel_loop3A_285 = vector.shape_cast %parallel_loop3A_280 : vector<16xf32> to vector<1x16xf32>
            tpu.vector_store %arg11[%parallel_loop3A_281, %parallel_loop3A_282], %parallel_loop3A_285 {strides = array<i32>} : memref<128x128xf32, #tpu.memory_space<vmem>>, vector<1x16xf32>,
            %parallel_loop3A_286 = arith.index_cast %parallel_loop3A_235 : i32 to index
            %parallel_loop3A_287 = arith.constant 80 : index
            %parallel_loop3A_288 = tpu.vector_load %arg11[%parallel_loop3A_286, %parallel_loop3A_287] {strides = array<i32>} : memref<128x128xf32, #tpu.memory_space<vmem>>, vector<1x16xf32>,
            %parallel_loop3A_289 = vector.shape_cast %parallel_loop3A_288 : vector<1x16xf32> to vector<16xf32>
            %parallel_loop3A_290 = arith.mulf %parallel_loop3A_289, %parallel_loop3A_231 : vector<16xf32>
            %parallel_loop3A_291 = arith.index_cast %parallel_loop3A_235 : i32 to index
            %parallel_loop3A_292 = arith.constant 80 : index
            %parallel_loop3A_293 = tpu.vector_load %arg11[%parallel_loop3A_291, %parallel_loop3A_292] {strides = array<i32>} : memref<128x128xf32, #tpu.memory_space<vmem>>, vector<1x16xf32>,
            %parallel_loop3A_294 = vector.shape_cast %parallel_loop3A_293 : vector<1x16xf32> to vector<16xf32>
            %parallel_loop3A_295 = vector.shape_cast %parallel_loop3A_290 : vector<16xf32> to vector<1x16xf32>
            tpu.vector_store %arg11[%parallel_loop3A_291, %parallel_loop3A_292], %parallel_loop3A_295 {strides = array<i32>} : memref<128x128xf32, #tpu.memory_space<vmem>>, vector<1x16xf32>,
            %parallel_loop3A_296 = arith.index_cast %parallel_loop3A_235 : i32 to index
            %parallel_loop3A_297 = arith.constant 96 : index
            %parallel_loop3A_298 = tpu.vector_load %arg11[%parallel_loop3A_296, %parallel_loop3A_297] {strides = array<i32>} : memref<128x128xf32, #tpu.memory_space<vmem>>, vector<1x16xf32>,
            %parallel_loop3A_299 = vector.shape_cast %parallel_loop3A_298 : vector<1x16xf32> to vector<16xf32>
            %parallel_loop3A_300 = arith.mulf %parallel_loop3A_299, %parallel_loop3A_231 : vector<16xf32>
            %parallel_loop3A_301 = arith.index_cast %parallel_loop3A_235 : i32 to index
            %parallel_loop3A_302 = arith.constant 96 : index
            %parallel_loop3A_303 = tpu.vector_load %arg11[%parallel_loop3A_301, %parallel_loop3A_302] {strides = array<i32>} : memref<128x128xf32, #tpu.memory_space<vmem>>, vector<1x16xf32>,
            %parallel_loop3A_304 = vector.shape_cast %parallel_loop3A_303 : vector<1x16xf32> to vector<16xf32>
            %parallel_loop3A_305 = vector.shape_cast %parallel_loop3A_300 : vector<16xf32> to vector<1x16xf32>
            tpu.vector_store %arg11[%parallel_loop3A_301, %parallel_loop3A_302], %parallel_loop3A_305 {strides = array<i32>} : memref<128x128xf32, #tpu.memory_space<vmem>>, vector<1x16xf32>,
            %parallel_loop3A_306 = arith.index_cast %parallel_loop3A_235 : i32 to index
            %parallel_loop3A_307 = arith.constant 112 : index
            %parallel_loop3A_308 = tpu.vector_load %arg11[%parallel_loop3A_306, %parallel_loop3A_307] {strides = array<i32>} : memref<128x128xf32, #tpu.memory_space<vmem>>, vector<1x16xf32>,
            %parallel_loop3A_309 = vector.shape_cast %parallel_loop3A_308 : vector<1x16xf32> to vector<16xf32>
            %parallel_loop3A_310 = arith.mulf %parallel_loop3A_309, %parallel_loop3A_231 : vector<16xf32>
            %parallel_loop3A_311 = arith.index_cast %parallel_loop3A_235 : i32 to index
            %parallel_loop3A_312 = arith.constant 112 : index
            %parallel_loop3A_313 = tpu.vector_load %arg11[%parallel_loop3A_311, %parallel_loop3A_312] {strides = array<i32>} : memref<128x128xf32, #tpu.memory_space<vmem>>, vector<1x16xf32>,
            %parallel_loop3A_314 = vector.shape_cast %parallel_loop3A_313 : vector<1x16xf32> to vector<16xf32>
            %parallel_loop3A_315 = vector.shape_cast %parallel_loop3A_310 : vector<16xf32> to vector<1x16xf32>
            tpu.vector_store %arg11[%parallel_loop3A_311, %parallel_loop3A_312], %parallel_loop3A_315 {strides = array<i32>} : memref<128x128xf32, #tpu.memory_space<vmem>>, vector<1x16xf32>,
            %parallel_loop3A_316 = vector.extract_strided_slice %parallel_loop3A_141 {offsets = [2], sizes = [1], strides = [1]} : vector<16xf32> to vector<1xf32>
            %parallel_loop3A_317 = vector.extract %parallel_loop3A_316[0] : f32 from vector<1xf32>
            %parallel_loop3A_318 = vector.broadcast %parallel_loop3A_317 : f32 to vector<16xf32>
            %parallel_loop3A_319 = arith.constant 16 : i32
            %parallel_loop3A_320 = arith.muli %parallel_loop3A_135, %parallel_loop3A_319 : i32
            %parallel_loop3A_321 = arith.constant 2 : i32
            %parallel_loop3A_322 = arith.addi %parallel_loop3A_320, %parallel_loop3A_321 : i32
            %parallel_loop3A_323 = arith.index_cast %parallel_loop3A_322 : i32 to index
            %parallel_loop3A_324 = arith.constant 0 : index
            %parallel_loop3A_325 = tpu.vector_load %arg11[%parallel_loop3A_323, %parallel_loop3A_324] {strides = array<i32>} : memref<128x128xf32, #tpu.memory_space<vmem>>, vector<1x16xf32>,
            %parallel_loop3A_326 = vector.shape_cast %parallel_loop3A_325 : vector<1x16xf32> to vector<16xf32>
            %parallel_loop3A_327 = arith.mulf %parallel_loop3A_326, %parallel_loop3A_318 : vector<16xf32>
            %parallel_loop3A_328 = arith.index_cast %parallel_loop3A_322 : i32 to index
            %parallel_loop3A_329 = arith.constant 0 : index
            %parallel_loop3A_330 = tpu.vector_load %arg11[%parallel_loop3A_328, %parallel_loop3A_329] {strides = array<i32>} : memref<128x128xf32, #tpu.memory_space<vmem>>, vector<1x16xf32>,
            %parallel_loop3A_331 = vector.shape_cast %parallel_loop3A_330 : vector<1x16xf32> to vector<16xf32>
            %parallel_loop3A_332 = vector.shape_cast %parallel_loop3A_327 : vector<16xf32> to vector<1x16xf32>
            tpu.vector_store %arg11[%parallel_loop3A_328, %parallel_loop3A_329], %parallel_loop3A_332 {strides = array<i32>} : memref<128x128xf32, #tpu.memory_space<vmem>>, vector<1x16xf32>,
            %parallel_loop3A_333 = arith.index_cast %parallel_loop3A_322 : i32 to index
            %parallel_loop3A_334 = arith.constant 16 : index
            %parallel_loop3A_335 = tpu.vector_load %arg11[%parallel_loop3A_333, %parallel_loop3A_334] {strides = array<i32>} : memref<128x128xf32, #tpu.memory_space<vmem>>, vector<1x16xf32>,
            %parallel_loop3A_336 = vector.shape_cast %parallel_loop3A_335 : vector<1x16xf32> to vector<16xf32>
            %parallel_loop3A_337 = arith.mulf %parallel_loop3A_336, %parallel_loop3A_318 : vector<16xf32>
            %parallel_loop3A_338 = arith.index_cast %parallel_loop3A_322 : i32 to index
            %parallel_loop3A_339 = arith.constant 16 : index
            %parallel_loop3A_340 = tpu.vector_load %arg11[%parallel_loop3A_338, %parallel_loop3A_339] {strides = array<i32>} : memref<128x128xf32, #tpu.memory_space<vmem>>, vector<1x16xf32>,
            %parallel_loop3A_341 = vector.shape_cast %parallel_loop3A_340 : vector<1x16xf32> to vector<16xf32>
            %parallel_loop3A_342 = vector.shape_cast %parallel_loop3A_337 : vector<16xf32> to vector<1x16xf32>
            tpu.vector_store %arg11[%parallel_loop3A_338, %parallel_loop3A_339], %parallel_loop3A_342 {strides = array<i32>} : memref<128x128xf32, #tpu.memory_space<vmem>>, vector<1x16xf32>,
            %parallel_loop3A_343 = arith.index_cast %parallel_loop3A_322 : i32 to index
            %parallel_loop3A_344 = arith.constant 32 : index
            %parallel_loop3A_345 = tpu.vector_load %arg11[%parallel_loop3A_343, %parallel_loop3A_344] {strides = array<i32>} : memref<128x128xf32, #tpu.memory_space<vmem>>, vector<1x16xf32>,
            %parallel_loop3A_346 = vector.shape_cast %parallel_loop3A_345 : vector<1x16xf32> to vector<16xf32>
            %parallel_loop3A_347 = arith.mulf %parallel_loop3A_346, %parallel_loop3A_318 : vector<16xf32>
            %parallel_loop3A_348 = arith.index_cast %parallel_loop3A_322 : i32 to index
            %parallel_loop3A_349 = arith.constant 32 : index
            %parallel_loop3A_350 = tpu.vector_load %arg11[%parallel_loop3A_348, %parallel_loop3A_349] {strides = array<i32>} : memref<128x128xf32, #tpu.memory_space<vmem>>, vector<1x16xf32>,
            %parallel_loop3A_351 = vector.shape_cast %parallel_loop3A_350 : vector<1x16xf32> to vector<16xf32>
            %parallel_loop3A_352 = vector.shape_cast %parallel_loop3A_347 : vector<16xf32> to vector<1x16xf32>
            tpu.vector_store %arg11[%parallel_loop3A_348, %parallel_loop3A_349], %parallel_loop3A_352 {strides = array<i32>} : memref<128x128xf32, #tpu.memory_space<vmem>>, vector<1x16xf32>,
            %parallel_loop3A_353 = arith.index_cast %parallel_loop3A_322 : i32 to index
            %parallel_loop3A_354 = arith.constant 48 : index
            %parallel_loop3A_355 = tpu.vector_load %arg11[%parallel_loop3A_353, %parallel_loop3A_354] {strides = array<i32>} : memref<128x128xf32, #tpu.memory_space<vmem>>, vector<1x16xf32>,
            %parallel_loop3A_356 = vector.shape_cast %parallel_loop3A_355 : vector<1x16xf32> to vector<16xf32>
            %parallel_loop3A_357 = arith.mulf %parallel_loop3A_356, %parallel_loop3A_318 : vector<16xf32>
            %parallel_loop3A_358 = arith.index_cast %parallel_loop3A_322 : i32 to index
            %parallel_loop3A_359 = arith.constant 48 : index
            %parallel_loop3A_360 = tpu.vector_load %arg11[%parallel_loop3A_358, %parallel_loop3A_359] {strides = array<i32>} : memref<128x128xf32, #tpu.memory_space<vmem>>, vector<1x16xf32>,
            %parallel_loop3A_361 = vector.shape_cast %parallel_loop3A_360 : vector<1x16xf32> to vector<16xf32>
            %parallel_loop3A_362 = vector.shape_cast %parallel_loop3A_357 : vector<16xf32> to vector<1x16xf32>
            tpu.vector_store %arg11[%parallel_loop3A_358, %parallel_loop3A_359], %parallel_loop3A_362 {strides = array<i32>} : memref<128x128xf32, #tpu.memory_space<vmem>>, vector<1x16xf32>,
            %parallel_loop3A_363 = arith.index_cast %parallel_loop3A_322 : i32 to index
            %parallel_loop3A_364 = arith.constant 64 : index
            %parallel_loop3A_365 = tpu.vector_load %arg11[%parallel_loop3A_363, %parallel_loop3A_364] {strides = array<i32>} : memref<128x128xf32, #tpu.memory_space<vmem>>, vector<1x16xf32>,
            %parallel_loop3A_366 = vector.shape_cast %parallel_loop3A_365 : vector<1x16xf32> to vector<16xf32>
            %parallel_loop3A_367 = arith.mulf %parallel_loop3A_366, %parallel_loop3A_318 : vector<16xf32>
            %parallel_loop3A_368 = arith.index_cast %parallel_loop3A_322 : i32 to index
            %parallel_loop3A_369 = arith.constant 64 : index
            %parallel_loop3A_370 = tpu.vector_load %arg11[%parallel_loop3A_368, %parallel_loop3A_369] {strides = array<i32>} : memref<128x128xf32, #tpu.memory_space<vmem>>, vector<1x16xf32>,
            %parallel_loop3A_371 = vector.shape_cast %parallel_loop3A_370 : vector<1x16xf32> to vector<16xf32>
            %parallel_loop3A_372 = vector.shape_cast %parallel_loop3A_367 : vector<16xf32> to vector<1x16xf32>
            tpu.vector_store %arg11[%parallel_loop3A_368, %parallel_loop3A_369], %parallel_loop3A_372 {strides = array<i32>} : memref<128x128xf32, #tpu.memory_space<vmem>>, vector<1x16xf32>,
            %parallel_loop3A_373 = arith.index_cast %parallel_loop3A_322 : i32 to index
            %parallel_loop3A_374 = arith.constant 80 : index
            %parallel_loop3A_375 = tpu.vector_load %arg11[%parallel_loop3A_373, %parallel_loop3A_374] {strides = array<i32>} : memref<128x128xf32, #tpu.memory_space<vmem>>, vector<1x16xf32>,
            %parallel_loop3A_376 = vector.shape_cast %parallel_loop3A_375 : vector<1x16xf32> to vector<16xf32>
            %parallel_loop3A_377 = arith.mulf %parallel_loop3A_376, %parallel_loop3A_318 : vector<16xf32>
            %parallel_loop3A_378 = arith.index_cast %parallel_loop3A_322 : i32 to index
            %parallel_loop3A_379 = arith.constant 80 : index
            %parallel_loop3A_380 = tpu.vector_load %arg11[%parallel_loop3A_378, %parallel_loop3A_379] {strides = array<i32>} : memref<128x128xf32, #tpu.memory_space<vmem>>, vector<1x16xf32>,
            %parallel_loop3A_381 = vector.shape_cast %parallel_loop3A_380 : vector<1x16xf32> to vector<16xf32>
            %parallel_loop3A_382 = vector.shape_cast %parallel_loop3A_377 : vector<16xf32> to vector<1x16xf32>
            tpu.vector_store %arg11[%parallel_loop3A_378, %parallel_loop3A_379], %parallel_loop3A_382 {strides = array<i32>} : memref<128x128xf32, #tpu.memory_space<vmem>>, vector<1x16xf32>,
            %parallel_loop3A_383 = arith.index_cast %parallel_loop3A_322 : i32 to index
            %parallel_loop3A_384 = arith.constant 96 : index
            %parallel_loop3A_385 = tpu.vector_load %arg11[%parallel_loop3A_383, %parallel_loop3A_384] {strides = array<i32>} : memref<128x128xf32, #tpu.memory_space<vmem>>, vector<1x16xf32>,
            %parallel_loop3A_386 = vector.shape_cast %parallel_loop3A_385 : vector<1x16xf32> to vector<16xf32>
            %parallel_loop3A_387 = arith.mulf %parallel_loop3A_386, %parallel_loop3A_318 : vector<16xf32>
            %parallel_loop3A_388 = arith.index_cast %parallel_loop3A_322 : i32 to index
            %parallel_loop3A_389 = arith.constant 96 : index
            %parallel_loop3A_390 = tpu.vector_load %arg11[%parallel_loop3A_388, %parallel_loop3A_389] {strides = array<i32>} : memref<128x128xf32, #tpu.memory_space<vmem>>, vector<1x16xf32>,
            %parallel_loop3A_391 = vector.shape_cast %parallel_loop3A_390 : vector<1x16xf32> to vector<16xf32>
            %parallel_loop3A_392 = vector.shape_cast %parallel_loop3A_387 : vector<16xf32> to vector<1x16xf32>
            tpu.vector_store %arg11[%parallel_loop3A_388, %parallel_loop3A_389], %parallel_loop3A_392 {strides = array<i32>} : memref<128x128xf32, #tpu.memory_space<vmem>>, vector<1x16xf32>,
            %parallel_loop3A_393 = arith.index_cast %parallel_loop3A_322 : i32 to index
            %parallel_loop3A_394 = arith.constant 112 : index
            %parallel_loop3A_395 = tpu.vector_load %arg11[%parallel_loop3A_393, %parallel_loop3A_394] {strides = array<i32>} : memref<128x128xf32, #tpu.memory_space<vmem>>, vector<1x16xf32>,
            %parallel_loop3A_396 = vector.shape_cast %parallel_loop3A_395 : vector<1x16xf32> to vector<16xf32>
            %parallel_loop3A_397 = arith.mulf %parallel_loop3A_396, %parallel_loop3A_318 : vector<16xf32>
            %parallel_loop3A_398 = arith.index_cast %parallel_loop3A_322 : i32 to index
            %parallel_loop3A_399 = arith.constant 112 : index
            %parallel_loop3A_400 = tpu.vector_load %arg11[%parallel_loop3A_398, %parallel_loop3A_399] {strides = array<i32>} : memref<128x128xf32, #tpu.memory_space<vmem>>, vector<1x16xf32>,
            %parallel_loop3A_401 = vector.shape_cast %parallel_loop3A_400 : vector<1x16xf32> to vector<16xf32>
            %parallel_loop3A_402 = vector.shape_cast %parallel_loop3A_397 : vector<16xf32> to vector<1x16xf32>
            tpu.vector_store %arg11[%parallel_loop3A_398, %parallel_loop3A_399], %parallel_loop3A_402 {strides = array<i32>} : memref<128x128xf32, #tpu.memory_space<vmem>>, vector<1x16xf32>,
            %parallel_loop3A_403 = vector.extract_strided_slice %parallel_loop3A_141 {offsets = [3], sizes = [1], strides = [1]} : vector<16xf32> to vector<1xf32>
            %parallel_loop3A_404 = vector.extract %parallel_loop3A_403[0] : f32 from vector<1xf32>
            %parallel_loop3A_405 = vector.broadcast %parallel_loop3A_404 : f32 to vector<16xf32>
            %parallel_loop3A_406 = arith.constant 16 : i32
            %parallel_loop3A_407 = arith.muli %parallel_loop3A_135, %parallel_loop3A_406 : i32
            %parallel_loop3A_408 = arith.constant 3 : i32
            %parallel_loop3A_409 = arith.addi %parallel_loop3A_407, %parallel_loop3A_408 : i32
            %parallel_loop3A_410 = arith.index_cast %parallel_loop3A_409 : i32 to index
            %parallel_loop3A_411 = arith.constant 0 : index
            %parallel_loop3A_412 = tpu.vector_load %arg11[%parallel_loop3A_410, %parallel_loop3A_411] {strides = array<i32>} : memref<128x128xf32, #tpu.memory_space<vmem>>, vector<1x16xf32>,
            %parallel_loop3A_413 = vector.shape_cast %parallel_loop3A_412 : vector<1x16xf32> to vector<16xf32>
            %parallel_loop3A_414 = arith.mulf %parallel_loop3A_413, %parallel_loop3A_405 : vector<16xf32>
            %parallel_loop3A_415 = arith.index_cast %parallel_loop3A_409 : i32 to index
            %parallel_loop3A_416 = arith.constant 0 : index
            %parallel_loop3A_417 = tpu.vector_load %arg11[%parallel_loop3A_415, %parallel_loop3A_416] {strides = array<i32>} : memref<128x128xf32, #tpu.memory_space<vmem>>, vector<1x16xf32>,
            %parallel_loop3A_418 = vector.shape_cast %parallel_loop3A_417 : vector<1x16xf32> to vector<16xf32>
            %parallel_loop3A_419 = vector.shape_cast %parallel_loop3A_414 : vector<16xf32> to vector<1x16xf32>
            tpu.vector_store %arg11[%parallel_loop3A_415, %parallel_loop3A_416], %parallel_loop3A_419 {strides = array<i32>} : memref<128x128xf32, #tpu.memory_space<vmem>>, vector<1x16xf32>,
            %parallel_loop3A_420 = arith.index_cast %parallel_loop3A_409 : i32 to index
            %parallel_loop3A_421 = arith.constant 16 : index
            %parallel_loop3A_422 = tpu.vector_load %arg11[%parallel_loop3A_420, %parallel_loop3A_421] {strides = array<i32>} : memref<128x128xf32, #tpu.memory_space<vmem>>, vector<1x16xf32>,
            %parallel_loop3A_423 = vector.shape_cast %parallel_loop3A_422 : vector<1x16xf32> to vector<16xf32>
            %parallel_loop3A_424 = arith.mulf %parallel_loop3A_423, %parallel_loop3A_405 : vector<16xf32>
            %parallel_loop3A_425 = arith.index_cast %parallel_loop3A_409 : i32 to index
            %parallel_loop3A_426 = arith.constant 16 : index
            %parallel_loop3A_427 = tpu.vector_load %arg11[%parallel_loop3A_425, %parallel_loop3A_426] {strides = array<i32>} : memref<128x128xf32, #tpu.memory_space<vmem>>, vector<1x16xf32>,
            %parallel_loop3A_428 = vector.shape_cast %parallel_loop3A_427 : vector<1x16xf32> to vector<16xf32>
            %parallel_loop3A_429 = vector.shape_cast %parallel_loop3A_424 : vector<16xf32> to vector<1x16xf32>
            tpu.vector_store %arg11[%parallel_loop3A_425, %parallel_loop3A_426], %parallel_loop3A_429 {strides = array<i32>} : memref<128x128xf32, #tpu.memory_space<vmem>>, vector<1x16xf32>,
            %parallel_loop3A_430 = arith.index_cast %parallel_loop3A_409 : i32 to index
            %parallel_loop3A_431 = arith.constant 32 : index
            %parallel_loop3A_432 = tpu.vector_load %arg11[%parallel_loop3A_430, %parallel_loop3A_431] {strides = array<i32>} : memref<128x128xf32, #tpu.memory_space<vmem>>, vector<1x16xf32>,
            %parallel_loop3A_433 = vector.shape_cast %parallel_loop3A_432 : vector<1x16xf32> to vector<16xf32>
            %parallel_loop3A_434 = arith.mulf %parallel_loop3A_433, %parallel_loop3A_405 : vector<16xf32>
            %parallel_loop3A_435 = arith.index_cast %parallel_loop3A_409 : i32 to index
            %parallel_loop3A_436 = arith.constant 32 : index
            %parallel_loop3A_437 = tpu.vector_load %arg11[%parallel_loop3A_435, %parallel_loop3A_436] {strides = array<i32>} : memref<128x128xf32, #tpu.memory_space<vmem>>, vector<1x16xf32>,
            %parallel_loop3A_438 = vector.shape_cast %parallel_loop3A_437 : vector<1x16xf32> to vector<16xf32>
            %parallel_loop3A_439 = vector.shape_cast %parallel_loop3A_434 : vector<16xf32> to vector<1x16xf32>
            tpu.vector_store %arg11[%parallel_loop3A_435, %parallel_loop3A_436], %parallel_loop3A_439 {strides = array<i32>} : memref<128x128xf32, #tpu.memory_space<vmem>>, vector<1x16xf32>,
            %parallel_loop3A_440 = arith.index_cast %parallel_loop3A_409 : i32 to index
            %parallel_loop3A_441 = arith.constant 48 : index
            %parallel_loop3A_442 = tpu.vector_load %arg11[%parallel_loop3A_440, %parallel_loop3A_441] {strides = array<i32>} : memref<128x128xf32, #tpu.memory_space<vmem>>, vector<1x16xf32>,
            %parallel_loop3A_443 = vector.shape_cast %parallel_loop3A_442 : vector<1x16xf32> to vector<16xf32>
            %parallel_loop3A_444 = arith.mulf %parallel_loop3A_443, %parallel_loop3A_405 : vector<16xf32>
            %parallel_loop3A_445 = arith.index_cast %parallel_loop3A_409 : i32 to index
            %parallel_loop3A_446 = arith.constant 48 : index
            %parallel_loop3A_447 = tpu.vector_load %arg11[%parallel_loop3A_445, %parallel_loop3A_446] {strides = array<i32>} : memref<128x128xf32, #tpu.memory_space<vmem>>, vector<1x16xf32>,
            %parallel_loop3A_448 = vector.shape_cast %parallel_loop3A_447 : vector<1x16xf32> to vector<16xf32>
            %parallel_loop3A_449 = vector.shape_cast %parallel_loop3A_444 : vector<16xf32> to vector<1x16xf32>
            tpu.vector_store %arg11[%parallel_loop3A_445, %parallel_loop3A_446], %parallel_loop3A_449 {strides = array<i32>} : memref<128x128xf32, #tpu.memory_space<vmem>>, vector<1x16xf32>,
            %parallel_loop3A_450 = arith.index_cast %parallel_loop3A_409 : i32 to index
            %parallel_loop3A_451 = arith.constant 64 : index
            %parallel_loop3A_452 = tpu.vector_load %arg11[%parallel_loop3A_450, %parallel_loop3A_451] {strides = array<i32>} : memref<128x128xf32, #tpu.memory_space<vmem>>, vector<1x16xf32>,
            %parallel_loop3A_453 = vector.shape_cast %parallel_loop3A_452 : vector<1x16xf32> to vector<16xf32>
            %parallel_loop3A_454 = arith.mulf %parallel_loop3A_453, %parallel_loop3A_405 : vector<16xf32>
            %parallel_loop3A_455 = arith.index_cast %parallel_loop3A_409 : i32 to index
            %parallel_loop3A_456 = arith.constant 64 : index
            %parallel_loop3A_457 = tpu.vector_load %arg11[%parallel_loop3A_455, %parallel_loop3A_456] {strides = array<i32>} : memref<128x128xf32, #tpu.memory_space<vmem>>, vector<1x16xf32>,
            %parallel_loop3A_458 = vector.shape_cast %parallel_loop3A_457 : vector<1x16xf32> to vector<16xf32>
            %parallel_loop3A_459 = vector.shape_cast %parallel_loop3A_454 : vector<16xf32> to vector<1x16xf32>
            tpu.vector_store %arg11[%parallel_loop3A_455, %parallel_loop3A_456], %parallel_loop3A_459 {strides = array<i32>} : memref<128x128xf32, #tpu.memory_space<vmem>>, vector<1x16xf32>,
            %parallel_loop3A_460 = arith.index_cast %parallel_loop3A_409 : i32 to index
            %parallel_loop3A_461 = arith.constant 80 : index
            %parallel_loop3A_462 = tpu.vector_load %arg11[%parallel_loop3A_460, %parallel_loop3A_461] {strides = array<i32>} : memref<128x128xf32, #tpu.memory_space<vmem>>, vector<1x16xf32>,
            %parallel_loop3A_463 = vector.shape_cast %parallel_loop3A_462 : vector<1x16xf32> to vector<16xf32>
            %parallel_loop3A_464 = arith.mulf %parallel_loop3A_463, %parallel_loop3A_405 : vector<16xf32>
            %parallel_loop3A_465 = arith.index_cast %parallel_loop3A_409 : i32 to index
            %parallel_loop3A_466 = arith.constant 80 : index
            %parallel_loop3A_467 = tpu.vector_load %arg11[%parallel_loop3A_465, %parallel_loop3A_466] {strides = array<i32>} : memref<128x128xf32, #tpu.memory_space<vmem>>, vector<1x16xf32>,
            %parallel_loop3A_468 = vector.shape_cast %parallel_loop3A_467 : vector<1x16xf32> to vector<16xf32>
            %parallel_loop3A_469 = vector.shape_cast %parallel_loop3A_464 : vector<16xf32> to vector<1x16xf32>
            tpu.vector_store %arg11[%parallel_loop3A_465, %parallel_loop3A_466], %parallel_loop3A_469 {strides = array<i32>} : memref<128x128xf32, #tpu.memory_space<vmem>>, vector<1x16xf32>,
            %parallel_loop3A_470 = arith.index_cast %parallel_loop3A_409 : i32 to index
            %parallel_loop3A_471 = arith.constant 96 : index
            %parallel_loop3A_472 = tpu.vector_load %arg11[%parallel_loop3A_470, %parallel_loop3A_471] {strides = array<i32>} : memref<128x128xf32, #tpu.memory_space<vmem>>, vector<1x16xf32>,
            %parallel_loop3A_473 = vector.shape_cast %parallel_loop3A_472 : vector<1x16xf32> to vector<16xf32>
            %parallel_loop3A_474 = arith.mulf %parallel_loop3A_473, %parallel_loop3A_405 : vector<16xf32>
            %parallel_loop3A_475 = arith.index_cast %parallel_loop3A_409 : i32 to index
            %parallel_loop3A_476 = arith.constant 96 : index
            %parallel_loop3A_477 = tpu.vector_load %arg11[%parallel_loop3A_475, %parallel_loop3A_476] {strides = array<i32>} : memref<128x128xf32, #tpu.memory_space<vmem>>, vector<1x16xf32>,
            %parallel_loop3A_478 = vector.shape_cast %parallel_loop3A_477 : vector<1x16xf32> to vector<16xf32>
            %parallel_loop3A_479 = vector.shape_cast %parallel_loop3A_474 : vector<16xf32> to vector<1x16xf32>
            tpu.vector_store %arg11[%parallel_loop3A_475, %parallel_loop3A_476], %parallel_loop3A_479 {strides = array<i32>} : memref<128x128xf32, #tpu.memory_space<vmem>>, vector<1x16xf32>,
            %parallel_loop3A_480 = arith.index_cast %parallel_loop3A_409 : i32 to index
            %parallel_loop3A_481 = arith.constant 112 : index
            %parallel_loop3A_482 = tpu.vector_load %arg11[%parallel_loop3A_480, %parallel_loop3A_481] {strides = array<i32>} : memref<128x128xf32, #tpu.memory_space<vmem>>, vector<1x16xf32>,
            %parallel_loop3A_483 = vector.shape_cast %parallel_loop3A_482 : vector<1x16xf32> to vector<16xf32>
            %parallel_loop3A_484 = arith.mulf %parallel_loop3A_483, %parallel_loop3A_405 : vector<16xf32>
            %parallel_loop3A_485 = arith.index_cast %parallel_loop3A_409 : i32 to index
            %parallel_loop3A_486 = arith.constant 112 : index
            %parallel_loop3A_487 = tpu.vector_load %arg11[%parallel_loop3A_485, %parallel_loop3A_486] {strides = array<i32>} : memref<128x128xf32, #tpu.memory_space<vmem>>, vector<1x16xf32>,
            %parallel_loop3A_488 = vector.shape_cast %parallel_loop3A_487 : vector<1x16xf32> to vector<16xf32>
            %parallel_loop3A_489 = vector.shape_cast %parallel_loop3A_484 : vector<16xf32> to vector<1x16xf32>
            tpu.vector_store %arg11[%parallel_loop3A_485, %parallel_loop3A_486], %parallel_loop3A_489 {strides = array<i32>} : memref<128x128xf32, #tpu.memory_space<vmem>>, vector<1x16xf32>,
            %parallel_loop3A_490 = vector.extract_strided_slice %parallel_loop3A_141 {offsets = [4], sizes = [1], strides = [1]} : vector<16xf32> to vector<1xf32>
            %parallel_loop3A_491 = vector.extract %parallel_loop3A_490[0] : f32 from vector<1xf32>
            %parallel_loop3A_492 = vector.broadcast %parallel_loop3A_491 : f32 to vector<16xf32>
            %parallel_loop3A_493 = arith.constant 16 : i32
            %parallel_loop3A_494 = arith.muli %parallel_loop3A_135, %parallel_loop3A_493 : i32
            %parallel_loop3A_495 = arith.constant 4 : i32
            %parallel_loop3A_496 = arith.addi %parallel_loop3A_494, %parallel_loop3A_495 : i32
            %parallel_loop3A_497 = arith.index_cast %parallel_loop3A_496 : i32 to index
            %parallel_loop3A_498 = arith.constant 0 : index
            %parallel_loop3A_499 = tpu.vector_load %arg11[%parallel_loop3A_497, %parallel_loop3A_498] {strides = array<i32>} : memref<128x128xf32, #tpu.memory_space<vmem>>, vector<1x16xf32>,
            %parallel_loop3A_500 = vector.shape_cast %parallel_loop3A_499 : vector<1x16xf32> to vector<16xf32>
            %parallel_loop3A_501 = arith.mulf %parallel_loop3A_500, %parallel_loop3A_492 : vector<16xf32>
            %parallel_loop3A_502 = arith.index_cast %parallel_loop3A_496 : i32 to index
            %parallel_loop3A_503 = arith.constant 0 : index
            %parallel_loop3A_504 = tpu.vector_load %arg11[%parallel_loop3A_502, %parallel_loop3A_503] {strides = array<i32>} : memref<128x128xf32, #tpu.memory_space<vmem>>, vector<1x16xf32>,
            %parallel_loop3A_505 = vector.shape_cast %parallel_loop3A_504 : vector<1x16xf32> to vector<16xf32>
            %parallel_loop3A_506 = vector.shape_cast %parallel_loop3A_501 : vector<16xf32> to vector<1x16xf32>
            tpu.vector_store %arg11[%parallel_loop3A_502, %parallel_loop3A_503], %parallel_loop3A_506 {strides = array<i32>} : memref<128x128xf32, #tpu.memory_space<vmem>>, vector<1x16xf32>,
            %parallel_loop3A_507 = arith.index_cast %parallel_loop3A_496 : i32 to index
            %parallel_loop3A_508 = arith.constant 16 : index
            %parallel_loop3A_509 = tpu.vector_load %arg11[%parallel_loop3A_507, %parallel_loop3A_508] {strides = array<i32>} : memref<128x128xf32, #tpu.memory_space<vmem>>, vector<1x16xf32>,
            %parallel_loop3A_510 = vector.shape_cast %parallel_loop3A_509 : vector<1x16xf32> to vector<16xf32>
            %parallel_loop3A_511 = arith.mulf %parallel_loop3A_510, %parallel_loop3A_492 : vector<16xf32>
            %parallel_loop3A_512 = arith.index_cast %parallel_loop3A_496 : i32 to index
            %parallel_loop3A_513 = arith.constant 16 : index
            %parallel_loop3A_514 = tpu.vector_load %arg11[%parallel_loop3A_512, %parallel_loop3A_513] {strides = array<i32>} : memref<128x128xf32, #tpu.memory_space<vmem>>, vector<1x16xf32>,
            %parallel_loop3A_515 = vector.shape_cast %parallel_loop3A_514 : vector<1x16xf32> to vector<16xf32>
            %parallel_loop3A_516 = vector.shape_cast %parallel_loop3A_511 : vector<16xf32> to vector<1x16xf32>
            tpu.vector_store %arg11[%parallel_loop3A_512, %parallel_loop3A_513], %parallel_loop3A_516 {strides = array<i32>} : memref<128x128xf32, #tpu.memory_space<vmem>>, vector<1x16xf32>,
            %parallel_loop3A_517 = arith.index_cast %parallel_loop3A_496 : i32 to index
            %parallel_loop3A_518 = arith.constant 32 : index
            %parallel_loop3A_519 = tpu.vector_load %arg11[%parallel_loop3A_517, %parallel_loop3A_518] {strides = array<i32>} : memref<128x128xf32, #tpu.memory_space<vmem>>, vector<1x16xf32>,
            %parallel_loop3A_520 = vector.shape_cast %parallel_loop3A_519 : vector<1x16xf32> to vector<16xf32>
            %parallel_loop3A_521 = arith.mulf %parallel_loop3A_520, %parallel_loop3A_492 : vector<16xf32>
            %parallel_loop3A_522 = arith.index_cast %parallel_loop3A_496 : i32 to index
            %parallel_loop3A_523 = arith.constant 32 : index
            %parallel_loop3A_524 = tpu.vector_load %arg11[%parallel_loop3A_522, %parallel_loop3A_523] {strides = array<i32>} : memref<128x128xf32, #tpu.memory_space<vmem>>, vector<1x16xf32>,
            %parallel_loop3A_525 = vector.shape_cast %parallel_loop3A_524 : vector<1x16xf32> to vector<16xf32>
            %parallel_loop3A_526 = vector.shape_cast %parallel_loop3A_521 : vector<16xf32> to vector<1x16xf32>
            tpu.vector_store %arg11[%parallel_loop3A_522, %parallel_loop3A_523], %parallel_loop3A_526 {strides = array<i32>} : memref<128x128xf32, #tpu.memory_space<vmem>>, vector<1x16xf32>,
            %parallel_loop3A_527 = arith.index_cast %parallel_loop3A_496 : i32 to index
            %parallel_loop3A_528 = arith.constant 48 : index
            %parallel_loop3A_529 = tpu.vector_load %arg11[%parallel_loop3A_527, %parallel_loop3A_528] {strides = array<i32>} : memref<128x128xf32, #tpu.memory_space<vmem>>, vector<1x16xf32>,
            %parallel_loop3A_530 = vector.shape_cast %parallel_loop3A_529 : vector<1x16xf32> to vector<16xf32>
            %parallel_loop3A_531 = arith.mulf %parallel_loop3A_530, %parallel_loop3A_492 : vector<16xf32>
            %parallel_loop3A_532 = arith.index_cast %parallel_loop3A_496 : i32 to index
            %parallel_loop3A_533 = arith.constant 48 : index
            %parallel_loop3A_534 = tpu.vector_load %arg11[%parallel_loop3A_532, %parallel_loop3A_533] {strides = array<i32>} : memref<128x128xf32, #tpu.memory_space<vmem>>, vector<1x16xf32>,
            %parallel_loop3A_535 = vector.shape_cast %parallel_loop3A_534 : vector<1x16xf32> to vector<16xf32>
            %parallel_loop3A_536 = vector.shape_cast %parallel_loop3A_531 : vector<16xf32> to vector<1x16xf32>
            tpu.vector_store %arg11[%parallel_loop3A_532, %parallel_loop3A_533], %parallel_loop3A_536 {strides = array<i32>} : memref<128x128xf32, #tpu.memory_space<vmem>>, vector<1x16xf32>,
            %parallel_loop3A_537 = arith.index_cast %parallel_loop3A_496 : i32 to index
            %parallel_loop3A_538 = arith.constant 64 : index
            %parallel_loop3A_539 = tpu.vector_load %arg11[%parallel_loop3A_537, %parallel_loop3A_538] {strides = array<i32>} : memref<128x128xf32, #tpu.memory_space<vmem>>, vector<1x16xf32>,
            %parallel_loop3A_540 = vector.shape_cast %parallel_loop3A_539 : vector<1x16xf32> to vector<16xf32>
            %parallel_loop3A_541 = arith.mulf %parallel_loop3A_540, %parallel_loop3A_492 : vector<16xf32>
            %parallel_loop3A_542 = arith.index_cast %parallel_loop3A_496 : i32 to index
            %parallel_loop3A_543 = arith.constant 64 : index
            %parallel_loop3A_544 = tpu.vector_load %arg11[%parallel_loop3A_542, %parallel_loop3A_543] {strides = array<i32>} : memref<128x128xf32, #tpu.memory_space<vmem>>, vector<1x16xf32>,
            %parallel_loop3A_545 = vector.shape_cast %parallel_loop3A_544 : vector<1x16xf32> to vector<16xf32>
            %parallel_loop3A_546 = vector.shape_cast %parallel_loop3A_541 : vector<16xf32> to vector<1x16xf32>
            tpu.vector_store %arg11[%parallel_loop3A_542, %parallel_loop3A_543], %parallel_loop3A_546 {strides = array<i32>} : memref<128x128xf32, #tpu.memory_space<vmem>>, vector<1x16xf32>,
            %parallel_loop3A_547 = arith.index_cast %parallel_loop3A_496 : i32 to index
            %parallel_loop3A_548 = arith.constant 80 : index
            %parallel_loop3A_549 = tpu.vector_load %arg11[%parallel_loop3A_547, %parallel_loop3A_548] {strides = array<i32>} : memref<128x128xf32, #tpu.memory_space<vmem>>, vector<1x16xf32>,
            %parallel_loop3A_550 = vector.shape_cast %parallel_loop3A_549 : vector<1x16xf32> to vector<16xf32>
            %parallel_loop3A_551 = arith.mulf %parallel_loop3A_550, %parallel_loop3A_492 : vector<16xf32>
            %parallel_loop3A_552 = arith.index_cast %parallel_loop3A_496 : i32 to index
            %parallel_loop3A_553 = arith.constant 80 : index
            %parallel_loop3A_554 = tpu.vector_load %arg11[%parallel_loop3A_552, %parallel_loop3A_553] {strides = array<i32>} : memref<128x128xf32, #tpu.memory_space<vmem>>, vector<1x16xf32>,
            %parallel_loop3A_555 = vector.shape_cast %parallel_loop3A_554 : vector<1x16xf32> to vector<16xf32>
            %parallel_loop3A_556 = vector.shape_cast %parallel_loop3A_551 : vector<16xf32> to vector<1x16xf32>
            tpu.vector_store %arg11[%parallel_loop3A_552, %parallel_loop3A_553], %parallel_loop3A_556 {strides = array<i32>} : memref<128x128xf32, #tpu.memory_space<vmem>>, vector<1x16xf32>,
            %parallel_loop3A_557 = arith.index_cast %parallel_loop3A_496 : i32 to index
            %parallel_loop3A_558 = arith.constant 96 : index
            %parallel_loop3A_559 = tpu.vector_load %arg11[%parallel_loop3A_557, %parallel_loop3A_558] {strides = array<i32>} : memref<128x128xf32, #tpu.memory_space<vmem>>, vector<1x16xf32>,
            %parallel_loop3A_560 = vector.shape_cast %parallel_loop3A_559 : vector<1x16xf32> to vector<16xf32>
            %parallel_loop3A_561 = arith.mulf %parallel_loop3A_560, %parallel_loop3A_492 : vector<16xf32>
            %parallel_loop3A_562 = arith.index_cast %parallel_loop3A_496 : i32 to index
            %parallel_loop3A_563 = arith.constant 96 : index
            %parallel_loop3A_564 = tpu.vector_load %arg11[%parallel_loop3A_562, %parallel_loop3A_563] {strides = array<i32>} : memref<128x128xf32, #tpu.memory_space<vmem>>, vector<1x16xf32>,
            %parallel_loop3A_565 = vector.shape_cast %parallel_loop3A_564 : vector<1x16xf32> to vector<16xf32>
            %parallel_loop3A_566 = vector.shape_cast %parallel_loop3A_561 : vector<16xf32> to vector<1x16xf32>
            tpu.vector_store %arg11[%parallel_loop3A_562, %parallel_loop3A_563], %parallel_loop3A_566 {strides = array<i32>} : memref<128x128xf32, #tpu.memory_space<vmem>>, vector<1x16xf32>,
            %parallel_loop3A_567 = arith.index_cast %parallel_loop3A_496 : i32 to index
            %parallel_loop3A_568 = arith.constant 112 : index
            %parallel_loop3A_569 = tpu.vector_load %arg11[%parallel_loop3A_567, %parallel_loop3A_568] {strides = array<i32>} : memref<128x128xf32, #tpu.memory_space<vmem>>, vector<1x16xf32>,
            %parallel_loop3A_570 = vector.shape_cast %parallel_loop3A_569 : vector<1x16xf32> to vector<16xf32>
            %parallel_loop3A_571 = arith.mulf %parallel_loop3A_570, %parallel_loop3A_492 : vector<16xf32>
            %parallel_loop3A_572 = arith.index_cast %parallel_loop3A_496 : i32 to index
            %parallel_loop3A_573 = arith.constant 112 : index
            %parallel_loop3A_574 = tpu.vector_load %arg11[%parallel_loop3A_572, %parallel_loop3A_573] {strides = array<i32>} : memref<128x128xf32, #tpu.memory_space<vmem>>, vector<1x16xf32>,
            %parallel_loop3A_575 = vector.shape_cast %parallel_loop3A_574 : vector<1x16xf32> to vector<16xf32>
            %parallel_loop3A_576 = vector.shape_cast %parallel_loop3A_571 : vector<16xf32> to vector<1x16xf32>
            tpu.vector_store %arg11[%parallel_loop3A_572, %parallel_loop3A_573], %parallel_loop3A_576 {strides = array<i32>} : memref<128x128xf32, #tpu.memory_space<vmem>>, vector<1x16xf32>,
            %parallel_loop3A_577 = vector.extract_strided_slice %parallel_loop3A_141 {offsets = [5], sizes = [1], strides = [1]} : vector<16xf32> to vector<1xf32>
            %parallel_loop3A_578 = vector.extract %parallel_loop3A_577[0] : f32 from vector<1xf32>
            %parallel_loop3A_579 = vector.broadcast %parallel_loop3A_578 : f32 to vector<16xf32>
            %parallel_loop3A_580 = arith.constant 16 : i32
            %parallel_loop3A_581 = arith.muli %parallel_loop3A_135, %parallel_loop3A_580 : i32
            %parallel_loop3A_582 = arith.constant 5 : i32
            %parallel_loop3A_583 = arith.addi %parallel_loop3A_581, %parallel_loop3A_582 : i32
            %parallel_loop3A_584 = arith.index_cast %parallel_loop3A_583 : i32 to index
            %parallel_loop3A_585 = arith.constant 0 : index
            %parallel_loop3A_586 = tpu.vector_load %arg11[%parallel_loop3A_584, %parallel_loop3A_585] {strides = array<i32>} : memref<128x128xf32, #tpu.memory_space<vmem>>, vector<1x16xf32>,
            %parallel_loop3A_587 = vector.shape_cast %parallel_loop3A_586 : vector<1x16xf32> to vector<16xf32>
            %parallel_loop3A_588 = arith.mulf %parallel_loop3A_587, %parallel_loop3A_579 : vector<16xf32>
            %parallel_loop3A_589 = arith.index_cast %parallel_loop3A_583 : i32 to index
            %parallel_loop3A_590 = arith.constant 0 : index
            %parallel_loop3A_591 = tpu.vector_load %arg11[%parallel_loop3A_589, %parallel_loop3A_590] {strides = array<i32>} : memref<128x128xf32, #tpu.memory_space<vmem>>, vector<1x16xf32>,
            %parallel_loop3A_592 = vector.shape_cast %parallel_loop3A_591 : vector<1x16xf32> to vector<16xf32>
            %parallel_loop3A_593 = vector.shape_cast %parallel_loop3A_588 : vector<16xf32> to vector<1x16xf32>
            tpu.vector_store %arg11[%parallel_loop3A_589, %parallel_loop3A_590], %parallel_loop3A_593 {strides = array<i32>} : memref<128x128xf32, #tpu.memory_space<vmem>>, vector<1x16xf32>,
            %parallel_loop3A_594 = arith.index_cast %parallel_loop3A_583 : i32 to index
            %parallel_loop3A_595 = arith.constant 16 : index
            %parallel_loop3A_596 = tpu.vector_load %arg11[%parallel_loop3A_594, %parallel_loop3A_595] {strides = array<i32>} : memref<128x128xf32, #tpu.memory_space<vmem>>, vector<1x16xf32>,
            %parallel_loop3A_597 = vector.shape_cast %parallel_loop3A_596 : vector<1x16xf32> to vector<16xf32>
            %parallel_loop3A_598 = arith.mulf %parallel_loop3A_597, %parallel_loop3A_579 : vector<16xf32>
            %parallel_loop3A_599 = arith.index_cast %parallel_loop3A_583 : i32 to index
            %parallel_loop3A_600 = arith.constant 16 : index
            %parallel_loop3A_601 = tpu.vector_load %arg11[%parallel_loop3A_599, %parallel_loop3A_600] {strides = array<i32>} : memref<128x128xf32, #tpu.memory_space<vmem>>, vector<1x16xf32>,
            %parallel_loop3A_602 = vector.shape_cast %parallel_loop3A_601 : vector<1x16xf32> to vector<16xf32>
            %parallel_loop3A_603 = vector.shape_cast %parallel_loop3A_598 : vector<16xf32> to vector<1x16xf32>
            tpu.vector_store %arg11[%parallel_loop3A_599, %parallel_loop3A_600], %parallel_loop3A_603 {strides = array<i32>} : memref<128x128xf32, #tpu.memory_space<vmem>>, vector<1x16xf32>,
            %parallel_loop3A_604 = arith.index_cast %parallel_loop3A_583 : i32 to index
            %parallel_loop3A_605 = arith.constant 32 : index
            %parallel_loop3A_606 = tpu.vector_load %arg11[%parallel_loop3A_604, %parallel_loop3A_605] {strides = array<i32>} : memref<128x128xf32, #tpu.memory_space<vmem>>, vector<1x16xf32>,
            %parallel_loop3A_607 = vector.shape_cast %parallel_loop3A_606 : vector<1x16xf32> to vector<16xf32>
            %parallel_loop3A_608 = arith.mulf %parallel_loop3A_607, %parallel_loop3A_579 : vector<16xf32>
            %parallel_loop3A_609 = arith.index_cast %parallel_loop3A_583 : i32 to index
            %parallel_loop3A_610 = arith.constant 32 : index
            %parallel_loop3A_611 = tpu.vector_load %arg11[%parallel_loop3A_609, %parallel_loop3A_610] {strides = array<i32>} : memref<128x128xf32, #tpu.memory_space<vmem>>, vector<1x16xf32>,
            %parallel_loop3A_612 = vector.shape_cast %parallel_loop3A_611 : vector<1x16xf32> to vector<16xf32>
            %parallel_loop3A_613 = vector.shape_cast %parallel_loop3A_608 : vector<16xf32> to vector<1x16xf32>
            tpu.vector_store %arg11[%parallel_loop3A_609, %parallel_loop3A_610], %parallel_loop3A_613 {strides = array<i32>} : memref<128x128xf32, #tpu.memory_space<vmem>>, vector<1x16xf32>,
            %parallel_loop3A_614 = arith.index_cast %parallel_loop3A_583 : i32 to index
            %parallel_loop3A_615 = arith.constant 48 : index
            %parallel_loop3A_616 = tpu.vector_load %arg11[%parallel_loop3A_614, %parallel_loop3A_615] {strides = array<i32>} : memref<128x128xf32, #tpu.memory_space<vmem>>, vector<1x16xf32>,
            %parallel_loop3A_617 = vector.shape_cast %parallel_loop3A_616 : vector<1x16xf32> to vector<16xf32>
            %parallel_loop3A_618 = arith.mulf %parallel_loop3A_617, %parallel_loop3A_579 : vector<16xf32>
            %parallel_loop3A_619 = arith.index_cast %parallel_loop3A_583 : i32 to index
            %parallel_loop3A_620 = arith.constant 48 : index
            %parallel_loop3A_621 = tpu.vector_load %arg11[%parallel_loop3A_619, %parallel_loop3A_620] {strides = array<i32>} : memref<128x128xf32, #tpu.memory_space<vmem>>, vector<1x16xf32>,
            %parallel_loop3A_622 = vector.shape_cast %parallel_loop3A_621 : vector<1x16xf32> to vector<16xf32>
            %parallel_loop3A_623 = vector.shape_cast %parallel_loop3A_618 : vector<16xf32> to vector<1x16xf32>
            tpu.vector_store %arg11[%parallel_loop3A_619, %parallel_loop3A_620], %parallel_loop3A_623 {strides = array<i32>} : memref<128x128xf32, #tpu.memory_space<vmem>>, vector<1x16xf32>,
            %parallel_loop3A_624 = arith.index_cast %parallel_loop3A_583 : i32 to index
            %parallel_loop3A_625 = arith.constant 64 : index
            %parallel_loop3A_626 = tpu.vector_load %arg11[%parallel_loop3A_624, %parallel_loop3A_625] {strides = array<i32>} : memref<128x128xf32, #tpu.memory_space<vmem>>, vector<1x16xf32>,
            %parallel_loop3A_627 = vector.shape_cast %parallel_loop3A_626 : vector<1x16xf32> to vector<16xf32>
            %parallel_loop3A_628 = arith.mulf %parallel_loop3A_627, %parallel_loop3A_579 : vector<16xf32>
            %parallel_loop3A_629 = arith.index_cast %parallel_loop3A_583 : i32 to index
            %parallel_loop3A_630 = arith.constant 64 : index
            %parallel_loop3A_631 = tpu.vector_load %arg11[%parallel_loop3A_629, %parallel_loop3A_630] {strides = array<i32>} : memref<128x128xf32, #tpu.memory_space<vmem>>, vector<1x16xf32>,
            %parallel_loop3A_632 = vector.shape_cast %parallel_loop3A_631 : vector<1x16xf32> to vector<16xf32>
            %parallel_loop3A_633 = vector.shape_cast %parallel_loop3A_628 : vector<16xf32> to vector<1x16xf32>
            tpu.vector_store %arg11[%parallel_loop3A_629, %parallel_loop3A_630], %parallel_loop3A_633 {strides = array<i32>} : memref<128x128xf32, #tpu.memory_space<vmem>>, vector<1x16xf32>,
            %parallel_loop3A_634 = arith.index_cast %parallel_loop3A_583 : i32 to index
            %parallel_loop3A_635 = arith.constant 80 : index
            %parallel_loop3A_636 = tpu.vector_load %arg11[%parallel_loop3A_634, %parallel_loop3A_635] {strides = array<i32>} : memref<128x128xf32, #tpu.memory_space<vmem>>, vector<1x16xf32>,
            %parallel_loop3A_637 = vector.shape_cast %parallel_loop3A_636 : vector<1x16xf32> to vector<16xf32>
            %parallel_loop3A_638 = arith.mulf %parallel_loop3A_637, %parallel_loop3A_579 : vector<16xf32>
            %parallel_loop3A_639 = arith.index_cast %parallel_loop3A_583 : i32 to index
            %parallel_loop3A_640 = arith.constant 80 : index
            %parallel_loop3A_641 = tpu.vector_load %arg11[%parallel_loop3A_639, %parallel_loop3A_640] {strides = array<i32>} : memref<128x128xf32, #tpu.memory_space<vmem>>, vector<1x16xf32>,
            %parallel_loop3A_642 = vector.shape_cast %parallel_loop3A_641 : vector<1x16xf32> to vector<16xf32>
            %parallel_loop3A_643 = vector.shape_cast %parallel_loop3A_638 : vector<16xf32> to vector<1x16xf32>
            tpu.vector_store %arg11[%parallel_loop3A_639, %parallel_loop3A_640], %parallel_loop3A_643 {strides = array<i32>} : memref<128x128xf32, #tpu.memory_space<vmem>>, vector<1x16xf32>,
            %parallel_loop3A_644 = arith.index_cast %parallel_loop3A_583 : i32 to index
            %parallel_loop3A_645 = arith.constant 96 : index
            %parallel_loop3A_646 = tpu.vector_load %arg11[%parallel_loop3A_644, %parallel_loop3A_645] {strides = array<i32>} : memref<128x128xf32, #tpu.memory_space<vmem>>, vector<1x16xf32>,
            %parallel_loop3A_647 = vector.shape_cast %parallel_loop3A_646 : vector<1x16xf32> to vector<16xf32>
            %parallel_loop3A_648 = arith.mulf %parallel_loop3A_647, %parallel_loop3A_579 : vector<16xf32>
            %parallel_loop3A_649 = arith.index_cast %parallel_loop3A_583 : i32 to index
            %parallel_loop3A_650 = arith.constant 96 : index
            %parallel_loop3A_651 = tpu.vector_load %arg11[%parallel_loop3A_649, %parallel_loop3A_650] {strides = array<i32>} : memref<128x128xf32, #tpu.memory_space<vmem>>, vector<1x16xf32>,
            %parallel_loop3A_652 = vector.shape_cast %parallel_loop3A_651 : vector<1x16xf32> to vector<16xf32>
            %parallel_loop3A_653 = vector.shape_cast %parallel_loop3A_648 : vector<16xf32> to vector<1x16xf32>
            tpu.vector_store %arg11[%parallel_loop3A_649, %parallel_loop3A_650], %parallel_loop3A_653 {strides = array<i32>} : memref<128x128xf32, #tpu.memory_space<vmem>>, vector<1x16xf32>,
            %parallel_loop3A_654 = arith.index_cast %parallel_loop3A_583 : i32 to index
            %parallel_loop3A_655 = arith.constant 112 : index
            %parallel_loop3A_656 = tpu.vector_load %arg11[%parallel_loop3A_654, %parallel_loop3A_655] {strides = array<i32>} : memref<128x128xf32, #tpu.memory_space<vmem>>, vector<1x16xf32>,
            %parallel_loop3A_657 = vector.shape_cast %parallel_loop3A_656 : vector<1x16xf32> to vector<16xf32>
            %parallel_loop3A_658 = arith.mulf %parallel_loop3A_657, %parallel_loop3A_579 : vector<16xf32>
            %parallel_loop3A_659 = arith.index_cast %parallel_loop3A_583 : i32 to index
            %parallel_loop3A_660 = arith.constant 112 : index
            %parallel_loop3A_661 = tpu.vector_load %arg11[%parallel_loop3A_659, %parallel_loop3A_660] {strides = array<i32>} : memref<128x128xf32, #tpu.memory_space<vmem>>, vector<1x16xf32>,
            %parallel_loop3A_662 = vector.shape_cast %parallel_loop3A_661 : vector<1x16xf32> to vector<16xf32>
            %parallel_loop3A_663 = vector.shape_cast %parallel_loop3A_658 : vector<16xf32> to vector<1x16xf32>
            tpu.vector_store %arg11[%parallel_loop3A_659, %parallel_loop3A_660], %parallel_loop3A_663 {strides = array<i32>} : memref<128x128xf32, #tpu.memory_space<vmem>>, vector<1x16xf32>,
            %parallel_loop3A_664 = vector.extract_strided_slice %parallel_loop3A_141 {offsets = [6], sizes = [1], strides = [1]} : vector<16xf32> to vector<1xf32>
            %parallel_loop3A_665 = vector.extract %parallel_loop3A_664[0] : f32 from vector<1xf32>
            %parallel_loop3A_666 = vector.broadcast %parallel_loop3A_665 : f32 to vector<16xf32>
            %parallel_loop3A_667 = arith.constant 16 : i32
            %parallel_loop3A_668 = arith.muli %parallel_loop3A_135, %parallel_loop3A_667 : i32
            %parallel_loop3A_669 = arith.constant 6 : i32
            %parallel_loop3A_670 = arith.addi %parallel_loop3A_668, %parallel_loop3A_669 : i32
            %parallel_loop3A_671 = arith.index_cast %parallel_loop3A_670 : i32 to index
            %parallel_loop3A_672 = arith.constant 0 : index
            %parallel_loop3A_673 = tpu.vector_load %arg11[%parallel_loop3A_671, %parallel_loop3A_672] {strides = array<i32>} : memref<128x128xf32, #tpu.memory_space<vmem>>, vector<1x16xf32>,
            %parallel_loop3A_674 = vector.shape_cast %parallel_loop3A_673 : vector<1x16xf32> to vector<16xf32>
            %parallel_loop3A_675 = arith.mulf %parallel_loop3A_674, %parallel_loop3A_666 : vector<16xf32>
            %parallel_loop3A_676 = arith.index_cast %parallel_loop3A_670 : i32 to index
            %parallel_loop3A_677 = arith.constant 0 : index
            %parallel_loop3A_678 = tpu.vector_load %arg11[%parallel_loop3A_676, %parallel_loop3A_677] {strides = array<i32>} : memref<128x128xf32, #tpu.memory_space<vmem>>, vector<1x16xf32>,
            %parallel_loop3A_679 = vector.shape_cast %parallel_loop3A_678 : vector<1x16xf32> to vector<16xf32>
            %parallel_loop3A_680 = vector.shape_cast %parallel_loop3A_675 : vector<16xf32> to vector<1x16xf32>
            tpu.vector_store %arg11[%parallel_loop3A_676, %parallel_loop3A_677], %parallel_loop3A_680 {strides = array<i32>} : memref<128x128xf32, #tpu.memory_space<vmem>>, vector<1x16xf32>,
            %parallel_loop3A_681 = arith.index_cast %parallel_loop3A_670 : i32 to index
            %parallel_loop3A_682 = arith.constant 16 : index
            %parallel_loop3A_683 = tpu.vector_load %arg11[%parallel_loop3A_681, %parallel_loop3A_682] {strides = array<i32>} : memref<128x128xf32, #tpu.memory_space<vmem>>, vector<1x16xf32>,
            %parallel_loop3A_684 = vector.shape_cast %parallel_loop3A_683 : vector<1x16xf32> to vector<16xf32>
            %parallel_loop3A_685 = arith.mulf %parallel_loop3A_684, %parallel_loop3A_666 : vector<16xf32>
            %parallel_loop3A_686 = arith.index_cast %parallel_loop3A_670 : i32 to index
            %parallel_loop3A_687 = arith.constant 16 : index
            %parallel_loop3A_688 = tpu.vector_load %arg11[%parallel_loop3A_686, %parallel_loop3A_687] {strides = array<i32>} : memref<128x128xf32, #tpu.memory_space<vmem>>, vector<1x16xf32>,
            %parallel_loop3A_689 = vector.shape_cast %parallel_loop3A_688 : vector<1x16xf32> to vector<16xf32>
            %parallel_loop3A_690 = vector.shape_cast %parallel_loop3A_685 : vector<16xf32> to vector<1x16xf32>
            tpu.vector_store %arg11[%parallel_loop3A_686, %parallel_loop3A_687], %parallel_loop3A_690 {strides = array<i32>} : memref<128x128xf32, #tpu.memory_space<vmem>>, vector<1x16xf32>,
            %parallel_loop3A_691 = arith.index_cast %parallel_loop3A_670 : i32 to index
            %parallel_loop3A_692 = arith.constant 32 : index
            %parallel_loop3A_693 = tpu.vector_load %arg11[%parallel_loop3A_691, %parallel_loop3A_692] {strides = array<i32>} : memref<128x128xf32, #tpu.memory_space<vmem>>, vector<1x16xf32>,
            %parallel_loop3A_694 = vector.shape_cast %parallel_loop3A_693 : vector<1x16xf32> to vector<16xf32>
            %parallel_loop3A_695 = arith.mulf %parallel_loop3A_694, %parallel_loop3A_666 : vector<16xf32>
            %parallel_loop3A_696 = arith.index_cast %parallel_loop3A_670 : i32 to index
            %parallel_loop3A_697 = arith.constant 32 : index
            %parallel_loop3A_698 = tpu.vector_load %arg11[%parallel_loop3A_696, %parallel_loop3A_697] {strides = array<i32>} : memref<128x128xf32, #tpu.memory_space<vmem>>, vector<1x16xf32>,
            %parallel_loop3A_699 = vector.shape_cast %parallel_loop3A_698 : vector<1x16xf32> to vector<16xf32>
            %parallel_loop3A_700 = vector.shape_cast %parallel_loop3A_695 : vector<16xf32> to vector<1x16xf32>
            tpu.vector_store %arg11[%parallel_loop3A_696, %parallel_loop3A_697], %parallel_loop3A_700 {strides = array<i32>} : memref<128x128xf32, #tpu.memory_space<vmem>>, vector<1x16xf32>,
            %parallel_loop3A_701 = arith.index_cast %parallel_loop3A_670 : i32 to index
            %parallel_loop3A_702 = arith.constant 48 : index
            %parallel_loop3A_703 = tpu.vector_load %arg11[%parallel_loop3A_701, %parallel_loop3A_702] {strides = array<i32>} : memref<128x128xf32, #tpu.memory_space<vmem>>, vector<1x16xf32>,
            %parallel_loop3A_704 = vector.shape_cast %parallel_loop3A_703 : vector<1x16xf32> to vector<16xf32>
            %parallel_loop3A_705 = arith.mulf %parallel_loop3A_704, %parallel_loop3A_666 : vector<16xf32>
            %parallel_loop3A_706 = arith.index_cast %parallel_loop3A_670 : i32 to index
            %parallel_loop3A_707 = arith.constant 48 : index
            %parallel_loop3A_708 = tpu.vector_load %arg11[%parallel_loop3A_706, %parallel_loop3A_707] {strides = array<i32>} : memref<128x128xf32, #tpu.memory_space<vmem>>, vector<1x16xf32>,
            %parallel_loop3A_709 = vector.shape_cast %parallel_loop3A_708 : vector<1x16xf32> to vector<16xf32>
            %parallel_loop3A_710 = vector.shape_cast %parallel_loop3A_705 : vector<16xf32> to vector<1x16xf32>
            tpu.vector_store %arg11[%parallel_loop3A_706, %parallel_loop3A_707], %parallel_loop3A_710 {strides = array<i32>} : memref<128x128xf32, #tpu.memory_space<vmem>>, vector<1x16xf32>,
            %parallel_loop3A_711 = arith.index_cast %parallel_loop3A_670 : i32 to index
            %parallel_loop3A_712 = arith.constant 64 : index
            %parallel_loop3A_713 = tpu.vector_load %arg11[%parallel_loop3A_711, %parallel_loop3A_712] {strides = array<i32>} : memref<128x128xf32, #tpu.memory_space<vmem>>, vector<1x16xf32>,
            %parallel_loop3A_714 = vector.shape_cast %parallel_loop3A_713 : vector<1x16xf32> to vector<16xf32>
            %parallel_loop3A_715 = arith.mulf %parallel_loop3A_714, %parallel_loop3A_666 : vector<16xf32>
            %parallel_loop3A_716 = arith.index_cast %parallel_loop3A_670 : i32 to index
            %parallel_loop3A_717 = arith.constant 64 : index
            %parallel_loop3A_718 = tpu.vector_load %arg11[%parallel_loop3A_716, %parallel_loop3A_717] {strides = array<i32>} : memref<128x128xf32, #tpu.memory_space<vmem>>, vector<1x16xf32>,
            %parallel_loop3A_719 = vector.shape_cast %parallel_loop3A_718 : vector<1x16xf32> to vector<16xf32>
            %parallel_loop3A_720 = vector.shape_cast %parallel_loop3A_715 : vector<16xf32> to vector<1x16xf32>
            tpu.vector_store %arg11[%parallel_loop3A_716, %parallel_loop3A_717], %parallel_loop3A_720 {strides = array<i32>} : memref<128x128xf32, #tpu.memory_space<vmem>>, vector<1x16xf32>,
            %parallel_loop3A_721 = arith.index_cast %parallel_loop3A_670 : i32 to index
            %parallel_loop3A_722 = arith.constant 80 : index
            %parallel_loop3A_723 = tpu.vector_load %arg11[%parallel_loop3A_721, %parallel_loop3A_722] {strides = array<i32>} : memref<128x128xf32, #tpu.memory_space<vmem>>, vector<1x16xf32>,
            %parallel_loop3A_724 = vector.shape_cast %parallel_loop3A_723 : vector<1x16xf32> to vector<16xf32>
            %parallel_loop3A_725 = arith.mulf %parallel_loop3A_724, %parallel_loop3A_666 : vector<16xf32>
            %parallel_loop3A_726 = arith.index_cast %parallel_loop3A_670 : i32 to index
            %parallel_loop3A_727 = arith.constant 80 : index
            %parallel_loop3A_728 = tpu.vector_load %arg11[%parallel_loop3A_726, %parallel_loop3A_727] {strides = array<i32>} : memref<128x128xf32, #tpu.memory_space<vmem>>, vector<1x16xf32>,
            %parallel_loop3A_729 = vector.shape_cast %parallel_loop3A_728 : vector<1x16xf32> to vector<16xf32>
            %parallel_loop3A_730 = vector.shape_cast %parallel_loop3A_725 : vector<16xf32> to vector<1x16xf32>
            tpu.vector_store %arg11[%parallel_loop3A_726, %parallel_loop3A_727], %parallel_loop3A_730 {strides = array<i32>} : memref<128x128xf32, #tpu.memory_space<vmem>>, vector<1x16xf32>,
            %parallel_loop3A_731 = arith.index_cast %parallel_loop3A_670 : i32 to index
            %parallel_loop3A_732 = arith.constant 96 : index
            %parallel_loop3A_733 = tpu.vector_load %arg11[%parallel_loop3A_731, %parallel_loop3A_732] {strides = array<i32>} : memref<128x128xf32, #tpu.memory_space<vmem>>, vector<1x16xf32>,
            %parallel_loop3A_734 = vector.shape_cast %parallel_loop3A_733 : vector<1x16xf32> to vector<16xf32>
            %parallel_loop3A_735 = arith.mulf %parallel_loop3A_734, %parallel_loop3A_666 : vector<16xf32>
            %parallel_loop3A_736 = arith.index_cast %parallel_loop3A_670 : i32 to index
            %parallel_loop3A_737 = arith.constant 96 : index
            %parallel_loop3A_738 = tpu.vector_load %arg11[%parallel_loop3A_736, %parallel_loop3A_737] {strides = array<i32>} : memref<128x128xf32, #tpu.memory_space<vmem>>, vector<1x16xf32>,
            %parallel_loop3A_739 = vector.shape_cast %parallel_loop3A_738 : vector<1x16xf32> to vector<16xf32>
            %parallel_loop3A_740 = vector.shape_cast %parallel_loop3A_735 : vector<16xf32> to vector<1x16xf32>
            tpu.vector_store %arg11[%parallel_loop3A_736, %parallel_loop3A_737], %parallel_loop3A_740 {strides = array<i32>} : memref<128x128xf32, #tpu.memory_space<vmem>>, vector<1x16xf32>,
            %parallel_loop3A_741 = arith.index_cast %parallel_loop3A_670 : i32 to index
            %parallel_loop3A_742 = arith.constant 112 : index
            %parallel_loop3A_743 = tpu.vector_load %arg11[%parallel_loop3A_741, %parallel_loop3A_742] {strides = array<i32>} : memref<128x128xf32, #tpu.memory_space<vmem>>, vector<1x16xf32>,
            %parallel_loop3A_744 = vector.shape_cast %parallel_loop3A_743 : vector<1x16xf32> to vector<16xf32>
            %parallel_loop3A_745 = arith.mulf %parallel_loop3A_744, %parallel_loop3A_666 : vector<16xf32>
            %parallel_loop3A_746 = arith.index_cast %parallel_loop3A_670 : i32 to index
            %parallel_loop3A_747 = arith.constant 112 : index
            %parallel_loop3A_748 = tpu.vector_load %arg11[%parallel_loop3A_746, %parallel_loop3A_747] {strides = array<i32>} : memref<128x128xf32, #tpu.memory_space<vmem>>, vector<1x16xf32>,
            %parallel_loop3A_749 = vector.shape_cast %parallel_loop3A_748 : vector<1x16xf32> to vector<16xf32>
            %parallel_loop3A_750 = vector.shape_cast %parallel_loop3A_745 : vector<16xf32> to vector<1x16xf32>
            tpu.vector_store %arg11[%parallel_loop3A_746, %parallel_loop3A_747], %parallel_loop3A_750 {strides = array<i32>} : memref<128x128xf32, #tpu.memory_space<vmem>>, vector<1x16xf32>,
            %parallel_loop3A_751 = vector.extract_strided_slice %parallel_loop3A_141 {offsets = [7], sizes = [1], strides = [1]} : vector<16xf32> to vector<1xf32>
            %parallel_loop3A_752 = vector.extract %parallel_loop3A_751[0] : f32 from vector<1xf32>
            %parallel_loop3A_753 = vector.broadcast %parallel_loop3A_752 : f32 to vector<16xf32>
            %parallel_loop3A_754 = arith.constant 16 : i32
            %parallel_loop3A_755 = arith.muli %parallel_loop3A_135, %parallel_loop3A_754 : i32
            %parallel_loop3A_756 = arith.constant 7 : i32
            %parallel_loop3A_757 = arith.addi %parallel_loop3A_755, %parallel_loop3A_756 : i32
            %parallel_loop3A_758 = arith.index_cast %parallel_loop3A_757 : i32 to index
            %parallel_loop3A_759 = arith.constant 0 : index
            %parallel_loop3A_760 = tpu.vector_load %arg11[%parallel_loop3A_758, %parallel_loop3A_759] {strides = array<i32>} : memref<128x128xf32, #tpu.memory_space<vmem>>, vector<1x16xf32>,
            %parallel_loop3A_761 = vector.shape_cast %parallel_loop3A_760 : vector<1x16xf32> to vector<16xf32>
            %parallel_loop3A_762 = arith.mulf %parallel_loop3A_761, %parallel_loop3A_753 : vector<16xf32>
            %parallel_loop3A_763 = arith.index_cast %parallel_loop3A_757 : i32 to index
            %parallel_loop3A_764 = arith.constant 0 : index
            %parallel_loop3A_765 = tpu.vector_load %arg11[%parallel_loop3A_763, %parallel_loop3A_764] {strides = array<i32>} : memref<128x128xf32, #tpu.memory_space<vmem>>, vector<1x16xf32>,
            %parallel_loop3A_766 = vector.shape_cast %parallel_loop3A_765 : vector<1x16xf32> to vector<16xf32>
            %parallel_loop3A_767 = vector.shape_cast %parallel_loop3A_762 : vector<16xf32> to vector<1x16xf32>
            tpu.vector_store %arg11[%parallel_loop3A_763, %parallel_loop3A_764], %parallel_loop3A_767 {strides = array<i32>} : memref<128x128xf32, #tpu.memory_space<vmem>>, vector<1x16xf32>,
            %parallel_loop3A_768 = arith.index_cast %parallel_loop3A_757 : i32 to index
            %parallel_loop3A_769 = arith.constant 16 : index
            %parallel_loop3A_770 = tpu.vector_load %arg11[%parallel_loop3A_768, %parallel_loop3A_769] {strides = array<i32>} : memref<128x128xf32, #tpu.memory_space<vmem>>, vector<1x16xf32>,
            %parallel_loop3A_771 = vector.shape_cast %parallel_loop3A_770 : vector<1x16xf32> to vector<16xf32>
            %parallel_loop3A_772 = arith.mulf %parallel_loop3A_771, %parallel_loop3A_753 : vector<16xf32>
            %parallel_loop3A_773 = arith.index_cast %parallel_loop3A_757 : i32 to index
            %parallel_loop3A_774 = arith.constant 16 : index
            %parallel_loop3A_775 = tpu.vector_load %arg11[%parallel_loop3A_773, %parallel_loop3A_774] {strides = array<i32>} : memref<128x128xf32, #tpu.memory_space<vmem>>, vector<1x16xf32>,
            %parallel_loop3A_776 = vector.shape_cast %parallel_loop3A_775 : vector<1x16xf32> to vector<16xf32>
            %parallel_loop3A_777 = vector.shape_cast %parallel_loop3A_772 : vector<16xf32> to vector<1x16xf32>
            tpu.vector_store %arg11[%parallel_loop3A_773, %parallel_loop3A_774], %parallel_loop3A_777 {strides = array<i32>} : memref<128x128xf32, #tpu.memory_space<vmem>>, vector<1x16xf32>,
            %parallel_loop3A_778 = arith.index_cast %parallel_loop3A_757 : i32 to index
            %parallel_loop3A_779 = arith.constant 32 : index
            %parallel_loop3A_780 = tpu.vector_load %arg11[%parallel_loop3A_778, %parallel_loop3A_779] {strides = array<i32>} : memref<128x128xf32, #tpu.memory_space<vmem>>, vector<1x16xf32>,
            %parallel_loop3A_781 = vector.shape_cast %parallel_loop3A_780 : vector<1x16xf32> to vector<16xf32>
            %parallel_loop3A_782 = arith.mulf %parallel_loop3A_781, %parallel_loop3A_753 : vector<16xf32>
            %parallel_loop3A_783 = arith.index_cast %parallel_loop3A_757 : i32 to index
            %parallel_loop3A_784 = arith.constant 32 : index
            %parallel_loop3A_785 = tpu.vector_load %arg11[%parallel_loop3A_783, %parallel_loop3A_784] {strides = array<i32>} : memref<128x128xf32, #tpu.memory_space<vmem>>, vector<1x16xf32>,
            %parallel_loop3A_786 = vector.shape_cast %parallel_loop3A_785 : vector<1x16xf32> to vector<16xf32>
            %parallel_loop3A_787 = vector.shape_cast %parallel_loop3A_782 : vector<16xf32> to vector<1x16xf32>
            tpu.vector_store %arg11[%parallel_loop3A_783, %parallel_loop3A_784], %parallel_loop3A_787 {strides = array<i32>} : memref<128x128xf32, #tpu.memory_space<vmem>>, vector<1x16xf32>,
            %parallel_loop3A_788 = arith.index_cast %parallel_loop3A_757 : i32 to index
            %parallel_loop3A_789 = arith.constant 48 : index
            %parallel_loop3A_790 = tpu.vector_load %arg11[%parallel_loop3A_788, %parallel_loop3A_789] {strides = array<i32>} : memref<128x128xf32, #tpu.memory_space<vmem>>, vector<1x16xf32>,
            %parallel_loop3A_791 = vector.shape_cast %parallel_loop3A_790 : vector<1x16xf32> to vector<16xf32>
            %parallel_loop3A_792 = arith.mulf %parallel_loop3A_791, %parallel_loop3A_753 : vector<16xf32>
            %parallel_loop3A_793 = arith.index_cast %parallel_loop3A_757 : i32 to index
            %parallel_loop3A_794 = arith.constant 48 : index
            %parallel_loop3A_795 = tpu.vector_load %arg11[%parallel_loop3A_793, %parallel_loop3A_794] {strides = array<i32>} : memref<128x128xf32, #tpu.memory_space<vmem>>, vector<1x16xf32>,
            %parallel_loop3A_796 = vector.shape_cast %parallel_loop3A_795 : vector<1x16xf32> to vector<16xf32>
            %parallel_loop3A_797 = vector.shape_cast %parallel_loop3A_792 : vector<16xf32> to vector<1x16xf32>
            tpu.vector_store %arg11[%parallel_loop3A_793, %parallel_loop3A_794], %parallel_loop3A_797 {strides = array<i32>} : memref<128x128xf32, #tpu.memory_space<vmem>>, vector<1x16xf32>,
            %parallel_loop3A_798 = arith.index_cast %parallel_loop3A_757 : i32 to index
            %parallel_loop3A_799 = arith.constant 64 : index
            %parallel_loop3A_800 = tpu.vector_load %arg11[%parallel_loop3A_798, %parallel_loop3A_799] {strides = array<i32>} : memref<128x128xf32, #tpu.memory_space<vmem>>, vector<1x16xf32>,
            %parallel_loop3A_801 = vector.shape_cast %parallel_loop3A_800 : vector<1x16xf32> to vector<16xf32>
            %parallel_loop3A_802 = arith.mulf %parallel_loop3A_801, %parallel_loop3A_753 : vector<16xf32>
            %parallel_loop3A_803 = arith.index_cast %parallel_loop3A_757 : i32 to index
            %parallel_loop3A_804 = arith.constant 64 : index
            %parallel_loop3A_805 = tpu.vector_load %arg11[%parallel_loop3A_803, %parallel_loop3A_804] {strides = array<i32>} : memref<128x128xf32, #tpu.memory_space<vmem>>, vector<1x16xf32>,
            %parallel_loop3A_806 = vector.shape_cast %parallel_loop3A_805 : vector<1x16xf32> to vector<16xf32>
            %parallel_loop3A_807 = vector.shape_cast %parallel_loop3A_802 : vector<16xf32> to vector<1x16xf32>
            tpu.vector_store %arg11[%parallel_loop3A_803, %parallel_loop3A_804], %parallel_loop3A_807 {strides = array<i32>} : memref<128x128xf32, #tpu.memory_space<vmem>>, vector<1x16xf32>,
            %parallel_loop3A_808 = arith.index_cast %parallel_loop3A_757 : i32 to index
            %parallel_loop3A_809 = arith.constant 80 : index
            %parallel_loop3A_810 = tpu.vector_load %arg11[%parallel_loop3A_808, %parallel_loop3A_809] {strides = array<i32>} : memref<128x128xf32, #tpu.memory_space<vmem>>, vector<1x16xf32>,
            %parallel_loop3A_811 = vector.shape_cast %parallel_loop3A_810 : vector<1x16xf32> to vector<16xf32>
            %parallel_loop3A_812 = arith.mulf %parallel_loop3A_811, %parallel_loop3A_753 : vector<16xf32>
            %parallel_loop3A_813 = arith.index_cast %parallel_loop3A_757 : i32 to index
            %parallel_loop3A_814 = arith.constant 80 : index
            %parallel_loop3A_815 = tpu.vector_load %arg11[%parallel_loop3A_813, %parallel_loop3A_814] {strides = array<i32>} : memref<128x128xf32, #tpu.memory_space<vmem>>, vector<1x16xf32>,
            %parallel_loop3A_816 = vector.shape_cast %parallel_loop3A_815 : vector<1x16xf32> to vector<16xf32>
            %parallel_loop3A_817 = vector.shape_cast %parallel_loop3A_812 : vector<16xf32> to vector<1x16xf32>
            tpu.vector_store %arg11[%parallel_loop3A_813, %parallel_loop3A_814], %parallel_loop3A_817 {strides = array<i32>} : memref<128x128xf32, #tpu.memory_space<vmem>>, vector<1x16xf32>,
            %parallel_loop3A_818 = arith.index_cast %parallel_loop3A_757 : i32 to index
            %parallel_loop3A_819 = arith.constant 96 : index
            %parallel_loop3A_820 = tpu.vector_load %arg11[%parallel_loop3A_818, %parallel_loop3A_819] {strides = array<i32>} : memref<128x128xf32, #tpu.memory_space<vmem>>, vector<1x16xf32>,
            %parallel_loop3A_821 = vector.shape_cast %parallel_loop3A_820 : vector<1x16xf32> to vector<16xf32>
            %parallel_loop3A_822 = arith.mulf %parallel_loop3A_821, %parallel_loop3A_753 : vector<16xf32>
            %parallel_loop3A_823 = arith.index_cast %parallel_loop3A_757 : i32 to index
            %parallel_loop3A_824 = arith.constant 96 : index
            %parallel_loop3A_825 = tpu.vector_load %arg11[%parallel_loop3A_823, %parallel_loop3A_824] {strides = array<i32>} : memref<128x128xf32, #tpu.memory_space<vmem>>, vector<1x16xf32>,
            %parallel_loop3A_826 = vector.shape_cast %parallel_loop3A_825 : vector<1x16xf32> to vector<16xf32>
            %parallel_loop3A_827 = vector.shape_cast %parallel_loop3A_822 : vector<16xf32> to vector<1x16xf32>
            tpu.vector_store %arg11[%parallel_loop3A_823, %parallel_loop3A_824], %parallel_loop3A_827 {strides = array<i32>} : memref<128x128xf32, #tpu.memory_space<vmem>>, vector<1x16xf32>,
            %parallel_loop3A_828 = arith.index_cast %parallel_loop3A_757 : i32 to index
            %parallel_loop3A_829 = arith.constant 112 : index
            %parallel_loop3A_830 = tpu.vector_load %arg11[%parallel_loop3A_828, %parallel_loop3A_829] {strides = array<i32>} : memref<128x128xf32, #tpu.memory_space<vmem>>, vector<1x16xf32>,
            %parallel_loop3A_831 = vector.shape_cast %parallel_loop3A_830 : vector<1x16xf32> to vector<16xf32>
            %parallel_loop3A_832 = arith.mulf %parallel_loop3A_831, %parallel_loop3A_753 : vector<16xf32>
            %parallel_loop3A_833 = arith.index_cast %parallel_loop3A_757 : i32 to index
            %parallel_loop3A_834 = arith.constant 112 : index
            %parallel_loop3A_835 = tpu.vector_load %arg11[%parallel_loop3A_833, %parallel_loop3A_834] {strides = array<i32>} : memref<128x128xf32, #tpu.memory_space<vmem>>, vector<1x16xf32>,
            %parallel_loop3A_836 = vector.shape_cast %parallel_loop3A_835 : vector<1x16xf32> to vector<16xf32>
            %parallel_loop3A_837 = vector.shape_cast %parallel_loop3A_832 : vector<16xf32> to vector<1x16xf32>
            tpu.vector_store %arg11[%parallel_loop3A_833, %parallel_loop3A_834], %parallel_loop3A_837 {strides = array<i32>} : memref<128x128xf32, #tpu.memory_space<vmem>>, vector<1x16xf32>,
            %parallel_loop3A_838 = vector.extract_strided_slice %parallel_loop3A_141 {offsets = [8], sizes = [1], strides = [1]} : vector<16xf32> to vector<1xf32>
            %parallel_loop3A_839 = vector.extract %parallel_loop3A_838[0] : f32 from vector<1xf32>
            %parallel_loop3A_840 = vector.broadcast %parallel_loop3A_839 : f32 to vector<16xf32>
            %parallel_loop3A_841 = arith.constant 16 : i32
            %parallel_loop3A_842 = arith.muli %parallel_loop3A_135, %parallel_loop3A_841 : i32
            %parallel_loop3A_843 = arith.constant 8 : i32
            %parallel_loop3A_844 = arith.addi %parallel_loop3A_842, %parallel_loop3A_843 : i32
            %parallel_loop3A_845 = arith.index_cast %parallel_loop3A_844 : i32 to index
            %parallel_loop3A_846 = arith.constant 0 : index
            %parallel_loop3A_847 = tpu.vector_load %arg11[%parallel_loop3A_845, %parallel_loop3A_846] {strides = array<i32>} : memref<128x128xf32, #tpu.memory_space<vmem>>, vector<1x16xf32>,
            %parallel_loop3A_848 = vector.shape_cast %parallel_loop3A_847 : vector<1x16xf32> to vector<16xf32>
            %parallel_loop3A_849 = arith.mulf %parallel_loop3A_848, %parallel_loop3A_840 : vector<16xf32>
            %parallel_loop3A_850 = arith.index_cast %parallel_loop3A_844 : i32 to index
            %parallel_loop3A_851 = arith.constant 0 : index
            %parallel_loop3A_852 = tpu.vector_load %arg11[%parallel_loop3A_850, %parallel_loop3A_851] {strides = array<i32>} : memref<128x128xf32, #tpu.memory_space<vmem>>, vector<1x16xf32>,
            %parallel_loop3A_853 = vector.shape_cast %parallel_loop3A_852 : vector<1x16xf32> to vector<16xf32>
            %parallel_loop3A_854 = vector.shape_cast %parallel_loop3A_849 : vector<16xf32> to vector<1x16xf32>
            tpu.vector_store %arg11[%parallel_loop3A_850, %parallel_loop3A_851], %parallel_loop3A_854 {strides = array<i32>} : memref<128x128xf32, #tpu.memory_space<vmem>>, vector<1x16xf32>,
            %parallel_loop3A_855 = arith.index_cast %parallel_loop3A_844 : i32 to index
            %parallel_loop3A_856 = arith.constant 16 : index
            %parallel_loop3A_857 = tpu.vector_load %arg11[%parallel_loop3A_855, %parallel_loop3A_856] {strides = array<i32>} : memref<128x128xf32, #tpu.memory_space<vmem>>, vector<1x16xf32>,
            %parallel_loop3A_858 = vector.shape_cast %parallel_loop3A_857 : vector<1x16xf32> to vector<16xf32>
            %parallel_loop3A_859 = arith.mulf %parallel_loop3A_858, %parallel_loop3A_840 : vector<16xf32>
            %parallel_loop3A_860 = arith.index_cast %parallel_loop3A_844 : i32 to index
            %parallel_loop3A_861 = arith.constant 16 : index
            %parallel_loop3A_862 = tpu.vector_load %arg11[%parallel_loop3A_860, %parallel_loop3A_861] {strides = array<i32>} : memref<128x128xf32, #tpu.memory_space<vmem>>, vector<1x16xf32>,
            %parallel_loop3A_863 = vector.shape_cast %parallel_loop3A_862 : vector<1x16xf32> to vector<16xf32>
            %parallel_loop3A_864 = vector.shape_cast %parallel_loop3A_859 : vector<16xf32> to vector<1x16xf32>
            tpu.vector_store %arg11[%parallel_loop3A_860, %parallel_loop3A_861], %parallel_loop3A_864 {strides = array<i32>} : memref<128x128xf32, #tpu.memory_space<vmem>>, vector<1x16xf32>,
            %parallel_loop3A_865 = arith.index_cast %parallel_loop3A_844 : i32 to index
            %parallel_loop3A_866 = arith.constant 32 : index
            %parallel_loop3A_867 = tpu.vector_load %arg11[%parallel_loop3A_865, %parallel_loop3A_866] {strides = array<i32>} : memref<128x128xf32, #tpu.memory_space<vmem>>, vector<1x16xf32>,
            %parallel_loop3A_868 = vector.shape_cast %parallel_loop3A_867 : vector<1x16xf32> to vector<16xf32>
            %parallel_loop3A_869 = arith.mulf %parallel_loop3A_868, %parallel_loop3A_840 : vector<16xf32>
            %parallel_loop3A_870 = arith.index_cast %parallel_loop3A_844 : i32 to index
            %parallel_loop3A_871 = arith.constant 32 : index
            %parallel_loop3A_872 = tpu.vector_load %arg11[%parallel_loop3A_870, %parallel_loop3A_871] {strides = array<i32>} : memref<128x128xf32, #tpu.memory_space<vmem>>, vector<1x16xf32>,
            %parallel_loop3A_873 = vector.shape_cast %parallel_loop3A_872 : vector<1x16xf32> to vector<16xf32>
            %parallel_loop3A_874 = vector.shape_cast %parallel_loop3A_869 : vector<16xf32> to vector<1x16xf32>
            tpu.vector_store %arg11[%parallel_loop3A_870, %parallel_loop3A_871], %parallel_loop3A_874 {strides = array<i32>} : memref<128x128xf32, #tpu.memory_space<vmem>>, vector<1x16xf32>,
            %parallel_loop3A_875 = arith.index_cast %parallel_loop3A_844 : i32 to index
            %parallel_loop3A_876 = arith.constant 48 : index
            %parallel_loop3A_877 = tpu.vector_load %arg11[%parallel_loop3A_875, %parallel_loop3A_876] {strides = array<i32>} : memref<128x128xf32, #tpu.memory_space<vmem>>, vector<1x16xf32>,
            %parallel_loop3A_878 = vector.shape_cast %parallel_loop3A_877 : vector<1x16xf32> to vector<16xf32>
            %parallel_loop3A_879 = arith.mulf %parallel_loop3A_878, %parallel_loop3A_840 : vector<16xf32>
            %parallel_loop3A_880 = arith.index_cast %parallel_loop3A_844 : i32 to index
            %parallel_loop3A_881 = arith.constant 48 : index
            %parallel_loop3A_882 = tpu.vector_load %arg11[%parallel_loop3A_880, %parallel_loop3A_881] {strides = array<i32>} : memref<128x128xf32, #tpu.memory_space<vmem>>, vector<1x16xf32>,
            %parallel_loop3A_883 = vector.shape_cast %parallel_loop3A_882 : vector<1x16xf32> to vector<16xf32>
            %parallel_loop3A_884 = vector.shape_cast %parallel_loop3A_879 : vector<16xf32> to vector<1x16xf32>
            tpu.vector_store %arg11[%parallel_loop3A_880, %parallel_loop3A_881], %parallel_loop3A_884 {strides = array<i32>} : memref<128x128xf32, #tpu.memory_space<vmem>>, vector<1x16xf32>,
            %parallel_loop3A_885 = arith.index_cast %parallel_loop3A_844 : i32 to index
            %parallel_loop3A_886 = arith.constant 64 : index
            %parallel_loop3A_887 = tpu.vector_load %arg11[%parallel_loop3A_885, %parallel_loop3A_886] {strides = array<i32>} : memref<128x128xf32, #tpu.memory_space<vmem>>, vector<1x16xf32>,
            %parallel_loop3A_888 = vector.shape_cast %parallel_loop3A_887 : vector<1x16xf32> to vector<16xf32>
            %parallel_loop3A_889 = arith.mulf %parallel_loop3A_888, %parallel_loop3A_840 : vector<16xf32>
            %parallel_loop3A_890 = arith.index_cast %parallel_loop3A_844 : i32 to index
            %parallel_loop3A_891 = arith.constant 64 : index
            %parallel_loop3A_892 = tpu.vector_load %arg11[%parallel_loop3A_890, %parallel_loop3A_891] {strides = array<i32>} : memref<128x128xf32, #tpu.memory_space<vmem>>, vector<1x16xf32>,
            %parallel_loop3A_893 = vector.shape_cast %parallel_loop3A_892 : vector<1x16xf32> to vector<16xf32>
            %parallel_loop3A_894 = vector.shape_cast %parallel_loop3A_889 : vector<16xf32> to vector<1x16xf32>
            tpu.vector_store %arg11[%parallel_loop3A_890, %parallel_loop3A_891], %parallel_loop3A_894 {strides = array<i32>} : memref<128x128xf32, #tpu.memory_space<vmem>>, vector<1x16xf32>,
            %parallel_loop3A_895 = arith.index_cast %parallel_loop3A_844 : i32 to index
            %parallel_loop3A_896 = arith.constant 80 : index
            %parallel_loop3A_897 = tpu.vector_load %arg11[%parallel_loop3A_895, %parallel_loop3A_896] {strides = array<i32>} : memref<128x128xf32, #tpu.memory_space<vmem>>, vector<1x16xf32>,
            %parallel_loop3A_898 = vector.shape_cast %parallel_loop3A_897 : vector<1x16xf32> to vector<16xf32>
            %parallel_loop3A_899 = arith.mulf %parallel_loop3A_898, %parallel_loop3A_840 : vector<16xf32>
            %parallel_loop3A_900 = arith.index_cast %parallel_loop3A_844 : i32 to index
            %parallel_loop3A_901 = arith.constant 80 : index
            %parallel_loop3A_902 = tpu.vector_load %arg11[%parallel_loop3A_900, %parallel_loop3A_901] {strides = array<i32>} : memref<128x128xf32, #tpu.memory_space<vmem>>, vector<1x16xf32>,
            %parallel_loop3A_903 = vector.shape_cast %parallel_loop3A_902 : vector<1x16xf32> to vector<16xf32>
            %parallel_loop3A_904 = vector.shape_cast %parallel_loop3A_899 : vector<16xf32> to vector<1x16xf32>
            tpu.vector_store %arg11[%parallel_loop3A_900, %parallel_loop3A_901], %parallel_loop3A_904 {strides = array<i32>} : memref<128x128xf32, #tpu.memory_space<vmem>>, vector<1x16xf32>,
            %parallel_loop3A_905 = arith.index_cast %parallel_loop3A_844 : i32 to index
            %parallel_loop3A_906 = arith.constant 96 : index
            %parallel_loop3A_907 = tpu.vector_load %arg11[%parallel_loop3A_905, %parallel_loop3A_906] {strides = array<i32>} : memref<128x128xf32, #tpu.memory_space<vmem>>, vector<1x16xf32>,
            %parallel_loop3A_908 = vector.shape_cast %parallel_loop3A_907 : vector<1x16xf32> to vector<16xf32>
            %parallel_loop3A_909 = arith.mulf %parallel_loop3A_908, %parallel_loop3A_840 : vector<16xf32>
            %parallel_loop3A_910 = arith.index_cast %parallel_loop3A_844 : i32 to index
            %parallel_loop3A_911 = arith.constant 96 : index
            %parallel_loop3A_912 = tpu.vector_load %arg11[%parallel_loop3A_910, %parallel_loop3A_911] {strides = array<i32>} : memref<128x128xf32, #tpu.memory_space<vmem>>, vector<1x16xf32>,
            %parallel_loop3A_913 = vector.shape_cast %parallel_loop3A_912 : vector<1x16xf32> to vector<16xf32>
            %parallel_loop3A_914 = vector.shape_cast %parallel_loop3A_909 : vector<16xf32> to vector<1x16xf32>
            tpu.vector_store %arg11[%parallel_loop3A_910, %parallel_loop3A_911], %parallel_loop3A_914 {strides = array<i32>} : memref<128x128xf32, #tpu.memory_space<vmem>>, vector<1x16xf32>,
            %parallel_loop3A_915 = arith.index_cast %parallel_loop3A_844 : i32 to index
            %parallel_loop3A_916 = arith.constant 112 : index
            %parallel_loop3A_917 = tpu.vector_load %arg11[%parallel_loop3A_915, %parallel_loop3A_916] {strides = array<i32>} : memref<128x128xf32, #tpu.memory_space<vmem>>, vector<1x16xf32>,
            %parallel_loop3A_918 = vector.shape_cast %parallel_loop3A_917 : vector<1x16xf32> to vector<16xf32>
            %parallel_loop3A_919 = arith.mulf %parallel_loop3A_918, %parallel_loop3A_840 : vector<16xf32>
            %parallel_loop3A_920 = arith.index_cast %parallel_loop3A_844 : i32 to index
            %parallel_loop3A_921 = arith.constant 112 : index
            %parallel_loop3A_922 = tpu.vector_load %arg11[%parallel_loop3A_920, %parallel_loop3A_921] {strides = array<i32>} : memref<128x128xf32, #tpu.memory_space<vmem>>, vector<1x16xf32>,
            %parallel_loop3A_923 = vector.shape_cast %parallel_loop3A_922 : vector<1x16xf32> to vector<16xf32>
            %parallel_loop3A_924 = vector.shape_cast %parallel_loop3A_919 : vector<16xf32> to vector<1x16xf32>
            tpu.vector_store %arg11[%parallel_loop3A_920, %parallel_loop3A_921], %parallel_loop3A_924 {strides = array<i32>} : memref<128x128xf32, #tpu.memory_space<vmem>>, vector<1x16xf32>,
            %parallel_loop3A_925 = vector.extract_strided_slice %parallel_loop3A_141 {offsets = [9], sizes = [1], strides = [1]} : vector<16xf32> to vector<1xf32>
            %parallel_loop3A_926 = vector.extract %parallel_loop3A_925[0] : f32 from vector<1xf32>
            %parallel_loop3A_927 = vector.broadcast %parallel_loop3A_926 : f32 to vector<16xf32>
            %parallel_loop3A_928 = arith.constant 16 : i32
            %parallel_loop3A_929 = arith.muli %parallel_loop3A_135, %parallel_loop3A_928 : i32
            %parallel_loop3A_930 = arith.constant 9 : i32
            %parallel_loop3A_931 = arith.addi %parallel_loop3A_929, %parallel_loop3A_930 : i32
            %parallel_loop3A_932 = arith.index_cast %parallel_loop3A_931 : i32 to index
            %parallel_loop3A_933 = arith.constant 0 : index
            %parallel_loop3A_934 = tpu.vector_load %arg11[%parallel_loop3A_932, %parallel_loop3A_933] {strides = array<i32>} : memref<128x128xf32, #tpu.memory_space<vmem>>, vector<1x16xf32>,
            %parallel_loop3A_935 = vector.shape_cast %parallel_loop3A_934 : vector<1x16xf32> to vector<16xf32>
            %parallel_loop3A_936 = arith.mulf %parallel_loop3A_935, %parallel_loop3A_927 : vector<16xf32>
            %parallel_loop3A_937 = arith.index_cast %parallel_loop3A_931 : i32 to index
            %parallel_loop3A_938 = arith.constant 0 : index
            %parallel_loop3A_939 = tpu.vector_load %arg11[%parallel_loop3A_937, %parallel_loop3A_938] {strides = array<i32>} : memref<128x128xf32, #tpu.memory_space<vmem>>, vector<1x16xf32>,
            %parallel_loop3A_940 = vector.shape_cast %parallel_loop3A_939 : vector<1x16xf32> to vector<16xf32>
            %parallel_loop3A_941 = vector.shape_cast %parallel_loop3A_936 : vector<16xf32> to vector<1x16xf32>
            tpu.vector_store %arg11[%parallel_loop3A_937, %parallel_loop3A_938], %parallel_loop3A_941 {strides = array<i32>} : memref<128x128xf32, #tpu.memory_space<vmem>>, vector<1x16xf32>,
            %parallel_loop3A_942 = arith.index_cast %parallel_loop3A_931 : i32 to index
            %parallel_loop3A_943 = arith.constant 16 : index
            %parallel_loop3A_944 = tpu.vector_load %arg11[%parallel_loop3A_942, %parallel_loop3A_943] {strides = array<i32>} : memref<128x128xf32, #tpu.memory_space<vmem>>, vector<1x16xf32>,
            %parallel_loop3A_945 = vector.shape_cast %parallel_loop3A_944 : vector<1x16xf32> to vector<16xf32>
            %parallel_loop3A_946 = arith.mulf %parallel_loop3A_945, %parallel_loop3A_927 : vector<16xf32>
            %parallel_loop3A_947 = arith.index_cast %parallel_loop3A_931 : i32 to index
            %parallel_loop3A_948 = arith.constant 16 : index
            %parallel_loop3A_949 = tpu.vector_load %arg11[%parallel_loop3A_947, %parallel_loop3A_948] {strides = array<i32>} : memref<128x128xf32, #tpu.memory_space<vmem>>, vector<1x16xf32>,
            %parallel_loop3A_950 = vector.shape_cast %parallel_loop3A_949 : vector<1x16xf32> to vector<16xf32>
            %parallel_loop3A_951 = vector.shape_cast %parallel_loop3A_946 : vector<16xf32> to vector<1x16xf32>
            tpu.vector_store %arg11[%parallel_loop3A_947, %parallel_loop3A_948], %parallel_loop3A_951 {strides = array<i32>} : memref<128x128xf32, #tpu.memory_space<vmem>>, vector<1x16xf32>,
            %parallel_loop3A_952 = arith.index_cast %parallel_loop3A_931 : i32 to index
            %parallel_loop3A_953 = arith.constant 32 : index
            %parallel_loop3A_954 = tpu.vector_load %arg11[%parallel_loop3A_952, %parallel_loop3A_953] {strides = array<i32>} : memref<128x128xf32, #tpu.memory_space<vmem>>, vector<1x16xf32>,
            %parallel_loop3A_955 = vector.shape_cast %parallel_loop3A_954 : vector<1x16xf32> to vector<16xf32>
            %parallel_loop3A_956 = arith.mulf %parallel_loop3A_955, %parallel_loop3A_927 : vector<16xf32>
            %parallel_loop3A_957 = arith.index_cast %parallel_loop3A_931 : i32 to index
            %parallel_loop3A_958 = arith.constant 32 : index
            %parallel_loop3A_959 = tpu.vector_load %arg11[%parallel_loop3A_957, %parallel_loop3A_958] {strides = array<i32>} : memref<128x128xf32, #tpu.memory_space<vmem>>, vector<1x16xf32>,
            %parallel_loop3A_960 = vector.shape_cast %parallel_loop3A_959 : vector<1x16xf32> to vector<16xf32>
            %parallel_loop3A_961 = vector.shape_cast %parallel_loop3A_956 : vector<16xf32> to vector<1x16xf32>
            tpu.vector_store %arg11[%parallel_loop3A_957, %parallel_loop3A_958], %parallel_loop3A_961 {strides = array<i32>} : memref<128x128xf32, #tpu.memory_space<vmem>>, vector<1x16xf32>,
            %parallel_loop3A_962 = arith.index_cast %parallel_loop3A_931 : i32 to index
            %parallel_loop3A_963 = arith.constant 48 : index
            %parallel_loop3A_964 = tpu.vector_load %arg11[%parallel_loop3A_962, %parallel_loop3A_963] {strides = array<i32>} : memref<128x128xf32, #tpu.memory_space<vmem>>, vector<1x16xf32>,
            %parallel_loop3A_965 = vector.shape_cast %parallel_loop3A_964 : vector<1x16xf32> to vector<16xf32>
            %parallel_loop3A_966 = arith.mulf %parallel_loop3A_965, %parallel_loop3A_927 : vector<16xf32>
            %parallel_loop3A_967 = arith.index_cast %parallel_loop3A_931 : i32 to index
            %parallel_loop3A_968 = arith.constant 48 : index
            %parallel_loop3A_969 = tpu.vector_load %arg11[%parallel_loop3A_967, %parallel_loop3A_968] {strides = array<i32>} : memref<128x128xf32, #tpu.memory_space<vmem>>, vector<1x16xf32>,
            %parallel_loop3A_970 = vector.shape_cast %parallel_loop3A_969 : vector<1x16xf32> to vector<16xf32>
            %parallel_loop3A_971 = vector.shape_cast %parallel_loop3A_966 : vector<16xf32> to vector<1x16xf32>
            tpu.vector_store %arg11[%parallel_loop3A_967, %parallel_loop3A_968], %parallel_loop3A_971 {strides = array<i32>} : memref<128x128xf32, #tpu.memory_space<vmem>>, vector<1x16xf32>,
            %parallel_loop3A_972 = arith.index_cast %parallel_loop3A_931 : i32 to index
            %parallel_loop3A_973 = arith.constant 64 : index
            %parallel_loop3A_974 = tpu.vector_load %arg11[%parallel_loop3A_972, %parallel_loop3A_973] {strides = array<i32>} : memref<128x128xf32, #tpu.memory_space<vmem>>, vector<1x16xf32>,
            %parallel_loop3A_975 = vector.shape_cast %parallel_loop3A_974 : vector<1x16xf32> to vector<16xf32>
            %parallel_loop3A_976 = arith.mulf %parallel_loop3A_975, %parallel_loop3A_927 : vector<16xf32>
            %parallel_loop3A_977 = arith.index_cast %parallel_loop3A_931 : i32 to index
            %parallel_loop3A_978 = arith.constant 64 : index
            %parallel_loop3A_979 = tpu.vector_load %arg11[%parallel_loop3A_977, %parallel_loop3A_978] {strides = array<i32>} : memref<128x128xf32, #tpu.memory_space<vmem>>, vector<1x16xf32>,
            %parallel_loop3A_980 = vector.shape_cast %parallel_loop3A_979 : vector<1x16xf32> to vector<16xf32>
            %parallel_loop3A_981 = vector.shape_cast %parallel_loop3A_976 : vector<16xf32> to vector<1x16xf32>
            tpu.vector_store %arg11[%parallel_loop3A_977, %parallel_loop3A_978], %parallel_loop3A_981 {strides = array<i32>} : memref<128x128xf32, #tpu.memory_space<vmem>>, vector<1x16xf32>,
            %parallel_loop3A_982 = arith.index_cast %parallel_loop3A_931 : i32 to index
            %parallel_loop3A_983 = arith.constant 80 : index
            %parallel_loop3A_984 = tpu.vector_load %arg11[%parallel_loop3A_982, %parallel_loop3A_983] {strides = array<i32>} : memref<128x128xf32, #tpu.memory_space<vmem>>, vector<1x16xf32>,
            %parallel_loop3A_985 = vector.shape_cast %parallel_loop3A_984 : vector<1x16xf32> to vector<16xf32>
            %parallel_loop3A_986 = arith.mulf %parallel_loop3A_985, %parallel_loop3A_927 : vector<16xf32>
            %parallel_loop3A_987 = arith.index_cast %parallel_loop3A_931 : i32 to index
            %parallel_loop3A_988 = arith.constant 80 : index
            %parallel_loop3A_989 = tpu.vector_load %arg11[%parallel_loop3A_987, %parallel_loop3A_988] {strides = array<i32>} : memref<128x128xf32, #tpu.memory_space<vmem>>, vector<1x16xf32>,
            %parallel_loop3A_990 = vector.shape_cast %parallel_loop3A_989 : vector<1x16xf32> to vector<16xf32>
            %parallel_loop3A_991 = vector.shape_cast %parallel_loop3A_986 : vector<16xf32> to vector<1x16xf32>
            tpu.vector_store %arg11[%parallel_loop3A_987, %parallel_loop3A_988], %parallel_loop3A_991 {strides = array<i32>} : memref<128x128xf32, #tpu.memory_space<vmem>>, vector<1x16xf32>,
            %parallel_loop3A_992 = arith.index_cast %parallel_loop3A_931 : i32 to index
            %parallel_loop3A_993 = arith.constant 96 : index
            %parallel_loop3A_994 = tpu.vector_load %arg11[%parallel_loop3A_992, %parallel_loop3A_993] {strides = array<i32>} : memref<128x128xf32, #tpu.memory_space<vmem>>, vector<1x16xf32>,
            %parallel_loop3A_995 = vector.shape_cast %parallel_loop3A_994 : vector<1x16xf32> to vector<16xf32>
            %parallel_loop3A_996 = arith.mulf %parallel_loop3A_995, %parallel_loop3A_927 : vector<16xf32>
            %parallel_loop3A_997 = arith.index_cast %parallel_loop3A_931 : i32 to index
            %parallel_loop3A_998 = arith.constant 96 : index
            %parallel_loop3A_999 = tpu.vector_load %arg11[%parallel_loop3A_997, %parallel_loop3A_998] {strides = array<i32>} : memref<128x128xf32, #tpu.memory_space<vmem>>, vector<1x16xf32>,
            %parallel_loop3A_1000 = vector.shape_cast %parallel_loop3A_999 : vector<1x16xf32> to vector<16xf32>
            %parallel_loop3A_1001 = vector.shape_cast %parallel_loop3A_996 : vector<16xf32> to vector<1x16xf32>
            tpu.vector_store %arg11[%parallel_loop3A_997, %parallel_loop3A_998], %parallel_loop3A_1001 {strides = array<i32>} : memref<128x128xf32, #tpu.memory_space<vmem>>, vector<1x16xf32>,
            %parallel_loop3A_1002 = arith.index_cast %parallel_loop3A_931 : i32 to index
            %parallel_loop3A_1003 = arith.constant 112 : index
            %parallel_loop3A_1004 = tpu.vector_load %arg11[%parallel_loop3A_1002, %parallel_loop3A_1003] {strides = array<i32>} : memref<128x128xf32, #tpu.memory_space<vmem>>, vector<1x16xf32>,
            %parallel_loop3A_1005 = vector.shape_cast %parallel_loop3A_1004 : vector<1x16xf32> to vector<16xf32>
            %parallel_loop3A_1006 = arith.mulf %parallel_loop3A_1005, %parallel_loop3A_927 : vector<16xf32>
            %parallel_loop3A_1007 = arith.index_cast %parallel_loop3A_931 : i32 to index
            %parallel_loop3A_1008 = arith.constant 112 : index
            %parallel_loop3A_1009 = tpu.vector_load %arg11[%parallel_loop3A_1007, %parallel_loop3A_1008] {strides = array<i32>} : memref<128x128xf32, #tpu.memory_space<vmem>>, vector<1x16xf32>,
            %parallel_loop3A_1010 = vector.shape_cast %parallel_loop3A_1009 : vector<1x16xf32> to vector<16xf32>
            %parallel_loop3A_1011 = vector.shape_cast %parallel_loop3A_1006 : vector<16xf32> to vector<1x16xf32>
            tpu.vector_store %arg11[%parallel_loop3A_1007, %parallel_loop3A_1008], %parallel_loop3A_1011 {strides = array<i32>} : memref<128x128xf32, #tpu.memory_space<vmem>>, vector<1x16xf32>,
            %parallel_loop3A_1012 = vector.extract_strided_slice %parallel_loop3A_141 {offsets = [10], sizes = [1], strides = [1]} : vector<16xf32> to vector<1xf32>
            %parallel_loop3A_1013 = vector.extract %parallel_loop3A_1012[0] : f32 from vector<1xf32>
            %parallel_loop3A_1014 = vector.broadcast %parallel_loop3A_1013 : f32 to vector<16xf32>
            %parallel_loop3A_1015 = arith.constant 16 : i32
            %parallel_loop3A_1016 = arith.muli %parallel_loop3A_135, %parallel_loop3A_1015 : i32
            %parallel_loop3A_1017 = arith.constant 10 : i32
            %parallel_loop3A_1018 = arith.addi %parallel_loop3A_1016, %parallel_loop3A_1017 : i32
            %parallel_loop3A_1019 = arith.index_cast %parallel_loop3A_1018 : i32 to index
            %parallel_loop3A_1020 = arith.constant 0 : index
            %parallel_loop3A_1021 = tpu.vector_load %arg11[%parallel_loop3A_1019, %parallel_loop3A_1020] {strides = array<i32>} : memref<128x128xf32, #tpu.memory_space<vmem>>, vector<1x16xf32>,
            %parallel_loop3A_1022 = vector.shape_cast %parallel_loop3A_1021 : vector<1x16xf32> to vector<16xf32>
            %parallel_loop3A_1023 = arith.mulf %parallel_loop3A_1022, %parallel_loop3A_1014 : vector<16xf32>
            %parallel_loop3A_1024 = arith.index_cast %parallel_loop3A_1018 : i32 to index
            %parallel_loop3A_1025 = arith.constant 0 : index
            %parallel_loop3A_1026 = tpu.vector_load %arg11[%parallel_loop3A_1024, %parallel_loop3A_1025] {strides = array<i32>} : memref<128x128xf32, #tpu.memory_space<vmem>>, vector<1x16xf32>,
            %parallel_loop3A_1027 = vector.shape_cast %parallel_loop3A_1026 : vector<1x16xf32> to vector<16xf32>
            %parallel_loop3A_1028 = vector.shape_cast %parallel_loop3A_1023 : vector<16xf32> to vector<1x16xf32>
            tpu.vector_store %arg11[%parallel_loop3A_1024, %parallel_loop3A_1025], %parallel_loop3A_1028 {strides = array<i32>} : memref<128x128xf32, #tpu.memory_space<vmem>>, vector<1x16xf32>,
            %parallel_loop3A_1029 = arith.index_cast %parallel_loop3A_1018 : i32 to index
            %parallel_loop3A_1030 = arith.constant 16 : index
            %parallel_loop3A_1031 = tpu.vector_load %arg11[%parallel_loop3A_1029, %parallel_loop3A_1030] {strides = array<i32>} : memref<128x128xf32, #tpu.memory_space<vmem>>, vector<1x16xf32>,
            %parallel_loop3A_1032 = vector.shape_cast %parallel_loop3A_1031 : vector<1x16xf32> to vector<16xf32>
            %parallel_loop3A_1033 = arith.mulf %parallel_loop3A_1032, %parallel_loop3A_1014 : vector<16xf32>
            %parallel_loop3A_1034 = arith.index_cast %parallel_loop3A_1018 : i32 to index
            %parallel_loop3A_1035 = arith.constant 16 : index
            %parallel_loop3A_1036 = tpu.vector_load %arg11[%parallel_loop3A_1034, %parallel_loop3A_1035] {strides = array<i32>} : memref<128x128xf32, #tpu.memory_space<vmem>>, vector<1x16xf32>,
            %parallel_loop3A_1037 = vector.shape_cast %parallel_loop3A_1036 : vector<1x16xf32> to vector<16xf32>
            %parallel_loop3A_1038 = vector.shape_cast %parallel_loop3A_1033 : vector<16xf32> to vector<1x16xf32>
            tpu.vector_store %arg11[%parallel_loop3A_1034, %parallel_loop3A_1035], %parallel_loop3A_1038 {strides = array<i32>} : memref<128x128xf32, #tpu.memory_space<vmem>>, vector<1x16xf32>,
            %parallel_loop3A_1039 = arith.index_cast %parallel_loop3A_1018 : i32 to index
            %parallel_loop3A_1040 = arith.constant 32 : index
            %parallel_loop3A_1041 = tpu.vector_load %arg11[%parallel_loop3A_1039, %parallel_loop3A_1040] {strides = array<i32>} : memref<128x128xf32, #tpu.memory_space<vmem>>, vector<1x16xf32>,
            %parallel_loop3A_1042 = vector.shape_cast %parallel_loop3A_1041 : vector<1x16xf32> to vector<16xf32>
            %parallel_loop3A_1043 = arith.mulf %parallel_loop3A_1042, %parallel_loop3A_1014 : vector<16xf32>
            %parallel_loop3A_1044 = arith.index_cast %parallel_loop3A_1018 : i32 to index
            %parallel_loop3A_1045 = arith.constant 32 : index
            %parallel_loop3A_1046 = tpu.vector_load %arg11[%parallel_loop3A_1044, %parallel_loop3A_1045] {strides = array<i32>} : memref<128x128xf32, #tpu.memory_space<vmem>>, vector<1x16xf32>,
            %parallel_loop3A_1047 = vector.shape_cast %parallel_loop3A_1046 : vector<1x16xf32> to vector<16xf32>
            %parallel_loop3A_1048 = vector.shape_cast %parallel_loop3A_1043 : vector<16xf32> to vector<1x16xf32>
            tpu.vector_store %arg11[%parallel_loop3A_1044, %parallel_loop3A_1045], %parallel_loop3A_1048 {strides = array<i32>} : memref<128x128xf32, #tpu.memory_space<vmem>>, vector<1x16xf32>,
            %parallel_loop3A_1049 = arith.index_cast %parallel_loop3A_1018 : i32 to index
            %parallel_loop3A_1050 = arith.constant 48 : index
            %parallel_loop3A_1051 = tpu.vector_load %arg11[%parallel_loop3A_1049, %parallel_loop3A_1050] {strides = array<i32>} : memref<128x128xf32, #tpu.memory_space<vmem>>, vector<1x16xf32>,
            %parallel_loop3A_1052 = vector.shape_cast %parallel_loop3A_1051 : vector<1x16xf32> to vector<16xf32>
            %parallel_loop3A_1053 = arith.mulf %parallel_loop3A_1052, %parallel_loop3A_1014 : vector<16xf32>
            %parallel_loop3A_1054 = arith.index_cast %parallel_loop3A_1018 : i32 to index
            %parallel_loop3A_1055 = arith.constant 48 : index
            %parallel_loop3A_1056 = tpu.vector_load %arg11[%parallel_loop3A_1054, %parallel_loop3A_1055] {strides = array<i32>} : memref<128x128xf32, #tpu.memory_space<vmem>>, vector<1x16xf32>,
            %parallel_loop3A_1057 = vector.shape_cast %parallel_loop3A_1056 : vector<1x16xf32> to vector<16xf32>
            %parallel_loop3A_1058 = vector.shape_cast %parallel_loop3A_1053 : vector<16xf32> to vector<1x16xf32>
            tpu.vector_store %arg11[%parallel_loop3A_1054, %parallel_loop3A_1055], %parallel_loop3A_1058 {strides = array<i32>} : memref<128x128xf32, #tpu.memory_space<vmem>>, vector<1x16xf32>,
            %parallel_loop3A_1059 = arith.index_cast %parallel_loop3A_1018 : i32 to index
            %parallel_loop3A_1060 = arith.constant 64 : index
            %parallel_loop3A_1061 = tpu.vector_load %arg11[%parallel_loop3A_1059, %parallel_loop3A_1060] {strides = array<i32>} : memref<128x128xf32, #tpu.memory_space<vmem>>, vector<1x16xf32>,
            %parallel_loop3A_1062 = vector.shape_cast %parallel_loop3A_1061 : vector<1x16xf32> to vector<16xf32>
            %parallel_loop3A_1063 = arith.mulf %parallel_loop3A_1062, %parallel_loop3A_1014 : vector<16xf32>
            %parallel_loop3A_1064 = arith.index_cast %parallel_loop3A_1018 : i32 to index
            %parallel_loop3A_1065 = arith.constant 64 : index
            %parallel_loop3A_1066 = tpu.vector_load %arg11[%parallel_loop3A_1064, %parallel_loop3A_1065] {strides = array<i32>} : memref<128x128xf32, #tpu.memory_space<vmem>>, vector<1x16xf32>,
            %parallel_loop3A_1067 = vector.shape_cast %parallel_loop3A_1066 : vector<1x16xf32> to vector<16xf32>
            %parallel_loop3A_1068 = vector.shape_cast %parallel_loop3A_1063 : vector<16xf32> to vector<1x16xf32>
            tpu.vector_store %arg11[%parallel_loop3A_1064, %parallel_loop3A_1065], %parallel_loop3A_1068 {strides = array<i32>} : memref<128x128xf32, #tpu.memory_space<vmem>>, vector<1x16xf32>,
            %parallel_loop3A_1069 = arith.index_cast %parallel_loop3A_1018 : i32 to index
            %parallel_loop3A_1070 = arith.constant 80 : index
            %parallel_loop3A_1071 = tpu.vector_load %arg11[%parallel_loop3A_1069, %parallel_loop3A_1070] {strides = array<i32>} : memref<128x128xf32, #tpu.memory_space<vmem>>, vector<1x16xf32>,
            %parallel_loop3A_1072 = vector.shape_cast %parallel_loop3A_1071 : vector<1x16xf32> to vector<16xf32>
            %parallel_loop3A_1073 = arith.mulf %parallel_loop3A_1072, %parallel_loop3A_1014 : vector<16xf32>
            %parallel_loop3A_1074 = arith.index_cast %parallel_loop3A_1018 : i32 to index
            %parallel_loop3A_1075 = arith.constant 80 : index
            %parallel_loop3A_1076 = tpu.vector_load %arg11[%parallel_loop3A_1074, %parallel_loop3A_1075] {strides = array<i32>} : memref<128x128xf32, #tpu.memory_space<vmem>>, vector<1x16xf32>,
            %parallel_loop3A_1077 = vector.shape_cast %parallel_loop3A_1076 : vector<1x16xf32> to vector<16xf32>
            %parallel_loop3A_1078 = vector.shape_cast %parallel_loop3A_1073 : vector<16xf32> to vector<1x16xf32>
            tpu.vector_store %arg11[%parallel_loop3A_1074, %parallel_loop3A_1075], %parallel_loop3A_1078 {strides = array<i32>} : memref<128x128xf32, #tpu.memory_space<vmem>>, vector<1x16xf32>,
            %parallel_loop3A_1079 = arith.index_cast %parallel_loop3A_1018 : i32 to index
            %parallel_loop3A_1080 = arith.constant 96 : index
            %parallel_loop3A_1081 = tpu.vector_load %arg11[%parallel_loop3A_1079, %parallel_loop3A_1080] {strides = array<i32>} : memref<128x128xf32, #tpu.memory_space<vmem>>, vector<1x16xf32>,
            %parallel_loop3A_1082 = vector.shape_cast %parallel_loop3A_1081 : vector<1x16xf32> to vector<16xf32>
            %parallel_loop3A_1083 = arith.mulf %parallel_loop3A_1082, %parallel_loop3A_1014 : vector<16xf32>
            %parallel_loop3A_1084 = arith.index_cast %parallel_loop3A_1018 : i32 to index
            %parallel_loop3A_1085 = arith.constant 96 : index
            %parallel_loop3A_1086 = tpu.vector_load %arg11[%parallel_loop3A_1084, %parallel_loop3A_1085] {strides = array<i32>} : memref<128x128xf32, #tpu.memory_space<vmem>>, vector<1x16xf32>,
            %parallel_loop3A_1087 = vector.shape_cast %parallel_loop3A_1086 : vector<1x16xf32> to vector<16xf32>
            %parallel_loop3A_1088 = vector.shape_cast %parallel_loop3A_1083 : vector<16xf32> to vector<1x16xf32>
            tpu.vector_store %arg11[%parallel_loop3A_1084, %parallel_loop3A_1085], %parallel_loop3A_1088 {strides = array<i32>} : memref<128x128xf32, #tpu.memory_space<vmem>>, vector<1x16xf32>,
            %parallel_loop3A_1089 = arith.index_cast %parallel_loop3A_1018 : i32 to index
            %parallel_loop3A_1090 = arith.constant 112 : index
            %parallel_loop3A_1091 = tpu.vector_load %arg11[%parallel_loop3A_1089, %parallel_loop3A_1090] {strides = array<i32>} : memref<128x128xf32, #tpu.memory_space<vmem>>, vector<1x16xf32>,
            %parallel_loop3A_1092 = vector.shape_cast %parallel_loop3A_1091 : vector<1x16xf32> to vector<16xf32>
            %parallel_loop3A_1093 = arith.mulf %parallel_loop3A_1092, %parallel_loop3A_1014 : vector<16xf32>
            %parallel_loop3A_1094 = arith.index_cast %parallel_loop3A_1018 : i32 to index
            %parallel_loop3A_1095 = arith.constant 112 : index
            %parallel_loop3A_1096 = tpu.vector_load %arg11[%parallel_loop3A_1094, %parallel_loop3A_1095] {strides = array<i32>} : memref<128x128xf32, #tpu.memory_space<vmem>>, vector<1x16xf32>,
            %parallel_loop3A_1097 = vector.shape_cast %parallel_loop3A_1096 : vector<1x16xf32> to vector<16xf32>
            %parallel_loop3A_1098 = vector.shape_cast %parallel_loop3A_1093 : vector<16xf32> to vector<1x16xf32>
            tpu.vector_store %arg11[%parallel_loop3A_1094, %parallel_loop3A_1095], %parallel_loop3A_1098 {strides = array<i32>} : memref<128x128xf32, #tpu.memory_space<vmem>>, vector<1x16xf32>,
            %parallel_loop3A_1099 = vector.extract_strided_slice %parallel_loop3A_141 {offsets = [11], sizes = [1], strides = [1]} : vector<16xf32> to vector<1xf32>
            %parallel_loop3A_1100 = vector.extract %parallel_loop3A_1099[0] : f32 from vector<1xf32>
            %parallel_loop3A_1101 = vector.broadcast %parallel_loop3A_1100 : f32 to vector<16xf32>
            %parallel_loop3A_1102 = arith.constant 16 : i32
            %parallel_loop3A_1103 = arith.muli %parallel_loop3A_135, %parallel_loop3A_1102 : i32
            %parallel_loop3A_1104 = arith.constant 11 : i32
            %parallel_loop3A_1105 = arith.addi %parallel_loop3A_1103, %parallel_loop3A_1104 : i32
            %parallel_loop3A_1106 = arith.index_cast %parallel_loop3A_1105 : i32 to index
            %parallel_loop3A_1107 = arith.constant 0 : index
            %parallel_loop3A_1108 = tpu.vector_load %arg11[%parallel_loop3A_1106, %parallel_loop3A_1107] {strides = array<i32>} : memref<128x128xf32, #tpu.memory_space<vmem>>, vector<1x16xf32>,
            %parallel_loop3A_1109 = vector.shape_cast %parallel_loop3A_1108 : vector<1x16xf32> to vector<16xf32>
            %parallel_loop3A_1110 = arith.mulf %parallel_loop3A_1109, %parallel_loop3A_1101 : vector<16xf32>
            %parallel_loop3A_1111 = arith.index_cast %parallel_loop3A_1105 : i32 to index
            %parallel_loop3A_1112 = arith.constant 0 : index
            %parallel_loop3A_1113 = tpu.vector_load %arg11[%parallel_loop3A_1111, %parallel_loop3A_1112] {strides = array<i32>} : memref<128x128xf32, #tpu.memory_space<vmem>>, vector<1x16xf32>,
            %parallel_loop3A_1114 = vector.shape_cast %parallel_loop3A_1113 : vector<1x16xf32> to vector<16xf32>
            %parallel_loop3A_1115 = vector.shape_cast %parallel_loop3A_1110 : vector<16xf32> to vector<1x16xf32>
            tpu.vector_store %arg11[%parallel_loop3A_1111, %parallel_loop3A_1112], %parallel_loop3A_1115 {strides = array<i32>} : memref<128x128xf32, #tpu.memory_space<vmem>>, vector<1x16xf32>,
            %parallel_loop3A_1116 = arith.index_cast %parallel_loop3A_1105 : i32 to index
            %parallel_loop3A_1117 = arith.constant 16 : index
            %parallel_loop3A_1118 = tpu.vector_load %arg11[%parallel_loop3A_1116, %parallel_loop3A_1117] {strides = array<i32>} : memref<128x128xf32, #tpu.memory_space<vmem>>, vector<1x16xf32>,
            %parallel_loop3A_1119 = vector.shape_cast %parallel_loop3A_1118 : vector<1x16xf32> to vector<16xf32>
            %parallel_loop3A_1120 = arith.mulf %parallel_loop3A_1119, %parallel_loop3A_1101 : vector<16xf32>
            %parallel_loop3A_1121 = arith.index_cast %parallel_loop3A_1105 : i32 to index
            %parallel_loop3A_1122 = arith.constant 16 : index
            %parallel_loop3A_1123 = tpu.vector_load %arg11[%parallel_loop3A_1121, %parallel_loop3A_1122] {strides = array<i32>} : memref<128x128xf32, #tpu.memory_space<vmem>>, vector<1x16xf32>,
            %parallel_loop3A_1124 = vector.shape_cast %parallel_loop3A_1123 : vector<1x16xf32> to vector<16xf32>
            %parallel_loop3A_1125 = vector.shape_cast %parallel_loop3A_1120 : vector<16xf32> to vector<1x16xf32>
            tpu.vector_store %arg11[%parallel_loop3A_1121, %parallel_loop3A_1122], %parallel_loop3A_1125 {strides = array<i32>} : memref<128x128xf32, #tpu.memory_space<vmem>>, vector<1x16xf32>,
            %parallel_loop3A_1126 = arith.index_cast %parallel_loop3A_1105 : i32 to index
            %parallel_loop3A_1127 = arith.constant 32 : index
            %parallel_loop3A_1128 = tpu.vector_load %arg11[%parallel_loop3A_1126, %parallel_loop3A_1127] {strides = array<i32>} : memref<128x128xf32, #tpu.memory_space<vmem>>, vector<1x16xf32>,
            %parallel_loop3A_1129 = vector.shape_cast %parallel_loop3A_1128 : vector<1x16xf32> to vector<16xf32>
            %parallel_loop3A_1130 = arith.mulf %parallel_loop3A_1129, %parallel_loop3A_1101 : vector<16xf32>
            %parallel_loop3A_1131 = arith.index_cast %parallel_loop3A_1105 : i32 to index
            %parallel_loop3A_1132 = arith.constant 32 : index
            %parallel_loop3A_1133 = tpu.vector_load %arg11[%parallel_loop3A_1131, %parallel_loop3A_1132] {strides = array<i32>} : memref<128x128xf32, #tpu.memory_space<vmem>>, vector<1x16xf32>,
            %parallel_loop3A_1134 = vector.shape_cast %parallel_loop3A_1133 : vector<1x16xf32> to vector<16xf32>
            %parallel_loop3A_1135 = vector.shape_cast %parallel_loop3A_1130 : vector<16xf32> to vector<1x16xf32>
            tpu.vector_store %arg11[%parallel_loop3A_1131, %parallel_loop3A_1132], %parallel_loop3A_1135 {strides = array<i32>} : memref<128x128xf32, #tpu.memory_space<vmem>>, vector<1x16xf32>,
            %parallel_loop3A_1136 = arith.index_cast %parallel_loop3A_1105 : i32 to index
            %parallel_loop3A_1137 = arith.constant 48 : index
            %parallel_loop3A_1138 = tpu.vector_load %arg11[%parallel_loop3A_1136, %parallel_loop3A_1137] {strides = array<i32>} : memref<128x128xf32, #tpu.memory_space<vmem>>, vector<1x16xf32>,
            %parallel_loop3A_1139 = vector.shape_cast %parallel_loop3A_1138 : vector<1x16xf32> to vector<16xf32>
            %parallel_loop3A_1140 = arith.mulf %parallel_loop3A_1139, %parallel_loop3A_1101 : vector<16xf32>
            %parallel_loop3A_1141 = arith.index_cast %parallel_loop3A_1105 : i32 to index
            %parallel_loop3A_1142 = arith.constant 48 : index
            %parallel_loop3A_1143 = tpu.vector_load %arg11[%parallel_loop3A_1141, %parallel_loop3A_1142] {strides = array<i32>} : memref<128x128xf32, #tpu.memory_space<vmem>>, vector<1x16xf32>,
            %parallel_loop3A_1144 = vector.shape_cast %parallel_loop3A_1143 : vector<1x16xf32> to vector<16xf32>
            %parallel_loop3A_1145 = vector.shape_cast %parallel_loop3A_1140 : vector<16xf32> to vector<1x16xf32>
            tpu.vector_store %arg11[%parallel_loop3A_1141, %parallel_loop3A_1142], %parallel_loop3A_1145 {strides = array<i32>} : memref<128x128xf32, #tpu.memory_space<vmem>>, vector<1x16xf32>,
            %parallel_loop3A_1146 = arith.index_cast %parallel_loop3A_1105 : i32 to index
            %parallel_loop3A_1147 = arith.constant 64 : index
            %parallel_loop3A_1148 = tpu.vector_load %arg11[%parallel_loop3A_1146, %parallel_loop3A_1147] {strides = array<i32>} : memref<128x128xf32, #tpu.memory_space<vmem>>, vector<1x16xf32>,
            %parallel_loop3A_1149 = vector.shape_cast %parallel_loop3A_1148 : vector<1x16xf32> to vector<16xf32>
            %parallel_loop3A_1150 = arith.mulf %parallel_loop3A_1149, %parallel_loop3A_1101 : vector<16xf32>
            %parallel_loop3A_1151 = arith.index_cast %parallel_loop3A_1105 : i32 to index
            %parallel_loop3A_1152 = arith.constant 64 : index
            %parallel_loop3A_1153 = tpu.vector_load %arg11[%parallel_loop3A_1151, %parallel_loop3A_1152] {strides = array<i32>} : memref<128x128xf32, #tpu.memory_space<vmem>>, vector<1x16xf32>,
            %parallel_loop3A_1154 = vector.shape_cast %parallel_loop3A_1153 : vector<1x16xf32> to vector<16xf32>
            %parallel_loop3A_1155 = vector.shape_cast %parallel_loop3A_1150 : vector<16xf32> to vector<1x16xf32>
            tpu.vector_store %arg11[%parallel_loop3A_1151, %parallel_loop3A_1152], %parallel_loop3A_1155 {strides = array<i32>} : memref<128x128xf32, #tpu.memory_space<vmem>>, vector<1x16xf32>,
            %parallel_loop3A_1156 = arith.index_cast %parallel_loop3A_1105 : i32 to index
            %parallel_loop3A_1157 = arith.constant 80 : index
            %parallel_loop3A_1158 = tpu.vector_load %arg11[%parallel_loop3A_1156, %parallel_loop3A_1157] {strides = array<i32>} : memref<128x128xf32, #tpu.memory_space<vmem>>, vector<1x16xf32>,
            %parallel_loop3A_1159 = vector.shape_cast %parallel_loop3A_1158 : vector<1x16xf32> to vector<16xf32>
            %parallel_loop3A_1160 = arith.mulf %parallel_loop3A_1159, %parallel_loop3A_1101 : vector<16xf32>
            %parallel_loop3A_1161 = arith.index_cast %parallel_loop3A_1105 : i32 to index
            %parallel_loop3A_1162 = arith.constant 80 : index
            %parallel_loop3A_1163 = tpu.vector_load %arg11[%parallel_loop3A_1161, %parallel_loop3A_1162] {strides = array<i32>} : memref<128x128xf32, #tpu.memory_space<vmem>>, vector<1x16xf32>,
            %parallel_loop3A_1164 = vector.shape_cast %parallel_loop3A_1163 : vector<1x16xf32> to vector<16xf32>
            %parallel_loop3A_1165 = vector.shape_cast %parallel_loop3A_1160 : vector<16xf32> to vector<1x16xf32>
            tpu.vector_store %arg11[%parallel_loop3A_1161, %parallel_loop3A_1162], %parallel_loop3A_1165 {strides = array<i32>} : memref<128x128xf32, #tpu.memory_space<vmem>>, vector<1x16xf32>,
            %parallel_loop3A_1166 = arith.index_cast %parallel_loop3A_1105 : i32 to index
            %parallel_loop3A_1167 = arith.constant 96 : index
            %parallel_loop3A_1168 = tpu.vector_load %arg11[%parallel_loop3A_1166, %parallel_loop3A_1167] {strides = array<i32>} : memref<128x128xf32, #tpu.memory_space<vmem>>, vector<1x16xf32>,
            %parallel_loop3A_1169 = vector.shape_cast %parallel_loop3A_1168 : vector<1x16xf32> to vector<16xf32>
            %parallel_loop3A_1170 = arith.mulf %parallel_loop3A_1169, %parallel_loop3A_1101 : vector<16xf32>
            %parallel_loop3A_1171 = arith.index_cast %parallel_loop3A_1105 : i32 to index
            %parallel_loop3A_1172 = arith.constant 96 : index
            %parallel_loop3A_1173 = tpu.vector_load %arg11[%parallel_loop3A_1171, %parallel_loop3A_1172] {strides = array<i32>} : memref<128x128xf32, #tpu.memory_space<vmem>>, vector<1x16xf32>,
            %parallel_loop3A_1174 = vector.shape_cast %parallel_loop3A_1173 : vector<1x16xf32> to vector<16xf32>
            %parallel_loop3A_1175 = vector.shape_cast %parallel_loop3A_1170 : vector<16xf32> to vector<1x16xf32>
            tpu.vector_store %arg11[%parallel_loop3A_1171, %parallel_loop3A_1172], %parallel_loop3A_1175 {strides = array<i32>} : memref<128x128xf32, #tpu.memory_space<vmem>>, vector<1x16xf32>,
            %parallel_loop3A_1176 = arith.index_cast %parallel_loop3A_1105 : i32 to index
            %parallel_loop3A_1177 = arith.constant 112 : index
            %parallel_loop3A_1178 = tpu.vector_load %arg11[%parallel_loop3A_1176, %parallel_loop3A_1177] {strides = array<i32>} : memref<128x128xf32, #tpu.memory_space<vmem>>, vector<1x16xf32>,
            %parallel_loop3A_1179 = vector.shape_cast %parallel_loop3A_1178 : vector<1x16xf32> to vector<16xf32>
            %parallel_loop3A_1180 = arith.mulf %parallel_loop3A_1179, %parallel_loop3A_1101 : vector<16xf32>
            %parallel_loop3A_1181 = arith.index_cast %parallel_loop3A_1105 : i32 to index
            %parallel_loop3A_1182 = arith.constant 112 : index
            %parallel_loop3A_1183 = tpu.vector_load %arg11[%parallel_loop3A_1181, %parallel_loop3A_1182] {strides = array<i32>} : memref<128x128xf32, #tpu.memory_space<vmem>>, vector<1x16xf32>,
            %parallel_loop3A_1184 = vector.shape_cast %parallel_loop3A_1183 : vector<1x16xf32> to vector<16xf32>
            %parallel_loop3A_1185 = vector.shape_cast %parallel_loop3A_1180 : vector<16xf32> to vector<1x16xf32>
            tpu.vector_store %arg11[%parallel_loop3A_1181, %parallel_loop3A_1182], %parallel_loop3A_1185 {strides = array<i32>} : memref<128x128xf32, #tpu.memory_space<vmem>>, vector<1x16xf32>,
            %parallel_loop3A_1186 = vector.extract_strided_slice %parallel_loop3A_141 {offsets = [12], sizes = [1], strides = [1]} : vector<16xf32> to vector<1xf32>
            %parallel_loop3A_1187 = vector.extract %parallel_loop3A_1186[0] : f32 from vector<1xf32>
            %parallel_loop3A_1188 = vector.broadcast %parallel_loop3A_1187 : f32 to vector<16xf32>
            %parallel_loop3A_1189 = arith.constant 16 : i32
            %parallel_loop3A_1190 = arith.muli %parallel_loop3A_135, %parallel_loop3A_1189 : i32
            %parallel_loop3A_1191 = arith.constant 12 : i32
            %parallel_loop3A_1192 = arith.addi %parallel_loop3A_1190, %parallel_loop3A_1191 : i32
            %parallel_loop3A_1193 = arith.index_cast %parallel_loop3A_1192 : i32 to index
            %parallel_loop3A_1194 = arith.constant 0 : index
            %parallel_loop3A_1195 = tpu.vector_load %arg11[%parallel_loop3A_1193, %parallel_loop3A_1194] {strides = array<i32>} : memref<128x128xf32, #tpu.memory_space<vmem>>, vector<1x16xf32>,
            %parallel_loop3A_1196 = vector.shape_cast %parallel_loop3A_1195 : vector<1x16xf32> to vector<16xf32>
            %parallel_loop3A_1197 = arith.mulf %parallel_loop3A_1196, %parallel_loop3A_1188 : vector<16xf32>
            %parallel_loop3A_1198 = arith.index_cast %parallel_loop3A_1192 : i32 to index
            %parallel_loop3A_1199 = arith.constant 0 : index
            %parallel_loop3A_1200 = tpu.vector_load %arg11[%parallel_loop3A_1198, %parallel_loop3A_1199] {strides = array<i32>} : memref<128x128xf32, #tpu.memory_space<vmem>>, vector<1x16xf32>,
            %parallel_loop3A_1201 = vector.shape_cast %parallel_loop3A_1200 : vector<1x16xf32> to vector<16xf32>
            %parallel_loop3A_1202 = vector.shape_cast %parallel_loop3A_1197 : vector<16xf32> to vector<1x16xf32>
            tpu.vector_store %arg11[%parallel_loop3A_1198, %parallel_loop3A_1199], %parallel_loop3A_1202 {strides = array<i32>} : memref<128x128xf32, #tpu.memory_space<vmem>>, vector<1x16xf32>,
            %parallel_loop3A_1203 = arith.index_cast %parallel_loop3A_1192 : i32 to index
            %parallel_loop3A_1204 = arith.constant 16 : index
            %parallel_loop3A_1205 = tpu.vector_load %arg11[%parallel_loop3A_1203, %parallel_loop3A_1204] {strides = array<i32>} : memref<128x128xf32, #tpu.memory_space<vmem>>, vector<1x16xf32>,
            %parallel_loop3A_1206 = vector.shape_cast %parallel_loop3A_1205 : vector<1x16xf32> to vector<16xf32>
            %parallel_loop3A_1207 = arith.mulf %parallel_loop3A_1206, %parallel_loop3A_1188 : vector<16xf32>
            %parallel_loop3A_1208 = arith.index_cast %parallel_loop3A_1192 : i32 to index
            %parallel_loop3A_1209 = arith.constant 16 : index
            %parallel_loop3A_1210 = tpu.vector_load %arg11[%parallel_loop3A_1208, %parallel_loop3A_1209] {strides = array<i32>} : memref<128x128xf32, #tpu.memory_space<vmem>>, vector<1x16xf32>,
            %parallel_loop3A_1211 = vector.shape_cast %parallel_loop3A_1210 : vector<1x16xf32> to vector<16xf32>
            %parallel_loop3A_1212 = vector.shape_cast %parallel_loop3A_1207 : vector<16xf32> to vector<1x16xf32>
            tpu.vector_store %arg11[%parallel_loop3A_1208, %parallel_loop3A_1209], %parallel_loop3A_1212 {strides = array<i32>} : memref<128x128xf32, #tpu.memory_space<vmem>>, vector<1x16xf32>,
            %parallel_loop3A_1213 = arith.index_cast %parallel_loop3A_1192 : i32 to index
            %parallel_loop3A_1214 = arith.constant 32 : index
            %parallel_loop3A_1215 = tpu.vector_load %arg11[%parallel_loop3A_1213, %parallel_loop3A_1214] {strides = array<i32>} : memref<128x128xf32, #tpu.memory_space<vmem>>, vector<1x16xf32>,
            %parallel_loop3A_1216 = vector.shape_cast %parallel_loop3A_1215 : vector<1x16xf32> to vector<16xf32>
            %parallel_loop3A_1217 = arith.mulf %parallel_loop3A_1216, %parallel_loop3A_1188 : vector<16xf32>
            %parallel_loop3A_1218 = arith.index_cast %parallel_loop3A_1192 : i32 to index
            %parallel_loop3A_1219 = arith.constant 32 : index
            %parallel_loop3A_1220 = tpu.vector_load %arg11[%parallel_loop3A_1218, %parallel_loop3A_1219] {strides = array<i32>} : memref<128x128xf32, #tpu.memory_space<vmem>>, vector<1x16xf32>,
            %parallel_loop3A_1221 = vector.shape_cast %parallel_loop3A_1220 : vector<1x16xf32> to vector<16xf32>
            %parallel_loop3A_1222 = vector.shape_cast %parallel_loop3A_1217 : vector<16xf32> to vector<1x16xf32>
            tpu.vector_store %arg11[%parallel_loop3A_1218, %parallel_loop3A_1219], %parallel_loop3A_1222 {strides = array<i32>} : memref<128x128xf32, #tpu.memory_space<vmem>>, vector<1x16xf32>,
            %parallel_loop3A_1223 = arith.index_cast %parallel_loop3A_1192 : i32 to index
            %parallel_loop3A_1224 = arith.constant 48 : index
            %parallel_loop3A_1225 = tpu.vector_load %arg11[%parallel_loop3A_1223, %parallel_loop3A_1224] {strides = array<i32>} : memref<128x128xf32, #tpu.memory_space<vmem>>, vector<1x16xf32>,
            %parallel_loop3A_1226 = vector.shape_cast %parallel_loop3A_1225 : vector<1x16xf32> to vector<16xf32>
            %parallel_loop3A_1227 = arith.mulf %parallel_loop3A_1226, %parallel_loop3A_1188 : vector<16xf32>
            %parallel_loop3A_1228 = arith.index_cast %parallel_loop3A_1192 : i32 to index
            %parallel_loop3A_1229 = arith.constant 48 : index
            %parallel_loop3A_1230 = tpu.vector_load %arg11[%parallel_loop3A_1228, %parallel_loop3A_1229] {strides = array<i32>} : memref<128x128xf32, #tpu.memory_space<vmem>>, vector<1x16xf32>,
            %parallel_loop3A_1231 = vector.shape_cast %parallel_loop3A_1230 : vector<1x16xf32> to vector<16xf32>
            %parallel_loop3A_1232 = vector.shape_cast %parallel_loop3A_1227 : vector<16xf32> to vector<1x16xf32>
            tpu.vector_store %arg11[%parallel_loop3A_1228, %parallel_loop3A_1229], %parallel_loop3A_1232 {strides = array<i32>} : memref<128x128xf32, #tpu.memory_space<vmem>>, vector<1x16xf32>,
            %parallel_loop3A_1233 = arith.index_cast %parallel_loop3A_1192 : i32 to index
            %parallel_loop3A_1234 = arith.constant 64 : index
            %parallel_loop3A_1235 = tpu.vector_load %arg11[%parallel_loop3A_1233, %parallel_loop3A_1234] {strides = array<i32>} : memref<128x128xf32, #tpu.memory_space<vmem>>, vector<1x16xf32>,
            %parallel_loop3A_1236 = vector.shape_cast %parallel_loop3A_1235 : vector<1x16xf32> to vector<16xf32>
            %parallel_loop3A_1237 = arith.mulf %parallel_loop3A_1236, %parallel_loop3A_1188 : vector<16xf32>
            %parallel_loop3A_1238 = arith.index_cast %parallel_loop3A_1192 : i32 to index
            %parallel_loop3A_1239 = arith.constant 64 : index
            %parallel_loop3A_1240 = tpu.vector_load %arg11[%parallel_loop3A_1238, %parallel_loop3A_1239] {strides = array<i32>} : memref<128x128xf32, #tpu.memory_space<vmem>>, vector<1x16xf32>,
            %parallel_loop3A_1241 = vector.shape_cast %parallel_loop3A_1240 : vector<1x16xf32> to vector<16xf32>
            %parallel_loop3A_1242 = vector.shape_cast %parallel_loop3A_1237 : vector<16xf32> to vector<1x16xf32>
            tpu.vector_store %arg11[%parallel_loop3A_1238, %parallel_loop3A_1239], %parallel_loop3A_1242 {strides = array<i32>} : memref<128x128xf32, #tpu.memory_space<vmem>>, vector<1x16xf32>,
            %parallel_loop3A_1243 = arith.index_cast %parallel_loop3A_1192 : i32 to index
            %parallel_loop3A_1244 = arith.constant 80 : index
            %parallel_loop3A_1245 = tpu.vector_load %arg11[%parallel_loop3A_1243, %parallel_loop3A_1244] {strides = array<i32>} : memref<128x128xf32, #tpu.memory_space<vmem>>, vector<1x16xf32>,
            %parallel_loop3A_1246 = vector.shape_cast %parallel_loop3A_1245 : vector<1x16xf32> to vector<16xf32>
            %parallel_loop3A_1247 = arith.mulf %parallel_loop3A_1246, %parallel_loop3A_1188 : vector<16xf32>
            %parallel_loop3A_1248 = arith.index_cast %parallel_loop3A_1192 : i32 to index
            %parallel_loop3A_1249 = arith.constant 80 : index
            %parallel_loop3A_1250 = tpu.vector_load %arg11[%parallel_loop3A_1248, %parallel_loop3A_1249] {strides = array<i32>} : memref<128x128xf32, #tpu.memory_space<vmem>>, vector<1x16xf32>,
            %parallel_loop3A_1251 = vector.shape_cast %parallel_loop3A_1250 : vector<1x16xf32> to vector<16xf32>
            %parallel_loop3A_1252 = vector.shape_cast %parallel_loop3A_1247 : vector<16xf32> to vector<1x16xf32>
            tpu.vector_store %arg11[%parallel_loop3A_1248, %parallel_loop3A_1249], %parallel_loop3A_1252 {strides = array<i32>} : memref<128x128xf32, #tpu.memory_space<vmem>>, vector<1x16xf32>,
            %parallel_loop3A_1253 = arith.index_cast %parallel_loop3A_1192 : i32 to index
            %parallel_loop3A_1254 = arith.constant 96 : index
            %parallel_loop3A_1255 = tpu.vector_load %arg11[%parallel_loop3A_1253, %parallel_loop3A_1254] {strides = array<i32>} : memref<128x128xf32, #tpu.memory_space<vmem>>, vector<1x16xf32>,
            %parallel_loop3A_1256 = vector.shape_cast %parallel_loop3A_1255 : vector<1x16xf32> to vector<16xf32>
            %parallel_loop3A_1257 = arith.mulf %parallel_loop3A_1256, %parallel_loop3A_1188 : vector<16xf32>
            %parallel_loop3A_1258 = arith.index_cast %parallel_loop3A_1192 : i32 to index
            %parallel_loop3A_1259 = arith.constant 96 : index
            %parallel_loop3A_1260 = tpu.vector_load %arg11[%parallel_loop3A_1258, %parallel_loop3A_1259] {strides = array<i32>} : memref<128x128xf32, #tpu.memory_space<vmem>>, vector<1x16xf32>,
            %parallel_loop3A_1261 = vector.shape_cast %parallel_loop3A_1260 : vector<1x16xf32> to vector<16xf32>
            %parallel_loop3A_1262 = vector.shape_cast %parallel_loop3A_1257 : vector<16xf32> to vector<1x16xf32>
            tpu.vector_store %arg11[%parallel_loop3A_1258, %parallel_loop3A_1259], %parallel_loop3A_1262 {strides = array<i32>} : memref<128x128xf32, #tpu.memory_space<vmem>>, vector<1x16xf32>,
            %parallel_loop3A_1263 = arith.index_cast %parallel_loop3A_1192 : i32 to index
            %parallel_loop3A_1264 = arith.constant 112 : index
            %parallel_loop3A_1265 = tpu.vector_load %arg11[%parallel_loop3A_1263, %parallel_loop3A_1264] {strides = array<i32>} : memref<128x128xf32, #tpu.memory_space<vmem>>, vector<1x16xf32>,
            %parallel_loop3A_1266 = vector.shape_cast %parallel_loop3A_1265 : vector<1x16xf32> to vector<16xf32>
            %parallel_loop3A_1267 = arith.mulf %parallel_loop3A_1266, %parallel_loop3A_1188 : vector<16xf32>
            %parallel_loop3A_1268 = arith.index_cast %parallel_loop3A_1192 : i32 to index
            %parallel_loop3A_1269 = arith.constant 112 : index
            %parallel_loop3A_1270 = tpu.vector_load %arg11[%parallel_loop3A_1268, %parallel_loop3A_1269] {strides = array<i32>} : memref<128x128xf32, #tpu.memory_space<vmem>>, vector<1x16xf32>,
            %parallel_loop3A_1271 = vector.shape_cast %parallel_loop3A_1270 : vector<1x16xf32> to vector<16xf32>
            %parallel_loop3A_1272 = vector.shape_cast %parallel_loop3A_1267 : vector<16xf32> to vector<1x16xf32>
            tpu.vector_store %arg11[%parallel_loop3A_1268, %parallel_loop3A_1269], %parallel_loop3A_1272 {strides = array<i32>} : memref<128x128xf32, #tpu.memory_space<vmem>>, vector<1x16xf32>,
            %parallel_loop3A_1273 = vector.extract_strided_slice %parallel_loop3A_141 {offsets = [13], sizes = [1], strides = [1]} : vector<16xf32> to vector<1xf32>
            %parallel_loop3A_1274 = vector.extract %parallel_loop3A_1273[0] : f32 from vector<1xf32>
            %parallel_loop3A_1275 = vector.broadcast %parallel_loop3A_1274 : f32 to vector<16xf32>
            %parallel_loop3A_1276 = arith.constant 16 : i32
            %parallel_loop3A_1277 = arith.muli %parallel_loop3A_135, %parallel_loop3A_1276 : i32
            %parallel_loop3A_1278 = arith.constant 13 : i32
            %parallel_loop3A_1279 = arith.addi %parallel_loop3A_1277, %parallel_loop3A_1278 : i32
            %parallel_loop3A_1280 = arith.index_cast %parallel_loop3A_1279 : i32 to index
            %parallel_loop3A_1281 = arith.constant 0 : index
            %parallel_loop3A_1282 = tpu.vector_load %arg11[%parallel_loop3A_1280, %parallel_loop3A_1281] {strides = array<i32>} : memref<128x128xf32, #tpu.memory_space<vmem>>, vector<1x16xf32>,
            %parallel_loop3A_1283 = vector.shape_cast %parallel_loop3A_1282 : vector<1x16xf32> to vector<16xf32>
            %parallel_loop3A_1284 = arith.mulf %parallel_loop3A_1283, %parallel_loop3A_1275 : vector<16xf32>
            %parallel_loop3A_1285 = arith.index_cast %parallel_loop3A_1279 : i32 to index
            %parallel_loop3A_1286 = arith.constant 0 : index
            %parallel_loop3A_1287 = tpu.vector_load %arg11[%parallel_loop3A_1285, %parallel_loop3A_1286] {strides = array<i32>} : memref<128x128xf32, #tpu.memory_space<vmem>>, vector<1x16xf32>,
            %parallel_loop3A_1288 = vector.shape_cast %parallel_loop3A_1287 : vector<1x16xf32> to vector<16xf32>
            %parallel_loop3A_1289 = vector.shape_cast %parallel_loop3A_1284 : vector<16xf32> to vector<1x16xf32>
            tpu.vector_store %arg11[%parallel_loop3A_1285, %parallel_loop3A_1286], %parallel_loop3A_1289 {strides = array<i32>} : memref<128x128xf32, #tpu.memory_space<vmem>>, vector<1x16xf32>,
            %parallel_loop3A_1290 = arith.index_cast %parallel_loop3A_1279 : i32 to index
            %parallel_loop3A_1291 = arith.constant 16 : index
            %parallel_loop3A_1292 = tpu.vector_load %arg11[%parallel_loop3A_1290, %parallel_loop3A_1291] {strides = array<i32>} : memref<128x128xf32, #tpu.memory_space<vmem>>, vector<1x16xf32>,
            %parallel_loop3A_1293 = vector.shape_cast %parallel_loop3A_1292 : vector<1x16xf32> to vector<16xf32>
            %parallel_loop3A_1294 = arith.mulf %parallel_loop3A_1293, %parallel_loop3A_1275 : vector<16xf32>
            %parallel_loop3A_1295 = arith.index_cast %parallel_loop3A_1279 : i32 to index
            %parallel_loop3A_1296 = arith.constant 16 : index
            %parallel_loop3A_1297 = tpu.vector_load %arg11[%parallel_loop3A_1295, %parallel_loop3A_1296] {strides = array<i32>} : memref<128x128xf32, #tpu.memory_space<vmem>>, vector<1x16xf32>,
            %parallel_loop3A_1298 = vector.shape_cast %parallel_loop3A_1297 : vector<1x16xf32> to vector<16xf32>
            %parallel_loop3A_1299 = vector.shape_cast %parallel_loop3A_1294 : vector<16xf32> to vector<1x16xf32>
            tpu.vector_store %arg11[%parallel_loop3A_1295, %parallel_loop3A_1296], %parallel_loop3A_1299 {strides = array<i32>} : memref<128x128xf32, #tpu.memory_space<vmem>>, vector<1x16xf32>,
            %parallel_loop3A_1300 = arith.index_cast %parallel_loop3A_1279 : i32 to index
            %parallel_loop3A_1301 = arith.constant 32 : index
            %parallel_loop3A_1302 = tpu.vector_load %arg11[%parallel_loop3A_1300, %parallel_loop3A_1301] {strides = array<i32>} : memref<128x128xf32, #tpu.memory_space<vmem>>, vector<1x16xf32>,
            %parallel_loop3A_1303 = vector.shape_cast %parallel_loop3A_1302 : vector<1x16xf32> to vector<16xf32>
            %parallel_loop3A_1304 = arith.mulf %parallel_loop3A_1303, %parallel_loop3A_1275 : vector<16xf32>
            %parallel_loop3A_1305 = arith.index_cast %parallel_loop3A_1279 : i32 to index
            %parallel_loop3A_1306 = arith.constant 32 : index
            %parallel_loop3A_1307 = tpu.vector_load %arg11[%parallel_loop3A_1305, %parallel_loop3A_1306] {strides = array<i32>} : memref<128x128xf32, #tpu.memory_space<vmem>>, vector<1x16xf32>,
            %parallel_loop3A_1308 = vector.shape_cast %parallel_loop3A_1307 : vector<1x16xf32> to vector<16xf32>
            %parallel_loop3A_1309 = vector.shape_cast %parallel_loop3A_1304 : vector<16xf32> to vector<1x16xf32>
            tpu.vector_store %arg11[%parallel_loop3A_1305, %parallel_loop3A_1306], %parallel_loop3A_1309 {strides = array<i32>} : memref<128x128xf32, #tpu.memory_space<vmem>>, vector<1x16xf32>,
            %parallel_loop3A_1310 = arith.index_cast %parallel_loop3A_1279 : i32 to index
            %parallel_loop3A_1311 = arith.constant 48 : index
            %parallel_loop3A_1312 = tpu.vector_load %arg11[%parallel_loop3A_1310, %parallel_loop3A_1311] {strides = array<i32>} : memref<128x128xf32, #tpu.memory_space<vmem>>, vector<1x16xf32>,
            %parallel_loop3A_1313 = vector.shape_cast %parallel_loop3A_1312 : vector<1x16xf32> to vector<16xf32>
            %parallel_loop3A_1314 = arith.mulf %parallel_loop3A_1313, %parallel_loop3A_1275 : vector<16xf32>
            %parallel_loop3A_1315 = arith.index_cast %parallel_loop3A_1279 : i32 to index
            %parallel_loop3A_1316 = arith.constant 48 : index
            %parallel_loop3A_1317 = tpu.vector_load %arg11[%parallel_loop3A_1315, %parallel_loop3A_1316] {strides = array<i32>} : memref<128x128xf32, #tpu.memory_space<vmem>>, vector<1x16xf32>,
            %parallel_loop3A_1318 = vector.shape_cast %parallel_loop3A_1317 : vector<1x16xf32> to vector<16xf32>
            %parallel_loop3A_1319 = vector.shape_cast %parallel_loop3A_1314 : vector<16xf32> to vector<1x16xf32>
            tpu.vector_store %arg11[%parallel_loop3A_1315, %parallel_loop3A_1316], %parallel_loop3A_1319 {strides = array<i32>} : memref<128x128xf32, #tpu.memory_space<vmem>>, vector<1x16xf32>,
            %parallel_loop3A_1320 = arith.index_cast %parallel_loop3A_1279 : i32 to index
            %parallel_loop3A_1321 = arith.constant 64 : index
            %parallel_loop3A_1322 = tpu.vector_load %arg11[%parallel_loop3A_1320, %parallel_loop3A_1321] {strides = array<i32>} : memref<128x128xf32, #tpu.memory_space<vmem>>, vector<1x16xf32>,
            %parallel_loop3A_1323 = vector.shape_cast %parallel_loop3A_1322 : vector<1x16xf32> to vector<16xf32>
            %parallel_loop3A_1324 = arith.mulf %parallel_loop3A_1323, %parallel_loop3A_1275 : vector<16xf32>
            %parallel_loop3A_1325 = arith.index_cast %parallel_loop3A_1279 : i32 to index
            %parallel_loop3A_1326 = arith.constant 64 : index
            %parallel_loop3A_1327 = tpu.vector_load %arg11[%parallel_loop3A_1325, %parallel_loop3A_1326] {strides = array<i32>} : memref<128x128xf32, #tpu.memory_space<vmem>>, vector<1x16xf32>,
            %parallel_loop3A_1328 = vector.shape_cast %parallel_loop3A_1327 : vector<1x16xf32> to vector<16xf32>
            %parallel_loop3A_1329 = vector.shape_cast %parallel_loop3A_1324 : vector<16xf32> to vector<1x16xf32>
            tpu.vector_store %arg11[%parallel_loop3A_1325, %parallel_loop3A_1326], %parallel_loop3A_1329 {strides = array<i32>} : memref<128x128xf32, #tpu.memory_space<vmem>>, vector<1x16xf32>,
            %parallel_loop3A_1330 = arith.index_cast %parallel_loop3A_1279 : i32 to index
            %parallel_loop3A_1331 = arith.constant 80 : index
            %parallel_loop3A_1332 = tpu.vector_load %arg11[%parallel_loop3A_1330, %parallel_loop3A_1331] {strides = array<i32>} : memref<128x128xf32, #tpu.memory_space<vmem>>, vector<1x16xf32>,
            %parallel_loop3A_1333 = vector.shape_cast %parallel_loop3A_1332 : vector<1x16xf32> to vector<16xf32>
            %parallel_loop3A_1334 = arith.mulf %parallel_loop3A_1333, %parallel_loop3A_1275 : vector<16xf32>
            %parallel_loop3A_1335 = arith.index_cast %parallel_loop3A_1279 : i32 to index
            %parallel_loop3A_1336 = arith.constant 80 : index
            %parallel_loop3A_1337 = tpu.vector_load %arg11[%parallel_loop3A_1335, %parallel_loop3A_1336] {strides = array<i32>} : memref<128x128xf32, #tpu.memory_space<vmem>>, vector<1x16xf32>,
            %parallel_loop3A_1338 = vector.shape_cast %parallel_loop3A_1337 : vector<1x16xf32> to vector<16xf32>
            %parallel_loop3A_1339 = vector.shape_cast %parallel_loop3A_1334 : vector<16xf32> to vector<1x16xf32>
            tpu.vector_store %arg11[%parallel_loop3A_1335, %parallel_loop3A_1336], %parallel_loop3A_1339 {strides = array<i32>} : memref<128x128xf32, #tpu.memory_space<vmem>>, vector<1x16xf32>,
            %parallel_loop3A_1340 = arith.index_cast %parallel_loop3A_1279 : i32 to index
            %parallel_loop3A_1341 = arith.constant 96 : index
            %parallel_loop3A_1342 = tpu.vector_load %arg11[%parallel_loop3A_1340, %parallel_loop3A_1341] {strides = array<i32>} : memref<128x128xf32, #tpu.memory_space<vmem>>, vector<1x16xf32>,
            %parallel_loop3A_1343 = vector.shape_cast %parallel_loop3A_1342 : vector<1x16xf32> to vector<16xf32>
            %parallel_loop3A_1344 = arith.mulf %parallel_loop3A_1343, %parallel_loop3A_1275 : vector<16xf32>
            %parallel_loop3A_1345 = arith.index_cast %parallel_loop3A_1279 : i32 to index
            %parallel_loop3A_1346 = arith.constant 96 : index
            %parallel_loop3A_1347 = tpu.vector_load %arg11[%parallel_loop3A_1345, %parallel_loop3A_1346] {strides = array<i32>} : memref<128x128xf32, #tpu.memory_space<vmem>>, vector<1x16xf32>,
            %parallel_loop3A_1348 = vector.shape_cast %parallel_loop3A_1347 : vector<1x16xf32> to vector<16xf32>
            %parallel_loop3A_1349 = vector.shape_cast %parallel_loop3A_1344 : vector<16xf32> to vector<1x16xf32>
            tpu.vector_store %arg11[%parallel_loop3A_1345, %parallel_loop3A_1346], %parallel_loop3A_1349 {strides = array<i32>} : memref<128x128xf32, #tpu.memory_space<vmem>>, vector<1x16xf32>,
            %parallel_loop3A_1350 = arith.index_cast %parallel_loop3A_1279 : i32 to index
            %parallel_loop3A_1351 = arith.constant 112 : index
            %parallel_loop3A_1352 = tpu.vector_load %arg11[%parallel_loop3A_1350, %parallel_loop3A_1351] {strides = array<i32>} : memref<128x128xf32, #tpu.memory_space<vmem>>, vector<1x16xf32>,
            %parallel_loop3A_1353 = vector.shape_cast %parallel_loop3A_1352 : vector<1x16xf32> to vector<16xf32>
            %parallel_loop3A_1354 = arith.mulf %parallel_loop3A_1353, %parallel_loop3A_1275 : vector<16xf32>
            %parallel_loop3A_1355 = arith.index_cast %parallel_loop3A_1279 : i32 to index
            %parallel_loop3A_1356 = arith.constant 112 : index
            %parallel_loop3A_1357 = tpu.vector_load %arg11[%parallel_loop3A_1355, %parallel_loop3A_1356] {strides = array<i32>} : memref<128x128xf32, #tpu.memory_space<vmem>>, vector<1x16xf32>,
            %parallel_loop3A_1358 = vector.shape_cast %parallel_loop3A_1357 : vector<1x16xf32> to vector<16xf32>
            %parallel_loop3A_1359 = vector.shape_cast %parallel_loop3A_1354 : vector<16xf32> to vector<1x16xf32>
            tpu.vector_store %arg11[%parallel_loop3A_1355, %parallel_loop3A_1356], %parallel_loop3A_1359 {strides = array<i32>} : memref<128x128xf32, #tpu.memory_space<vmem>>, vector<1x16xf32>,
            %parallel_loop3A_1360 = vector.extract_strided_slice %parallel_loop3A_141 {offsets = [14], sizes = [1], strides = [1]} : vector<16xf32> to vector<1xf32>
            %parallel_loop3A_1361 = vector.extract %parallel_loop3A_1360[0] : f32 from vector<1xf32>
            %parallel_loop3A_1362 = vector.broadcast %parallel_loop3A_1361 : f32 to vector<16xf32>
            %parallel_loop3A_1363 = arith.constant 16 : i32
            %parallel_loop3A_1364 = arith.muli %parallel_loop3A_135, %parallel_loop3A_1363 : i32
            %parallel_loop3A_1365 = arith.constant 14 : i32
            %parallel_loop3A_1366 = arith.addi %parallel_loop3A_1364, %parallel_loop3A_1365 : i32
            %parallel_loop3A_1367 = arith.index_cast %parallel_loop3A_1366 : i32 to index
            %parallel_loop3A_1368 = arith.constant 0 : index
            %parallel_loop3A_1369 = tpu.vector_load %arg11[%parallel_loop3A_1367, %parallel_loop3A_1368] {strides = array<i32>} : memref<128x128xf32, #tpu.memory_space<vmem>>, vector<1x16xf32>,
            %parallel_loop3A_1370 = vector.shape_cast %parallel_loop3A_1369 : vector<1x16xf32> to vector<16xf32>
            %parallel_loop3A_1371 = arith.mulf %parallel_loop3A_1370, %parallel_loop3A_1362 : vector<16xf32>
            %parallel_loop3A_1372 = arith.index_cast %parallel_loop3A_1366 : i32 to index
            %parallel_loop3A_1373 = arith.constant 0 : index
            %parallel_loop3A_1374 = tpu.vector_load %arg11[%parallel_loop3A_1372, %parallel_loop3A_1373] {strides = array<i32>} : memref<128x128xf32, #tpu.memory_space<vmem>>, vector<1x16xf32>,
            %parallel_loop3A_1375 = vector.shape_cast %parallel_loop3A_1374 : vector<1x16xf32> to vector<16xf32>
            %parallel_loop3A_1376 = vector.shape_cast %parallel_loop3A_1371 : vector<16xf32> to vector<1x16xf32>
            tpu.vector_store %arg11[%parallel_loop3A_1372, %parallel_loop3A_1373], %parallel_loop3A_1376 {strides = array<i32>} : memref<128x128xf32, #tpu.memory_space<vmem>>, vector<1x16xf32>,
            %parallel_loop3A_1377 = arith.index_cast %parallel_loop3A_1366 : i32 to index
            %parallel_loop3A_1378 = arith.constant 16 : index
            %parallel_loop3A_1379 = tpu.vector_load %arg11[%parallel_loop3A_1377, %parallel_loop3A_1378] {strides = array<i32>} : memref<128x128xf32, #tpu.memory_space<vmem>>, vector<1x16xf32>,
            %parallel_loop3A_1380 = vector.shape_cast %parallel_loop3A_1379 : vector<1x16xf32> to vector<16xf32>
            %parallel_loop3A_1381 = arith.mulf %parallel_loop3A_1380, %parallel_loop3A_1362 : vector<16xf32>
            %parallel_loop3A_1382 = arith.index_cast %parallel_loop3A_1366 : i32 to index
            %parallel_loop3A_1383 = arith.constant 16 : index
            %parallel_loop3A_1384 = tpu.vector_load %arg11[%parallel_loop3A_1382, %parallel_loop3A_1383] {strides = array<i32>} : memref<128x128xf32, #tpu.memory_space<vmem>>, vector<1x16xf32>,
            %parallel_loop3A_1385 = vector.shape_cast %parallel_loop3A_1384 : vector<1x16xf32> to vector<16xf32>
            %parallel_loop3A_1386 = vector.shape_cast %parallel_loop3A_1381 : vector<16xf32> to vector<1x16xf32>
            tpu.vector_store %arg11[%parallel_loop3A_1382, %parallel_loop3A_1383], %parallel_loop3A_1386 {strides = array<i32>} : memref<128x128xf32, #tpu.memory_space<vmem>>, vector<1x16xf32>,
            %parallel_loop3A_1387 = arith.index_cast %parallel_loop3A_1366 : i32 to index
            %parallel_loop3A_1388 = arith.constant 32 : index
            %parallel_loop3A_1389 = tpu.vector_load %arg11[%parallel_loop3A_1387, %parallel_loop3A_1388] {strides = array<i32>} : memref<128x128xf32, #tpu.memory_space<vmem>>, vector<1x16xf32>,
            %parallel_loop3A_1390 = vector.shape_cast %parallel_loop3A_1389 : vector<1x16xf32> to vector<16xf32>
            %parallel_loop3A_1391 = arith.mulf %parallel_loop3A_1390, %parallel_loop3A_1362 : vector<16xf32>
            %parallel_loop3A_1392 = arith.index_cast %parallel_loop3A_1366 : i32 to index
            %parallel_loop3A_1393 = arith.constant 32 : index
            %parallel_loop3A_1394 = tpu.vector_load %arg11[%parallel_loop3A_1392, %parallel_loop3A_1393] {strides = array<i32>} : memref<128x128xf32, #tpu.memory_space<vmem>>, vector<1x16xf32>,
            %parallel_loop3A_1395 = vector.shape_cast %parallel_loop3A_1394 : vector<1x16xf32> to vector<16xf32>
            %parallel_loop3A_1396 = vector.shape_cast %parallel_loop3A_1391 : vector<16xf32> to vector<1x16xf32>
            tpu.vector_store %arg11[%parallel_loop3A_1392, %parallel_loop3A_1393], %parallel_loop3A_1396 {strides = array<i32>} : memref<128x128xf32, #tpu.memory_space<vmem>>, vector<1x16xf32>,
            %parallel_loop3A_1397 = arith.index_cast %parallel_loop3A_1366 : i32 to index
            %parallel_loop3A_1398 = arith.constant 48 : index
            %parallel_loop3A_1399 = tpu.vector_load %arg11[%parallel_loop3A_1397, %parallel_loop3A_1398] {strides = array<i32>} : memref<128x128xf32, #tpu.memory_space<vmem>>, vector<1x16xf32>,
            %parallel_loop3A_1400 = vector.shape_cast %parallel_loop3A_1399 : vector<1x16xf32> to vector<16xf32>
            %parallel_loop3A_1401 = arith.mulf %parallel_loop3A_1400, %parallel_loop3A_1362 : vector<16xf32>
            %parallel_loop3A_1402 = arith.index_cast %parallel_loop3A_1366 : i32 to index
            %parallel_loop3A_1403 = arith.constant 48 : index
            %parallel_loop3A_1404 = tpu.vector_load %arg11[%parallel_loop3A_1402, %parallel_loop3A_1403] {strides = array<i32>} : memref<128x128xf32, #tpu.memory_space<vmem>>, vector<1x16xf32>,
            %parallel_loop3A_1405 = vector.shape_cast %parallel_loop3A_1404 : vector<1x16xf32> to vector<16xf32>
            %parallel_loop3A_1406 = vector.shape_cast %parallel_loop3A_1401 : vector<16xf32> to vector<1x16xf32>
            tpu.vector_store %arg11[%parallel_loop3A_1402, %parallel_loop3A_1403], %parallel_loop3A_1406 {strides = array<i32>} : memref<128x128xf32, #tpu.memory_space<vmem>>, vector<1x16xf32>,
            %parallel_loop3A_1407 = arith.index_cast %parallel_loop3A_1366 : i32 to index
            %parallel_loop3A_1408 = arith.constant 64 : index
            %parallel_loop3A_1409 = tpu.vector_load %arg11[%parallel_loop3A_1407, %parallel_loop3A_1408] {strides = array<i32>} : memref<128x128xf32, #tpu.memory_space<vmem>>, vector<1x16xf32>,
            %parallel_loop3A_1410 = vector.shape_cast %parallel_loop3A_1409 : vector<1x16xf32> to vector<16xf32>
            %parallel_loop3A_1411 = arith.mulf %parallel_loop3A_1410, %parallel_loop3A_1362 : vector<16xf32>
            %parallel_loop3A_1412 = arith.index_cast %parallel_loop3A_1366 : i32 to index
            %parallel_loop3A_1413 = arith.constant 64 : index
            %parallel_loop3A_1414 = tpu.vector_load %arg11[%parallel_loop3A_1412, %parallel_loop3A_1413] {strides = array<i32>} : memref<128x128xf32, #tpu.memory_space<vmem>>, vector<1x16xf32>,
            %parallel_loop3A_1415 = vector.shape_cast %parallel_loop3A_1414 : vector<1x16xf32> to vector<16xf32>
            %parallel_loop3A_1416 = vector.shape_cast %parallel_loop3A_1411 : vector<16xf32> to vector<1x16xf32>
            tpu.vector_store %arg11[%parallel_loop3A_1412, %parallel_loop3A_1413], %parallel_loop3A_1416 {strides = array<i32>} : memref<128x128xf32, #tpu.memory_space<vmem>>, vector<1x16xf32>,
            %parallel_loop3A_1417 = arith.index_cast %parallel_loop3A_1366 : i32 to index
            %parallel_loop3A_1418 = arith.constant 80 : index
            %parallel_loop3A_1419 = tpu.vector_load %arg11[%parallel_loop3A_1417, %parallel_loop3A_1418] {strides = array<i32>} : memref<128x128xf32, #tpu.memory_space<vmem>>, vector<1x16xf32>,
            %parallel_loop3A_1420 = vector.shape_cast %parallel_loop3A_1419 : vector<1x16xf32> to vector<16xf32>
            %parallel_loop3A_1421 = arith.mulf %parallel_loop3A_1420, %parallel_loop3A_1362 : vector<16xf32>
            %parallel_loop3A_1422 = arith.index_cast %parallel_loop3A_1366 : i32 to index
            %parallel_loop3A_1423 = arith.constant 80 : index
            %parallel_loop3A_1424 = tpu.vector_load %arg11[%parallel_loop3A_1422, %parallel_loop3A_1423] {strides = array<i32>} : memref<128x128xf32, #tpu.memory_space<vmem>>, vector<1x16xf32>,
            %parallel_loop3A_1425 = vector.shape_cast %parallel_loop3A_1424 : vector<1x16xf32> to vector<16xf32>
            %parallel_loop3A_1426 = vector.shape_cast %parallel_loop3A_1421 : vector<16xf32> to vector<1x16xf32>
            tpu.vector_store %arg11[%parallel_loop3A_1422, %parallel_loop3A_1423], %parallel_loop3A_1426 {strides = array<i32>} : memref<128x128xf32, #tpu.memory_space<vmem>>, vector<1x16xf32>,
            %parallel_loop3A_1427 = arith.index_cast %parallel_loop3A_1366 : i32 to index
            %parallel_loop3A_1428 = arith.constant 96 : index
            %parallel_loop3A_1429 = tpu.vector_load %arg11[%parallel_loop3A_1427, %parallel_loop3A_1428] {strides = array<i32>} : memref<128x128xf32, #tpu.memory_space<vmem>>, vector<1x16xf32>,
            %parallel_loop3A_1430 = vector.shape_cast %parallel_loop3A_1429 : vector<1x16xf32> to vector<16xf32>
            %parallel_loop3A_1431 = arith.mulf %parallel_loop3A_1430, %parallel_loop3A_1362 : vector<16xf32>
            %parallel_loop3A_1432 = arith.index_cast %parallel_loop3A_1366 : i32 to index
            %parallel_loop3A_1433 = arith.constant 96 : index
            %parallel_loop3A_1434 = tpu.vector_load %arg11[%parallel_loop3A_1432, %parallel_loop3A_1433] {strides = array<i32>} : memref<128x128xf32, #tpu.memory_space<vmem>>, vector<1x16xf32>,
            %parallel_loop3A_1435 = vector.shape_cast %parallel_loop3A_1434 : vector<1x16xf32> to vector<16xf32>
            %parallel_loop3A_1436 = vector.shape_cast %parallel_loop3A_1431 : vector<16xf32> to vector<1x16xf32>
            tpu.vector_store %arg11[%parallel_loop3A_1432, %parallel_loop3A_1433], %parallel_loop3A_1436 {strides = array<i32>} : memref<128x128xf32, #tpu.memory_space<vmem>>, vector<1x16xf32>,
            %parallel_loop3A_1437 = arith.index_cast %parallel_loop3A_1366 : i32 to index
            %parallel_loop3A_1438 = arith.constant 112 : index
            %parallel_loop3A_1439 = tpu.vector_load %arg11[%parallel_loop3A_1437, %parallel_loop3A_1438] {strides = array<i32>} : memref<128x128xf32, #tpu.memory_space<vmem>>, vector<1x16xf32>,
            %parallel_loop3A_1440 = vector.shape_cast %parallel_loop3A_1439 : vector<1x16xf32> to vector<16xf32>
            %parallel_loop3A_1441 = arith.mulf %parallel_loop3A_1440, %parallel_loop3A_1362 : vector<16xf32>
            %parallel_loop3A_1442 = arith.index_cast %parallel_loop3A_1366 : i32 to index
            %parallel_loop3A_1443 = arith.constant 112 : index
            %parallel_loop3A_1444 = tpu.vector_load %arg11[%parallel_loop3A_1442, %parallel_loop3A_1443] {strides = array<i32>} : memref<128x128xf32, #tpu.memory_space<vmem>>, vector<1x16xf32>,
            %parallel_loop3A_1445 = vector.shape_cast %parallel_loop3A_1444 : vector<1x16xf32> to vector<16xf32>
            %parallel_loop3A_1446 = vector.shape_cast %parallel_loop3A_1441 : vector<16xf32> to vector<1x16xf32>
            tpu.vector_store %arg11[%parallel_loop3A_1442, %parallel_loop3A_1443], %parallel_loop3A_1446 {strides = array<i32>} : memref<128x128xf32, #tpu.memory_space<vmem>>, vector<1x16xf32>,
            %parallel_loop3A_1447 = vector.extract_strided_slice %parallel_loop3A_141 {offsets = [15], sizes = [1], strides = [1]} : vector<16xf32> to vector<1xf32>
            %parallel_loop3A_1448 = vector.extract %parallel_loop3A_1447[0] : f32 from vector<1xf32>
            %parallel_loop3A_1449 = vector.broadcast %parallel_loop3A_1448 : f32 to vector<16xf32>
            %parallel_loop3A_1450 = arith.constant 16 : i32
            %parallel_loop3A_1451 = arith.muli %parallel_loop3A_135, %parallel_loop3A_1450 : i32
            %parallel_loop3A_1452 = arith.constant 15 : i32
            %parallel_loop3A_1453 = arith.addi %parallel_loop3A_1451, %parallel_loop3A_1452 : i32
            %parallel_loop3A_1454 = arith.index_cast %parallel_loop3A_1453 : i32 to index
            %parallel_loop3A_1455 = arith.constant 0 : index
            %parallel_loop3A_1456 = tpu.vector_load %arg11[%parallel_loop3A_1454, %parallel_loop3A_1455] {strides = array<i32>} : memref<128x128xf32, #tpu.memory_space<vmem>>, vector<1x16xf32>,
            %parallel_loop3A_1457 = vector.shape_cast %parallel_loop3A_1456 : vector<1x16xf32> to vector<16xf32>
            %parallel_loop3A_1458 = arith.mulf %parallel_loop3A_1457, %parallel_loop3A_1449 : vector<16xf32>
            %parallel_loop3A_1459 = arith.index_cast %parallel_loop3A_1453 : i32 to index
            %parallel_loop3A_1460 = arith.constant 0 : index
            %parallel_loop3A_1461 = tpu.vector_load %arg11[%parallel_loop3A_1459, %parallel_loop3A_1460] {strides = array<i32>} : memref<128x128xf32, #tpu.memory_space<vmem>>, vector<1x16xf32>,
            %parallel_loop3A_1462 = vector.shape_cast %parallel_loop3A_1461 : vector<1x16xf32> to vector<16xf32>
            %parallel_loop3A_1463 = vector.shape_cast %parallel_loop3A_1458 : vector<16xf32> to vector<1x16xf32>
            tpu.vector_store %arg11[%parallel_loop3A_1459, %parallel_loop3A_1460], %parallel_loop3A_1463 {strides = array<i32>} : memref<128x128xf32, #tpu.memory_space<vmem>>, vector<1x16xf32>,
            %parallel_loop3A_1464 = arith.index_cast %parallel_loop3A_1453 : i32 to index
            %parallel_loop3A_1465 = arith.constant 16 : index
            %parallel_loop3A_1466 = tpu.vector_load %arg11[%parallel_loop3A_1464, %parallel_loop3A_1465] {strides = array<i32>} : memref<128x128xf32, #tpu.memory_space<vmem>>, vector<1x16xf32>,
            %parallel_loop3A_1467 = vector.shape_cast %parallel_loop3A_1466 : vector<1x16xf32> to vector<16xf32>
            %parallel_loop3A_1468 = arith.mulf %parallel_loop3A_1467, %parallel_loop3A_1449 : vector<16xf32>
            %parallel_loop3A_1469 = arith.index_cast %parallel_loop3A_1453 : i32 to index
            %parallel_loop3A_1470 = arith.constant 16 : index
            %parallel_loop3A_1471 = tpu.vector_load %arg11[%parallel_loop3A_1469, %parallel_loop3A_1470] {strides = array<i32>} : memref<128x128xf32, #tpu.memory_space<vmem>>, vector<1x16xf32>,
            %parallel_loop3A_1472 = vector.shape_cast %parallel_loop3A_1471 : vector<1x16xf32> to vector<16xf32>
            %parallel_loop3A_1473 = vector.shape_cast %parallel_loop3A_1468 : vector<16xf32> to vector<1x16xf32>
            tpu.vector_store %arg11[%parallel_loop3A_1469, %parallel_loop3A_1470], %parallel_loop3A_1473 {strides = array<i32>} : memref<128x128xf32, #tpu.memory_space<vmem>>, vector<1x16xf32>,
            %parallel_loop3A_1474 = arith.index_cast %parallel_loop3A_1453 : i32 to index
            %parallel_loop3A_1475 = arith.constant 32 : index
            %parallel_loop3A_1476 = tpu.vector_load %arg11[%parallel_loop3A_1474, %parallel_loop3A_1475] {strides = array<i32>} : memref<128x128xf32, #tpu.memory_space<vmem>>, vector<1x16xf32>,
            %parallel_loop3A_1477 = vector.shape_cast %parallel_loop3A_1476 : vector<1x16xf32> to vector<16xf32>
            %parallel_loop3A_1478 = arith.mulf %parallel_loop3A_1477, %parallel_loop3A_1449 : vector<16xf32>
            %parallel_loop3A_1479 = arith.index_cast %parallel_loop3A_1453 : i32 to index
            %parallel_loop3A_1480 = arith.constant 32 : index
            %parallel_loop3A_1481 = tpu.vector_load %arg11[%parallel_loop3A_1479, %parallel_loop3A_1480] {strides = array<i32>} : memref<128x128xf32, #tpu.memory_space<vmem>>, vector<1x16xf32>,
            %parallel_loop3A_1482 = vector.shape_cast %parallel_loop3A_1481 : vector<1x16xf32> to vector<16xf32>
            %parallel_loop3A_1483 = vector.shape_cast %parallel_loop3A_1478 : vector<16xf32> to vector<1x16xf32>
            tpu.vector_store %arg11[%parallel_loop3A_1479, %parallel_loop3A_1480], %parallel_loop3A_1483 {strides = array<i32>} : memref<128x128xf32, #tpu.memory_space<vmem>>, vector<1x16xf32>,
            %parallel_loop3A_1484 = arith.index_cast %parallel_loop3A_1453 : i32 to index
            %parallel_loop3A_1485 = arith.constant 48 : index
            %parallel_loop3A_1486 = tpu.vector_load %arg11[%parallel_loop3A_1484, %parallel_loop3A_1485] {strides = array<i32>} : memref<128x128xf32, #tpu.memory_space<vmem>>, vector<1x16xf32>,
            %parallel_loop3A_1487 = vector.shape_cast %parallel_loop3A_1486 : vector<1x16xf32> to vector<16xf32>
            %parallel_loop3A_1488 = arith.mulf %parallel_loop3A_1487, %parallel_loop3A_1449 : vector<16xf32>
            %parallel_loop3A_1489 = arith.index_cast %parallel_loop3A_1453 : i32 to index
            %parallel_loop3A_1490 = arith.constant 48 : index
            %parallel_loop3A_1491 = tpu.vector_load %arg11[%parallel_loop3A_1489, %parallel_loop3A_1490] {strides = array<i32>} : memref<128x128xf32, #tpu.memory_space<vmem>>, vector<1x16xf32>,
            %parallel_loop3A_1492 = vector.shape_cast %parallel_loop3A_1491 : vector<1x16xf32> to vector<16xf32>
            %parallel_loop3A_1493 = vector.shape_cast %parallel_loop3A_1488 : vector<16xf32> to vector<1x16xf32>
            tpu.vector_store %arg11[%parallel_loop3A_1489, %parallel_loop3A_1490], %parallel_loop3A_1493 {strides = array<i32>} : memref<128x128xf32, #tpu.memory_space<vmem>>, vector<1x16xf32>,
            %parallel_loop3A_1494 = arith.index_cast %parallel_loop3A_1453 : i32 to index
            %parallel_loop3A_1495 = arith.constant 64 : index
            %parallel_loop3A_1496 = tpu.vector_load %arg11[%parallel_loop3A_1494, %parallel_loop3A_1495] {strides = array<i32>} : memref<128x128xf32, #tpu.memory_space<vmem>>, vector<1x16xf32>,
            %parallel_loop3A_1497 = vector.shape_cast %parallel_loop3A_1496 : vector<1x16xf32> to vector<16xf32>
            %parallel_loop3A_1498 = arith.mulf %parallel_loop3A_1497, %parallel_loop3A_1449 : vector<16xf32>
            %parallel_loop3A_1499 = arith.index_cast %parallel_loop3A_1453 : i32 to index
            %parallel_loop3A_1500 = arith.constant 64 : index
            %parallel_loop3A_1501 = tpu.vector_load %arg11[%parallel_loop3A_1499, %parallel_loop3A_1500] {strides = array<i32>} : memref<128x128xf32, #tpu.memory_space<vmem>>, vector<1x16xf32>,
            %parallel_loop3A_1502 = vector.shape_cast %parallel_loop3A_1501 : vector<1x16xf32> to vector<16xf32>
            %parallel_loop3A_1503 = vector.shape_cast %parallel_loop3A_1498 : vector<16xf32> to vector<1x16xf32>
            tpu.vector_store %arg11[%parallel_loop3A_1499, %parallel_loop3A_1500], %parallel_loop3A_1503 {strides = array<i32>} : memref<128x128xf32, #tpu.memory_space<vmem>>, vector<1x16xf32>,
            %parallel_loop3A_1504 = arith.index_cast %parallel_loop3A_1453 : i32 to index
            %parallel_loop3A_1505 = arith.constant 80 : index
            %parallel_loop3A_1506 = tpu.vector_load %arg11[%parallel_loop3A_1504, %parallel_loop3A_1505] {strides = array<i32>} : memref<128x128xf32, #tpu.memory_space<vmem>>, vector<1x16xf32>,
            %parallel_loop3A_1507 = vector.shape_cast %parallel_loop3A_1506 : vector<1x16xf32> to vector<16xf32>
            %parallel_loop3A_1508 = arith.mulf %parallel_loop3A_1507, %parallel_loop3A_1449 : vector<16xf32>
            %parallel_loop3A_1509 = arith.index_cast %parallel_loop3A_1453 : i32 to index
            %parallel_loop3A_1510 = arith.constant 80 : index
            %parallel_loop3A_1511 = tpu.vector_load %arg11[%parallel_loop3A_1509, %parallel_loop3A_1510] {strides = array<i32>} : memref<128x128xf32, #tpu.memory_space<vmem>>, vector<1x16xf32>,
            %parallel_loop3A_1512 = vector.shape_cast %parallel_loop3A_1511 : vector<1x16xf32> to vector<16xf32>
            %parallel_loop3A_1513 = vector.shape_cast %parallel_loop3A_1508 : vector<16xf32> to vector<1x16xf32>
            tpu.vector_store %arg11[%parallel_loop3A_1509, %parallel_loop3A_1510], %parallel_loop3A_1513 {strides = array<i32>} : memref<128x128xf32, #tpu.memory_space<vmem>>, vector<1x16xf32>,
            %parallel_loop3A_1514 = arith.index_cast %parallel_loop3A_1453 : i32 to index
            %parallel_loop3A_1515 = arith.constant 96 : index
            %parallel_loop3A_1516 = tpu.vector_load %arg11[%parallel_loop3A_1514, %parallel_loop3A_1515] {strides = array<i32>} : memref<128x128xf32, #tpu.memory_space<vmem>>, vector<1x16xf32>,
            %parallel_loop3A_1517 = vector.shape_cast %parallel_loop3A_1516 : vector<1x16xf32> to vector<16xf32>
            %parallel_loop3A_1518 = arith.mulf %parallel_loop3A_1517, %parallel_loop3A_1449 : vector<16xf32>
            %parallel_loop3A_1519 = arith.index_cast %parallel_loop3A_1453 : i32 to index
            %parallel_loop3A_1520 = arith.constant 96 : index
            %parallel_loop3A_1521 = tpu.vector_load %arg11[%parallel_loop3A_1519, %parallel_loop3A_1520] {strides = array<i32>} : memref<128x128xf32, #tpu.memory_space<vmem>>, vector<1x16xf32>,
            %parallel_loop3A_1522 = vector.shape_cast %parallel_loop3A_1521 : vector<1x16xf32> to vector<16xf32>
            %parallel_loop3A_1523 = vector.shape_cast %parallel_loop3A_1518 : vector<16xf32> to vector<1x16xf32>
            tpu.vector_store %arg11[%parallel_loop3A_1519, %parallel_loop3A_1520], %parallel_loop3A_1523 {strides = array<i32>} : memref<128x128xf32, #tpu.memory_space<vmem>>, vector<1x16xf32>,
            %parallel_loop3A_1524 = arith.index_cast %parallel_loop3A_1453 : i32 to index
            %parallel_loop3A_1525 = arith.constant 112 : index
            %parallel_loop3A_1526 = tpu.vector_load %arg11[%parallel_loop3A_1524, %parallel_loop3A_1525] {strides = array<i32>} : memref<128x128xf32, #tpu.memory_space<vmem>>, vector<1x16xf32>,
            %parallel_loop3A_1527 = vector.shape_cast %parallel_loop3A_1526 : vector<1x16xf32> to vector<16xf32>
            %parallel_loop3A_1528 = arith.mulf %parallel_loop3A_1527, %parallel_loop3A_1449 : vector<16xf32>
            %parallel_loop3A_1529 = arith.index_cast %parallel_loop3A_1453 : i32 to index
            %parallel_loop3A_1530 = arith.constant 112 : index
            %parallel_loop3A_1531 = tpu.vector_load %arg11[%parallel_loop3A_1529, %parallel_loop3A_1530] {strides = array<i32>} : memref<128x128xf32, #tpu.memory_space<vmem>>, vector<1x16xf32>,
            %parallel_loop3A_1532 = vector.shape_cast %parallel_loop3A_1531 : vector<1x16xf32> to vector<16xf32>
            %parallel_loop3A_1533 = vector.shape_cast %parallel_loop3A_1528 : vector<16xf32> to vector<1x16xf32>
            tpu.vector_store %arg11[%parallel_loop3A_1529, %parallel_loop3A_1530], %parallel_loop3A_1533 {strides = array<i32>} : memref<128x128xf32, #tpu.memory_space<vmem>>, vector<1x16xf32>,
          } {sc.loop_unroll_factor = 2 : i64, sc.parallel_access}
          "tpu.region"() ({
            %run_scoped3A = tpu.sem_alloc : memref<!tpu.dma_semaphore, #tpu.memory_space<semaphore_mem>>
            %dma_start3A_135 = arith.constant 0 : i32
            %dma_start3A_136 = tpu.memref_slice %arg9[%add3A_84, %dma_start3A_135] : memref<32x128xi32, #tpu.memory_space<vmem>> -> memref<1x128xi32, #tpu.memory_space<vmem>>
            %dma_start3A_137 = tpu.memref_squeeze %dma_start3A_136 : memref<1x128xi32, #tpu.memory_space<vmem>> -> memref<128xi32, #tpu.memory_space<vmem>>
            %dma_start3A_138 = arith.constant 0 : i32
            %dma_start3A_139 = arith.constant 0 : i32
            %dma_start3A_140 = tpu.memref_slice %arg7[%dma_start3A_138, %dma_start3A_139] : memref<10000x128xf32, #tpu.memory_space<vmem_shared>> -> memref<10000x128xf32, #tpu.memory_space<vmem_shared>>
            tpu.enqueue_indirect_dma source(%arg11 : memref<128x128xf32, #tpu.memory_space<vmem>>) target(%dma_start3A_140 : memref<10000x128xf32, #tpu.memory_space<vmem_shared>>) offsets(%dma_start3A_137 : memref<128xi32, #tpu.memory_space<vmem>>) semaphore(%run_scoped3A : memref<!tpu.dma_semaphore, #tpu.memory_space<semaphore_mem>>) {add = true}
            %dma_wait3A_141 = arith.constant 0 : i32
            %dma_wait3A_142 = tpu.memref_slice %arg9[%add3A_84, %dma_wait3A_141] : memref<32x128xi32, #tpu.memory_space<vmem>> -> memref<1x128xi32, #tpu.memory_space<vmem>>
            %dma_wait3A_143 = tpu.memref_squeeze %dma_wait3A_142 : memref<1x128xi32, #tpu.memory_space<vmem>> -> memref<128xi32, #tpu.memory_space<vmem>>
            %dma_wait3A_144 = arith.constant 0 : i32
            %dma_wait3A_145 = arith.constant 0 : i32
            %dma_wait3A_146 = tpu.memref_slice %arg7[%dma_wait3A_144, %dma_wait3A_145] : memref<10000x128xf32, #tpu.memory_space<vmem_shared>> -> memref<10000x128xf32, #tpu.memory_space<vmem_shared>>
            tpu.wait_indirect_dma semaphore(%run_scoped3A : memref<!tpu.dma_semaphore, #tpu.memory_space<semaphore_mem>>) src(%arg11 : memref<128x128xf32, #tpu.memory_space<vmem>>) dst(%dma_wait3A_146 : memref<10000x128xf32, #tpu.memory_space<vmem_shared>>)
            tpu.yield
          }) : () -> ()
        } else {
        }
        %jit3A_99 = arith.constant 2 : i32
        %eq3A_100 = arith.constant 0 : i32
        %eq3A_101 = arith.cmpi eq, %jit3A_99, %eq3A_100 : i32
        %jit3A_102 = arith.constant 1 : i32
        %select_n3A_103 = arith.select %eq3A_101, %jit3A_102, %jit3A_99 : i32
        %rem3A_104 = arith.remsi %add3A_84, %select_n3A_103 : i32
        %ne3A_105 = arith.constant 0 : i32
        %ne3A_106 = arith.cmpi ne, %rem3A_104, %ne3A_105 : i32
        %lt3A_107 = arith.constant 0 : i32
        %lt3A_108 = arith.cmpi slt, %rem3A_104, %lt3A_107 : i32
        %lt3A_109 = arith.constant 0 : i32
        %lt3A_110 = arith.cmpi slt, %select_n3A_103, %lt3A_109 : i32
        %ne3A_111 = arith.xori %lt3A_108, %lt3A_110 : i1
        %and3A_112 = arith.andi %ne3A_111, %ne3A_106 : i1
        %add3A_113 = arith.addi %rem3A_104, %select_n3A_103 : i32
        %select_n3A_114 = arith.select %and3A_112, %add3A_113, %rem3A_104 : i32
        %eq3A_115 = arith.constant 1 : i32
        %eq3A_116 = arith.cmpi eq, %select_n3A_114, %eq3A_115 : i32
        %convert_element_type3A_117 = arith.extui %eq3A_116 : i1 to i32
        %cond3A_118 = arith.constant 0 : i32
        %cond3A_119 = arith.cmpi ne, %convert_element_type3A_117, %cond3A_118 : i32
        scf.if %cond3A_119 {
          %add3A_120 = arith.constant 1 : i32
          %add3A_121 = arith.addi %add3A_84, %add3A_120 : i32
          %lt3A_122 = arith.constant 32 : i32
          %lt3A_123 = arith.cmpi slt, %add3A_121, %lt3A_122 : i32
          %convert_element_type3A_124 = arith.extui %lt3A_123 : i1 to i32
          %cond3A_125 = arith.constant 0 : i32
          %cond3A_126 = arith.cmpi ne, %convert_element_type3A_124, %cond3A_125 : i32
          scf.if %cond3A_126 {
            %add3A_135 = arith.constant 1 : i32
            %add3A_136 = arith.addi %add3A_84, %add3A_135 : i32
            %dma_start3A_137 = arith.constant 0 : i32
            %dma_start3A_138 = tpu.memref_slice %arg8[%add3A_136, %dma_start3A_137] : memref<32x128xi32, #tpu.memory_space<vmem>> -> memref<1x128xi32, #tpu.memory_space<vmem>>
            %dma_start3A_139 = tpu.memref_squeeze %dma_start3A_138 : memref<1x128xi32, #tpu.memory_space<vmem>> -> memref<128xi32, #tpu.memory_space<vmem>>
            %dma_start3A_140 = arith.constant 0 : i32
            %dma_start3A_141 = arith.constant 0 : i32
            %dma_start3A_142 = tpu.memref_slice %arg5[%dma_start3A_140, %dma_start3A_141] : memref<10000x128xf32, #tpu.memory_space<hbm>> -> memref<10000x128xf32, #tpu.memory_space<hbm>>
            tpu.enqueue_indirect_dma source(%dma_start3A_142 : memref<10000x128xf32, #tpu.memory_space<hbm>>) target(%arg11 : memref<128x128xf32, #tpu.memory_space<vmem>>) offsets(%dma_start3A_139 : memref<128xi32, #tpu.memory_space<vmem>>) semaphore(%arg14 : memref<!tpu.dma_semaphore, #tpu.memory_space<semaphore_mem>>)
          } else {
          }
          %dma_wait3A_127 = arith.constant 0 : i32
          %dma_wait3A_128 = tpu.memref_slice %arg8[%add3A_84, %dma_wait3A_127] : memref<32x128xi32, #tpu.memory_space<vmem>> -> memref<1x128xi32, #tpu.memory_space<vmem>>
          %dma_wait3A_129 = tpu.memref_squeeze %dma_wait3A_128 : memref<1x128xi32, #tpu.memory_space<vmem>> -> memref<128xi32, #tpu.memory_space<vmem>>
          %dma_wait3A_130 = arith.constant 0 : i32
          %dma_wait3A_131 = arith.constant 0 : i32
          %dma_wait3A_132 = tpu.memref_slice %arg5[%dma_wait3A_130, %dma_wait3A_131] : memref<10000x128xf32, #tpu.memory_space<hbm>> -> memref<10000x128xf32, #tpu.memory_space<hbm>>
          tpu.wait_indirect_dma semaphore(%arg15 : memref<!tpu.dma_semaphore, #tpu.memory_space<semaphore_mem>>) src(%dma_wait3A_132 : memref<10000x128xf32, #tpu.memory_space<hbm>>) dst(%arg12 : memref<128x128xf32, #tpu.memory_space<vmem>>)
          %parallel_loop3A = arith.constant 0 : i32
          %parallel_loop3A_133 = arith.constant 8 : i32
          %parallel_loop3A_134 = arith.constant 1 : i32
          scf.for %parallel_loop3A_135 = %parallel_loop3A to %parallel_loop3A_133 step %parallel_loop3A_134  : i32 {
            %parallel_loop3A_136 = arith.constant 16 : i32
            %parallel_loop3A_137 = arith.muli %parallel_loop3A_135, %parallel_loop3A_136 : i32
            %parallel_loop3A_138 = arith.index_cast %add3A_84 : i32 to index
            %parallel_loop3A_139 = arith.index_cast %parallel_loop3A_137 : i32 to index
            %parallel_loop3A_140 = tpu.vector_load %arg10[%parallel_loop3A_138, %parallel_loop3A_139] {strides = array<i32>} : memref<32x128xf32, #tpu.memory_space<vmem>>, vector<1x16xf32>,
            %parallel_loop3A_141 = vector.shape_cast %parallel_loop3A_140 : vector<1x16xf32> to vector<16xf32>
            %parallel_loop3A_142 = vector.extract_strided_slice %parallel_loop3A_141 {offsets = [0], sizes = [1], strides = [1]} : vector<16xf32> to vector<1xf32>
            %parallel_loop3A_143 = vector.extract %parallel_loop3A_142[0] : f32 from vector<1xf32>
            %parallel_loop3A_144 = vector.broadcast %parallel_loop3A_143 : f32 to vector<16xf32>
            %parallel_loop3A_145 = arith.constant 16 : i32
            %parallel_loop3A_146 = arith.muli %parallel_loop3A_135, %parallel_loop3A_145 : i32
            %parallel_loop3A_147 = arith.constant 0 : i32
            %parallel_loop3A_148 = arith.addi %parallel_loop3A_146, %parallel_loop3A_147 : i32
            %parallel_loop3A_149 = arith.index_cast %parallel_loop3A_148 : i32 to index
            %parallel_loop3A_150 = arith.constant 0 : index
            %parallel_loop3A_151 = tpu.vector_load %arg12[%parallel_loop3A_149, %parallel_loop3A_150] {strides = array<i32>} : memref<128x128xf32, #tpu.memory_space<vmem>>, vector<1x16xf32>,
            %parallel_loop3A_152 = vector.shape_cast %parallel_loop3A_151 : vector<1x16xf32> to vector<16xf32>
            %parallel_loop3A_153 = arith.mulf %parallel_loop3A_152, %parallel_loop3A_144 : vector<16xf32>
            %parallel_loop3A_154 = arith.index_cast %parallel_loop3A_148 : i32 to index
            %parallel_loop3A_155 = arith.constant 0 : index
            %parallel_loop3A_156 = tpu.vector_load %arg12[%parallel_loop3A_154, %parallel_loop3A_155] {strides = array<i32>} : memref<128x128xf32, #tpu.memory_space<vmem>>, vector<1x16xf32>,
            %parallel_loop3A_157 = vector.shape_cast %parallel_loop3A_156 : vector<1x16xf32> to vector<16xf32>
            %parallel_loop3A_158 = vector.shape_cast %parallel_loop3A_153 : vector<16xf32> to vector<1x16xf32>
            tpu.vector_store %arg12[%parallel_loop3A_154, %parallel_loop3A_155], %parallel_loop3A_158 {strides = array<i32>} : memref<128x128xf32, #tpu.memory_space<vmem>>, vector<1x16xf32>,
            %parallel_loop3A_159 = arith.index_cast %parallel_loop3A_148 : i32 to index
            %parallel_loop3A_160 = arith.constant 16 : index
            %parallel_loop3A_161 = tpu.vector_load %arg12[%parallel_loop3A_159, %parallel_loop3A_160] {strides = array<i32>} : memref<128x128xf32, #tpu.memory_space<vmem>>, vector<1x16xf32>,
            %parallel_loop3A_162 = vector.shape_cast %parallel_loop3A_161 : vector<1x16xf32> to vector<16xf32>
            %parallel_loop3A_163 = arith.mulf %parallel_loop3A_162, %parallel_loop3A_144 : vector<16xf32>
            %parallel_loop3A_164 = arith.index_cast %parallel_loop3A_148 : i32 to index
            %parallel_loop3A_165 = arith.constant 16 : index
            %parallel_loop3A_166 = tpu.vector_load %arg12[%parallel_loop3A_164, %parallel_loop3A_165] {strides = array<i32>} : memref<128x128xf32, #tpu.memory_space<vmem>>, vector<1x16xf32>,
            %parallel_loop3A_167 = vector.shape_cast %parallel_loop3A_166 : vector<1x16xf32> to vector<16xf32>
            %parallel_loop3A_168 = vector.shape_cast %parallel_loop3A_163 : vector<16xf32> to vector<1x16xf32>
            tpu.vector_store %arg12[%parallel_loop3A_164, %parallel_loop3A_165], %parallel_loop3A_168 {strides = array<i32>} : memref<128x128xf32, #tpu.memory_space<vmem>>, vector<1x16xf32>,
            %parallel_loop3A_169 = arith.index_cast %parallel_loop3A_148 : i32 to index
            %parallel_loop3A_170 = arith.constant 32 : index
            %parallel_loop3A_171 = tpu.vector_load %arg12[%parallel_loop3A_169, %parallel_loop3A_170] {strides = array<i32>} : memref<128x128xf32, #tpu.memory_space<vmem>>, vector<1x16xf32>,
            %parallel_loop3A_172 = vector.shape_cast %parallel_loop3A_171 : vector<1x16xf32> to vector<16xf32>
            %parallel_loop3A_173 = arith.mulf %parallel_loop3A_172, %parallel_loop3A_144 : vector<16xf32>
            %parallel_loop3A_174 = arith.index_cast %parallel_loop3A_148 : i32 to index
            %parallel_loop3A_175 = arith.constant 32 : index
            %parallel_loop3A_176 = tpu.vector_load %arg12[%parallel_loop3A_174, %parallel_loop3A_175] {strides = array<i32>} : memref<128x128xf32, #tpu.memory_space<vmem>>, vector<1x16xf32>,
            %parallel_loop3A_177 = vector.shape_cast %parallel_loop3A_176 : vector<1x16xf32> to vector<16xf32>
            %parallel_loop3A_178 = vector.shape_cast %parallel_loop3A_173 : vector<16xf32> to vector<1x16xf32>
            tpu.vector_store %arg12[%parallel_loop3A_174, %parallel_loop3A_175], %parallel_loop3A_178 {strides = array<i32>} : memref<128x128xf32, #tpu.memory_space<vmem>>, vector<1x16xf32>,
            %parallel_loop3A_179 = arith.index_cast %parallel_loop3A_148 : i32 to index
            %parallel_loop3A_180 = arith.constant 48 : index
            %parallel_loop3A_181 = tpu.vector_load %arg12[%parallel_loop3A_179, %parallel_loop3A_180] {strides = array<i32>} : memref<128x128xf32, #tpu.memory_space<vmem>>, vector<1x16xf32>,
            %parallel_loop3A_182 = vector.shape_cast %parallel_loop3A_181 : vector<1x16xf32> to vector<16xf32>
            %parallel_loop3A_183 = arith.mulf %parallel_loop3A_182, %parallel_loop3A_144 : vector<16xf32>
            %parallel_loop3A_184 = arith.index_cast %parallel_loop3A_148 : i32 to index
            %parallel_loop3A_185 = arith.constant 48 : index
            %parallel_loop3A_186 = tpu.vector_load %arg12[%parallel_loop3A_184, %parallel_loop3A_185] {strides = array<i32>} : memref<128x128xf32, #tpu.memory_space<vmem>>, vector<1x16xf32>,
            %parallel_loop3A_187 = vector.shape_cast %parallel_loop3A_186 : vector<1x16xf32> to vector<16xf32>
            %parallel_loop3A_188 = vector.shape_cast %parallel_loop3A_183 : vector<16xf32> to vector<1x16xf32>
            tpu.vector_store %arg12[%parallel_loop3A_184, %parallel_loop3A_185], %parallel_loop3A_188 {strides = array<i32>} : memref<128x128xf32, #tpu.memory_space<vmem>>, vector<1x16xf32>,
            %parallel_loop3A_189 = arith.index_cast %parallel_loop3A_148 : i32 to index
            %parallel_loop3A_190 = arith.constant 64 : index
            %parallel_loop3A_191 = tpu.vector_load %arg12[%parallel_loop3A_189, %parallel_loop3A_190] {strides = array<i32>} : memref<128x128xf32, #tpu.memory_space<vmem>>, vector<1x16xf32>,
            %parallel_loop3A_192 = vector.shape_cast %parallel_loop3A_191 : vector<1x16xf32> to vector<16xf32>
            %parallel_loop3A_193 = arith.mulf %parallel_loop3A_192, %parallel_loop3A_144 : vector<16xf32>
            %parallel_loop3A_194 = arith.index_cast %parallel_loop3A_148 : i32 to index
            %parallel_loop3A_195 = arith.constant 64 : index
            %parallel_loop3A_196 = tpu.vector_load %arg12[%parallel_loop3A_194, %parallel_loop3A_195] {strides = array<i32>} : memref<128x128xf32, #tpu.memory_space<vmem>>, vector<1x16xf32>,
            %parallel_loop3A_197 = vector.shape_cast %parallel_loop3A_196 : vector<1x16xf32> to vector<16xf32>
            %parallel_loop3A_198 = vector.shape_cast %parallel_loop3A_193 : vector<16xf32> to vector<1x16xf32>
            tpu.vector_store %arg12[%parallel_loop3A_194, %parallel_loop3A_195], %parallel_loop3A_198 {strides = array<i32>} : memref<128x128xf32, #tpu.memory_space<vmem>>, vector<1x16xf32>,
            %parallel_loop3A_199 = arith.index_cast %parallel_loop3A_148 : i32 to index
            %parallel_loop3A_200 = arith.constant 80 : index
            %parallel_loop3A_201 = tpu.vector_load %arg12[%parallel_loop3A_199, %parallel_loop3A_200] {strides = array<i32>} : memref<128x128xf32, #tpu.memory_space<vmem>>, vector<1x16xf32>,
            %parallel_loop3A_202 = vector.shape_cast %parallel_loop3A_201 : vector<1x16xf32> to vector<16xf32>
            %parallel_loop3A_203 = arith.mulf %parallel_loop3A_202, %parallel_loop3A_144 : vector<16xf32>
            %parallel_loop3A_204 = arith.index_cast %parallel_loop3A_148 : i32 to index
            %parallel_loop3A_205 = arith.constant 80 : index
            %parallel_loop3A_206 = tpu.vector_load %arg12[%parallel_loop3A_204, %parallel_loop3A_205] {strides = array<i32>} : memref<128x128xf32, #tpu.memory_space<vmem>>, vector<1x16xf32>,
            %parallel_loop3A_207 = vector.shape_cast %parallel_loop3A_206 : vector<1x16xf32> to vector<16xf32>
            %parallel_loop3A_208 = vector.shape_cast %parallel_loop3A_203 : vector<16xf32> to vector<1x16xf32>
            tpu.vector_store %arg12[%parallel_loop3A_204, %parallel_loop3A_205], %parallel_loop3A_208 {strides = array<i32>} : memref<128x128xf32, #tpu.memory_space<vmem>>, vector<1x16xf32>,
            %parallel_loop3A_209 = arith.index_cast %parallel_loop3A_148 : i32 to index
            %parallel_loop3A_210 = arith.constant 96 : index
            %parallel_loop3A_211 = tpu.vector_load %arg12[%parallel_loop3A_209, %parallel_loop3A_210] {strides = array<i32>} : memref<128x128xf32, #tpu.memory_space<vmem>>, vector<1x16xf32>,
            %parallel_loop3A_212 = vector.shape_cast %parallel_loop3A_211 : vector<1x16xf32> to vector<16xf32>
            %parallel_loop3A_213 = arith.mulf %parallel_loop3A_212, %parallel_loop3A_144 : vector<16xf32>
            %parallel_loop3A_214 = arith.index_cast %parallel_loop3A_148 : i32 to index
            %parallel_loop3A_215 = arith.constant 96 : index
            %parallel_loop3A_216 = tpu.vector_load %arg12[%parallel_loop3A_214, %parallel_loop3A_215] {strides = array<i32>} : memref<128x128xf32, #tpu.memory_space<vmem>>, vector<1x16xf32>,
            %parallel_loop3A_217 = vector.shape_cast %parallel_loop3A_216 : vector<1x16xf32> to vector<16xf32>
            %parallel_loop3A_218 = vector.shape_cast %parallel_loop3A_213 : vector<16xf32> to vector<1x16xf32>
            tpu.vector_store %arg12[%parallel_loop3A_214, %parallel_loop3A_215], %parallel_loop3A_218 {strides = array<i32>} : memref<128x128xf32, #tpu.memory_space<vmem>>, vector<1x16xf32>,
            %parallel_loop3A_219 = arith.index_cast %parallel_loop3A_148 : i32 to index
            %parallel_loop3A_220 = arith.constant 112 : index
            %parallel_loop3A_221 = tpu.vector_load %arg12[%parallel_loop3A_219, %parallel_loop3A_220] {strides = array<i32>} : memref<128x128xf32, #tpu.memory_space<vmem>>, vector<1x16xf32>,
            %parallel_loop3A_222 = vector.shape_cast %parallel_loop3A_221 : vector<1x16xf32> to vector<16xf32>
            %parallel_loop3A_223 = arith.mulf %parallel_loop3A_222, %parallel_loop3A_144 : vector<16xf32>
            %parallel_loop3A_224 = arith.index_cast %parallel_loop3A_148 : i32 to index
            %parallel_loop3A_225 = arith.constant 112 : index
            %parallel_loop3A_226 = tpu.vector_load %arg12[%parallel_loop3A_224, %parallel_loop3A_225] {strides = array<i32>} : memref<128x128xf32, #tpu.memory_space<vmem>>, vector<1x16xf32>,
            %parallel_loop3A_227 = vector.shape_cast %parallel_loop3A_226 : vector<1x16xf32> to vector<16xf32>
            %parallel_loop3A_228 = vector.shape_cast %parallel_loop3A_223 : vector<16xf32> to vector<1x16xf32>
            tpu.vector_store %arg12[%parallel_loop3A_224, %parallel_loop3A_225], %parallel_loop3A_228 {strides = array<i32>} : memref<128x128xf32, #tpu.memory_space<vmem>>, vector<1x16xf32>,
            %parallel_loop3A_229 = vector.extract_strided_slice %parallel_loop3A_141 {offsets = [1], sizes = [1], strides = [1]} : vector<16xf32> to vector<1xf32>
            %parallel_loop3A_230 = vector.extract %parallel_loop3A_229[0] : f32 from vector<1xf32>
            %parallel_loop3A_231 = vector.broadcast %parallel_loop3A_230 : f32 to vector<16xf32>
            %parallel_loop3A_232 = arith.constant 16 : i32
            %parallel_loop3A_233 = arith.muli %parallel_loop3A_135, %parallel_loop3A_232 : i32
            %parallel_loop3A_234 = arith.constant 1 : i32
            %parallel_loop3A_235 = arith.addi %parallel_loop3A_233, %parallel_loop3A_234 : i32
            %parallel_loop3A_236 = arith.index_cast %parallel_loop3A_235 : i32 to index
            %parallel_loop3A_237 = arith.constant 0 : index
            %parallel_loop3A_238 = tpu.vector_load %arg12[%parallel_loop3A_236, %parallel_loop3A_237] {strides = array<i32>} : memref<128x128xf32, #tpu.memory_space<vmem>>, vector<1x16xf32>,
            %parallel_loop3A_239 = vector.shape_cast %parallel_loop3A_238 : vector<1x16xf32> to vector<16xf32>
            %parallel_loop3A_240 = arith.mulf %parallel_loop3A_239, %parallel_loop3A_231 : vector<16xf32>
            %parallel_loop3A_241 = arith.index_cast %parallel_loop3A_235 : i32 to index
            %parallel_loop3A_242 = arith.constant 0 : index
            %parallel_loop3A_243 = tpu.vector_load %arg12[%parallel_loop3A_241, %parallel_loop3A_242] {strides = array<i32>} : memref<128x128xf32, #tpu.memory_space<vmem>>, vector<1x16xf32>,
            %parallel_loop3A_244 = vector.shape_cast %parallel_loop3A_243 : vector<1x16xf32> to vector<16xf32>
            %parallel_loop3A_245 = vector.shape_cast %parallel_loop3A_240 : vector<16xf32> to vector<1x16xf32>
            tpu.vector_store %arg12[%parallel_loop3A_241, %parallel_loop3A_242], %parallel_loop3A_245 {strides = array<i32>} : memref<128x128xf32, #tpu.memory_space<vmem>>, vector<1x16xf32>,
            %parallel_loop3A_246 = arith.index_cast %parallel_loop3A_235 : i32 to index
            %parallel_loop3A_247 = arith.constant 16 : index
            %parallel_loop3A_248 = tpu.vector_load %arg12[%parallel_loop3A_246, %parallel_loop3A_247] {strides = array<i32>} : memref<128x128xf32, #tpu.memory_space<vmem>>, vector<1x16xf32>,
            %parallel_loop3A_249 = vector.shape_cast %parallel_loop3A_248 : vector<1x16xf32> to vector<16xf32>
            %parallel_loop3A_250 = arith.mulf %parallel_loop3A_249, %parallel_loop3A_231 : vector<16xf32>
            %parallel_loop3A_251 = arith.index_cast %parallel_loop3A_235 : i32 to index
            %parallel_loop3A_252 = arith.constant 16 : index
            %parallel_loop3A_253 = tpu.vector_load %arg12[%parallel_loop3A_251, %parallel_loop3A_252] {strides = array<i32>} : memref<128x128xf32, #tpu.memory_space<vmem>>, vector<1x16xf32>,
            %parallel_loop3A_254 = vector.shape_cast %parallel_loop3A_253 : vector<1x16xf32> to vector<16xf32>
            %parallel_loop3A_255 = vector.shape_cast %parallel_loop3A_250 : vector<16xf32> to vector<1x16xf32>
            tpu.vector_store %arg12[%parallel_loop3A_251, %parallel_loop3A_252], %parallel_loop3A_255 {strides = array<i32>} : memref<128x128xf32, #tpu.memory_space<vmem>>, vector<1x16xf32>,
            %parallel_loop3A_256 = arith.index_cast %parallel_loop3A_235 : i32 to index
            %parallel_loop3A_257 = arith.constant 32 : index
            %parallel_loop3A_258 = tpu.vector_load %arg12[%parallel_loop3A_256, %parallel_loop3A_257] {strides = array<i32>} : memref<128x128xf32, #tpu.memory_space<vmem>>, vector<1x16xf32>,
            %parallel_loop3A_259 = vector.shape_cast %parallel_loop3A_258 : vector<1x16xf32> to vector<16xf32>
            %parallel_loop3A_260 = arith.mulf %parallel_loop3A_259, %parallel_loop3A_231 : vector<16xf32>
            %parallel_loop3A_261 = arith.index_cast %parallel_loop3A_235 : i32 to index
            %parallel_loop3A_262 = arith.constant 32 : index
            %parallel_loop3A_263 = tpu.vector_load %arg12[%parallel_loop3A_261, %parallel_loop3A_262] {strides = array<i32>} : memref<128x128xf32, #tpu.memory_space<vmem>>, vector<1x16xf32>,
            %parallel_loop3A_264 = vector.shape_cast %parallel_loop3A_263 : vector<1x16xf32> to vector<16xf32>
            %parallel_loop3A_265 = vector.shape_cast %parallel_loop3A_260 : vector<16xf32> to vector<1x16xf32>
            tpu.vector_store %arg12[%parallel_loop3A_261, %parallel_loop3A_262], %parallel_loop3A_265 {strides = array<i32>} : memref<128x128xf32, #tpu.memory_space<vmem>>, vector<1x16xf32>,
            %parallel_loop3A_266 = arith.index_cast %parallel_loop3A_235 : i32 to index
            %parallel_loop3A_267 = arith.constant 48 : index
            %parallel_loop3A_268 = tpu.vector_load %arg12[%parallel_loop3A_266, %parallel_loop3A_267] {strides = array<i32>} : memref<128x128xf32, #tpu.memory_space<vmem>>, vector<1x16xf32>,
            %parallel_loop3A_269 = vector.shape_cast %parallel_loop3A_268 : vector<1x16xf32> to vector<16xf32>
            %parallel_loop3A_270 = arith.mulf %parallel_loop3A_269, %parallel_loop3A_231 : vector<16xf32>
            %parallel_loop3A_271 = arith.index_cast %parallel_loop3A_235 : i32 to index
            %parallel_loop3A_272 = arith.constant 48 : index
            %parallel_loop3A_273 = tpu.vector_load %arg12[%parallel_loop3A_271, %parallel_loop3A_272] {strides = array<i32>} : memref<128x128xf32, #tpu.memory_space<vmem>>, vector<1x16xf32>,
            %parallel_loop3A_274 = vector.shape_cast %parallel_loop3A_273 : vector<1x16xf32> to vector<16xf32>
            %parallel_loop3A_275 = vector.shape_cast %parallel_loop3A_270 : vector<16xf32> to vector<1x16xf32>
            tpu.vector_store %arg12[%parallel_loop3A_271, %parallel_loop3A_272], %parallel_loop3A_275 {strides = array<i32>} : memref<128x128xf32, #tpu.memory_space<vmem>>, vector<1x16xf32>,
            %parallel_loop3A_276 = arith.index_cast %parallel_loop3A_235 : i32 to index
            %parallel_loop3A_277 = arith.constant 64 : index
            %parallel_loop3A_278 = tpu.vector_load %arg12[%parallel_loop3A_276, %parallel_loop3A_277] {strides = array<i32>} : memref<128x128xf32, #tpu.memory_space<vmem>>, vector<1x16xf32>,
            %parallel_loop3A_279 = vector.shape_cast %parallel_loop3A_278 : vector<1x16xf32> to vector<16xf32>
            %parallel_loop3A_280 = arith.mulf %parallel_loop3A_279, %parallel_loop3A_231 : vector<16xf32>
            %parallel_loop3A_281 = arith.index_cast %parallel_loop3A_235 : i32 to index
            %parallel_loop3A_282 = arith.constant 64 : index
            %parallel_loop3A_283 = tpu.vector_load %arg12[%parallel_loop3A_281, %parallel_loop3A_282] {strides = array<i32>} : memref<128x128xf32, #tpu.memory_space<vmem>>, vector<1x16xf32>,
            %parallel_loop3A_284 = vector.shape_cast %parallel_loop3A_283 : vector<1x16xf32> to vector<16xf32>
            %parallel_loop3A_285 = vector.shape_cast %parallel_loop3A_280 : vector<16xf32> to vector<1x16xf32>
            tpu.vector_store %arg12[%parallel_loop3A_281, %parallel_loop3A_282], %parallel_loop3A_285 {strides = array<i32>} : memref<128x128xf32, #tpu.memory_space<vmem>>, vector<1x16xf32>,
            %parallel_loop3A_286 = arith.index_cast %parallel_loop3A_235 : i32 to index
            %parallel_loop3A_287 = arith.constant 80 : index
            %parallel_loop3A_288 = tpu.vector_load %arg12[%parallel_loop3A_286, %parallel_loop3A_287] {strides = array<i32>} : memref<128x128xf32, #tpu.memory_space<vmem>>, vector<1x16xf32>,
            %parallel_loop3A_289 = vector.shape_cast %parallel_loop3A_288 : vector<1x16xf32> to vector<16xf32>
            %parallel_loop3A_290 = arith.mulf %parallel_loop3A_289, %parallel_loop3A_231 : vector<16xf32>
            %parallel_loop3A_291 = arith.index_cast %parallel_loop3A_235 : i32 to index
            %parallel_loop3A_292 = arith.constant 80 : index
            %parallel_loop3A_293 = tpu.vector_load %arg12[%parallel_loop3A_291, %parallel_loop3A_292] {strides = array<i32>} : memref<128x128xf32, #tpu.memory_space<vmem>>, vector<1x16xf32>,
            %parallel_loop3A_294 = vector.shape_cast %parallel_loop3A_293 : vector<1x16xf32> to vector<16xf32>
            %parallel_loop3A_295 = vector.shape_cast %parallel_loop3A_290 : vector<16xf32> to vector<1x16xf32>
            tpu.vector_store %arg12[%parallel_loop3A_291, %parallel_loop3A_292], %parallel_loop3A_295 {strides = array<i32>} : memref<128x128xf32, #tpu.memory_space<vmem>>, vector<1x16xf32>,
            %parallel_loop3A_296 = arith.index_cast %parallel_loop3A_235 : i32 to index
            %parallel_loop3A_297 = arith.constant 96 : index
            %parallel_loop3A_298 = tpu.vector_load %arg12[%parallel_loop3A_296, %parallel_loop3A_297] {strides = array<i32>} : memref<128x128xf32, #tpu.memory_space<vmem>>, vector<1x16xf32>,
            %parallel_loop3A_299 = vector.shape_cast %parallel_loop3A_298 : vector<1x16xf32> to vector<16xf32>
            %parallel_loop3A_300 = arith.mulf %parallel_loop3A_299, %parallel_loop3A_231 : vector<16xf32>
            %parallel_loop3A_301 = arith.index_cast %parallel_loop3A_235 : i32 to index
            %parallel_loop3A_302 = arith.constant 96 : index
            %parallel_loop3A_303 = tpu.vector_load %arg12[%parallel_loop3A_301, %parallel_loop3A_302] {strides = array<i32>} : memref<128x128xf32, #tpu.memory_space<vmem>>, vector<1x16xf32>,
            %parallel_loop3A_304 = vector.shape_cast %parallel_loop3A_303 : vector<1x16xf32> to vector<16xf32>
            %parallel_loop3A_305 = vector.shape_cast %parallel_loop3A_300 : vector<16xf32> to vector<1x16xf32>
            tpu.vector_store %arg12[%parallel_loop3A_301, %parallel_loop3A_302], %parallel_loop3A_305 {strides = array<i32>} : memref<128x128xf32, #tpu.memory_space<vmem>>, vector<1x16xf32>,
            %parallel_loop3A_306 = arith.index_cast %parallel_loop3A_235 : i32 to index
            %parallel_loop3A_307 = arith.constant 112 : index
            %parallel_loop3A_308 = tpu.vector_load %arg12[%parallel_loop3A_306, %parallel_loop3A_307] {strides = array<i32>} : memref<128x128xf32, #tpu.memory_space<vmem>>, vector<1x16xf32>,
            %parallel_loop3A_309 = vector.shape_cast %parallel_loop3A_308 : vector<1x16xf32> to vector<16xf32>
            %parallel_loop3A_310 = arith.mulf %parallel_loop3A_309, %parallel_loop3A_231 : vector<16xf32>
            %parallel_loop3A_311 = arith.index_cast %parallel_loop3A_235 : i32 to index
            %parallel_loop3A_312 = arith.constant 112 : index
            %parallel_loop3A_313 = tpu.vector_load %arg12[%parallel_loop3A_311, %parallel_loop3A_312] {strides = array<i32>} : memref<128x128xf32, #tpu.memory_space<vmem>>, vector<1x16xf32>,
            %parallel_loop3A_314 = vector.shape_cast %parallel_loop3A_313 : vector<1x16xf32> to vector<16xf32>
            %parallel_loop3A_315 = vector.shape_cast %parallel_loop3A_310 : vector<16xf32> to vector<1x16xf32>
            tpu.vector_store %arg12[%parallel_loop3A_311, %parallel_loop3A_312], %parallel_loop3A_315 {strides = array<i32>} : memref<128x128xf32, #tpu.memory_space<vmem>>, vector<1x16xf32>,
            %parallel_loop3A_316 = vector.extract_strided_slice %parallel_loop3A_141 {offsets = [2], sizes = [1], strides = [1]} : vector<16xf32> to vector<1xf32>
            %parallel_loop3A_317 = vector.extract %parallel_loop3A_316[0] : f32 from vector<1xf32>
            %parallel_loop3A_318 = vector.broadcast %parallel_loop3A_317 : f32 to vector<16xf32>
            %parallel_loop3A_319 = arith.constant 16 : i32
            %parallel_loop3A_320 = arith.muli %parallel_loop3A_135, %parallel_loop3A_319 : i32
            %parallel_loop3A_321 = arith.constant 2 : i32
            %parallel_loop3A_322 = arith.addi %parallel_loop3A_320, %parallel_loop3A_321 : i32
            %parallel_loop3A_323 = arith.index_cast %parallel_loop3A_322 : i32 to index
            %parallel_loop3A_324 = arith.constant 0 : index
            %parallel_loop3A_325 = tpu.vector_load %arg12[%parallel_loop3A_323, %parallel_loop3A_324] {strides = array<i32>} : memref<128x128xf32, #tpu.memory_space<vmem>>, vector<1x16xf32>,
            %parallel_loop3A_326 = vector.shape_cast %parallel_loop3A_325 : vector<1x16xf32> to vector<16xf32>
            %parallel_loop3A_327 = arith.mulf %parallel_loop3A_326, %parallel_loop3A_318 : vector<16xf32>
            %parallel_loop3A_328 = arith.index_cast %parallel_loop3A_322 : i32 to index
            %parallel_loop3A_329 = arith.constant 0 : index
            %parallel_loop3A_330 = tpu.vector_load %arg12[%parallel_loop3A_328, %parallel_loop3A_329] {strides = array<i32>} : memref<128x128xf32, #tpu.memory_space<vmem>>, vector<1x16xf32>,
            %parallel_loop3A_331 = vector.shape_cast %parallel_loop3A_330 : vector<1x16xf32> to vector<16xf32>
            %parallel_loop3A_332 = vector.shape_cast %parallel_loop3A_327 : vector<16xf32> to vector<1x16xf32>
            tpu.vector_store %arg12[%parallel_loop3A_328, %parallel_loop3A_329], %parallel_loop3A_332 {strides = array<i32>} : memref<128x128xf32, #tpu.memory_space<vmem>>, vector<1x16xf32>,
            %parallel_loop3A_333 = arith.index_cast %parallel_loop3A_322 : i32 to index
            %parallel_loop3A_334 = arith.constant 16 : index
            %parallel_loop3A_335 = tpu.vector_load %arg12[%parallel_loop3A_333, %parallel_loop3A_334] {strides = array<i32>} : memref<128x128xf32, #tpu.memory_space<vmem>>, vector<1x16xf32>,
            %parallel_loop3A_336 = vector.shape_cast %parallel_loop3A_335 : vector<1x16xf32> to vector<16xf32>
            %parallel_loop3A_337 = arith.mulf %parallel_loop3A_336, %parallel_loop3A_318 : vector<16xf32>
            %parallel_loop3A_338 = arith.index_cast %parallel_loop3A_322 : i32 to index
            %parallel_loop3A_339 = arith.constant 16 : index
            %parallel_loop3A_340 = tpu.vector_load %arg12[%parallel_loop3A_338, %parallel_loop3A_339] {strides = array<i32>} : memref<128x128xf32, #tpu.memory_space<vmem>>, vector<1x16xf32>,
            %parallel_loop3A_341 = vector.shape_cast %parallel_loop3A_340 : vector<1x16xf32> to vector<16xf32>
            %parallel_loop3A_342 = vector.shape_cast %parallel_loop3A_337 : vector<16xf32> to vector<1x16xf32>
            tpu.vector_store %arg12[%parallel_loop3A_338, %parallel_loop3A_339], %parallel_loop3A_342 {strides = array<i32>} : memref<128x128xf32, #tpu.memory_space<vmem>>, vector<1x16xf32>,
            %parallel_loop3A_343 = arith.index_cast %parallel_loop3A_322 : i32 to index
            %parallel_loop3A_344 = arith.constant 32 : index
            %parallel_loop3A_345 = tpu.vector_load %arg12[%parallel_loop3A_343, %parallel_loop3A_344] {strides = array<i32>} : memref<128x128xf32, #tpu.memory_space<vmem>>, vector<1x16xf32>,
            %parallel_loop3A_346 = vector.shape_cast %parallel_loop3A_345 : vector<1x16xf32> to vector<16xf32>
            %parallel_loop3A_347 = arith.mulf %parallel_loop3A_346, %parallel_loop3A_318 : vector<16xf32>
            %parallel_loop3A_348 = arith.index_cast %parallel_loop3A_322 : i32 to index
            %parallel_loop3A_349 = arith.constant 32 : index
            %parallel_loop3A_350 = tpu.vector_load %arg12[%parallel_loop3A_348, %parallel_loop3A_349] {strides = array<i32>} : memref<128x128xf32, #tpu.memory_space<vmem>>, vector<1x16xf32>,
            %parallel_loop3A_351 = vector.shape_cast %parallel_loop3A_350 : vector<1x16xf32> to vector<16xf32>
            %parallel_loop3A_352 = vector.shape_cast %parallel_loop3A_347 : vector<16xf32> to vector<1x16xf32>
            tpu.vector_store %arg12[%parallel_loop3A_348, %parallel_loop3A_349], %parallel_loop3A_352 {strides = array<i32>} : memref<128x128xf32, #tpu.memory_space<vmem>>, vector<1x16xf32>,
            %parallel_loop3A_353 = arith.index_cast %parallel_loop3A_322 : i32 to index
            %parallel_loop3A_354 = arith.constant 48 : index
            %parallel_loop3A_355 = tpu.vector_load %arg12[%parallel_loop3A_353, %parallel_loop3A_354] {strides = array<i32>} : memref<128x128xf32, #tpu.memory_space<vmem>>, vector<1x16xf32>,
            %parallel_loop3A_356 = vector.shape_cast %parallel_loop3A_355 : vector<1x16xf32> to vector<16xf32>
            %parallel_loop3A_357 = arith.mulf %parallel_loop3A_356, %parallel_loop3A_318 : vector<16xf32>
            %parallel_loop3A_358 = arith.index_cast %parallel_loop3A_322 : i32 to index
            %parallel_loop3A_359 = arith.constant 48 : index
            %parallel_loop3A_360 = tpu.vector_load %arg12[%parallel_loop3A_358, %parallel_loop3A_359] {strides = array<i32>} : memref<128x128xf32, #tpu.memory_space<vmem>>, vector<1x16xf32>,
            %parallel_loop3A_361 = vector.shape_cast %parallel_loop3A_360 : vector<1x16xf32> to vector<16xf32>
            %parallel_loop3A_362 = vector.shape_cast %parallel_loop3A_357 : vector<16xf32> to vector<1x16xf32>
            tpu.vector_store %arg12[%parallel_loop3A_358, %parallel_loop3A_359], %parallel_loop3A_362 {strides = array<i32>} : memref<128x128xf32, #tpu.memory_space<vmem>>, vector<1x16xf32>,
            %parallel_loop3A_363 = arith.index_cast %parallel_loop3A_322 : i32 to index
            %parallel_loop3A_364 = arith.constant 64 : index
            %parallel_loop3A_365 = tpu.vector_load %arg12[%parallel_loop3A_363, %parallel_loop3A_364] {strides = array<i32>} : memref<128x128xf32, #tpu.memory_space<vmem>>, vector<1x16xf32>,
            %parallel_loop3A_366 = vector.shape_cast %parallel_loop3A_365 : vector<1x16xf32> to vector<16xf32>
            %parallel_loop3A_367 = arith.mulf %parallel_loop3A_366, %parallel_loop3A_318 : vector<16xf32>
            %parallel_loop3A_368 = arith.index_cast %parallel_loop3A_322 : i32 to index
            %parallel_loop3A_369 = arith.constant 64 : index
            %parallel_loop3A_370 = tpu.vector_load %arg12[%parallel_loop3A_368, %parallel_loop3A_369] {strides = array<i32>} : memref<128x128xf32, #tpu.memory_space<vmem>>, vector<1x16xf32>,
            %parallel_loop3A_371 = vector.shape_cast %parallel_loop3A_370 : vector<1x16xf32> to vector<16xf32>
            %parallel_loop3A_372 = vector.shape_cast %parallel_loop3A_367 : vector<16xf32> to vector<1x16xf32>
            tpu.vector_store %arg12[%parallel_loop3A_368, %parallel_loop3A_369], %parallel_loop3A_372 {strides = array<i32>} : memref<128x128xf32, #tpu.memory_space<vmem>>, vector<1x16xf32>,
            %parallel_loop3A_373 = arith.index_cast %parallel_loop3A_322 : i32 to index
            %parallel_loop3A_374 = arith.constant 80 : index
            %parallel_loop3A_375 = tpu.vector_load %arg12[%parallel_loop3A_373, %parallel_loop3A_374] {strides = array<i32>} : memref<128x128xf32, #tpu.memory_space<vmem>>, vector<1x16xf32>,
            %parallel_loop3A_376 = vector.shape_cast %parallel_loop3A_375 : vector<1x16xf32> to vector<16xf32>
            %parallel_loop3A_377 = arith.mulf %parallel_loop3A_376, %parallel_loop3A_318 : vector<16xf32>
            %parallel_loop3A_378 = arith.index_cast %parallel_loop3A_322 : i32 to index
            %parallel_loop3A_379 = arith.constant 80 : index
            %parallel_loop3A_380 = tpu.vector_load %arg12[%parallel_loop3A_378, %parallel_loop3A_379] {strides = array<i32>} : memref<128x128xf32, #tpu.memory_space<vmem>>, vector<1x16xf32>,
            %parallel_loop3A_381 = vector.shape_cast %parallel_loop3A_380 : vector<1x16xf32> to vector<16xf32>
            %parallel_loop3A_382 = vector.shape_cast %parallel_loop3A_377 : vector<16xf32> to vector<1x16xf32>
            tpu.vector_store %arg12[%parallel_loop3A_378, %parallel_loop3A_379], %parallel_loop3A_382 {strides = array<i32>} : memref<128x128xf32, #tpu.memory_space<vmem>>, vector<1x16xf32>,
            %parallel_loop3A_383 = arith.index_cast %parallel_loop3A_322 : i32 to index
            %parallel_loop3A_384 = arith.constant 96 : index
            %parallel_loop3A_385 = tpu.vector_load %arg12[%parallel_loop3A_383, %parallel_loop3A_384] {strides = array<i32>} : memref<128x128xf32, #tpu.memory_space<vmem>>, vector<1x16xf32>,
            %parallel_loop3A_386 = vector.shape_cast %parallel_loop3A_385 : vector<1x16xf32> to vector<16xf32>
            %parallel_loop3A_387 = arith.mulf %parallel_loop3A_386, %parallel_loop3A_318 : vector<16xf32>
            %parallel_loop3A_388 = arith.index_cast %parallel_loop3A_322 : i32 to index
            %parallel_loop3A_389 = arith.constant 96 : index
            %parallel_loop3A_390 = tpu.vector_load %arg12[%parallel_loop3A_388, %parallel_loop3A_389] {strides = array<i32>} : memref<128x128xf32, #tpu.memory_space<vmem>>, vector<1x16xf32>,
            %parallel_loop3A_391 = vector.shape_cast %parallel_loop3A_390 : vector<1x16xf32> to vector<16xf32>
            %parallel_loop3A_392 = vector.shape_cast %parallel_loop3A_387 : vector<16xf32> to vector<1x16xf32>
            tpu.vector_store %arg12[%parallel_loop3A_388, %parallel_loop3A_389], %parallel_loop3A_392 {strides = array<i32>} : memref<128x128xf32, #tpu.memory_space<vmem>>, vector<1x16xf32>,
            %parallel_loop3A_393 = arith.index_cast %parallel_loop3A_322 : i32 to index
            %parallel_loop3A_394 = arith.constant 112 : index
            %parallel_loop3A_395 = tpu.vector_load %arg12[%parallel_loop3A_393, %parallel_loop3A_394] {strides = array<i32>} : memref<128x128xf32, #tpu.memory_space<vmem>>, vector<1x16xf32>,
            %parallel_loop3A_396 = vector.shape_cast %parallel_loop3A_395 : vector<1x16xf32> to vector<16xf32>
            %parallel_loop3A_397 = arith.mulf %parallel_loop3A_396, %parallel_loop3A_318 : vector<16xf32>
            %parallel_loop3A_398 = arith.index_cast %parallel_loop3A_322 : i32 to index
            %parallel_loop3A_399 = arith.constant 112 : index
            %parallel_loop3A_400 = tpu.vector_load %arg12[%parallel_loop3A_398, %parallel_loop3A_399] {strides = array<i32>} : memref<128x128xf32, #tpu.memory_space<vmem>>, vector<1x16xf32>,
            %parallel_loop3A_401 = vector.shape_cast %parallel_loop3A_400 : vector<1x16xf32> to vector<16xf32>
            %parallel_loop3A_402 = vector.shape_cast %parallel_loop3A_397 : vector<16xf32> to vector<1x16xf32>
            tpu.vector_store %arg12[%parallel_loop3A_398, %parallel_loop3A_399], %parallel_loop3A_402 {strides = array<i32>} : memref<128x128xf32, #tpu.memory_space<vmem>>, vector<1x16xf32>,
            %parallel_loop3A_403 = vector.extract_strided_slice %parallel_loop3A_141 {offsets = [3], sizes = [1], strides = [1]} : vector<16xf32> to vector<1xf32>
            %parallel_loop3A_404 = vector.extract %parallel_loop3A_403[0] : f32 from vector<1xf32>
            %parallel_loop3A_405 = vector.broadcast %parallel_loop3A_404 : f32 to vector<16xf32>
            %parallel_loop3A_406 = arith.constant 16 : i32
            %parallel_loop3A_407 = arith.muli %parallel_loop3A_135, %parallel_loop3A_406 : i32
            %parallel_loop3A_408 = arith.constant 3 : i32
            %parallel_loop3A_409 = arith.addi %parallel_loop3A_407, %parallel_loop3A_408 : i32
            %parallel_loop3A_410 = arith.index_cast %parallel_loop3A_409 : i32 to index
            %parallel_loop3A_411 = arith.constant 0 : index
            %parallel_loop3A_412 = tpu.vector_load %arg12[%parallel_loop3A_410, %parallel_loop3A_411] {strides = array<i32>} : memref<128x128xf32, #tpu.memory_space<vmem>>, vector<1x16xf32>,
            %parallel_loop3A_413 = vector.shape_cast %parallel_loop3A_412 : vector<1x16xf32> to vector<16xf32>
            %parallel_loop3A_414 = arith.mulf %parallel_loop3A_413, %parallel_loop3A_405 : vector<16xf32>
            %parallel_loop3A_415 = arith.index_cast %parallel_loop3A_409 : i32 to index
            %parallel_loop3A_416 = arith.constant 0 : index
            %parallel_loop3A_417 = tpu.vector_load %arg12[%parallel_loop3A_415, %parallel_loop3A_416] {strides = array<i32>} : memref<128x128xf32, #tpu.memory_space<vmem>>, vector<1x16xf32>,
            %parallel_loop3A_418 = vector.shape_cast %parallel_loop3A_417 : vector<1x16xf32> to vector<16xf32>
            %parallel_loop3A_419 = vector.shape_cast %parallel_loop3A_414 : vector<16xf32> to vector<1x16xf32>
            tpu.vector_store %arg12[%parallel_loop3A_415, %parallel_loop3A_416], %parallel_loop3A_419 {strides = array<i32>} : memref<128x128xf32, #tpu.memory_space<vmem>>, vector<1x16xf32>,
            %parallel_loop3A_420 = arith.index_cast %parallel_loop3A_409 : i32 to index
            %parallel_loop3A_421 = arith.constant 16 : index
            %parallel_loop3A_422 = tpu.vector_load %arg12[%parallel_loop3A_420, %parallel_loop3A_421] {strides = array<i32>} : memref<128x128xf32, #tpu.memory_space<vmem>>, vector<1x16xf32>,
            %parallel_loop3A_423 = vector.shape_cast %parallel_loop3A_422 : vector<1x16xf32> to vector<16xf32>
            %parallel_loop3A_424 = arith.mulf %parallel_loop3A_423, %parallel_loop3A_405 : vector<16xf32>
            %parallel_loop3A_425 = arith.index_cast %parallel_loop3A_409 : i32 to index
            %parallel_loop3A_426 = arith.constant 16 : index
            %parallel_loop3A_427 = tpu.vector_load %arg12[%parallel_loop3A_425, %parallel_loop3A_426] {strides = array<i32>} : memref<128x128xf32, #tpu.memory_space<vmem>>, vector<1x16xf32>,
            %parallel_loop3A_428 = vector.shape_cast %parallel_loop3A_427 : vector<1x16xf32> to vector<16xf32>
            %parallel_loop3A_429 = vector.shape_cast %parallel_loop3A_424 : vector<16xf32> to vector<1x16xf32>
            tpu.vector_store %arg12[%parallel_loop3A_425, %parallel_loop3A_426], %parallel_loop3A_429 {strides = array<i32>} : memref<128x128xf32, #tpu.memory_space<vmem>>, vector<1x16xf32>,
            %parallel_loop3A_430 = arith.index_cast %parallel_loop3A_409 : i32 to index
            %parallel_loop3A_431 = arith.constant 32 : index
            %parallel_loop3A_432 = tpu.vector_load %arg12[%parallel_loop3A_430, %parallel_loop3A_431] {strides = array<i32>} : memref<128x128xf32, #tpu.memory_space<vmem>>, vector<1x16xf32>,
            %parallel_loop3A_433 = vector.shape_cast %parallel_loop3A_432 : vector<1x16xf32> to vector<16xf32>
            %parallel_loop3A_434 = arith.mulf %parallel_loop3A_433, %parallel_loop3A_405 : vector<16xf32>
            %parallel_loop3A_435 = arith.index_cast %parallel_loop3A_409 : i32 to index
            %parallel_loop3A_436 = arith.constant 32 : index
            %parallel_loop3A_437 = tpu.vector_load %arg12[%parallel_loop3A_435, %parallel_loop3A_436] {strides = array<i32>} : memref<128x128xf32, #tpu.memory_space<vmem>>, vector<1x16xf32>,
            %parallel_loop3A_438 = vector.shape_cast %parallel_loop3A_437 : vector<1x16xf32> to vector<16xf32>
            %parallel_loop3A_439 = vector.shape_cast %parallel_loop3A_434 : vector<16xf32> to vector<1x16xf32>
            tpu.vector_store %arg12[%parallel_loop3A_435, %parallel_loop3A_436], %parallel_loop3A_439 {strides = array<i32>} : memref<128x128xf32, #tpu.memory_space<vmem>>, vector<1x16xf32>,
            %parallel_loop3A_440 = arith.index_cast %parallel_loop3A_409 : i32 to index
            %parallel_loop3A_441 = arith.constant 48 : index
            %parallel_loop3A_442 = tpu.vector_load %arg12[%parallel_loop3A_440, %parallel_loop3A_441] {strides = array<i32>} : memref<128x128xf32, #tpu.memory_space<vmem>>, vector<1x16xf32>,
            %parallel_loop3A_443 = vector.shape_cast %parallel_loop3A_442 : vector<1x16xf32> to vector<16xf32>
            %parallel_loop3A_444 = arith.mulf %parallel_loop3A_443, %parallel_loop3A_405 : vector<16xf32>
            %parallel_loop3A_445 = arith.index_cast %parallel_loop3A_409 : i32 to index
            %parallel_loop3A_446 = arith.constant 48 : index
            %parallel_loop3A_447 = tpu.vector_load %arg12[%parallel_loop3A_445, %parallel_loop3A_446] {strides = array<i32>} : memref<128x128xf32, #tpu.memory_space<vmem>>, vector<1x16xf32>,
            %parallel_loop3A_448 = vector.shape_cast %parallel_loop3A_447 : vector<1x16xf32> to vector<16xf32>
            %parallel_loop3A_449 = vector.shape_cast %parallel_loop3A_444 : vector<16xf32> to vector<1x16xf32>
            tpu.vector_store %arg12[%parallel_loop3A_445, %parallel_loop3A_446], %parallel_loop3A_449 {strides = array<i32>} : memref<128x128xf32, #tpu.memory_space<vmem>>, vector<1x16xf32>,
            %parallel_loop3A_450 = arith.index_cast %parallel_loop3A_409 : i32 to index
            %parallel_loop3A_451 = arith.constant 64 : index
            %parallel_loop3A_452 = tpu.vector_load %arg12[%parallel_loop3A_450, %parallel_loop3A_451] {strides = array<i32>} : memref<128x128xf32, #tpu.memory_space<vmem>>, vector<1x16xf32>,
            %parallel_loop3A_453 = vector.shape_cast %parallel_loop3A_452 : vector<1x16xf32> to vector<16xf32>
            %parallel_loop3A_454 = arith.mulf %parallel_loop3A_453, %parallel_loop3A_405 : vector<16xf32>
            %parallel_loop3A_455 = arith.index_cast %parallel_loop3A_409 : i32 to index
            %parallel_loop3A_456 = arith.constant 64 : index
            %parallel_loop3A_457 = tpu.vector_load %arg12[%parallel_loop3A_455, %parallel_loop3A_456] {strides = array<i32>} : memref<128x128xf32, #tpu.memory_space<vmem>>, vector<1x16xf32>,
            %parallel_loop3A_458 = vector.shape_cast %parallel_loop3A_457 : vector<1x16xf32> to vector<16xf32>
            %parallel_loop3A_459 = vector.shape_cast %parallel_loop3A_454 : vector<16xf32> to vector<1x16xf32>
            tpu.vector_store %arg12[%parallel_loop3A_455, %parallel_loop3A_456], %parallel_loop3A_459 {strides = array<i32>} : memref<128x128xf32, #tpu.memory_space<vmem>>, vector<1x16xf32>,
            %parallel_loop3A_460 = arith.index_cast %parallel_loop3A_409 : i32 to index
            %parallel_loop3A_461 = arith.constant 80 : index
            %parallel_loop3A_462 = tpu.vector_load %arg12[%parallel_loop3A_460, %parallel_loop3A_461] {strides = array<i32>} : memref<128x128xf32, #tpu.memory_space<vmem>>, vector<1x16xf32>,
            %parallel_loop3A_463 = vector.shape_cast %parallel_loop3A_462 : vector<1x16xf32> to vector<16xf32>
            %parallel_loop3A_464 = arith.mulf %parallel_loop3A_463, %parallel_loop3A_405 : vector<16xf32>
            %parallel_loop3A_465 = arith.index_cast %parallel_loop3A_409 : i32 to index
            %parallel_loop3A_466 = arith.constant 80 : index
            %parallel_loop3A_467 = tpu.vector_load %arg12[%parallel_loop3A_465, %parallel_loop3A_466] {strides = array<i32>} : memref<128x128xf32, #tpu.memory_space<vmem>>, vector<1x16xf32>,
            %parallel_loop3A_468 = vector.shape_cast %parallel_loop3A_467 : vector<1x16xf32> to vector<16xf32>
            %parallel_loop3A_469 = vector.shape_cast %parallel_loop3A_464 : vector<16xf32> to vector<1x16xf32>
            tpu.vector_store %arg12[%parallel_loop3A_465, %parallel_loop3A_466], %parallel_loop3A_469 {strides = array<i32>} : memref<128x128xf32, #tpu.memory_space<vmem>>, vector<1x16xf32>,
            %parallel_loop3A_470 = arith.index_cast %parallel_loop3A_409 : i32 to index
            %parallel_loop3A_471 = arith.constant 96 : index
            %parallel_loop3A_472 = tpu.vector_load %arg12[%parallel_loop3A_470, %parallel_loop3A_471] {strides = array<i32>} : memref<128x128xf32, #tpu.memory_space<vmem>>, vector<1x16xf32>,
            %parallel_loop3A_473 = vector.shape_cast %parallel_loop3A_472 : vector<1x16xf32> to vector<16xf32>
            %parallel_loop3A_474 = arith.mulf %parallel_loop3A_473, %parallel_loop3A_405 : vector<16xf32>
            %parallel_loop3A_475 = arith.index_cast %parallel_loop3A_409 : i32 to index
            %parallel_loop3A_476 = arith.constant 96 : index
            %parallel_loop3A_477 = tpu.vector_load %arg12[%parallel_loop3A_475, %parallel_loop3A_476] {strides = array<i32>} : memref<128x128xf32, #tpu.memory_space<vmem>>, vector<1x16xf32>,
            %parallel_loop3A_478 = vector.shape_cast %parallel_loop3A_477 : vector<1x16xf32> to vector<16xf32>
            %parallel_loop3A_479 = vector.shape_cast %parallel_loop3A_474 : vector<16xf32> to vector<1x16xf32>
            tpu.vector_store %arg12[%parallel_loop3A_475, %parallel_loop3A_476], %parallel_loop3A_479 {strides = array<i32>} : memref<128x128xf32, #tpu.memory_space<vmem>>, vector<1x16xf32>,
            %parallel_loop3A_480 = arith.index_cast %parallel_loop3A_409 : i32 to index
            %parallel_loop3A_481 = arith.constant 112 : index
            %parallel_loop3A_482 = tpu.vector_load %arg12[%parallel_loop3A_480, %parallel_loop3A_481] {strides = array<i32>} : memref<128x128xf32, #tpu.memory_space<vmem>>, vector<1x16xf32>,
            %parallel_loop3A_483 = vector.shape_cast %parallel_loop3A_482 : vector<1x16xf32> to vector<16xf32>
            %parallel_loop3A_484 = arith.mulf %parallel_loop3A_483, %parallel_loop3A_405 : vector<16xf32>
            %parallel_loop3A_485 = arith.index_cast %parallel_loop3A_409 : i32 to index
            %parallel_loop3A_486 = arith.constant 112 : index
            %parallel_loop3A_487 = tpu.vector_load %arg12[%parallel_loop3A_485, %parallel_loop3A_486] {strides = array<i32>} : memref<128x128xf32, #tpu.memory_space<vmem>>, vector<1x16xf32>,
            %parallel_loop3A_488 = vector.shape_cast %parallel_loop3A_487 : vector<1x16xf32> to vector<16xf32>
            %parallel_loop3A_489 = vector.shape_cast %parallel_loop3A_484 : vector<16xf32> to vector<1x16xf32>
            tpu.vector_store %arg12[%parallel_loop3A_485, %parallel_loop3A_486], %parallel_loop3A_489 {strides = array<i32>} : memref<128x128xf32, #tpu.memory_space<vmem>>, vector<1x16xf32>,
            %parallel_loop3A_490 = vector.extract_strided_slice %parallel_loop3A_141 {offsets = [4], sizes = [1], strides = [1]} : vector<16xf32> to vector<1xf32>
            %parallel_loop3A_491 = vector.extract %parallel_loop3A_490[0] : f32 from vector<1xf32>
            %parallel_loop3A_492 = vector.broadcast %parallel_loop3A_491 : f32 to vector<16xf32>
            %parallel_loop3A_493 = arith.constant 16 : i32
            %parallel_loop3A_494 = arith.muli %parallel_loop3A_135, %parallel_loop3A_493 : i32
            %parallel_loop3A_495 = arith.constant 4 : i32
            %parallel_loop3A_496 = arith.addi %parallel_loop3A_494, %parallel_loop3A_495 : i32
            %parallel_loop3A_497 = arith.index_cast %parallel_loop3A_496 : i32 to index
            %parallel_loop3A_498 = arith.constant 0 : index
            %parallel_loop3A_499 = tpu.vector_load %arg12[%parallel_loop3A_497, %parallel_loop3A_498] {strides = array<i32>} : memref<128x128xf32, #tpu.memory_space<vmem>>, vector<1x16xf32>,
            %parallel_loop3A_500 = vector.shape_cast %parallel_loop3A_499 : vector<1x16xf32> to vector<16xf32>
            %parallel_loop3A_501 = arith.mulf %parallel_loop3A_500, %parallel_loop3A_492 : vector<16xf32>
            %parallel_loop3A_502 = arith.index_cast %parallel_loop3A_496 : i32 to index
            %parallel_loop3A_503 = arith.constant 0 : index
            %parallel_loop3A_504 = tpu.vector_load %arg12[%parallel_loop3A_502, %parallel_loop3A_503] {strides = array<i32>} : memref<128x128xf32, #tpu.memory_space<vmem>>, vector<1x16xf32>,
            %parallel_loop3A_505 = vector.shape_cast %parallel_loop3A_504 : vector<1x16xf32> to vector<16xf32>
            %parallel_loop3A_506 = vector.shape_cast %parallel_loop3A_501 : vector<16xf32> to vector<1x16xf32>
            tpu.vector_store %arg12[%parallel_loop3A_502, %parallel_loop3A_503], %parallel_loop3A_506 {strides = array<i32>} : memref<128x128xf32, #tpu.memory_space<vmem>>, vector<1x16xf32>,
            %parallel_loop3A_507 = arith.index_cast %parallel_loop3A_496 : i32 to index
            %parallel_loop3A_508 = arith.constant 16 : index
            %parallel_loop3A_509 = tpu.vector_load %arg12[%parallel_loop3A_507, %parallel_loop3A_508] {strides = array<i32>} : memref<128x128xf32, #tpu.memory_space<vmem>>, vector<1x16xf32>,
            %parallel_loop3A_510 = vector.shape_cast %parallel_loop3A_509 : vector<1x16xf32> to vector<16xf32>
            %parallel_loop3A_511 = arith.mulf %parallel_loop3A_510, %parallel_loop3A_492 : vector<16xf32>
            %parallel_loop3A_512 = arith.index_cast %parallel_loop3A_496 : i32 to index
            %parallel_loop3A_513 = arith.constant 16 : index
            %parallel_loop3A_514 = tpu.vector_load %arg12[%parallel_loop3A_512, %parallel_loop3A_513] {strides = array<i32>} : memref<128x128xf32, #tpu.memory_space<vmem>>, vector<1x16xf32>,
            %parallel_loop3A_515 = vector.shape_cast %parallel_loop3A_514 : vector<1x16xf32> to vector<16xf32>
            %parallel_loop3A_516 = vector.shape_cast %parallel_loop3A_511 : vector<16xf32> to vector<1x16xf32>
            tpu.vector_store %arg12[%parallel_loop3A_512, %parallel_loop3A_513], %parallel_loop3A_516 {strides = array<i32>} : memref<128x128xf32, #tpu.memory_space<vmem>>, vector<1x16xf32>,
            %parallel_loop3A_517 = arith.index_cast %parallel_loop3A_496 : i32 to index
            %parallel_loop3A_518 = arith.constant 32 : index
            %parallel_loop3A_519 = tpu.vector_load %arg12[%parallel_loop3A_517, %parallel_loop3A_518] {strides = array<i32>} : memref<128x128xf32, #tpu.memory_space<vmem>>, vector<1x16xf32>,
            %parallel_loop3A_520 = vector.shape_cast %parallel_loop3A_519 : vector<1x16xf32> to vector<16xf32>
            %parallel_loop3A_521 = arith.mulf %parallel_loop3A_520, %parallel_loop3A_492 : vector<16xf32>
            %parallel_loop3A_522 = arith.index_cast %parallel_loop3A_496 : i32 to index
            %parallel_loop3A_523 = arith.constant 32 : index
            %parallel_loop3A_524 = tpu.vector_load %arg12[%parallel_loop3A_522, %parallel_loop3A_523] {strides = array<i32>} : memref<128x128xf32, #tpu.memory_space<vmem>>, vector<1x16xf32>,
            %parallel_loop3A_525 = vector.shape_cast %parallel_loop3A_524 : vector<1x16xf32> to vector<16xf32>
            %parallel_loop3A_526 = vector.shape_cast %parallel_loop3A_521 : vector<16xf32> to vector<1x16xf32>
            tpu.vector_store %arg12[%parallel_loop3A_522, %parallel_loop3A_523], %parallel_loop3A_526 {strides = array<i32>} : memref<128x128xf32, #tpu.memory_space<vmem>>, vector<1x16xf32>,
            %parallel_loop3A_527 = arith.index_cast %parallel_loop3A_496 : i32 to index
            %parallel_loop3A_528 = arith.constant 48 : index
            %parallel_loop3A_529 = tpu.vector_load %arg12[%parallel_loop3A_527, %parallel_loop3A_528] {strides = array<i32>} : memref<128x128xf32, #tpu.memory_space<vmem>>, vector<1x16xf32>,
            %parallel_loop3A_530 = vector.shape_cast %parallel_loop3A_529 : vector<1x16xf32> to vector<16xf32>
            %parallel_loop3A_531 = arith.mulf %parallel_loop3A_530, %parallel_loop3A_492 : vector<16xf32>
            %parallel_loop3A_532 = arith.index_cast %parallel_loop3A_496 : i32 to index
            %parallel_loop3A_533 = arith.constant 48 : index
            %parallel_loop3A_534 = tpu.vector_load %arg12[%parallel_loop3A_532, %parallel_loop3A_533] {strides = array<i32>} : memref<128x128xf32, #tpu.memory_space<vmem>>, vector<1x16xf32>,
            %parallel_loop3A_535 = vector.shape_cast %parallel_loop3A_534 : vector<1x16xf32> to vector<16xf32>
            %parallel_loop3A_536 = vector.shape_cast %parallel_loop3A_531 : vector<16xf32> to vector<1x16xf32>
            tpu.vector_store %arg12[%parallel_loop3A_532, %parallel_loop3A_533], %parallel_loop3A_536 {strides = array<i32>} : memref<128x128xf32, #tpu.memory_space<vmem>>, vector<1x16xf32>,
            %parallel_loop3A_537 = arith.index_cast %parallel_loop3A_496 : i32 to index
            %parallel_loop3A_538 = arith.constant 64 : index
            %parallel_loop3A_539 = tpu.vector_load %arg12[%parallel_loop3A_537, %parallel_loop3A_538] {strides = array<i32>} : memref<128x128xf32, #tpu.memory_space<vmem>>, vector<1x16xf32>,
            %parallel_loop3A_540 = vector.shape_cast %parallel_loop3A_539 : vector<1x16xf32> to vector<16xf32>
            %parallel_loop3A_541 = arith.mulf %parallel_loop3A_540, %parallel_loop3A_492 : vector<16xf32>
            %parallel_loop3A_542 = arith.index_cast %parallel_loop3A_496 : i32 to index
            %parallel_loop3A_543 = arith.constant 64 : index
            %parallel_loop3A_544 = tpu.vector_load %arg12[%parallel_loop3A_542, %parallel_loop3A_543] {strides = array<i32>} : memref<128x128xf32, #tpu.memory_space<vmem>>, vector<1x16xf32>,
            %parallel_loop3A_545 = vector.shape_cast %parallel_loop3A_544 : vector<1x16xf32> to vector<16xf32>
            %parallel_loop3A_546 = vector.shape_cast %parallel_loop3A_541 : vector<16xf32> to vector<1x16xf32>
            tpu.vector_store %arg12[%parallel_loop3A_542, %parallel_loop3A_543], %parallel_loop3A_546 {strides = array<i32>} : memref<128x128xf32, #tpu.memory_space<vmem>>, vector<1x16xf32>,
            %parallel_loop3A_547 = arith.index_cast %parallel_loop3A_496 : i32 to index
            %parallel_loop3A_548 = arith.constant 80 : index
            %parallel_loop3A_549 = tpu.vector_load %arg12[%parallel_loop3A_547, %parallel_loop3A_548] {strides = array<i32>} : memref<128x128xf32, #tpu.memory_space<vmem>>, vector<1x16xf32>,
            %parallel_loop3A_550 = vector.shape_cast %parallel_loop3A_549 : vector<1x16xf32> to vector<16xf32>
            %parallel_loop3A_551 = arith.mulf %parallel_loop3A_550, %parallel_loop3A_492 : vector<16xf32>
            %parallel_loop3A_552 = arith.index_cast %parallel_loop3A_496 : i32 to index
            %parallel_loop3A_553 = arith.constant 80 : index
            %parallel_loop3A_554 = tpu.vector_load %arg12[%parallel_loop3A_552, %parallel_loop3A_553] {strides = array<i32>} : memref<128x128xf32, #tpu.memory_space<vmem>>, vector<1x16xf32>,
            %parallel_loop3A_555 = vector.shape_cast %parallel_loop3A_554 : vector<1x16xf32> to vector<16xf32>
            %parallel_loop3A_556 = vector.shape_cast %parallel_loop3A_551 : vector<16xf32> to vector<1x16xf32>
            tpu.vector_store %arg12[%parallel_loop3A_552, %parallel_loop3A_553], %parallel_loop3A_556 {strides = array<i32>} : memref<128x128xf32, #tpu.memory_space<vmem>>, vector<1x16xf32>,
            %parallel_loop3A_557 = arith.index_cast %parallel_loop3A_496 : i32 to index
            %parallel_loop3A_558 = arith.constant 96 : index
            %parallel_loop3A_559 = tpu.vector_load %arg12[%parallel_loop3A_557, %parallel_loop3A_558] {strides = array<i32>} : memref<128x128xf32, #tpu.memory_space<vmem>>, vector<1x16xf32>,
            %parallel_loop3A_560 = vector.shape_cast %parallel_loop3A_559 : vector<1x16xf32> to vector<16xf32>
            %parallel_loop3A_561 = arith.mulf %parallel_loop3A_560, %parallel_loop3A_492 : vector<16xf32>
            %parallel_loop3A_562 = arith.index_cast %parallel_loop3A_496 : i32 to index
            %parallel_loop3A_563 = arith.constant 96 : index
            %parallel_loop3A_564 = tpu.vector_load %arg12[%parallel_loop3A_562, %parallel_loop3A_563] {strides = array<i32>} : memref<128x128xf32, #tpu.memory_space<vmem>>, vector<1x16xf32>,
            %parallel_loop3A_565 = vector.shape_cast %parallel_loop3A_564 : vector<1x16xf32> to vector<16xf32>
            %parallel_loop3A_566 = vector.shape_cast %parallel_loop3A_561 : vector<16xf32> to vector<1x16xf32>
            tpu.vector_store %arg12[%parallel_loop3A_562, %parallel_loop3A_563], %parallel_loop3A_566 {strides = array<i32>} : memref<128x128xf32, #tpu.memory_space<vmem>>, vector<1x16xf32>,
            %parallel_loop3A_567 = arith.index_cast %parallel_loop3A_496 : i32 to index
            %parallel_loop3A_568 = arith.constant 112 : index
            %parallel_loop3A_569 = tpu.vector_load %arg12[%parallel_loop3A_567, %parallel_loop3A_568] {strides = array<i32>} : memref<128x128xf32, #tpu.memory_space<vmem>>, vector<1x16xf32>,
            %parallel_loop3A_570 = vector.shape_cast %parallel_loop3A_569 : vector<1x16xf32> to vector<16xf32>
            %parallel_loop3A_571 = arith.mulf %parallel_loop3A_570, %parallel_loop3A_492 : vector<16xf32>
            %parallel_loop3A_572 = arith.index_cast %parallel_loop3A_496 : i32 to index
            %parallel_loop3A_573 = arith.constant 112 : index
            %parallel_loop3A_574 = tpu.vector_load %arg12[%parallel_loop3A_572, %parallel_loop3A_573] {strides = array<i32>} : memref<128x128xf32, #tpu.memory_space<vmem>>, vector<1x16xf32>,
            %parallel_loop3A_575 = vector.shape_cast %parallel_loop3A_574 : vector<1x16xf32> to vector<16xf32>
            %parallel_loop3A_576 = vector.shape_cast %parallel_loop3A_571 : vector<16xf32> to vector<1x16xf32>
            tpu.vector_store %arg12[%parallel_loop3A_572, %parallel_loop3A_573], %parallel_loop3A_576 {strides = array<i32>} : memref<128x128xf32, #tpu.memory_space<vmem>>, vector<1x16xf32>,
            %parallel_loop3A_577 = vector.extract_strided_slice %parallel_loop3A_141 {offsets = [5], sizes = [1], strides = [1]} : vector<16xf32> to vector<1xf32>
            %parallel_loop3A_578 = vector.extract %parallel_loop3A_577[0] : f32 from vector<1xf32>
            %parallel_loop3A_579 = vector.broadcast %parallel_loop3A_578 : f32 to vector<16xf32>
            %parallel_loop3A_580 = arith.constant 16 : i32
            %parallel_loop3A_581 = arith.muli %parallel_loop3A_135, %parallel_loop3A_580 : i32
            %parallel_loop3A_582 = arith.constant 5 : i32
            %parallel_loop3A_583 = arith.addi %parallel_loop3A_581, %parallel_loop3A_582 : i32
            %parallel_loop3A_584 = arith.index_cast %parallel_loop3A_583 : i32 to index
            %parallel_loop3A_585 = arith.constant 0 : index
            %parallel_loop3A_586 = tpu.vector_load %arg12[%parallel_loop3A_584, %parallel_loop3A_585] {strides = array<i32>} : memref<128x128xf32, #tpu.memory_space<vmem>>, vector<1x16xf32>,
            %parallel_loop3A_587 = vector.shape_cast %parallel_loop3A_586 : vector<1x16xf32> to vector<16xf32>
            %parallel_loop3A_588 = arith.mulf %parallel_loop3A_587, %parallel_loop3A_579 : vector<16xf32>
            %parallel_loop3A_589 = arith.index_cast %parallel_loop3A_583 : i32 to index
            %parallel_loop3A_590 = arith.constant 0 : index
            %parallel_loop3A_591 = tpu.vector_load %arg12[%parallel_loop3A_589, %parallel_loop3A_590] {strides = array<i32>} : memref<128x128xf32, #tpu.memory_space<vmem>>, vector<1x16xf32>,
            %parallel_loop3A_592 = vector.shape_cast %parallel_loop3A_591 : vector<1x16xf32> to vector<16xf32>
            %parallel_loop3A_593 = vector.shape_cast %parallel_loop3A_588 : vector<16xf32> to vector<1x16xf32>
            tpu.vector_store %arg12[%parallel_loop3A_589, %parallel_loop3A_590], %parallel_loop3A_593 {strides = array<i32>} : memref<128x128xf32, #tpu.memory_space<vmem>>, vector<1x16xf32>,
            %parallel_loop3A_594 = arith.index_cast %parallel_loop3A_583 : i32 to index
            %parallel_loop3A_595 = arith.constant 16 : index
            %parallel_loop3A_596 = tpu.vector_load %arg12[%parallel_loop3A_594, %parallel_loop3A_595] {strides = array<i32>} : memref<128x128xf32, #tpu.memory_space<vmem>>, vector<1x16xf32>,
            %parallel_loop3A_597 = vector.shape_cast %parallel_loop3A_596 : vector<1x16xf32> to vector<16xf32>
            %parallel_loop3A_598 = arith.mulf %parallel_loop3A_597, %parallel_loop3A_579 : vector<16xf32>
            %parallel_loop3A_599 = arith.index_cast %parallel_loop3A_583 : i32 to index
            %parallel_loop3A_600 = arith.constant 16 : index
            %parallel_loop3A_601 = tpu.vector_load %arg12[%parallel_loop3A_599, %parallel_loop3A_600] {strides = array<i32>} : memref<128x128xf32, #tpu.memory_space<vmem>>, vector<1x16xf32>,
            %parallel_loop3A_602 = vector.shape_cast %parallel_loop3A_601 : vector<1x16xf32> to vector<16xf32>
            %parallel_loop3A_603 = vector.shape_cast %parallel_loop3A_598 : vector<16xf32> to vector<1x16xf32>
            tpu.vector_store %arg12[%parallel_loop3A_599, %parallel_loop3A_600], %parallel_loop3A_603 {strides = array<i32>} : memref<128x128xf32, #tpu.memory_space<vmem>>, vector<1x16xf32>,
            %parallel_loop3A_604 = arith.index_cast %parallel_loop3A_583 : i32 to index
            %parallel_loop3A_605 = arith.constant 32 : index
            %parallel_loop3A_606 = tpu.vector_load %arg12[%parallel_loop3A_604, %parallel_loop3A_605] {strides = array<i32>} : memref<128x128xf32, #tpu.memory_space<vmem>>, vector<1x16xf32>,
            %parallel_loop3A_607 = vector.shape_cast %parallel_loop3A_606 : vector<1x16xf32> to vector<16xf32>
            %parallel_loop3A_608 = arith.mulf %parallel_loop3A_607, %parallel_loop3A_579 : vector<16xf32>
            %parallel_loop3A_609 = arith.index_cast %parallel_loop3A_583 : i32 to index
            %parallel_loop3A_610 = arith.constant 32 : index
            %parallel_loop3A_611 = tpu.vector_load %arg12[%parallel_loop3A_609, %parallel_loop3A_610] {strides = array<i32>} : memref<128x128xf32, #tpu.memory_space<vmem>>, vector<1x16xf32>,
            %parallel_loop3A_612 = vector.shape_cast %parallel_loop3A_611 : vector<1x16xf32> to vector<16xf32>
            %parallel_loop3A_613 = vector.shape_cast %parallel_loop3A_608 : vector<16xf32> to vector<1x16xf32>
            tpu.vector_store %arg12[%parallel_loop3A_609, %parallel_loop3A_610], %parallel_loop3A_613 {strides = array<i32>} : memref<128x128xf32, #tpu.memory_space<vmem>>, vector<1x16xf32>,
            %parallel_loop3A_614 = arith.index_cast %parallel_loop3A_583 : i32 to index
            %parallel_loop3A_615 = arith.constant 48 : index
            %parallel_loop3A_616 = tpu.vector_load %arg12[%parallel_loop3A_614, %parallel_loop3A_615] {strides = array<i32>} : memref<128x128xf32, #tpu.memory_space<vmem>>, vector<1x16xf32>,
            %parallel_loop3A_617 = vector.shape_cast %parallel_loop3A_616 : vector<1x16xf32> to vector<16xf32>
            %parallel_loop3A_618 = arith.mulf %parallel_loop3A_617, %parallel_loop3A_579 : vector<16xf32>
            %parallel_loop3A_619 = arith.index_cast %parallel_loop3A_583 : i32 to index
            %parallel_loop3A_620 = arith.constant 48 : index
            %parallel_loop3A_621 = tpu.vector_load %arg12[%parallel_loop3A_619, %parallel_loop3A_620] {strides = array<i32>} : memref<128x128xf32, #tpu.memory_space<vmem>>, vector<1x16xf32>,
            %parallel_loop3A_622 = vector.shape_cast %parallel_loop3A_621 : vector<1x16xf32> to vector<16xf32>
            %parallel_loop3A_623 = vector.shape_cast %parallel_loop3A_618 : vector<16xf32> to vector<1x16xf32>
            tpu.vector_store %arg12[%parallel_loop3A_619, %parallel_loop3A_620], %parallel_loop3A_623 {strides = array<i32>} : memref<128x128xf32, #tpu.memory_space<vmem>>, vector<1x16xf32>,
            %parallel_loop3A_624 = arith.index_cast %parallel_loop3A_583 : i32 to index
            %parallel_loop3A_625 = arith.constant 64 : index
            %parallel_loop3A_626 = tpu.vector_load %arg12[%parallel_loop3A_624, %parallel_loop3A_625] {strides = array<i32>} : memref<128x128xf32, #tpu.memory_space<vmem>>, vector<1x16xf32>,
            %parallel_loop3A_627 = vector.shape_cast %parallel_loop3A_626 : vector<1x16xf32> to vector<16xf32>
            %parallel_loop3A_628 = arith.mulf %parallel_loop3A_627, %parallel_loop3A_579 : vector<16xf32>
            %parallel_loop3A_629 = arith.index_cast %parallel_loop3A_583 : i32 to index
            %parallel_loop3A_630 = arith.constant 64 : index
            %parallel_loop3A_631 = tpu.vector_load %arg12[%parallel_loop3A_629, %parallel_loop3A_630] {strides = array<i32>} : memref<128x128xf32, #tpu.memory_space<vmem>>, vector<1x16xf32>,
            %parallel_loop3A_632 = vector.shape_cast %parallel_loop3A_631 : vector<1x16xf32> to vector<16xf32>
            %parallel_loop3A_633 = vector.shape_cast %parallel_loop3A_628 : vector<16xf32> to vector<1x16xf32>
            tpu.vector_store %arg12[%parallel_loop3A_629, %parallel_loop3A_630], %parallel_loop3A_633 {strides = array<i32>} : memref<128x128xf32, #tpu.memory_space<vmem>>, vector<1x16xf32>,
            %parallel_loop3A_634 = arith.index_cast %parallel_loop3A_583 : i32 to index
            %parallel_loop3A_635 = arith.constant 80 : index
            %parallel_loop3A_636 = tpu.vector_load %arg12[%parallel_loop3A_634, %parallel_loop3A_635] {strides = array<i32>} : memref<128x128xf32, #tpu.memory_space<vmem>>, vector<1x16xf32>,
            %parallel_loop3A_637 = vector.shape_cast %parallel_loop3A_636 : vector<1x16xf32> to vector<16xf32>
            %parallel_loop3A_638 = arith.mulf %parallel_loop3A_637, %parallel_loop3A_579 : vector<16xf32>
            %parallel_loop3A_639 = arith.index_cast %parallel_loop3A_583 : i32 to index
            %parallel_loop3A_640 = arith.constant 80 : index
            %parallel_loop3A_641 = tpu.vector_load %arg12[%parallel_loop3A_639, %parallel_loop3A_640] {strides = array<i32>} : memref<128x128xf32, #tpu.memory_space<vmem>>, vector<1x16xf32>,
            %parallel_loop3A_642 = vector.shape_cast %parallel_loop3A_641 : vector<1x16xf32> to vector<16xf32>
            %parallel_loop3A_643 = vector.shape_cast %parallel_loop3A_638 : vector<16xf32> to vector<1x16xf32>
            tpu.vector_store %arg12[%parallel_loop3A_639, %parallel_loop3A_640], %parallel_loop3A_643 {strides = array<i32>} : memref<128x128xf32, #tpu.memory_space<vmem>>, vector<1x16xf32>,
            %parallel_loop3A_644 = arith.index_cast %parallel_loop3A_583 : i32 to index
            %parallel_loop3A_645 = arith.constant 96 : index
            %parallel_loop3A_646 = tpu.vector_load %arg12[%parallel_loop3A_644, %parallel_loop3A_645] {strides = array<i32>} : memref<128x128xf32, #tpu.memory_space<vmem>>, vector<1x16xf32>,
            %parallel_loop3A_647 = vector.shape_cast %parallel_loop3A_646 : vector<1x16xf32> to vector<16xf32>
            %parallel_loop3A_648 = arith.mulf %parallel_loop3A_647, %parallel_loop3A_579 : vector<16xf32>
            %parallel_loop3A_649 = arith.index_cast %parallel_loop3A_583 : i32 to index
            %parallel_loop3A_650 = arith.constant 96 : index
            %parallel_loop3A_651 = tpu.vector_load %arg12[%parallel_loop3A_649, %parallel_loop3A_650] {strides = array<i32>} : memref<128x128xf32, #tpu.memory_space<vmem>>, vector<1x16xf32>,
            %parallel_loop3A_652 = vector.shape_cast %parallel_loop3A_651 : vector<1x16xf32> to vector<16xf32>
            %parallel_loop3A_653 = vector.shape_cast %parallel_loop3A_648 : vector<16xf32> to vector<1x16xf32>
            tpu.vector_store %arg12[%parallel_loop3A_649, %parallel_loop3A_650], %parallel_loop3A_653 {strides = array<i32>} : memref<128x128xf32, #tpu.memory_space<vmem>>, vector<1x16xf32>,
            %parallel_loop3A_654 = arith.index_cast %parallel_loop3A_583 : i32 to index
            %parallel_loop3A_655 = arith.constant 112 : index
            %parallel_loop3A_656 = tpu.vector_load %arg12[%parallel_loop3A_654, %parallel_loop3A_655] {strides = array<i32>} : memref<128x128xf32, #tpu.memory_space<vmem>>, vector<1x16xf32>,
            %parallel_loop3A_657 = vector.shape_cast %parallel_loop3A_656 : vector<1x16xf32> to vector<16xf32>
            %parallel_loop3A_658 = arith.mulf %parallel_loop3A_657, %parallel_loop3A_579 : vector<16xf32>
            %parallel_loop3A_659 = arith.index_cast %parallel_loop3A_583 : i32 to index
            %parallel_loop3A_660 = arith.constant 112 : index
            %parallel_loop3A_661 = tpu.vector_load %arg12[%parallel_loop3A_659, %parallel_loop3A_660] {strides = array<i32>} : memref<128x128xf32, #tpu.memory_space<vmem>>, vector<1x16xf32>,
            %parallel_loop3A_662 = vector.shape_cast %parallel_loop3A_661 : vector<1x16xf32> to vector<16xf32>
            %parallel_loop3A_663 = vector.shape_cast %parallel_loop3A_658 : vector<16xf32> to vector<1x16xf32>
            tpu.vector_store %arg12[%parallel_loop3A_659, %parallel_loop3A_660], %parallel_loop3A_663 {strides = array<i32>} : memref<128x128xf32, #tpu.memory_space<vmem>>, vector<1x16xf32>,
            %parallel_loop3A_664 = vector.extract_strided_slice %parallel_loop3A_141 {offsets = [6], sizes = [1], strides = [1]} : vector<16xf32> to vector<1xf32>
            %parallel_loop3A_665 = vector.extract %parallel_loop3A_664[0] : f32 from vector<1xf32>
            %parallel_loop3A_666 = vector.broadcast %parallel_loop3A_665 : f32 to vector<16xf32>
            %parallel_loop3A_667 = arith.constant 16 : i32
            %parallel_loop3A_668 = arith.muli %parallel_loop3A_135, %parallel_loop3A_667 : i32
            %parallel_loop3A_669 = arith.constant 6 : i32
            %parallel_loop3A_670 = arith.addi %parallel_loop3A_668, %parallel_loop3A_669 : i32
            %parallel_loop3A_671 = arith.index_cast %parallel_loop3A_670 : i32 to index
            %parallel_loop3A_672 = arith.constant 0 : index
            %parallel_loop3A_673 = tpu.vector_load %arg12[%parallel_loop3A_671, %parallel_loop3A_672] {strides = array<i32>} : memref<128x128xf32, #tpu.memory_space<vmem>>, vector<1x16xf32>,
            %parallel_loop3A_674 = vector.shape_cast %parallel_loop3A_673 : vector<1x16xf32> to vector<16xf32>
            %parallel_loop3A_675 = arith.mulf %parallel_loop3A_674, %parallel_loop3A_666 : vector<16xf32>
            %parallel_loop3A_676 = arith.index_cast %parallel_loop3A_670 : i32 to index
            %parallel_loop3A_677 = arith.constant 0 : index
            %parallel_loop3A_678 = tpu.vector_load %arg12[%parallel_loop3A_676, %parallel_loop3A_677] {strides = array<i32>} : memref<128x128xf32, #tpu.memory_space<vmem>>, vector<1x16xf32>,
            %parallel_loop3A_679 = vector.shape_cast %parallel_loop3A_678 : vector<1x16xf32> to vector<16xf32>
            %parallel_loop3A_680 = vector.shape_cast %parallel_loop3A_675 : vector<16xf32> to vector<1x16xf32>
            tpu.vector_store %arg12[%parallel_loop3A_676, %parallel_loop3A_677], %parallel_loop3A_680 {strides = array<i32>} : memref<128x128xf32, #tpu.memory_space<vmem>>, vector<1x16xf32>,
            %parallel_loop3A_681 = arith.index_cast %parallel_loop3A_670 : i32 to index
            %parallel_loop3A_682 = arith.constant 16 : index
            %parallel_loop3A_683 = tpu.vector_load %arg12[%parallel_loop3A_681, %parallel_loop3A_682] {strides = array<i32>} : memref<128x128xf32, #tpu.memory_space<vmem>>, vector<1x16xf32>,
            %parallel_loop3A_684 = vector.shape_cast %parallel_loop3A_683 : vector<1x16xf32> to vector<16xf32>
            %parallel_loop3A_685 = arith.mulf %parallel_loop3A_684, %parallel_loop3A_666 : vector<16xf32>
            %parallel_loop3A_686 = arith.index_cast %parallel_loop3A_670 : i32 to index
            %parallel_loop3A_687 = arith.constant 16 : index
            %parallel_loop3A_688 = tpu.vector_load %arg12[%parallel_loop3A_686, %parallel_loop3A_687] {strides = array<i32>} : memref<128x128xf32, #tpu.memory_space<vmem>>, vector<1x16xf32>,
            %parallel_loop3A_689 = vector.shape_cast %parallel_loop3A_688 : vector<1x16xf32> to vector<16xf32>
            %parallel_loop3A_690 = vector.shape_cast %parallel_loop3A_685 : vector<16xf32> to vector<1x16xf32>
            tpu.vector_store %arg12[%parallel_loop3A_686, %parallel_loop3A_687], %parallel_loop3A_690 {strides = array<i32>} : memref<128x128xf32, #tpu.memory_space<vmem>>, vector<1x16xf32>,
            %parallel_loop3A_691 = arith.index_cast %parallel_loop3A_670 : i32 to index
            %parallel_loop3A_692 = arith.constant 32 : index
            %parallel_loop3A_693 = tpu.vector_load %arg12[%parallel_loop3A_691, %parallel_loop3A_692] {strides = array<i32>} : memref<128x128xf32, #tpu.memory_space<vmem>>, vector<1x16xf32>,
            %parallel_loop3A_694 = vector.shape_cast %parallel_loop3A_693 : vector<1x16xf32> to vector<16xf32>
            %parallel_loop3A_695 = arith.mulf %parallel_loop3A_694, %parallel_loop3A_666 : vector<16xf32>
            %parallel_loop3A_696 = arith.index_cast %parallel_loop3A_670 : i32 to index
            %parallel_loop3A_697 = arith.constant 32 : index
            %parallel_loop3A_698 = tpu.vector_load %arg12[%parallel_loop3A_696, %parallel_loop3A_697] {strides = array<i32>} : memref<128x128xf32, #tpu.memory_space<vmem>>, vector<1x16xf32>,
            %parallel_loop3A_699 = vector.shape_cast %parallel_loop3A_698 : vector<1x16xf32> to vector<16xf32>
            %parallel_loop3A_700 = vector.shape_cast %parallel_loop3A_695 : vector<16xf32> to vector<1x16xf32>
            tpu.vector_store %arg12[%parallel_loop3A_696, %parallel_loop3A_697], %parallel_loop3A_700 {strides = array<i32>} : memref<128x128xf32, #tpu.memory_space<vmem>>, vector<1x16xf32>,
            %parallel_loop3A_701 = arith.index_cast %parallel_loop3A_670 : i32 to index
            %parallel_loop3A_702 = arith.constant 48 : index
            %parallel_loop3A_703 = tpu.vector_load %arg12[%parallel_loop3A_701, %parallel_loop3A_702] {strides = array<i32>} : memref<128x128xf32, #tpu.memory_space<vmem>>, vector<1x16xf32>,
            %parallel_loop3A_704 = vector.shape_cast %parallel_loop3A_703 : vector<1x16xf32> to vector<16xf32>
            %parallel_loop3A_705 = arith.mulf %parallel_loop3A_704, %parallel_loop3A_666 : vector<16xf32>
            %parallel_loop3A_706 = arith.index_cast %parallel_loop3A_670 : i32 to index
            %parallel_loop3A_707 = arith.constant 48 : index
            %parallel_loop3A_708 = tpu.vector_load %arg12[%parallel_loop3A_706, %parallel_loop3A_707] {strides = array<i32>} : memref<128x128xf32, #tpu.memory_space<vmem>>, vector<1x16xf32>,
            %parallel_loop3A_709 = vector.shape_cast %parallel_loop3A_708 : vector<1x16xf32> to vector<16xf32>
            %parallel_loop3A_710 = vector.shape_cast %parallel_loop3A_705 : vector<16xf32> to vector<1x16xf32>
            tpu.vector_store %arg12[%parallel_loop3A_706, %parallel_loop3A_707], %parallel_loop3A_710 {strides = array<i32>} : memref<128x128xf32, #tpu.memory_space<vmem>>, vector<1x16xf32>,
            %parallel_loop3A_711 = arith.index_cast %parallel_loop3A_670 : i32 to index
            %parallel_loop3A_712 = arith.constant 64 : index
            %parallel_loop3A_713 = tpu.vector_load %arg12[%parallel_loop3A_711, %parallel_loop3A_712] {strides = array<i32>} : memref<128x128xf32, #tpu.memory_space<vmem>>, vector<1x16xf32>,
            %parallel_loop3A_714 = vector.shape_cast %parallel_loop3A_713 : vector<1x16xf32> to vector<16xf32>
            %parallel_loop3A_715 = arith.mulf %parallel_loop3A_714, %parallel_loop3A_666 : vector<16xf32>
            %parallel_loop3A_716 = arith.index_cast %parallel_loop3A_670 : i32 to index
            %parallel_loop3A_717 = arith.constant 64 : index
            %parallel_loop3A_718 = tpu.vector_load %arg12[%parallel_loop3A_716, %parallel_loop3A_717] {strides = array<i32>} : memref<128x128xf32, #tpu.memory_space<vmem>>, vector<1x16xf32>,
            %parallel_loop3A_719 = vector.shape_cast %parallel_loop3A_718 : vector<1x16xf32> to vector<16xf32>
            %parallel_loop3A_720 = vector.shape_cast %parallel_loop3A_715 : vector<16xf32> to vector<1x16xf32>
            tpu.vector_store %arg12[%parallel_loop3A_716, %parallel_loop3A_717], %parallel_loop3A_720 {strides = array<i32>} : memref<128x128xf32, #tpu.memory_space<vmem>>, vector<1x16xf32>,
            %parallel_loop3A_721 = arith.index_cast %parallel_loop3A_670 : i32 to index
            %parallel_loop3A_722 = arith.constant 80 : index
            %parallel_loop3A_723 = tpu.vector_load %arg12[%parallel_loop3A_721, %parallel_loop3A_722] {strides = array<i32>} : memref<128x128xf32, #tpu.memory_space<vmem>>, vector<1x16xf32>,
            %parallel_loop3A_724 = vector.shape_cast %parallel_loop3A_723 : vector<1x16xf32> to vector<16xf32>
            %parallel_loop3A_725 = arith.mulf %parallel_loop3A_724, %parallel_loop3A_666 : vector<16xf32>
            %parallel_loop3A_726 = arith.index_cast %parallel_loop3A_670 : i32 to index
            %parallel_loop3A_727 = arith.constant 80 : index
            %parallel_loop3A_728 = tpu.vector_load %arg12[%parallel_loop3A_726, %parallel_loop3A_727] {strides = array<i32>} : memref<128x128xf32, #tpu.memory_space<vmem>>, vector<1x16xf32>,
            %parallel_loop3A_729 = vector.shape_cast %parallel_loop3A_728 : vector<1x16xf32> to vector<16xf32>
            %parallel_loop3A_730 = vector.shape_cast %parallel_loop3A_725 : vector<16xf32> to vector<1x16xf32>
            tpu.vector_store %arg12[%parallel_loop3A_726, %parallel_loop3A_727], %parallel_loop3A_730 {strides = array<i32>} : memref<128x128xf32, #tpu.memory_space<vmem>>, vector<1x16xf32>,
            %parallel_loop3A_731 = arith.index_cast %parallel_loop3A_670 : i32 to index
            %parallel_loop3A_732 = arith.constant 96 : index
            %parallel_loop3A_733 = tpu.vector_load %arg12[%parallel_loop3A_731, %parallel_loop3A_732] {strides = array<i32>} : memref<128x128xf32, #tpu.memory_space<vmem>>, vector<1x16xf32>,
            %parallel_loop3A_734 = vector.shape_cast %parallel_loop3A_733 : vector<1x16xf32> to vector<16xf32>
            %parallel_loop3A_735 = arith.mulf %parallel_loop3A_734, %parallel_loop3A_666 : vector<16xf32>
            %parallel_loop3A_736 = arith.index_cast %parallel_loop3A_670 : i32 to index
            %parallel_loop3A_737 = arith.constant 96 : index
            %parallel_loop3A_738 = tpu.vector_load %arg12[%parallel_loop3A_736, %parallel_loop3A_737] {strides = array<i32>} : memref<128x128xf32, #tpu.memory_space<vmem>>, vector<1x16xf32>,
            %parallel_loop3A_739 = vector.shape_cast %parallel_loop3A_738 : vector<1x16xf32> to vector<16xf32>
            %parallel_loop3A_740 = vector.shape_cast %parallel_loop3A_735 : vector<16xf32> to vector<1x16xf32>
            tpu.vector_store %arg12[%parallel_loop3A_736, %parallel_loop3A_737], %parallel_loop3A_740 {strides = array<i32>} : memref<128x128xf32, #tpu.memory_space<vmem>>, vector<1x16xf32>,
            %parallel_loop3A_741 = arith.index_cast %parallel_loop3A_670 : i32 to index
            %parallel_loop3A_742 = arith.constant 112 : index
            %parallel_loop3A_743 = tpu.vector_load %arg12[%parallel_loop3A_741, %parallel_loop3A_742] {strides = array<i32>} : memref<128x128xf32, #tpu.memory_space<vmem>>, vector<1x16xf32>,
            %parallel_loop3A_744 = vector.shape_cast %parallel_loop3A_743 : vector<1x16xf32> to vector<16xf32>
            %parallel_loop3A_745 = arith.mulf %parallel_loop3A_744, %parallel_loop3A_666 : vector<16xf32>
            %parallel_loop3A_746 = arith.index_cast %parallel_loop3A_670 : i32 to index
            %parallel_loop3A_747 = arith.constant 112 : index
            %parallel_loop3A_748 = tpu.vector_load %arg12[%parallel_loop3A_746, %parallel_loop3A_747] {strides = array<i32>} : memref<128x128xf32, #tpu.memory_space<vmem>>, vector<1x16xf32>,
            %parallel_loop3A_749 = vector.shape_cast %parallel_loop3A_748 : vector<1x16xf32> to vector<16xf32>
            %parallel_loop3A_750 = vector.shape_cast %parallel_loop3A_745 : vector<16xf32> to vector<1x16xf32>
            tpu.vector_store %arg12[%parallel_loop3A_746, %parallel_loop3A_747], %parallel_loop3A_750 {strides = array<i32>} : memref<128x128xf32, #tpu.memory_space<vmem>>, vector<1x16xf32>,
            %parallel_loop3A_751 = vector.extract_strided_slice %parallel_loop3A_141 {offsets = [7], sizes = [1], strides = [1]} : vector<16xf32> to vector<1xf32>
            %parallel_loop3A_752 = vector.extract %parallel_loop3A_751[0] : f32 from vector<1xf32>
            %parallel_loop3A_753 = vector.broadcast %parallel_loop3A_752 : f32 to vector<16xf32>
            %parallel_loop3A_754 = arith.constant 16 : i32
            %parallel_loop3A_755 = arith.muli %parallel_loop3A_135, %parallel_loop3A_754 : i32
            %parallel_loop3A_756 = arith.constant 7 : i32
            %parallel_loop3A_757 = arith.addi %parallel_loop3A_755, %parallel_loop3A_756 : i32
            %parallel_loop3A_758 = arith.index_cast %parallel_loop3A_757 : i32 to index
            %parallel_loop3A_759 = arith.constant 0 : index
            %parallel_loop3A_760 = tpu.vector_load %arg12[%parallel_loop3A_758, %parallel_loop3A_759] {strides = array<i32>} : memref<128x128xf32, #tpu.memory_space<vmem>>, vector<1x16xf32>,
            %parallel_loop3A_761 = vector.shape_cast %parallel_loop3A_760 : vector<1x16xf32> to vector<16xf32>
            %parallel_loop3A_762 = arith.mulf %parallel_loop3A_761, %parallel_loop3A_753 : vector<16xf32>
            %parallel_loop3A_763 = arith.index_cast %parallel_loop3A_757 : i32 to index
            %parallel_loop3A_764 = arith.constant 0 : index
            %parallel_loop3A_765 = tpu.vector_load %arg12[%parallel_loop3A_763, %parallel_loop3A_764] {strides = array<i32>} : memref<128x128xf32, #tpu.memory_space<vmem>>, vector<1x16xf32>,
            %parallel_loop3A_766 = vector.shape_cast %parallel_loop3A_765 : vector<1x16xf32> to vector<16xf32>
            %parallel_loop3A_767 = vector.shape_cast %parallel_loop3A_762 : vector<16xf32> to vector<1x16xf32>
            tpu.vector_store %arg12[%parallel_loop3A_763, %parallel_loop3A_764], %parallel_loop3A_767 {strides = array<i32>} : memref<128x128xf32, #tpu.memory_space<vmem>>, vector<1x16xf32>,
            %parallel_loop3A_768 = arith.index_cast %parallel_loop3A_757 : i32 to index
            %parallel_loop3A_769 = arith.constant 16 : index
            %parallel_loop3A_770 = tpu.vector_load %arg12[%parallel_loop3A_768, %parallel_loop3A_769] {strides = array<i32>} : memref<128x128xf32, #tpu.memory_space<vmem>>, vector<1x16xf32>,
            %parallel_loop3A_771 = vector.shape_cast %parallel_loop3A_770 : vector<1x16xf32> to vector<16xf32>
            %parallel_loop3A_772 = arith.mulf %parallel_loop3A_771, %parallel_loop3A_753 : vector<16xf32>
            %parallel_loop3A_773 = arith.index_cast %parallel_loop3A_757 : i32 to index
            %parallel_loop3A_774 = arith.constant 16 : index
            %parallel_loop3A_775 = tpu.vector_load %arg12[%parallel_loop3A_773, %parallel_loop3A_774] {strides = array<i32>} : memref<128x128xf32, #tpu.memory_space<vmem>>, vector<1x16xf32>,
            %parallel_loop3A_776 = vector.shape_cast %parallel_loop3A_775 : vector<1x16xf32> to vector<16xf32>
            %parallel_loop3A_777 = vector.shape_cast %parallel_loop3A_772 : vector<16xf32> to vector<1x16xf32>
            tpu.vector_store %arg12[%parallel_loop3A_773, %parallel_loop3A_774], %parallel_loop3A_777 {strides = array<i32>} : memref<128x128xf32, #tpu.memory_space<vmem>>, vector<1x16xf32>,
            %parallel_loop3A_778 = arith.index_cast %parallel_loop3A_757 : i32 to index
            %parallel_loop3A_779 = arith.constant 32 : index
            %parallel_loop3A_780 = tpu.vector_load %arg12[%parallel_loop3A_778, %parallel_loop3A_779] {strides = array<i32>} : memref<128x128xf32, #tpu.memory_space<vmem>>, vector<1x16xf32>,
            %parallel_loop3A_781 = vector.shape_cast %parallel_loop3A_780 : vector<1x16xf32> to vector<16xf32>
            %parallel_loop3A_782 = arith.mulf %parallel_loop3A_781, %parallel_loop3A_753 : vector<16xf32>
            %parallel_loop3A_783 = arith.index_cast %parallel_loop3A_757 : i32 to index
            %parallel_loop3A_784 = arith.constant 32 : index
            %parallel_loop3A_785 = tpu.vector_load %arg12[%parallel_loop3A_783, %parallel_loop3A_784] {strides = array<i32>} : memref<128x128xf32, #tpu.memory_space<vmem>>, vector<1x16xf32>,
            %parallel_loop3A_786 = vector.shape_cast %parallel_loop3A_785 : vector<1x16xf32> to vector<16xf32>
            %parallel_loop3A_787 = vector.shape_cast %parallel_loop3A_782 : vector<16xf32> to vector<1x16xf32>
            tpu.vector_store %arg12[%parallel_loop3A_783, %parallel_loop3A_784], %parallel_loop3A_787 {strides = array<i32>} : memref<128x128xf32, #tpu.memory_space<vmem>>, vector<1x16xf32>,
            %parallel_loop3A_788 = arith.index_cast %parallel_loop3A_757 : i32 to index
            %parallel_loop3A_789 = arith.constant 48 : index
            %parallel_loop3A_790 = tpu.vector_load %arg12[%parallel_loop3A_788, %parallel_loop3A_789] {strides = array<i32>} : memref<128x128xf32, #tpu.memory_space<vmem>>, vector<1x16xf32>,
            %parallel_loop3A_791 = vector.shape_cast %parallel_loop3A_790 : vector<1x16xf32> to vector<16xf32>
            %parallel_loop3A_792 = arith.mulf %parallel_loop3A_791, %parallel_loop3A_753 : vector<16xf32>
            %parallel_loop3A_793 = arith.index_cast %parallel_loop3A_757 : i32 to index
            %parallel_loop3A_794 = arith.constant 48 : index
            %parallel_loop3A_795 = tpu.vector_load %arg12[%parallel_loop3A_793, %parallel_loop3A_794] {strides = array<i32>} : memref<128x128xf32, #tpu.memory_space<vmem>>, vector<1x16xf32>,
            %parallel_loop3A_796 = vector.shape_cast %parallel_loop3A_795 : vector<1x16xf32> to vector<16xf32>
            %parallel_loop3A_797 = vector.shape_cast %parallel_loop3A_792 : vector<16xf32> to vector<1x16xf32>
            tpu.vector_store %arg12[%parallel_loop3A_793, %parallel_loop3A_794], %parallel_loop3A_797 {strides = array<i32>} : memref<128x128xf32, #tpu.memory_space<vmem>>, vector<1x16xf32>,
            %parallel_loop3A_798 = arith.index_cast %parallel_loop3A_757 : i32 to index
            %parallel_loop3A_799 = arith.constant 64 : index
            %parallel_loop3A_800 = tpu.vector_load %arg12[%parallel_loop3A_798, %parallel_loop3A_799] {strides = array<i32>} : memref<128x128xf32, #tpu.memory_space<vmem>>, vector<1x16xf32>,
            %parallel_loop3A_801 = vector.shape_cast %parallel_loop3A_800 : vector<1x16xf32> to vector<16xf32>
            %parallel_loop3A_802 = arith.mulf %parallel_loop3A_801, %parallel_loop3A_753 : vector<16xf32>
            %parallel_loop3A_803 = arith.index_cast %parallel_loop3A_757 : i32 to index
            %parallel_loop3A_804 = arith.constant 64 : index
            %parallel_loop3A_805 = tpu.vector_load %arg12[%parallel_loop3A_803, %parallel_loop3A_804] {strides = array<i32>} : memref<128x128xf32, #tpu.memory_space<vmem>>, vector<1x16xf32>,
            %parallel_loop3A_806 = vector.shape_cast %parallel_loop3A_805 : vector<1x16xf32> to vector<16xf32>
            %parallel_loop3A_807 = vector.shape_cast %parallel_loop3A_802 : vector<16xf32> to vector<1x16xf32>
            tpu.vector_store %arg12[%parallel_loop3A_803, %parallel_loop3A_804], %parallel_loop3A_807 {strides = array<i32>} : memref<128x128xf32, #tpu.memory_space<vmem>>, vector<1x16xf32>,
            %parallel_loop3A_808 = arith.index_cast %parallel_loop3A_757 : i32 to index
            %parallel_loop3A_809 = arith.constant 80 : index
            %parallel_loop3A_810 = tpu.vector_load %arg12[%parallel_loop3A_808, %parallel_loop3A_809] {strides = array<i32>} : memref<128x128xf32, #tpu.memory_space<vmem>>, vector<1x16xf32>,
            %parallel_loop3A_811 = vector.shape_cast %parallel_loop3A_810 : vector<1x16xf32> to vector<16xf32>
            %parallel_loop3A_812 = arith.mulf %parallel_loop3A_811, %parallel_loop3A_753 : vector<16xf32>
            %parallel_loop3A_813 = arith.index_cast %parallel_loop3A_757 : i32 to index
            %parallel_loop3A_814 = arith.constant 80 : index
            %parallel_loop3A_815 = tpu.vector_load %arg12[%parallel_loop3A_813, %parallel_loop3A_814] {strides = array<i32>} : memref<128x128xf32, #tpu.memory_space<vmem>>, vector<1x16xf32>,
            %parallel_loop3A_816 = vector.shape_cast %parallel_loop3A_815 : vector<1x16xf32> to vector<16xf32>
            %parallel_loop3A_817 = vector.shape_cast %parallel_loop3A_812 : vector<16xf32> to vector<1x16xf32>
            tpu.vector_store %arg12[%parallel_loop3A_813, %parallel_loop3A_814], %parallel_loop3A_817 {strides = array<i32>} : memref<128x128xf32, #tpu.memory_space<vmem>>, vector<1x16xf32>,
            %parallel_loop3A_818 = arith.index_cast %parallel_loop3A_757 : i32 to index
            %parallel_loop3A_819 = arith.constant 96 : index
            %parallel_loop3A_820 = tpu.vector_load %arg12[%parallel_loop3A_818, %parallel_loop3A_819] {strides = array<i32>} : memref<128x128xf32, #tpu.memory_space<vmem>>, vector<1x16xf32>,
            %parallel_loop3A_821 = vector.shape_cast %parallel_loop3A_820 : vector<1x16xf32> to vector<16xf32>
            %parallel_loop3A_822 = arith.mulf %parallel_loop3A_821, %parallel_loop3A_753 : vector<16xf32>
            %parallel_loop3A_823 = arith.index_cast %parallel_loop3A_757 : i32 to index
            %parallel_loop3A_824 = arith.constant 96 : index
            %parallel_loop3A_825 = tpu.vector_load %arg12[%parallel_loop3A_823, %parallel_loop3A_824] {strides = array<i32>} : memref<128x128xf32, #tpu.memory_space<vmem>>, vector<1x16xf32>,
            %parallel_loop3A_826 = vector.shape_cast %parallel_loop3A_825 : vector<1x16xf32> to vector<16xf32>
            %parallel_loop3A_827 = vector.shape_cast %parallel_loop3A_822 : vector<16xf32> to vector<1x16xf32>
            tpu.vector_store %arg12[%parallel_loop3A_823, %parallel_loop3A_824], %parallel_loop3A_827 {strides = array<i32>} : memref<128x128xf32, #tpu.memory_space<vmem>>, vector<1x16xf32>,
            %parallel_loop3A_828 = arith.index_cast %parallel_loop3A_757 : i32 to index
            %parallel_loop3A_829 = arith.constant 112 : index
            %parallel_loop3A_830 = tpu.vector_load %arg12[%parallel_loop3A_828, %parallel_loop3A_829] {strides = array<i32>} : memref<128x128xf32, #tpu.memory_space<vmem>>, vector<1x16xf32>,
            %parallel_loop3A_831 = vector.shape_cast %parallel_loop3A_830 : vector<1x16xf32> to vector<16xf32>
            %parallel_loop3A_832 = arith.mulf %parallel_loop3A_831, %parallel_loop3A_753 : vector<16xf32>
            %parallel_loop3A_833 = arith.index_cast %parallel_loop3A_757 : i32 to index
            %parallel_loop3A_834 = arith.constant 112 : index
            %parallel_loop3A_835 = tpu.vector_load %arg12[%parallel_loop3A_833, %parallel_loop3A_834] {strides = array<i32>} : memref<128x128xf32, #tpu.memory_space<vmem>>, vector<1x16xf32>,
            %parallel_loop3A_836 = vector.shape_cast %parallel_loop3A_835 : vector<1x16xf32> to vector<16xf32>
            %parallel_loop3A_837 = vector.shape_cast %parallel_loop3A_832 : vector<16xf32> to vector<1x16xf32>
            tpu.vector_store %arg12[%parallel_loop3A_833, %parallel_loop3A_834], %parallel_loop3A_837 {strides = array<i32>} : memref<128x128xf32, #tpu.memory_space<vmem>>, vector<1x16xf32>,
            %parallel_loop3A_838 = vector.extract_strided_slice %parallel_loop3A_141 {offsets = [8], sizes = [1], strides = [1]} : vector<16xf32> to vector<1xf32>
            %parallel_loop3A_839 = vector.extract %parallel_loop3A_838[0] : f32 from vector<1xf32>
            %parallel_loop3A_840 = vector.broadcast %parallel_loop3A_839 : f32 to vector<16xf32>
            %parallel_loop3A_841 = arith.constant 16 : i32
            %parallel_loop3A_842 = arith.muli %parallel_loop3A_135, %parallel_loop3A_841 : i32
            %parallel_loop3A_843 = arith.constant 8 : i32
            %parallel_loop3A_844 = arith.addi %parallel_loop3A_842, %parallel_loop3A_843 : i32
            %parallel_loop3A_845 = arith.index_cast %parallel_loop3A_844 : i32 to index
            %parallel_loop3A_846 = arith.constant 0 : index
            %parallel_loop3A_847 = tpu.vector_load %arg12[%parallel_loop3A_845, %parallel_loop3A_846] {strides = array<i32>} : memref<128x128xf32, #tpu.memory_space<vmem>>, vector<1x16xf32>,
            %parallel_loop3A_848 = vector.shape_cast %parallel_loop3A_847 : vector<1x16xf32> to vector<16xf32>
            %parallel_loop3A_849 = arith.mulf %parallel_loop3A_848, %parallel_loop3A_840 : vector<16xf32>
            %parallel_loop3A_850 = arith.index_cast %parallel_loop3A_844 : i32 to index
            %parallel_loop3A_851 = arith.constant 0 : index
            %parallel_loop3A_852 = tpu.vector_load %arg12[%parallel_loop3A_850, %parallel_loop3A_851] {strides = array<i32>} : memref<128x128xf32, #tpu.memory_space<vmem>>, vector<1x16xf32>,
            %parallel_loop3A_853 = vector.shape_cast %parallel_loop3A_852 : vector<1x16xf32> to vector<16xf32>
            %parallel_loop3A_854 = vector.shape_cast %parallel_loop3A_849 : vector<16xf32> to vector<1x16xf32>
            tpu.vector_store %arg12[%parallel_loop3A_850, %parallel_loop3A_851], %parallel_loop3A_854 {strides = array<i32>} : memref<128x128xf32, #tpu.memory_space<vmem>>, vector<1x16xf32>,
            %parallel_loop3A_855 = arith.index_cast %parallel_loop3A_844 : i32 to index
            %parallel_loop3A_856 = arith.constant 16 : index
            %parallel_loop3A_857 = tpu.vector_load %arg12[%parallel_loop3A_855, %parallel_loop3A_856] {strides = array<i32>} : memref<128x128xf32, #tpu.memory_space<vmem>>, vector<1x16xf32>,
            %parallel_loop3A_858 = vector.shape_cast %parallel_loop3A_857 : vector<1x16xf32> to vector<16xf32>
            %parallel_loop3A_859 = arith.mulf %parallel_loop3A_858, %parallel_loop3A_840 : vector<16xf32>
            %parallel_loop3A_860 = arith.index_cast %parallel_loop3A_844 : i32 to index
            %parallel_loop3A_861 = arith.constant 16 : index
            %parallel_loop3A_862 = tpu.vector_load %arg12[%parallel_loop3A_860, %parallel_loop3A_861] {strides = array<i32>} : memref<128x128xf32, #tpu.memory_space<vmem>>, vector<1x16xf32>,
            %parallel_loop3A_863 = vector.shape_cast %parallel_loop3A_862 : vector<1x16xf32> to vector<16xf32>
            %parallel_loop3A_864 = vector.shape_cast %parallel_loop3A_859 : vector<16xf32> to vector<1x16xf32>
            tpu.vector_store %arg12[%parallel_loop3A_860, %parallel_loop3A_861], %parallel_loop3A_864 {strides = array<i32>} : memref<128x128xf32, #tpu.memory_space<vmem>>, vector<1x16xf32>,
            %parallel_loop3A_865 = arith.index_cast %parallel_loop3A_844 : i32 to index
            %parallel_loop3A_866 = arith.constant 32 : index
            %parallel_loop3A_867 = tpu.vector_load %arg12[%parallel_loop3A_865, %parallel_loop3A_866] {strides = array<i32>} : memref<128x128xf32, #tpu.memory_space<vmem>>, vector<1x16xf32>,
            %parallel_loop3A_868 = vector.shape_cast %parallel_loop3A_867 : vector<1x16xf32> to vector<16xf32>
            %parallel_loop3A_869 = arith.mulf %parallel_loop3A_868, %parallel_loop3A_840 : vector<16xf32>
            %parallel_loop3A_870 = arith.index_cast %parallel_loop3A_844 : i32 to index
            %parallel_loop3A_871 = arith.constant 32 : index
            %parallel_loop3A_872 = tpu.vector_load %arg12[%parallel_loop3A_870, %parallel_loop3A_871] {strides = array<i32>} : memref<128x128xf32, #tpu.memory_space<vmem>>, vector<1x16xf32>,
            %parallel_loop3A_873 = vector.shape_cast %parallel_loop3A_872 : vector<1x16xf32> to vector<16xf32>
            %parallel_loop3A_874 = vector.shape_cast %parallel_loop3A_869 : vector<16xf32> to vector<1x16xf32>
            tpu.vector_store %arg12[%parallel_loop3A_870, %parallel_loop3A_871], %parallel_loop3A_874 {strides = array<i32>} : memref<128x128xf32, #tpu.memory_space<vmem>>, vector<1x16xf32>,
            %parallel_loop3A_875 = arith.index_cast %parallel_loop3A_844 : i32 to index
            %parallel_loop3A_876 = arith.constant 48 : index
            %parallel_loop3A_877 = tpu.vector_load %arg12[%parallel_loop3A_875, %parallel_loop3A_876] {strides = array<i32>} : memref<128x128xf32, #tpu.memory_space<vmem>>, vector<1x16xf32>,
            %parallel_loop3A_878 = vector.shape_cast %parallel_loop3A_877 : vector<1x16xf32> to vector<16xf32>
            %parallel_loop3A_879 = arith.mulf %parallel_loop3A_878, %parallel_loop3A_840 : vector<16xf32>
            %parallel_loop3A_880 = arith.index_cast %parallel_loop3A_844 : i32 to index
            %parallel_loop3A_881 = arith.constant 48 : index
            %parallel_loop3A_882 = tpu.vector_load %arg12[%parallel_loop3A_880, %parallel_loop3A_881] {strides = array<i32>} : memref<128x128xf32, #tpu.memory_space<vmem>>, vector<1x16xf32>,
            %parallel_loop3A_883 = vector.shape_cast %parallel_loop3A_882 : vector<1x16xf32> to vector<16xf32>
            %parallel_loop3A_884 = vector.shape_cast %parallel_loop3A_879 : vector<16xf32> to vector<1x16xf32>
            tpu.vector_store %arg12[%parallel_loop3A_880, %parallel_loop3A_881], %parallel_loop3A_884 {strides = array<i32>} : memref<128x128xf32, #tpu.memory_space<vmem>>, vector<1x16xf32>,
            %parallel_loop3A_885 = arith.index_cast %parallel_loop3A_844 : i32 to index
            %parallel_loop3A_886 = arith.constant 64 : index
            %parallel_loop3A_887 = tpu.vector_load %arg12[%parallel_loop3A_885, %parallel_loop3A_886] {strides = array<i32>} : memref<128x128xf32, #tpu.memory_space<vmem>>, vector<1x16xf32>,
            %parallel_loop3A_888 = vector.shape_cast %parallel_loop3A_887 : vector<1x16xf32> to vector<16xf32>
            %parallel_loop3A_889 = arith.mulf %parallel_loop3A_888, %parallel_loop3A_840 : vector<16xf32>
            %parallel_loop3A_890 = arith.index_cast %parallel_loop3A_844 : i32 to index
            %parallel_loop3A_891 = arith.constant 64 : index
            %parallel_loop3A_892 = tpu.vector_load %arg12[%parallel_loop3A_890, %parallel_loop3A_891] {strides = array<i32>} : memref<128x128xf32, #tpu.memory_space<vmem>>, vector<1x16xf32>,
            %parallel_loop3A_893 = vector.shape_cast %parallel_loop3A_892 : vector<1x16xf32> to vector<16xf32>
            %parallel_loop3A_894 = vector.shape_cast %parallel_loop3A_889 : vector<16xf32> to vector<1x16xf32>
            tpu.vector_store %arg12[%parallel_loop3A_890, %parallel_loop3A_891], %parallel_loop3A_894 {strides = array<i32>} : memref<128x128xf32, #tpu.memory_space<vmem>>, vector<1x16xf32>,
            %parallel_loop3A_895 = arith.index_cast %parallel_loop3A_844 : i32 to index
            %parallel_loop3A_896 = arith.constant 80 : index
            %parallel_loop3A_897 = tpu.vector_load %arg12[%parallel_loop3A_895, %parallel_loop3A_896] {strides = array<i32>} : memref<128x128xf32, #tpu.memory_space<vmem>>, vector<1x16xf32>,
            %parallel_loop3A_898 = vector.shape_cast %parallel_loop3A_897 : vector<1x16xf32> to vector<16xf32>
            %parallel_loop3A_899 = arith.mulf %parallel_loop3A_898, %parallel_loop3A_840 : vector<16xf32>
            %parallel_loop3A_900 = arith.index_cast %parallel_loop3A_844 : i32 to index
            %parallel_loop3A_901 = arith.constant 80 : index
            %parallel_loop3A_902 = tpu.vector_load %arg12[%parallel_loop3A_900, %parallel_loop3A_901] {strides = array<i32>} : memref<128x128xf32, #tpu.memory_space<vmem>>, vector<1x16xf32>,
            %parallel_loop3A_903 = vector.shape_cast %parallel_loop3A_902 : vector<1x16xf32> to vector<16xf32>
            %parallel_loop3A_904 = vector.shape_cast %parallel_loop3A_899 : vector<16xf32> to vector<1x16xf32>
            tpu.vector_store %arg12[%parallel_loop3A_900, %parallel_loop3A_901], %parallel_loop3A_904 {strides = array<i32>} : memref<128x128xf32, #tpu.memory_space<vmem>>, vector<1x16xf32>,
            %parallel_loop3A_905 = arith.index_cast %parallel_loop3A_844 : i32 to index
            %parallel_loop3A_906 = arith.constant 96 : index
            %parallel_loop3A_907 = tpu.vector_load %arg12[%parallel_loop3A_905, %parallel_loop3A_906] {strides = array<i32>} : memref<128x128xf32, #tpu.memory_space<vmem>>, vector<1x16xf32>,
            %parallel_loop3A_908 = vector.shape_cast %parallel_loop3A_907 : vector<1x16xf32> to vector<16xf32>
            %parallel_loop3A_909 = arith.mulf %parallel_loop3A_908, %parallel_loop3A_840 : vector<16xf32>
            %parallel_loop3A_910 = arith.index_cast %parallel_loop3A_844 : i32 to index
            %parallel_loop3A_911 = arith.constant 96 : index
            %parallel_loop3A_912 = tpu.vector_load %arg12[%parallel_loop3A_910, %parallel_loop3A_911] {strides = array<i32>} : memref<128x128xf32, #tpu.memory_space<vmem>>, vector<1x16xf32>,
            %parallel_loop3A_913 = vector.shape_cast %parallel_loop3A_912 : vector<1x16xf32> to vector<16xf32>
            %parallel_loop3A_914 = vector.shape_cast %parallel_loop3A_909 : vector<16xf32> to vector<1x16xf32>
            tpu.vector_store %arg12[%parallel_loop3A_910, %parallel_loop3A_911], %parallel_loop3A_914 {strides = array<i32>} : memref<128x128xf32, #tpu.memory_space<vmem>>, vector<1x16xf32>,
            %parallel_loop3A_915 = arith.index_cast %parallel_loop3A_844 : i32 to index
            %parallel_loop3A_916 = arith.constant 112 : index
            %parallel_loop3A_917 = tpu.vector_load %arg12[%parallel_loop3A_915, %parallel_loop3A_916] {strides = array<i32>} : memref<128x128xf32, #tpu.memory_space<vmem>>, vector<1x16xf32>,
            %parallel_loop3A_918 = vector.shape_cast %parallel_loop3A_917 : vector<1x16xf32> to vector<16xf32>
            %parallel_loop3A_919 = arith.mulf %parallel_loop3A_918, %parallel_loop3A_840 : vector<16xf32>
            %parallel_loop3A_920 = arith.index_cast %parallel_loop3A_844 : i32 to index
            %parallel_loop3A_921 = arith.constant 112 : index
            %parallel_loop3A_922 = tpu.vector_load %arg12[%parallel_loop3A_920, %parallel_loop3A_921] {strides = array<i32>} : memref<128x128xf32, #tpu.memory_space<vmem>>, vector<1x16xf32>,
            %parallel_loop3A_923 = vector.shape_cast %parallel_loop3A_922 : vector<1x16xf32> to vector<16xf32>
            %parallel_loop3A_924 = vector.shape_cast %parallel_loop3A_919 : vector<16xf32> to vector<1x16xf32>
            tpu.vector_store %arg12[%parallel_loop3A_920, %parallel_loop3A_921], %parallel_loop3A_924 {strides = array<i32>} : memref<128x128xf32, #tpu.memory_space<vmem>>, vector<1x16xf32>,
            %parallel_loop3A_925 = vector.extract_strided_slice %parallel_loop3A_141 {offsets = [9], sizes = [1], strides = [1]} : vector<16xf32> to vector<1xf32>
            %parallel_loop3A_926 = vector.extract %parallel_loop3A_925[0] : f32 from vector<1xf32>
            %parallel_loop3A_927 = vector.broadcast %parallel_loop3A_926 : f32 to vector<16xf32>
            %parallel_loop3A_928 = arith.constant 16 : i32
            %parallel_loop3A_929 = arith.muli %parallel_loop3A_135, %parallel_loop3A_928 : i32
            %parallel_loop3A_930 = arith.constant 9 : i32
            %parallel_loop3A_931 = arith.addi %parallel_loop3A_929, %parallel_loop3A_930 : i32
            %parallel_loop3A_932 = arith.index_cast %parallel_loop3A_931 : i32 to index
            %parallel_loop3A_933 = arith.constant 0 : index
            %parallel_loop3A_934 = tpu.vector_load %arg12[%parallel_loop3A_932, %parallel_loop3A_933] {strides = array<i32>} : memref<128x128xf32, #tpu.memory_space<vmem>>, vector<1x16xf32>,
            %parallel_loop3A_935 = vector.shape_cast %parallel_loop3A_934 : vector<1x16xf32> to vector<16xf32>
            %parallel_loop3A_936 = arith.mulf %parallel_loop3A_935, %parallel_loop3A_927 : vector<16xf32>
            %parallel_loop3A_937 = arith.index_cast %parallel_loop3A_931 : i32 to index
            %parallel_loop3A_938 = arith.constant 0 : index
            %parallel_loop3A_939 = tpu.vector_load %arg12[%parallel_loop3A_937, %parallel_loop3A_938] {strides = array<i32>} : memref<128x128xf32, #tpu.memory_space<vmem>>, vector<1x16xf32>,
            %parallel_loop3A_940 = vector.shape_cast %parallel_loop3A_939 : vector<1x16xf32> to vector<16xf32>
            %parallel_loop3A_941 = vector.shape_cast %parallel_loop3A_936 : vector<16xf32> to vector<1x16xf32>
            tpu.vector_store %arg12[%parallel_loop3A_937, %parallel_loop3A_938], %parallel_loop3A_941 {strides = array<i32>} : memref<128x128xf32, #tpu.memory_space<vmem>>, vector<1x16xf32>,
            %parallel_loop3A_942 = arith.index_cast %parallel_loop3A_931 : i32 to index
            %parallel_loop3A_943 = arith.constant 16 : index
            %parallel_loop3A_944 = tpu.vector_load %arg12[%parallel_loop3A_942, %parallel_loop3A_943] {strides = array<i32>} : memref<128x128xf32, #tpu.memory_space<vmem>>, vector<1x16xf32>,
            %parallel_loop3A_945 = vector.shape_cast %parallel_loop3A_944 : vector<1x16xf32> to vector<16xf32>
            %parallel_loop3A_946 = arith.mulf %parallel_loop3A_945, %parallel_loop3A_927 : vector<16xf32>
            %parallel_loop3A_947 = arith.index_cast %parallel_loop3A_931 : i32 to index
            %parallel_loop3A_948 = arith.constant 16 : index
            %parallel_loop3A_949 = tpu.vector_load %arg12[%parallel_loop3A_947, %parallel_loop3A_948] {strides = array<i32>} : memref<128x128xf32, #tpu.memory_space<vmem>>, vector<1x16xf32>,
            %parallel_loop3A_950 = vector.shape_cast %parallel_loop3A_949 : vector<1x16xf32> to vector<16xf32>
            %parallel_loop3A_951 = vector.shape_cast %parallel_loop3A_946 : vector<16xf32> to vector<1x16xf32>
            tpu.vector_store %arg12[%parallel_loop3A_947, %parallel_loop3A_948], %parallel_loop3A_951 {strides = array<i32>} : memref<128x128xf32, #tpu.memory_space<vmem>>, vector<1x16xf32>,
            %parallel_loop3A_952 = arith.index_cast %parallel_loop3A_931 : i32 to index
            %parallel_loop3A_953 = arith.constant 32 : index
            %parallel_loop3A_954 = tpu.vector_load %arg12[%parallel_loop3A_952, %parallel_loop3A_953] {strides = array<i32>} : memref<128x128xf32, #tpu.memory_space<vmem>>, vector<1x16xf32>,
            %parallel_loop3A_955 = vector.shape_cast %parallel_loop3A_954 : vector<1x16xf32> to vector<16xf32>
            %parallel_loop3A_956 = arith.mulf %parallel_loop3A_955, %parallel_loop3A_927 : vector<16xf32>
            %parallel_loop3A_957 = arith.index_cast %parallel_loop3A_931 : i32 to index
            %parallel_loop3A_958 = arith.constant 32 : index
            %parallel_loop3A_959 = tpu.vector_load %arg12[%parallel_loop3A_957, %parallel_loop3A_958] {strides = array<i32>} : memref<128x128xf32, #tpu.memory_space<vmem>>, vector<1x16xf32>,
            %parallel_loop3A_960 = vector.shape_cast %parallel_loop3A_959 : vector<1x16xf32> to vector<16xf32>
            %parallel_loop3A_961 = vector.shape_cast %parallel_loop3A_956 : vector<16xf32> to vector<1x16xf32>
            tpu.vector_store %arg12[%parallel_loop3A_957, %parallel_loop3A_958], %parallel_loop3A_961 {strides = array<i32>} : memref<128x128xf32, #tpu.memory_space<vmem>>, vector<1x16xf32>,
            %parallel_loop3A_962 = arith.index_cast %parallel_loop3A_931 : i32 to index
            %parallel_loop3A_963 = arith.constant 48 : index
            %parallel_loop3A_964 = tpu.vector_load %arg12[%parallel_loop3A_962, %parallel_loop3A_963] {strides = array<i32>} : memref<128x128xf32, #tpu.memory_space<vmem>>, vector<1x16xf32>,
            %parallel_loop3A_965 = vector.shape_cast %parallel_loop3A_964 : vector<1x16xf32> to vector<16xf32>
            %parallel_loop3A_966 = arith.mulf %parallel_loop3A_965, %parallel_loop3A_927 : vector<16xf32>
            %parallel_loop3A_967 = arith.index_cast %parallel_loop3A_931 : i32 to index
            %parallel_loop3A_968 = arith.constant 48 : index
            %parallel_loop3A_969 = tpu.vector_load %arg12[%parallel_loop3A_967, %parallel_loop3A_968] {strides = array<i32>} : memref<128x128xf32, #tpu.memory_space<vmem>>, vector<1x16xf32>,
            %parallel_loop3A_970 = vector.shape_cast %parallel_loop3A_969 : vector<1x16xf32> to vector<16xf32>
            %parallel_loop3A_971 = vector.shape_cast %parallel_loop3A_966 : vector<16xf32> to vector<1x16xf32>
            tpu.vector_store %arg12[%parallel_loop3A_967, %parallel_loop3A_968], %parallel_loop3A_971 {strides = array<i32>} : memref<128x128xf32, #tpu.memory_space<vmem>>, vector<1x16xf32>,
            %parallel_loop3A_972 = arith.index_cast %parallel_loop3A_931 : i32 to index
            %parallel_loop3A_973 = arith.constant 64 : index
            %parallel_loop3A_974 = tpu.vector_load %arg12[%parallel_loop3A_972, %parallel_loop3A_973] {strides = array<i32>} : memref<128x128xf32, #tpu.memory_space<vmem>>, vector<1x16xf32>,
            %parallel_loop3A_975 = vector.shape_cast %parallel_loop3A_974 : vector<1x16xf32> to vector<16xf32>
            %parallel_loop3A_976 = arith.mulf %parallel_loop3A_975, %parallel_loop3A_927 : vector<16xf32>
            %parallel_loop3A_977 = arith.index_cast %parallel_loop3A_931 : i32 to index
            %parallel_loop3A_978 = arith.constant 64 : index
            %parallel_loop3A_979 = tpu.vector_load %arg12[%parallel_loop3A_977, %parallel_loop3A_978] {strides = array<i32>} : memref<128x128xf32, #tpu.memory_space<vmem>>, vector<1x16xf32>,
            %parallel_loop3A_980 = vector.shape_cast %parallel_loop3A_979 : vector<1x16xf32> to vector<16xf32>
            %parallel_loop3A_981 = vector.shape_cast %parallel_loop3A_976 : vector<16xf32> to vector<1x16xf32>
            tpu.vector_store %arg12[%parallel_loop3A_977, %parallel_loop3A_978], %parallel_loop3A_981 {strides = array<i32>} : memref<128x128xf32, #tpu.memory_space<vmem>>, vector<1x16xf32>,
            %parallel_loop3A_982 = arith.index_cast %parallel_loop3A_931 : i32 to index
            %parallel_loop3A_983 = arith.constant 80 : index
            %parallel_loop3A_984 = tpu.vector_load %arg12[%parallel_loop3A_982, %parallel_loop3A_983] {strides = array<i32>} : memref<128x128xf32, #tpu.memory_space<vmem>>, vector<1x16xf32>,
            %parallel_loop3A_985 = vector.shape_cast %parallel_loop3A_984 : vector<1x16xf32> to vector<16xf32>
            %parallel_loop3A_986 = arith.mulf %parallel_loop3A_985, %parallel_loop3A_927 : vector<16xf32>
            %parallel_loop3A_987 = arith.index_cast %parallel_loop3A_931 : i32 to index
            %parallel_loop3A_988 = arith.constant 80 : index
            %parallel_loop3A_989 = tpu.vector_load %arg12[%parallel_loop3A_987, %parallel_loop3A_988] {strides = array<i32>} : memref<128x128xf32, #tpu.memory_space<vmem>>, vector<1x16xf32>,
            %parallel_loop3A_990 = vector.shape_cast %parallel_loop3A_989 : vector<1x16xf32> to vector<16xf32>
            %parallel_loop3A_991 = vector.shape_cast %parallel_loop3A_986 : vector<16xf32> to vector<1x16xf32>
            tpu.vector_store %arg12[%parallel_loop3A_987, %parallel_loop3A_988], %parallel_loop3A_991 {strides = array<i32>} : memref<128x128xf32, #tpu.memory_space<vmem>>, vector<1x16xf32>,
            %parallel_loop3A_992 = arith.index_cast %parallel_loop3A_931 : i32 to index
            %parallel_loop3A_993 = arith.constant 96 : index
            %parallel_loop3A_994 = tpu.vector_load %arg12[%parallel_loop3A_992, %parallel_loop3A_993] {strides = array<i32>} : memref<128x128xf32, #tpu.memory_space<vmem>>, vector<1x16xf32>,
            %parallel_loop3A_995 = vector.shape_cast %parallel_loop3A_994 : vector<1x16xf32> to vector<16xf32>
            %parallel_loop3A_996 = arith.mulf %parallel_loop3A_995, %parallel_loop3A_927 : vector<16xf32>
            %parallel_loop3A_997 = arith.index_cast %parallel_loop3A_931 : i32 to index
            %parallel_loop3A_998 = arith.constant 96 : index
            %parallel_loop3A_999 = tpu.vector_load %arg12[%parallel_loop3A_997, %parallel_loop3A_998] {strides = array<i32>} : memref<128x128xf32, #tpu.memory_space<vmem>>, vector<1x16xf32>,
            %parallel_loop3A_1000 = vector.shape_cast %parallel_loop3A_999 : vector<1x16xf32> to vector<16xf32>
            %parallel_loop3A_1001 = vector.shape_cast %parallel_loop3A_996 : vector<16xf32> to vector<1x16xf32>
            tpu.vector_store %arg12[%parallel_loop3A_997, %parallel_loop3A_998], %parallel_loop3A_1001 {strides = array<i32>} : memref<128x128xf32, #tpu.memory_space<vmem>>, vector<1x16xf32>,
            %parallel_loop3A_1002 = arith.index_cast %parallel_loop3A_931 : i32 to index
            %parallel_loop3A_1003 = arith.constant 112 : index
            %parallel_loop3A_1004 = tpu.vector_load %arg12[%parallel_loop3A_1002, %parallel_loop3A_1003] {strides = array<i32>} : memref<128x128xf32, #tpu.memory_space<vmem>>, vector<1x16xf32>,
            %parallel_loop3A_1005 = vector.shape_cast %parallel_loop3A_1004 : vector<1x16xf32> to vector<16xf32>
            %parallel_loop3A_1006 = arith.mulf %parallel_loop3A_1005, %parallel_loop3A_927 : vector<16xf32>
            %parallel_loop3A_1007 = arith.index_cast %parallel_loop3A_931 : i32 to index
            %parallel_loop3A_1008 = arith.constant 112 : index
            %parallel_loop3A_1009 = tpu.vector_load %arg12[%parallel_loop3A_1007, %parallel_loop3A_1008] {strides = array<i32>} : memref<128x128xf32, #tpu.memory_space<vmem>>, vector<1x16xf32>,
            %parallel_loop3A_1010 = vector.shape_cast %parallel_loop3A_1009 : vector<1x16xf32> to vector<16xf32>
            %parallel_loop3A_1011 = vector.shape_cast %parallel_loop3A_1006 : vector<16xf32> to vector<1x16xf32>
            tpu.vector_store %arg12[%parallel_loop3A_1007, %parallel_loop3A_1008], %parallel_loop3A_1011 {strides = array<i32>} : memref<128x128xf32, #tpu.memory_space<vmem>>, vector<1x16xf32>,
            %parallel_loop3A_1012 = vector.extract_strided_slice %parallel_loop3A_141 {offsets = [10], sizes = [1], strides = [1]} : vector<16xf32> to vector<1xf32>
            %parallel_loop3A_1013 = vector.extract %parallel_loop3A_1012[0] : f32 from vector<1xf32>
            %parallel_loop3A_1014 = vector.broadcast %parallel_loop3A_1013 : f32 to vector<16xf32>
            %parallel_loop3A_1015 = arith.constant 16 : i32
            %parallel_loop3A_1016 = arith.muli %parallel_loop3A_135, %parallel_loop3A_1015 : i32
            %parallel_loop3A_1017 = arith.constant 10 : i32
            %parallel_loop3A_1018 = arith.addi %parallel_loop3A_1016, %parallel_loop3A_1017 : i32
            %parallel_loop3A_1019 = arith.index_cast %parallel_loop3A_1018 : i32 to index
            %parallel_loop3A_1020 = arith.constant 0 : index
            %parallel_loop3A_1021 = tpu.vector_load %arg12[%parallel_loop3A_1019, %parallel_loop3A_1020] {strides = array<i32>} : memref<128x128xf32, #tpu.memory_space<vmem>>, vector<1x16xf32>,
            %parallel_loop3A_1022 = vector.shape_cast %parallel_loop3A_1021 : vector<1x16xf32> to vector<16xf32>
            %parallel_loop3A_1023 = arith.mulf %parallel_loop3A_1022, %parallel_loop3A_1014 : vector<16xf32>
            %parallel_loop3A_1024 = arith.index_cast %parallel_loop3A_1018 : i32 to index
            %parallel_loop3A_1025 = arith.constant 0 : index
            %parallel_loop3A_1026 = tpu.vector_load %arg12[%parallel_loop3A_1024, %parallel_loop3A_1025] {strides = array<i32>} : memref<128x128xf32, #tpu.memory_space<vmem>>, vector<1x16xf32>,
            %parallel_loop3A_1027 = vector.shape_cast %parallel_loop3A_1026 : vector<1x16xf32> to vector<16xf32>
            %parallel_loop3A_1028 = vector.shape_cast %parallel_loop3A_1023 : vector<16xf32> to vector<1x16xf32>
            tpu.vector_store %arg12[%parallel_loop3A_1024, %parallel_loop3A_1025], %parallel_loop3A_1028 {strides = array<i32>} : memref<128x128xf32, #tpu.memory_space<vmem>>, vector<1x16xf32>,
            %parallel_loop3A_1029 = arith.index_cast %parallel_loop3A_1018 : i32 to index
            %parallel_loop3A_1030 = arith.constant 16 : index
            %parallel_loop3A_1031 = tpu.vector_load %arg12[%parallel_loop3A_1029, %parallel_loop3A_1030] {strides = array<i32>} : memref<128x128xf32, #tpu.memory_space<vmem>>, vector<1x16xf32>,
            %parallel_loop3A_1032 = vector.shape_cast %parallel_loop3A_1031 : vector<1x16xf32> to vector<16xf32>
            %parallel_loop3A_1033 = arith.mulf %parallel_loop3A_1032, %parallel_loop3A_1014 : vector<16xf32>
            %parallel_loop3A_1034 = arith.index_cast %parallel_loop3A_1018 : i32 to index
            %parallel_loop3A_1035 = arith.constant 16 : index
            %parallel_loop3A_1036 = tpu.vector_load %arg12[%parallel_loop3A_1034, %parallel_loop3A_1035] {strides = array<i32>} : memref<128x128xf32, #tpu.memory_space<vmem>>, vector<1x16xf32>,
            %parallel_loop3A_1037 = vector.shape_cast %parallel_loop3A_1036 : vector<1x16xf32> to vector<16xf32>
            %parallel_loop3A_1038 = vector.shape_cast %parallel_loop3A_1033 : vector<16xf32> to vector<1x16xf32>
            tpu.vector_store %arg12[%parallel_loop3A_1034, %parallel_loop3A_1035], %parallel_loop3A_1038 {strides = array<i32>} : memref<128x128xf32, #tpu.memory_space<vmem>>, vector<1x16xf32>,
            %parallel_loop3A_1039 = arith.index_cast %parallel_loop3A_1018 : i32 to index
            %parallel_loop3A_1040 = arith.constant 32 : index
            %parallel_loop3A_1041 = tpu.vector_load %arg12[%parallel_loop3A_1039, %parallel_loop3A_1040] {strides = array<i32>} : memref<128x128xf32, #tpu.memory_space<vmem>>, vector<1x16xf32>,
            %parallel_loop3A_1042 = vector.shape_cast %parallel_loop3A_1041 : vector<1x16xf32> to vector<16xf32>
            %parallel_loop3A_1043 = arith.mulf %parallel_loop3A_1042, %parallel_loop3A_1014 : vector<16xf32>
            %parallel_loop3A_1044 = arith.index_cast %parallel_loop3A_1018 : i32 to index
            %parallel_loop3A_1045 = arith.constant 32 : index
            %parallel_loop3A_1046 = tpu.vector_load %arg12[%parallel_loop3A_1044, %parallel_loop3A_1045] {strides = array<i32>} : memref<128x128xf32, #tpu.memory_space<vmem>>, vector<1x16xf32>,
            %parallel_loop3A_1047 = vector.shape_cast %parallel_loop3A_1046 : vector<1x16xf32> to vector<16xf32>
            %parallel_loop3A_1048 = vector.shape_cast %parallel_loop3A_1043 : vector<16xf32> to vector<1x16xf32>
            tpu.vector_store %arg12[%parallel_loop3A_1044, %parallel_loop3A_1045], %parallel_loop3A_1048 {strides = array<i32>} : memref<128x128xf32, #tpu.memory_space<vmem>>, vector<1x16xf32>,
            %parallel_loop3A_1049 = arith.index_cast %parallel_loop3A_1018 : i32 to index
            %parallel_loop3A_1050 = arith.constant 48 : index
            %parallel_loop3A_1051 = tpu.vector_load %arg12[%parallel_loop3A_1049, %parallel_loop3A_1050] {strides = array<i32>} : memref<128x128xf32, #tpu.memory_space<vmem>>, vector<1x16xf32>,
            %parallel_loop3A_1052 = vector.shape_cast %parallel_loop3A_1051 : vector<1x16xf32> to vector<16xf32>
            %parallel_loop3A_1053 = arith.mulf %parallel_loop3A_1052, %parallel_loop3A_1014 : vector<16xf32>
            %parallel_loop3A_1054 = arith.index_cast %parallel_loop3A_1018 : i32 to index
            %parallel_loop3A_1055 = arith.constant 48 : index
            %parallel_loop3A_1056 = tpu.vector_load %arg12[%parallel_loop3A_1054, %parallel_loop3A_1055] {strides = array<i32>} : memref<128x128xf32, #tpu.memory_space<vmem>>, vector<1x16xf32>,
            %parallel_loop3A_1057 = vector.shape_cast %parallel_loop3A_1056 : vector<1x16xf32> to vector<16xf32>
            %parallel_loop3A_1058 = vector.shape_cast %parallel_loop3A_1053 : vector<16xf32> to vector<1x16xf32>
            tpu.vector_store %arg12[%parallel_loop3A_1054, %parallel_loop3A_1055], %parallel_loop3A_1058 {strides = array<i32>} : memref<128x128xf32, #tpu.memory_space<vmem>>, vector<1x16xf32>,
            %parallel_loop3A_1059 = arith.index_cast %parallel_loop3A_1018 : i32 to index
            %parallel_loop3A_1060 = arith.constant 64 : index
            %parallel_loop3A_1061 = tpu.vector_load %arg12[%parallel_loop3A_1059, %parallel_loop3A_1060] {strides = array<i32>} : memref<128x128xf32, #tpu.memory_space<vmem>>, vector<1x16xf32>,
            %parallel_loop3A_1062 = vector.shape_cast %parallel_loop3A_1061 : vector<1x16xf32> to vector<16xf32>
            %parallel_loop3A_1063 = arith.mulf %parallel_loop3A_1062, %parallel_loop3A_1014 : vector<16xf32>
            %parallel_loop3A_1064 = arith.index_cast %parallel_loop3A_1018 : i32 to index
            %parallel_loop3A_1065 = arith.constant 64 : index
            %parallel_loop3A_1066 = tpu.vector_load %arg12[%parallel_loop3A_1064, %parallel_loop3A_1065] {strides = array<i32>} : memref<128x128xf32, #tpu.memory_space<vmem>>, vector<1x16xf32>,
            %parallel_loop3A_1067 = vector.shape_cast %parallel_loop3A_1066 : vector<1x16xf32> to vector<16xf32>
            %parallel_loop3A_1068 = vector.shape_cast %parallel_loop3A_1063 : vector<16xf32> to vector<1x16xf32>
            tpu.vector_store %arg12[%parallel_loop3A_1064, %parallel_loop3A_1065], %parallel_loop3A_1068 {strides = array<i32>} : memref<128x128xf32, #tpu.memory_space<vmem>>, vector<1x16xf32>,
            %parallel_loop3A_1069 = arith.index_cast %parallel_loop3A_1018 : i32 to index
            %parallel_loop3A_1070 = arith.constant 80 : index
            %parallel_loop3A_1071 = tpu.vector_load %arg12[%parallel_loop3A_1069, %parallel_loop3A_1070] {strides = array<i32>} : memref<128x128xf32, #tpu.memory_space<vmem>>, vector<1x16xf32>,
            %parallel_loop3A_1072 = vector.shape_cast %parallel_loop3A_1071 : vector<1x16xf32> to vector<16xf32>
            %parallel_loop3A_1073 = arith.mulf %parallel_loop3A_1072, %parallel_loop3A_1014 : vector<16xf32>
            %parallel_loop3A_1074 = arith.index_cast %parallel_loop3A_1018 : i32 to index
            %parallel_loop3A_1075 = arith.constant 80 : index
            %parallel_loop3A_1076 = tpu.vector_load %arg12[%parallel_loop3A_1074, %parallel_loop3A_1075] {strides = array<i32>} : memref<128x128xf32, #tpu.memory_space<vmem>>, vector<1x16xf32>,
            %parallel_loop3A_1077 = vector.shape_cast %parallel_loop3A_1076 : vector<1x16xf32> to vector<16xf32>
            %parallel_loop3A_1078 = vector.shape_cast %parallel_loop3A_1073 : vector<16xf32> to vector<1x16xf32>
            tpu.vector_store %arg12[%parallel_loop3A_1074, %parallel_loop3A_1075], %parallel_loop3A_1078 {strides = array<i32>} : memref<128x128xf32, #tpu.memory_space<vmem>>, vector<1x16xf32>,
            %parallel_loop3A_1079 = arith.index_cast %parallel_loop3A_1018 : i32 to index
            %parallel_loop3A_1080 = arith.constant 96 : index
            %parallel_loop3A_1081 = tpu.vector_load %arg12[%parallel_loop3A_1079, %parallel_loop3A_1080] {strides = array<i32>} : memref<128x128xf32, #tpu.memory_space<vmem>>, vector<1x16xf32>,
            %parallel_loop3A_1082 = vector.shape_cast %parallel_loop3A_1081 : vector<1x16xf32> to vector<16xf32>
            %parallel_loop3A_1083 = arith.mulf %parallel_loop3A_1082, %parallel_loop3A_1014 : vector<16xf32>
            %parallel_loop3A_1084 = arith.index_cast %parallel_loop3A_1018 : i32 to index
            %parallel_loop3A_1085 = arith.constant 96 : index
            %parallel_loop3A_1086 = tpu.vector_load %arg12[%parallel_loop3A_1084, %parallel_loop3A_1085] {strides = array<i32>} : memref<128x128xf32, #tpu.memory_space<vmem>>, vector<1x16xf32>,
            %parallel_loop3A_1087 = vector.shape_cast %parallel_loop3A_1086 : vector<1x16xf32> to vector<16xf32>
            %parallel_loop3A_1088 = vector.shape_cast %parallel_loop3A_1083 : vector<16xf32> to vector<1x16xf32>
            tpu.vector_store %arg12[%parallel_loop3A_1084, %parallel_loop3A_1085], %parallel_loop3A_1088 {strides = array<i32>} : memref<128x128xf32, #tpu.memory_space<vmem>>, vector<1x16xf32>,
            %parallel_loop3A_1089 = arith.index_cast %parallel_loop3A_1018 : i32 to index
            %parallel_loop3A_1090 = arith.constant 112 : index
            %parallel_loop3A_1091 = tpu.vector_load %arg12[%parallel_loop3A_1089, %parallel_loop3A_1090] {strides = array<i32>} : memref<128x128xf32, #tpu.memory_space<vmem>>, vector<1x16xf32>,
            %parallel_loop3A_1092 = vector.shape_cast %parallel_loop3A_1091 : vector<1x16xf32> to vector<16xf32>
            %parallel_loop3A_1093 = arith.mulf %parallel_loop3A_1092, %parallel_loop3A_1014 : vector<16xf32>
            %parallel_loop3A_1094 = arith.index_cast %parallel_loop3A_1018 : i32 to index
            %parallel_loop3A_1095 = arith.constant 112 : index
            %parallel_loop3A_1096 = tpu.vector_load %arg12[%parallel_loop3A_1094, %parallel_loop3A_1095] {strides = array<i32>} : memref<128x128xf32, #tpu.memory_space<vmem>>, vector<1x16xf32>,
            %parallel_loop3A_1097 = vector.shape_cast %parallel_loop3A_1096 : vector<1x16xf32> to vector<16xf32>
            %parallel_loop3A_1098 = vector.shape_cast %parallel_loop3A_1093 : vector<16xf32> to vector<1x16xf32>
            tpu.vector_store %arg12[%parallel_loop3A_1094, %parallel_loop3A_1095], %parallel_loop3A_1098 {strides = array<i32>} : memref<128x128xf32, #tpu.memory_space<vmem>>, vector<1x16xf32>,
            %parallel_loop3A_1099 = vector.extract_strided_slice %parallel_loop3A_141 {offsets = [11], sizes = [1], strides = [1]} : vector<16xf32> to vector<1xf32>
            %parallel_loop3A_1100 = vector.extract %parallel_loop3A_1099[0] : f32 from vector<1xf32>
            %parallel_loop3A_1101 = vector.broadcast %parallel_loop3A_1100 : f32 to vector<16xf32>
            %parallel_loop3A_1102 = arith.constant 16 : i32
            %parallel_loop3A_1103 = arith.muli %parallel_loop3A_135, %parallel_loop3A_1102 : i32
            %parallel_loop3A_1104 = arith.constant 11 : i32
            %parallel_loop3A_1105 = arith.addi %parallel_loop3A_1103, %parallel_loop3A_1104 : i32
            %parallel_loop3A_1106 = arith.index_cast %parallel_loop3A_1105 : i32 to index
            %parallel_loop3A_1107 = arith.constant 0 : index
            %parallel_loop3A_1108 = tpu.vector_load %arg12[%parallel_loop3A_1106, %parallel_loop3A_1107] {strides = array<i32>} : memref<128x128xf32, #tpu.memory_space<vmem>>, vector<1x16xf32>,
            %parallel_loop3A_1109 = vector.shape_cast %parallel_loop3A_1108 : vector<1x16xf32> to vector<16xf32>
            %parallel_loop3A_1110 = arith.mulf %parallel_loop3A_1109, %parallel_loop3A_1101 : vector<16xf32>
            %parallel_loop3A_1111 = arith.index_cast %parallel_loop3A_1105 : i32 to index
            %parallel_loop3A_1112 = arith.constant 0 : index
            %parallel_loop3A_1113 = tpu.vector_load %arg12[%parallel_loop3A_1111, %parallel_loop3A_1112] {strides = array<i32>} : memref<128x128xf32, #tpu.memory_space<vmem>>, vector<1x16xf32>,
            %parallel_loop3A_1114 = vector.shape_cast %parallel_loop3A_1113 : vector<1x16xf32> to vector<16xf32>
            %parallel_loop3A_1115 = vector.shape_cast %parallel_loop3A_1110 : vector<16xf32> to vector<1x16xf32>
            tpu.vector_store %arg12[%parallel_loop3A_1111, %parallel_loop3A_1112], %parallel_loop3A_1115 {strides = array<i32>} : memref<128x128xf32, #tpu.memory_space<vmem>>, vector<1x16xf32>,
            %parallel_loop3A_1116 = arith.index_cast %parallel_loop3A_1105 : i32 to index
            %parallel_loop3A_1117 = arith.constant 16 : index
            %parallel_loop3A_1118 = tpu.vector_load %arg12[%parallel_loop3A_1116, %parallel_loop3A_1117] {strides = array<i32>} : memref<128x128xf32, #tpu.memory_space<vmem>>, vector<1x16xf32>,
            %parallel_loop3A_1119 = vector.shape_cast %parallel_loop3A_1118 : vector<1x16xf32> to vector<16xf32>
            %parallel_loop3A_1120 = arith.mulf %parallel_loop3A_1119, %parallel_loop3A_1101 : vector<16xf32>
            %parallel_loop3A_1121 = arith.index_cast %parallel_loop3A_1105 : i32 to index
            %parallel_loop3A_1122 = arith.constant 16 : index
            %parallel_loop3A_1123 = tpu.vector_load %arg12[%parallel_loop3A_1121, %parallel_loop3A_1122] {strides = array<i32>} : memref<128x128xf32, #tpu.memory_space<vmem>>, vector<1x16xf32>,
            %parallel_loop3A_1124 = vector.shape_cast %parallel_loop3A_1123 : vector<1x16xf32> to vector<16xf32>
            %parallel_loop3A_1125 = vector.shape_cast %parallel_loop3A_1120 : vector<16xf32> to vector<1x16xf32>
            tpu.vector_store %arg12[%parallel_loop3A_1121, %parallel_loop3A_1122], %parallel_loop3A_1125 {strides = array<i32>} : memref<128x128xf32, #tpu.memory_space<vmem>>, vector<1x16xf32>,
            %parallel_loop3A_1126 = arith.index_cast %parallel_loop3A_1105 : i32 to index
            %parallel_loop3A_1127 = arith.constant 32 : index
            %parallel_loop3A_1128 = tpu.vector_load %arg12[%parallel_loop3A_1126, %parallel_loop3A_1127] {strides = array<i32>} : memref<128x128xf32, #tpu.memory_space<vmem>>, vector<1x16xf32>,
            %parallel_loop3A_1129 = vector.shape_cast %parallel_loop3A_1128 : vector<1x16xf32> to vector<16xf32>
            %parallel_loop3A_1130 = arith.mulf %parallel_loop3A_1129, %parallel_loop3A_1101 : vector<16xf32>
            %parallel_loop3A_1131 = arith.index_cast %parallel_loop3A_1105 : i32 to index
            %parallel_loop3A_1132 = arith.constant 32 : index
            %parallel_loop3A_1133 = tpu.vector_load %arg12[%parallel_loop3A_1131, %parallel_loop3A_1132] {strides = array<i32>} : memref<128x128xf32, #tpu.memory_space<vmem>>, vector<1x16xf32>,
            %parallel_loop3A_1134 = vector.shape_cast %parallel_loop3A_1133 : vector<1x16xf32> to vector<16xf32>
            %parallel_loop3A_1135 = vector.shape_cast %parallel_loop3A_1130 : vector<16xf32> to vector<1x16xf32>
            tpu.vector_store %arg12[%parallel_loop3A_1131, %parallel_loop3A_1132], %parallel_loop3A_1135 {strides = array<i32>} : memref<128x128xf32, #tpu.memory_space<vmem>>, vector<1x16xf32>,
            %parallel_loop3A_1136 = arith.index_cast %parallel_loop3A_1105 : i32 to index
            %parallel_loop3A_1137 = arith.constant 48 : index
            %parallel_loop3A_1138 = tpu.vector_load %arg12[%parallel_loop3A_1136, %parallel_loop3A_1137] {strides = array<i32>} : memref<128x128xf32, #tpu.memory_space<vmem>>, vector<1x16xf32>,
            %parallel_loop3A_1139 = vector.shape_cast %parallel_loop3A_1138 : vector<1x16xf32> to vector<16xf32>
            %parallel_loop3A_1140 = arith.mulf %parallel_loop3A_1139, %parallel_loop3A_1101 : vector<16xf32>
            %parallel_loop3A_1141 = arith.index_cast %parallel_loop3A_1105 : i32 to index
            %parallel_loop3A_1142 = arith.constant 48 : index
            %parallel_loop3A_1143 = tpu.vector_load %arg12[%parallel_loop3A_1141, %parallel_loop3A_1142] {strides = array<i32>} : memref<128x128xf32, #tpu.memory_space<vmem>>, vector<1x16xf32>,
            %parallel_loop3A_1144 = vector.shape_cast %parallel_loop3A_1143 : vector<1x16xf32> to vector<16xf32>
            %parallel_loop3A_1145 = vector.shape_cast %parallel_loop3A_1140 : vector<16xf32> to vector<1x16xf32>
            tpu.vector_store %arg12[%parallel_loop3A_1141, %parallel_loop3A_1142], %parallel_loop3A_1145 {strides = array<i32>} : memref<128x128xf32, #tpu.memory_space<vmem>>, vector<1x16xf32>,
            %parallel_loop3A_1146 = arith.index_cast %parallel_loop3A_1105 : i32 to index
            %parallel_loop3A_1147 = arith.constant 64 : index
            %parallel_loop3A_1148 = tpu.vector_load %arg12[%parallel_loop3A_1146, %parallel_loop3A_1147] {strides = array<i32>} : memref<128x128xf32, #tpu.memory_space<vmem>>, vector<1x16xf32>,
            %parallel_loop3A_1149 = vector.shape_cast %parallel_loop3A_1148 : vector<1x16xf32> to vector<16xf32>
            %parallel_loop3A_1150 = arith.mulf %parallel_loop3A_1149, %parallel_loop3A_1101 : vector<16xf32>
            %parallel_loop3A_1151 = arith.index_cast %parallel_loop3A_1105 : i32 to index
            %parallel_loop3A_1152 = arith.constant 64 : index
            %parallel_loop3A_1153 = tpu.vector_load %arg12[%parallel_loop3A_1151, %parallel_loop3A_1152] {strides = array<i32>} : memref<128x128xf32, #tpu.memory_space<vmem>>, vector<1x16xf32>,
            %parallel_loop3A_1154 = vector.shape_cast %parallel_loop3A_1153 : vector<1x16xf32> to vector<16xf32>
            %parallel_loop3A_1155 = vector.shape_cast %parallel_loop3A_1150 : vector<16xf32> to vector<1x16xf32>
            tpu.vector_store %arg12[%parallel_loop3A_1151, %parallel_loop3A_1152], %parallel_loop3A_1155 {strides = array<i32>} : memref<128x128xf32, #tpu.memory_space<vmem>>, vector<1x16xf32>,
            %parallel_loop3A_1156 = arith.index_cast %parallel_loop3A_1105 : i32 to index
            %parallel_loop3A_1157 = arith.constant 80 : index
            %parallel_loop3A_1158 = tpu.vector_load %arg12[%parallel_loop3A_1156, %parallel_loop3A_1157] {strides = array<i32>} : memref<128x128xf32, #tpu.memory_space<vmem>>, vector<1x16xf32>,
            %parallel_loop3A_1159 = vector.shape_cast %parallel_loop3A_1158 : vector<1x16xf32> to vector<16xf32>
            %parallel_loop3A_1160 = arith.mulf %parallel_loop3A_1159, %parallel_loop3A_1101 : vector<16xf32>
            %parallel_loop3A_1161 = arith.index_cast %parallel_loop3A_1105 : i32 to index
            %parallel_loop3A_1162 = arith.constant 80 : index
            %parallel_loop3A_1163 = tpu.vector_load %arg12[%parallel_loop3A_1161, %parallel_loop3A_1162] {strides = array<i32>} : memref<128x128xf32, #tpu.memory_space<vmem>>, vector<1x16xf32>,
            %parallel_loop3A_1164 = vector.shape_cast %parallel_loop3A_1163 : vector<1x16xf32> to vector<16xf32>
            %parallel_loop3A_1165 = vector.shape_cast %parallel_loop3A_1160 : vector<16xf32> to vector<1x16xf32>
            tpu.vector_store %arg12[%parallel_loop3A_1161, %parallel_loop3A_1162], %parallel_loop3A_1165 {strides = array<i32>} : memref<128x128xf32, #tpu.memory_space<vmem>>, vector<1x16xf32>,
            %parallel_loop3A_1166 = arith.index_cast %parallel_loop3A_1105 : i32 to index
            %parallel_loop3A_1167 = arith.constant 96 : index
            %parallel_loop3A_1168 = tpu.vector_load %arg12[%parallel_loop3A_1166, %parallel_loop3A_1167] {strides = array<i32>} : memref<128x128xf32, #tpu.memory_space<vmem>>, vector<1x16xf32>,
            %parallel_loop3A_1169 = vector.shape_cast %parallel_loop3A_1168 : vector<1x16xf32> to vector<16xf32>
            %parallel_loop3A_1170 = arith.mulf %parallel_loop3A_1169, %parallel_loop3A_1101 : vector<16xf32>
            %parallel_loop3A_1171 = arith.index_cast %parallel_loop3A_1105 : i32 to index
            %parallel_loop3A_1172 = arith.constant 96 : index
            %parallel_loop3A_1173 = tpu.vector_load %arg12[%parallel_loop3A_1171, %parallel_loop3A_1172] {strides = array<i32>} : memref<128x128xf32, #tpu.memory_space<vmem>>, vector<1x16xf32>,
            %parallel_loop3A_1174 = vector.shape_cast %parallel_loop3A_1173 : vector<1x16xf32> to vector<16xf32>
            %parallel_loop3A_1175 = vector.shape_cast %parallel_loop3A_1170 : vector<16xf32> to vector<1x16xf32>
            tpu.vector_store %arg12[%parallel_loop3A_1171, %parallel_loop3A_1172], %parallel_loop3A_1175 {strides = array<i32>} : memref<128x128xf32, #tpu.memory_space<vmem>>, vector<1x16xf32>,
            %parallel_loop3A_1176 = arith.index_cast %parallel_loop3A_1105 : i32 to index
            %parallel_loop3A_1177 = arith.constant 112 : index
            %parallel_loop3A_1178 = tpu.vector_load %arg12[%parallel_loop3A_1176, %parallel_loop3A_1177] {strides = array<i32>} : memref<128x128xf32, #tpu.memory_space<vmem>>, vector<1x16xf32>,
            %parallel_loop3A_1179 = vector.shape_cast %parallel_loop3A_1178 : vector<1x16xf32> to vector<16xf32>
            %parallel_loop3A_1180 = arith.mulf %parallel_loop3A_1179, %parallel_loop3A_1101 : vector<16xf32>
            %parallel_loop3A_1181 = arith.index_cast %parallel_loop3A_1105 : i32 to index
            %parallel_loop3A_1182 = arith.constant 112 : index
            %parallel_loop3A_1183 = tpu.vector_load %arg12[%parallel_loop3A_1181, %parallel_loop3A_1182] {strides = array<i32>} : memref<128x128xf32, #tpu.memory_space<vmem>>, vector<1x16xf32>,
            %parallel_loop3A_1184 = vector.shape_cast %parallel_loop3A_1183 : vector<1x16xf32> to vector<16xf32>
            %parallel_loop3A_1185 = vector.shape_cast %parallel_loop3A_1180 : vector<16xf32> to vector<1x16xf32>
            tpu.vector_store %arg12[%parallel_loop3A_1181, %parallel_loop3A_1182], %parallel_loop3A_1185 {strides = array<i32>} : memref<128x128xf32, #tpu.memory_space<vmem>>, vector<1x16xf32>,
            %parallel_loop3A_1186 = vector.extract_strided_slice %parallel_loop3A_141 {offsets = [12], sizes = [1], strides = [1]} : vector<16xf32> to vector<1xf32>
            %parallel_loop3A_1187 = vector.extract %parallel_loop3A_1186[0] : f32 from vector<1xf32>
            %parallel_loop3A_1188 = vector.broadcast %parallel_loop3A_1187 : f32 to vector<16xf32>
            %parallel_loop3A_1189 = arith.constant 16 : i32
            %parallel_loop3A_1190 = arith.muli %parallel_loop3A_135, %parallel_loop3A_1189 : i32
            %parallel_loop3A_1191 = arith.constant 12 : i32
            %parallel_loop3A_1192 = arith.addi %parallel_loop3A_1190, %parallel_loop3A_1191 : i32
            %parallel_loop3A_1193 = arith.index_cast %parallel_loop3A_1192 : i32 to index
            %parallel_loop3A_1194 = arith.constant 0 : index
            %parallel_loop3A_1195 = tpu.vector_load %arg12[%parallel_loop3A_1193, %parallel_loop3A_1194] {strides = array<i32>} : memref<128x128xf32, #tpu.memory_space<vmem>>, vector<1x16xf32>,
            %parallel_loop3A_1196 = vector.shape_cast %parallel_loop3A_1195 : vector<1x16xf32> to vector<16xf32>
            %parallel_loop3A_1197 = arith.mulf %parallel_loop3A_1196, %parallel_loop3A_1188 : vector<16xf32>
            %parallel_loop3A_1198 = arith.index_cast %parallel_loop3A_1192 : i32 to index
            %parallel_loop3A_1199 = arith.constant 0 : index
            %parallel_loop3A_1200 = tpu.vector_load %arg12[%parallel_loop3A_1198, %parallel_loop3A_1199] {strides = array<i32>} : memref<128x128xf32, #tpu.memory_space<vmem>>, vector<1x16xf32>,
            %parallel_loop3A_1201 = vector.shape_cast %parallel_loop3A_1200 : vector<1x16xf32> to vector<16xf32>
            %parallel_loop3A_1202 = vector.shape_cast %parallel_loop3A_1197 : vector<16xf32> to vector<1x16xf32>
            tpu.vector_store %arg12[%parallel_loop3A_1198, %parallel_loop3A_1199], %parallel_loop3A_1202 {strides = array<i32>} : memref<128x128xf32, #tpu.memory_space<vmem>>, vector<1x16xf32>,
            %parallel_loop3A_1203 = arith.index_cast %parallel_loop3A_1192 : i32 to index
            %parallel_loop3A_1204 = arith.constant 16 : index
            %parallel_loop3A_1205 = tpu.vector_load %arg12[%parallel_loop3A_1203, %parallel_loop3A_1204] {strides = array<i32>} : memref<128x128xf32, #tpu.memory_space<vmem>>, vector<1x16xf32>,
            %parallel_loop3A_1206 = vector.shape_cast %parallel_loop3A_1205 : vector<1x16xf32> to vector<16xf32>
            %parallel_loop3A_1207 = arith.mulf %parallel_loop3A_1206, %parallel_loop3A_1188 : vector<16xf32>
            %parallel_loop3A_1208 = arith.index_cast %parallel_loop3A_1192 : i32 to index
            %parallel_loop3A_1209 = arith.constant 16 : index
            %parallel_loop3A_1210 = tpu.vector_load %arg12[%parallel_loop3A_1208, %parallel_loop3A_1209] {strides = array<i32>} : memref<128x128xf32, #tpu.memory_space<vmem>>, vector<1x16xf32>,
            %parallel_loop3A_1211 = vector.shape_cast %parallel_loop3A_1210 : vector<1x16xf32> to vector<16xf32>
            %parallel_loop3A_1212 = vector.shape_cast %parallel_loop3A_1207 : vector<16xf32> to vector<1x16xf32>
            tpu.vector_store %arg12[%parallel_loop3A_1208, %parallel_loop3A_1209], %parallel_loop3A_1212 {strides = array<i32>} : memref<128x128xf32, #tpu.memory_space<vmem>>, vector<1x16xf32>,
            %parallel_loop3A_1213 = arith.index_cast %parallel_loop3A_1192 : i32 to index
            %parallel_loop3A_1214 = arith.constant 32 : index
            %parallel_loop3A_1215 = tpu.vector_load %arg12[%parallel_loop3A_1213, %parallel_loop3A_1214] {strides = array<i32>} : memref<128x128xf32, #tpu.memory_space<vmem>>, vector<1x16xf32>,
            %parallel_loop3A_1216 = vector.shape_cast %parallel_loop3A_1215 : vector<1x16xf32> to vector<16xf32>
            %parallel_loop3A_1217 = arith.mulf %parallel_loop3A_1216, %parallel_loop3A_1188 : vector<16xf32>
            %parallel_loop3A_1218 = arith.index_cast %parallel_loop3A_1192 : i32 to index
            %parallel_loop3A_1219 = arith.constant 32 : index
            %parallel_loop3A_1220 = tpu.vector_load %arg12[%parallel_loop3A_1218, %parallel_loop3A_1219] {strides = array<i32>} : memref<128x128xf32, #tpu.memory_space<vmem>>, vector<1x16xf32>,
            %parallel_loop3A_1221 = vector.shape_cast %parallel_loop3A_1220 : vector<1x16xf32> to vector<16xf32>
            %parallel_loop3A_1222 = vector.shape_cast %parallel_loop3A_1217 : vector<16xf32> to vector<1x16xf32>
            tpu.vector_store %arg12[%parallel_loop3A_1218, %parallel_loop3A_1219], %parallel_loop3A_1222 {strides = array<i32>} : memref<128x128xf32, #tpu.memory_space<vmem>>, vector<1x16xf32>,
            %parallel_loop3A_1223 = arith.index_cast %parallel_loop3A_1192 : i32 to index
            %parallel_loop3A_1224 = arith.constant 48 : index
            %parallel_loop3A_1225 = tpu.vector_load %arg12[%parallel_loop3A_1223, %parallel_loop3A_1224] {strides = array<i32>} : memref<128x128xf32, #tpu.memory_space<vmem>>, vector<1x16xf32>,
            %parallel_loop3A_1226 = vector.shape_cast %parallel_loop3A_1225 : vector<1x16xf32> to vector<16xf32>
            %parallel_loop3A_1227 = arith.mulf %parallel_loop3A_1226, %parallel_loop3A_1188 : vector<16xf32>
            %parallel_loop3A_1228 = arith.index_cast %parallel_loop3A_1192 : i32 to index
            %parallel_loop3A_1229 = arith.constant 48 : index
            %parallel_loop3A_1230 = tpu.vector_load %arg12[%parallel_loop3A_1228, %parallel_loop3A_1229] {strides = array<i32>} : memref<128x128xf32, #tpu.memory_space<vmem>>, vector<1x16xf32>,
            %parallel_loop3A_1231 = vector.shape_cast %parallel_loop3A_1230 : vector<1x16xf32> to vector<16xf32>
            %parallel_loop3A_1232 = vector.shape_cast %parallel_loop3A_1227 : vector<16xf32> to vector<1x16xf32>
            tpu.vector_store %arg12[%parallel_loop3A_1228, %parallel_loop3A_1229], %parallel_loop3A_1232 {strides = array<i32>} : memref<128x128xf32, #tpu.memory_space<vmem>>, vector<1x16xf32>,
            %parallel_loop3A_1233 = arith.index_cast %parallel_loop3A_1192 : i32 to index
            %parallel_loop3A_1234 = arith.constant 64 : index
            %parallel_loop3A_1235 = tpu.vector_load %arg12[%parallel_loop3A_1233, %parallel_loop3A_1234] {strides = array<i32>} : memref<128x128xf32, #tpu.memory_space<vmem>>, vector<1x16xf32>,
            %parallel_loop3A_1236 = vector.shape_cast %parallel_loop3A_1235 : vector<1x16xf32> to vector<16xf32>
            %parallel_loop3A_1237 = arith.mulf %parallel_loop3A_1236, %parallel_loop3A_1188 : vector<16xf32>
            %parallel_loop3A_1238 = arith.index_cast %parallel_loop3A_1192 : i32 to index
            %parallel_loop3A_1239 = arith.constant 64 : index
            %parallel_loop3A_1240 = tpu.vector_load %arg12[%parallel_loop3A_1238, %parallel_loop3A_1239] {strides = array<i32>} : memref<128x128xf32, #tpu.memory_space<vmem>>, vector<1x16xf32>,
            %parallel_loop3A_1241 = vector.shape_cast %parallel_loop3A_1240 : vector<1x16xf32> to vector<16xf32>
            %parallel_loop3A_1242 = vector.shape_cast %parallel_loop3A_1237 : vector<16xf32> to vector<1x16xf32>
            tpu.vector_store %arg12[%parallel_loop3A_1238, %parallel_loop3A_1239], %parallel_loop3A_1242 {strides = array<i32>} : memref<128x128xf32, #tpu.memory_space<vmem>>, vector<1x16xf32>,
            %parallel_loop3A_1243 = arith.index_cast %parallel_loop3A_1192 : i32 to index
            %parallel_loop3A_1244 = arith.constant 80 : index
            %parallel_loop3A_1245 = tpu.vector_load %arg12[%parallel_loop3A_1243, %parallel_loop3A_1244] {strides = array<i32>} : memref<128x128xf32, #tpu.memory_space<vmem>>, vector<1x16xf32>,
            %parallel_loop3A_1246 = vector.shape_cast %parallel_loop3A_1245 : vector<1x16xf32> to vector<16xf32>
            %parallel_loop3A_1247 = arith.mulf %parallel_loop3A_1246, %parallel_loop3A_1188 : vector<16xf32>
            %parallel_loop3A_1248 = arith.index_cast %parallel_loop3A_1192 : i32 to index
            %parallel_loop3A_1249 = arith.constant 80 : index
            %parallel_loop3A_1250 = tpu.vector_load %arg12[%parallel_loop3A_1248, %parallel_loop3A_1249] {strides = array<i32>} : memref<128x128xf32, #tpu.memory_space<vmem>>, vector<1x16xf32>,
            %parallel_loop3A_1251 = vector.shape_cast %parallel_loop3A_1250 : vector<1x16xf32> to vector<16xf32>
            %parallel_loop3A_1252 = vector.shape_cast %parallel_loop3A_1247 : vector<16xf32> to vector<1x16xf32>
            tpu.vector_store %arg12[%parallel_loop3A_1248, %parallel_loop3A_1249], %parallel_loop3A_1252 {strides = array<i32>} : memref<128x128xf32, #tpu.memory_space<vmem>>, vector<1x16xf32>,
            %parallel_loop3A_1253 = arith.index_cast %parallel_loop3A_1192 : i32 to index
            %parallel_loop3A_1254 = arith.constant 96 : index
            %parallel_loop3A_1255 = tpu.vector_load %arg12[%parallel_loop3A_1253, %parallel_loop3A_1254] {strides = array<i32>} : memref<128x128xf32, #tpu.memory_space<vmem>>, vector<1x16xf32>,
            %parallel_loop3A_1256 = vector.shape_cast %parallel_loop3A_1255 : vector<1x16xf32> to vector<16xf32>
            %parallel_loop3A_1257 = arith.mulf %parallel_loop3A_1256, %parallel_loop3A_1188 : vector<16xf32>
            %parallel_loop3A_1258 = arith.index_cast %parallel_loop3A_1192 : i32 to index
            %parallel_loop3A_1259 = arith.constant 96 : index
            %parallel_loop3A_1260 = tpu.vector_load %arg12[%parallel_loop3A_1258, %parallel_loop3A_1259] {strides = array<i32>} : memref<128x128xf32, #tpu.memory_space<vmem>>, vector<1x16xf32>,
            %parallel_loop3A_1261 = vector.shape_cast %parallel_loop3A_1260 : vector<1x16xf32> to vector<16xf32>
            %parallel_loop3A_1262 = vector.shape_cast %parallel_loop3A_1257 : vector<16xf32> to vector<1x16xf32>
            tpu.vector_store %arg12[%parallel_loop3A_1258, %parallel_loop3A_1259], %parallel_loop3A_1262 {strides = array<i32>} : memref<128x128xf32, #tpu.memory_space<vmem>>, vector<1x16xf32>,
            %parallel_loop3A_1263 = arith.index_cast %parallel_loop3A_1192 : i32 to index
            %parallel_loop3A_1264 = arith.constant 112 : index
            %parallel_loop3A_1265 = tpu.vector_load %arg12[%parallel_loop3A_1263, %parallel_loop3A_1264] {strides = array<i32>} : memref<128x128xf32, #tpu.memory_space<vmem>>, vector<1x16xf32>,
            %parallel_loop3A_1266 = vector.shape_cast %parallel_loop3A_1265 : vector<1x16xf32> to vector<16xf32>
            %parallel_loop3A_1267 = arith.mulf %parallel_loop3A_1266, %parallel_loop3A_1188 : vector<16xf32>
            %parallel_loop3A_1268 = arith.index_cast %parallel_loop3A_1192 : i32 to index
            %parallel_loop3A_1269 = arith.constant 112 : index
            %parallel_loop3A_1270 = tpu.vector_load %arg12[%parallel_loop3A_1268, %parallel_loop3A_1269] {strides = array<i32>} : memref<128x128xf32, #tpu.memory_space<vmem>>, vector<1x16xf32>,
            %parallel_loop3A_1271 = vector.shape_cast %parallel_loop3A_1270 : vector<1x16xf32> to vector<16xf32>
            %parallel_loop3A_1272 = vector.shape_cast %parallel_loop3A_1267 : vector<16xf32> to vector<1x16xf32>
            tpu.vector_store %arg12[%parallel_loop3A_1268, %parallel_loop3A_1269], %parallel_loop3A_1272 {strides = array<i32>} : memref<128x128xf32, #tpu.memory_space<vmem>>, vector<1x16xf32>,
            %parallel_loop3A_1273 = vector.extract_strided_slice %parallel_loop3A_141 {offsets = [13], sizes = [1], strides = [1]} : vector<16xf32> to vector<1xf32>
            %parallel_loop3A_1274 = vector.extract %parallel_loop3A_1273[0] : f32 from vector<1xf32>
            %parallel_loop3A_1275 = vector.broadcast %parallel_loop3A_1274 : f32 to vector<16xf32>
            %parallel_loop3A_1276 = arith.constant 16 : i32
            %parallel_loop3A_1277 = arith.muli %parallel_loop3A_135, %parallel_loop3A_1276 : i32
            %parallel_loop3A_1278 = arith.constant 13 : i32
            %parallel_loop3A_1279 = arith.addi %parallel_loop3A_1277, %parallel_loop3A_1278 : i32
            %parallel_loop3A_1280 = arith.index_cast %parallel_loop3A_1279 : i32 to index
            %parallel_loop3A_1281 = arith.constant 0 : index
            %parallel_loop3A_1282 = tpu.vector_load %arg12[%parallel_loop3A_1280, %parallel_loop3A_1281] {strides = array<i32>} : memref<128x128xf32, #tpu.memory_space<vmem>>, vector<1x16xf32>,
            %parallel_loop3A_1283 = vector.shape_cast %parallel_loop3A_1282 : vector<1x16xf32> to vector<16xf32>
            %parallel_loop3A_1284 = arith.mulf %parallel_loop3A_1283, %parallel_loop3A_1275 : vector<16xf32>
            %parallel_loop3A_1285 = arith.index_cast %parallel_loop3A_1279 : i32 to index
            %parallel_loop3A_1286 = arith.constant 0 : index
            %parallel_loop3A_1287 = tpu.vector_load %arg12[%parallel_loop3A_1285, %parallel_loop3A_1286] {strides = array<i32>} : memref<128x128xf32, #tpu.memory_space<vmem>>, vector<1x16xf32>,
            %parallel_loop3A_1288 = vector.shape_cast %parallel_loop3A_1287 : vector<1x16xf32> to vector<16xf32>
            %parallel_loop3A_1289 = vector.shape_cast %parallel_loop3A_1284 : vector<16xf32> to vector<1x16xf32>
            tpu.vector_store %arg12[%parallel_loop3A_1285, %parallel_loop3A_1286], %parallel_loop3A_1289 {strides = array<i32>} : memref<128x128xf32, #tpu.memory_space<vmem>>, vector<1x16xf32>,
            %parallel_loop3A_1290 = arith.index_cast %parallel_loop3A_1279 : i32 to index
            %parallel_loop3A_1291 = arith.constant 16 : index
            %parallel_loop3A_1292 = tpu.vector_load %arg12[%parallel_loop3A_1290, %parallel_loop3A_1291] {strides = array<i32>} : memref<128x128xf32, #tpu.memory_space<vmem>>, vector<1x16xf32>,
            %parallel_loop3A_1293 = vector.shape_cast %parallel_loop3A_1292 : vector<1x16xf32> to vector<16xf32>
            %parallel_loop3A_1294 = arith.mulf %parallel_loop3A_1293, %parallel_loop3A_1275 : vector<16xf32>
            %parallel_loop3A_1295 = arith.index_cast %parallel_loop3A_1279 : i32 to index
            %parallel_loop3A_1296 = arith.constant 16 : index
            %parallel_loop3A_1297 = tpu.vector_load %arg12[%parallel_loop3A_1295, %parallel_loop3A_1296] {strides = array<i32>} : memref<128x128xf32, #tpu.memory_space<vmem>>, vector<1x16xf32>,
            %parallel_loop3A_1298 = vector.shape_cast %parallel_loop3A_1297 : vector<1x16xf32> to vector<16xf32>
            %parallel_loop3A_1299 = vector.shape_cast %parallel_loop3A_1294 : vector<16xf32> to vector<1x16xf32>
            tpu.vector_store %arg12[%parallel_loop3A_1295, %parallel_loop3A_1296], %parallel_loop3A_1299 {strides = array<i32>} : memref<128x128xf32, #tpu.memory_space<vmem>>, vector<1x16xf32>,
            %parallel_loop3A_1300 = arith.index_cast %parallel_loop3A_1279 : i32 to index
            %parallel_loop3A_1301 = arith.constant 32 : index
            %parallel_loop3A_1302 = tpu.vector_load %arg12[%parallel_loop3A_1300, %parallel_loop3A_1301] {strides = array<i32>} : memref<128x128xf32, #tpu.memory_space<vmem>>, vector<1x16xf32>,
            %parallel_loop3A_1303 = vector.shape_cast %parallel_loop3A_1302 : vector<1x16xf32> to vector<16xf32>
            %parallel_loop3A_1304 = arith.mulf %parallel_loop3A_1303, %parallel_loop3A_1275 : vector<16xf32>
            %parallel_loop3A_1305 = arith.index_cast %parallel_loop3A_1279 : i32 to index
            %parallel_loop3A_1306 = arith.constant 32 : index
            %parallel_loop3A_1307 = tpu.vector_load %arg12[%parallel_loop3A_1305, %parallel_loop3A_1306] {strides = array<i32>} : memref<128x128xf32, #tpu.memory_space<vmem>>, vector<1x16xf32>,
            %parallel_loop3A_1308 = vector.shape_cast %parallel_loop3A_1307 : vector<1x16xf32> to vector<16xf32>
            %parallel_loop3A_1309 = vector.shape_cast %parallel_loop3A_1304 : vector<16xf32> to vector<1x16xf32>
            tpu.vector_store %arg12[%parallel_loop3A_1305, %parallel_loop3A_1306], %parallel_loop3A_1309 {strides = array<i32>} : memref<128x128xf32, #tpu.memory_space<vmem>>, vector<1x16xf32>,
            %parallel_loop3A_1310 = arith.index_cast %parallel_loop3A_1279 : i32 to index
            %parallel_loop3A_1311 = arith.constant 48 : index
            %parallel_loop3A_1312 = tpu.vector_load %arg12[%parallel_loop3A_1310, %parallel_loop3A_1311] {strides = array<i32>} : memref<128x128xf32, #tpu.memory_space<vmem>>, vector<1x16xf32>,
            %parallel_loop3A_1313 = vector.shape_cast %parallel_loop3A_1312 : vector<1x16xf32> to vector<16xf32>
            %parallel_loop3A_1314 = arith.mulf %parallel_loop3A_1313, %parallel_loop3A_1275 : vector<16xf32>
            %parallel_loop3A_1315 = arith.index_cast %parallel_loop3A_1279 : i32 to index
            %parallel_loop3A_1316 = arith.constant 48 : index
            %parallel_loop3A_1317 = tpu.vector_load %arg12[%parallel_loop3A_1315, %parallel_loop3A_1316] {strides = array<i32>} : memref<128x128xf32, #tpu.memory_space<vmem>>, vector<1x16xf32>,
            %parallel_loop3A_1318 = vector.shape_cast %parallel_loop3A_1317 : vector<1x16xf32> to vector<16xf32>
            %parallel_loop3A_1319 = vector.shape_cast %parallel_loop3A_1314 : vector<16xf32> to vector<1x16xf32>
            tpu.vector_store %arg12[%parallel_loop3A_1315, %parallel_loop3A_1316], %parallel_loop3A_1319 {strides = array<i32>} : memref<128x128xf32, #tpu.memory_space<vmem>>, vector<1x16xf32>,
            %parallel_loop3A_1320 = arith.index_cast %parallel_loop3A_1279 : i32 to index
            %parallel_loop3A_1321 = arith.constant 64 : index
            %parallel_loop3A_1322 = tpu.vector_load %arg12[%parallel_loop3A_1320, %parallel_loop3A_1321] {strides = array<i32>} : memref<128x128xf32, #tpu.memory_space<vmem>>, vector<1x16xf32>,
            %parallel_loop3A_1323 = vector.shape_cast %parallel_loop3A_1322 : vector<1x16xf32> to vector<16xf32>
            %parallel_loop3A_1324 = arith.mulf %parallel_loop3A_1323, %parallel_loop3A_1275 : vector<16xf32>
            %parallel_loop3A_1325 = arith.index_cast %parallel_loop3A_1279 : i32 to index
            %parallel_loop3A_1326 = arith.constant 64 : index
            %parallel_loop3A_1327 = tpu.vector_load %arg12[%parallel_loop3A_1325, %parallel_loop3A_1326] {strides = array<i32>} : memref<128x128xf32, #tpu.memory_space<vmem>>, vector<1x16xf32>,
            %parallel_loop3A_1328 = vector.shape_cast %parallel_loop3A_1327 : vector<1x16xf32> to vector<16xf32>
            %parallel_loop3A_1329 = vector.shape_cast %parallel_loop3A_1324 : vector<16xf32> to vector<1x16xf32>
            tpu.vector_store %arg12[%parallel_loop3A_1325, %parallel_loop3A_1326], %parallel_loop3A_1329 {strides = array<i32>} : memref<128x128xf32, #tpu.memory_space<vmem>>, vector<1x16xf32>,
            %parallel_loop3A_1330 = arith.index_cast %parallel_loop3A_1279 : i32 to index
            %parallel_loop3A_1331 = arith.constant 80 : index
            %parallel_loop3A_1332 = tpu.vector_load %arg12[%parallel_loop3A_1330, %parallel_loop3A_1331] {strides = array<i32>} : memref<128x128xf32, #tpu.memory_space<vmem>>, vector<1x16xf32>,
            %parallel_loop3A_1333 = vector.shape_cast %parallel_loop3A_1332 : vector<1x16xf32> to vector<16xf32>
            %parallel_loop3A_1334 = arith.mulf %parallel_loop3A_1333, %parallel_loop3A_1275 : vector<16xf32>
            %parallel_loop3A_1335 = arith.index_cast %parallel_loop3A_1279 : i32 to index
            %parallel_loop3A_1336 = arith.constant 80 : index
            %parallel_loop3A_1337 = tpu.vector_load %arg12[%parallel_loop3A_1335, %parallel_loop3A_1336] {strides = array<i32>} : memref<128x128xf32, #tpu.memory_space<vmem>>, vector<1x16xf32>,
            %parallel_loop3A_1338 = vector.shape_cast %parallel_loop3A_1337 : vector<1x16xf32> to vector<16xf32>
            %parallel_loop3A_1339 = vector.shape_cast %parallel_loop3A_1334 : vector<16xf32> to vector<1x16xf32>
            tpu.vector_store %arg12[%parallel_loop3A_1335, %parallel_loop3A_1336], %parallel_loop3A_1339 {strides = array<i32>} : memref<128x128xf32, #tpu.memory_space<vmem>>, vector<1x16xf32>,
            %parallel_loop3A_1340 = arith.index_cast %parallel_loop3A_1279 : i32 to index
            %parallel_loop3A_1341 = arith.constant 96 : index
            %parallel_loop3A_1342 = tpu.vector_load %arg12[%parallel_loop3A_1340, %parallel_loop3A_1341] {strides = array<i32>} : memref<128x128xf32, #tpu.memory_space<vmem>>, vector<1x16xf32>,
            %parallel_loop3A_1343 = vector.shape_cast %parallel_loop3A_1342 : vector<1x16xf32> to vector<16xf32>
            %parallel_loop3A_1344 = arith.mulf %parallel_loop3A_1343, %parallel_loop3A_1275 : vector<16xf32>
            %parallel_loop3A_1345 = arith.index_cast %parallel_loop3A_1279 : i32 to index
            %parallel_loop3A_1346 = arith.constant 96 : index
            %parallel_loop3A_1347 = tpu.vector_load %arg12[%parallel_loop3A_1345, %parallel_loop3A_1346] {strides = array<i32>} : memref<128x128xf32, #tpu.memory_space<vmem>>, vector<1x16xf32>,
            %parallel_loop3A_1348 = vector.shape_cast %parallel_loop3A_1347 : vector<1x16xf32> to vector<16xf32>
            %parallel_loop3A_1349 = vector.shape_cast %parallel_loop3A_1344 : vector<16xf32> to vector<1x16xf32>
            tpu.vector_store %arg12[%parallel_loop3A_1345, %parallel_loop3A_1346], %parallel_loop3A_1349 {strides = array<i32>} : memref<128x128xf32, #tpu.memory_space<vmem>>, vector<1x16xf32>,
            %parallel_loop3A_1350 = arith.index_cast %parallel_loop3A_1279 : i32 to index
            %parallel_loop3A_1351 = arith.constant 112 : index
            %parallel_loop3A_1352 = tpu.vector_load %arg12[%parallel_loop3A_1350, %parallel_loop3A_1351] {strides = array<i32>} : memref<128x128xf32, #tpu.memory_space<vmem>>, vector<1x16xf32>,
            %parallel_loop3A_1353 = vector.shape_cast %parallel_loop3A_1352 : vector<1x16xf32> to vector<16xf32>
            %parallel_loop3A_1354 = arith.mulf %parallel_loop3A_1353, %parallel_loop3A_1275 : vector<16xf32>
            %parallel_loop3A_1355 = arith.index_cast %parallel_loop3A_1279 : i32 to index
            %parallel_loop3A_1356 = arith.constant 112 : index
            %parallel_loop3A_1357 = tpu.vector_load %arg12[%parallel_loop3A_1355, %parallel_loop3A_1356] {strides = array<i32>} : memref<128x128xf32, #tpu.memory_space<vmem>>, vector<1x16xf32>,
            %parallel_loop3A_1358 = vector.shape_cast %parallel_loop3A_1357 : vector<1x16xf32> to vector<16xf32>
            %parallel_loop3A_1359 = vector.shape_cast %parallel_loop3A_1354 : vector<16xf32> to vector<1x16xf32>
            tpu.vector_store %arg12[%parallel_loop3A_1355, %parallel_loop3A_1356], %parallel_loop3A_1359 {strides = array<i32>} : memref<128x128xf32, #tpu.memory_space<vmem>>, vector<1x16xf32>,
            %parallel_loop3A_1360 = vector.extract_strided_slice %parallel_loop3A_141 {offsets = [14], sizes = [1], strides = [1]} : vector<16xf32> to vector<1xf32>
            %parallel_loop3A_1361 = vector.extract %parallel_loop3A_1360[0] : f32 from vector<1xf32>
            %parallel_loop3A_1362 = vector.broadcast %parallel_loop3A_1361 : f32 to vector<16xf32>
            %parallel_loop3A_1363 = arith.constant 16 : i32
            %parallel_loop3A_1364 = arith.muli %parallel_loop3A_135, %parallel_loop3A_1363 : i32
            %parallel_loop3A_1365 = arith.constant 14 : i32
            %parallel_loop3A_1366 = arith.addi %parallel_loop3A_1364, %parallel_loop3A_1365 : i32
            %parallel_loop3A_1367 = arith.index_cast %parallel_loop3A_1366 : i32 to index
            %parallel_loop3A_1368 = arith.constant 0 : index
            %parallel_loop3A_1369 = tpu.vector_load %arg12[%parallel_loop3A_1367, %parallel_loop3A_1368] {strides = array<i32>} : memref<128x128xf32, #tpu.memory_space<vmem>>, vector<1x16xf32>,
            %parallel_loop3A_1370 = vector.shape_cast %parallel_loop3A_1369 : vector<1x16xf32> to vector<16xf32>
            %parallel_loop3A_1371 = arith.mulf %parallel_loop3A_1370, %parallel_loop3A_1362 : vector<16xf32>
            %parallel_loop3A_1372 = arith.index_cast %parallel_loop3A_1366 : i32 to index
            %parallel_loop3A_1373 = arith.constant 0 : index
            %parallel_loop3A_1374 = tpu.vector_load %arg12[%parallel_loop3A_1372, %parallel_loop3A_1373] {strides = array<i32>} : memref<128x128xf32, #tpu.memory_space<vmem>>, vector<1x16xf32>,
            %parallel_loop3A_1375 = vector.shape_cast %parallel_loop3A_1374 : vector<1x16xf32> to vector<16xf32>
            %parallel_loop3A_1376 = vector.shape_cast %parallel_loop3A_1371 : vector<16xf32> to vector<1x16xf32>
            tpu.vector_store %arg12[%parallel_loop3A_1372, %parallel_loop3A_1373], %parallel_loop3A_1376 {strides = array<i32>} : memref<128x128xf32, #tpu.memory_space<vmem>>, vector<1x16xf32>,
            %parallel_loop3A_1377 = arith.index_cast %parallel_loop3A_1366 : i32 to index
            %parallel_loop3A_1378 = arith.constant 16 : index
            %parallel_loop3A_1379 = tpu.vector_load %arg12[%parallel_loop3A_1377, %parallel_loop3A_1378] {strides = array<i32>} : memref<128x128xf32, #tpu.memory_space<vmem>>, vector<1x16xf32>,
            %parallel_loop3A_1380 = vector.shape_cast %parallel_loop3A_1379 : vector<1x16xf32> to vector<16xf32>
            %parallel_loop3A_1381 = arith.mulf %parallel_loop3A_1380, %parallel_loop3A_1362 : vector<16xf32>
            %parallel_loop3A_1382 = arith.index_cast %parallel_loop3A_1366 : i32 to index
            %parallel_loop3A_1383 = arith.constant 16 : index
            %parallel_loop3A_1384 = tpu.vector_load %arg12[%parallel_loop3A_1382, %parallel_loop3A_1383] {strides = array<i32>} : memref<128x128xf32, #tpu.memory_space<vmem>>, vector<1x16xf32>,
            %parallel_loop3A_1385 = vector.shape_cast %parallel_loop3A_1384 : vector<1x16xf32> to vector<16xf32>
            %parallel_loop3A_1386 = vector.shape_cast %parallel_loop3A_1381 : vector<16xf32> to vector<1x16xf32>
            tpu.vector_store %arg12[%parallel_loop3A_1382, %parallel_loop3A_1383], %parallel_loop3A_1386 {strides = array<i32>} : memref<128x128xf32, #tpu.memory_space<vmem>>, vector<1x16xf32>,
            %parallel_loop3A_1387 = arith.index_cast %parallel_loop3A_1366 : i32 to index
            %parallel_loop3A_1388 = arith.constant 32 : index
            %parallel_loop3A_1389 = tpu.vector_load %arg12[%parallel_loop3A_1387, %parallel_loop3A_1388] {strides = array<i32>} : memref<128x128xf32, #tpu.memory_space<vmem>>, vector<1x16xf32>,
            %parallel_loop3A_1390 = vector.shape_cast %parallel_loop3A_1389 : vector<1x16xf32> to vector<16xf32>
            %parallel_loop3A_1391 = arith.mulf %parallel_loop3A_1390, %parallel_loop3A_1362 : vector<16xf32>
            %parallel_loop3A_1392 = arith.index_cast %parallel_loop3A_1366 : i32 to index
            %parallel_loop3A_1393 = arith.constant 32 : index
            %parallel_loop3A_1394 = tpu.vector_load %arg12[%parallel_loop3A_1392, %parallel_loop3A_1393] {strides = array<i32>} : memref<128x128xf32, #tpu.memory_space<vmem>>, vector<1x16xf32>,
            %parallel_loop3A_1395 = vector.shape_cast %parallel_loop3A_1394 : vector<1x16xf32> to vector<16xf32>
            %parallel_loop3A_1396 = vector.shape_cast %parallel_loop3A_1391 : vector<16xf32> to vector<1x16xf32>
            tpu.vector_store %arg12[%parallel_loop3A_1392, %parallel_loop3A_1393], %parallel_loop3A_1396 {strides = array<i32>} : memref<128x128xf32, #tpu.memory_space<vmem>>, vector<1x16xf32>,
            %parallel_loop3A_1397 = arith.index_cast %parallel_loop3A_1366 : i32 to index
            %parallel_loop3A_1398 = arith.constant 48 : index
            %parallel_loop3A_1399 = tpu.vector_load %arg12[%parallel_loop3A_1397, %parallel_loop3A_1398] {strides = array<i32>} : memref<128x128xf32, #tpu.memory_space<vmem>>, vector<1x16xf32>,
            %parallel_loop3A_1400 = vector.shape_cast %parallel_loop3A_1399 : vector<1x16xf32> to vector<16xf32>
            %parallel_loop3A_1401 = arith.mulf %parallel_loop3A_1400, %parallel_loop3A_1362 : vector<16xf32>
            %parallel_loop3A_1402 = arith.index_cast %parallel_loop3A_1366 : i32 to index
            %parallel_loop3A_1403 = arith.constant 48 : index
            %parallel_loop3A_1404 = tpu.vector_load %arg12[%parallel_loop3A_1402, %parallel_loop3A_1403] {strides = array<i32>} : memref<128x128xf32, #tpu.memory_space<vmem>>, vector<1x16xf32>,
            %parallel_loop3A_1405 = vector.shape_cast %parallel_loop3A_1404 : vector<1x16xf32> to vector<16xf32>
            %parallel_loop3A_1406 = vector.shape_cast %parallel_loop3A_1401 : vector<16xf32> to vector<1x16xf32>
            tpu.vector_store %arg12[%parallel_loop3A_1402, %parallel_loop3A_1403], %parallel_loop3A_1406 {strides = array<i32>} : memref<128x128xf32, #tpu.memory_space<vmem>>, vector<1x16xf32>,
            %parallel_loop3A_1407 = arith.index_cast %parallel_loop3A_1366 : i32 to index
            %parallel_loop3A_1408 = arith.constant 64 : index
            %parallel_loop3A_1409 = tpu.vector_load %arg12[%parallel_loop3A_1407, %parallel_loop3A_1408] {strides = array<i32>} : memref<128x128xf32, #tpu.memory_space<vmem>>, vector<1x16xf32>,
            %parallel_loop3A_1410 = vector.shape_cast %parallel_loop3A_1409 : vector<1x16xf32> to vector<16xf32>
            %parallel_loop3A_1411 = arith.mulf %parallel_loop3A_1410, %parallel_loop3A_1362 : vector<16xf32>
            %parallel_loop3A_1412 = arith.index_cast %parallel_loop3A_1366 : i32 to index
            %parallel_loop3A_1413 = arith.constant 64 : index
            %parallel_loop3A_1414 = tpu.vector_load %arg12[%parallel_loop3A_1412, %parallel_loop3A_1413] {strides = array<i32>} : memref<128x128xf32, #tpu.memory_space<vmem>>, vector<1x16xf32>,
            %parallel_loop3A_1415 = vector.shape_cast %parallel_loop3A_1414 : vector<1x16xf32> to vector<16xf32>
            %parallel_loop3A_1416 = vector.shape_cast %parallel_loop3A_1411 : vector<16xf32> to vector<1x16xf32>
            tpu.vector_store %arg12[%parallel_loop3A_1412, %parallel_loop3A_1413], %parallel_loop3A_1416 {strides = array<i32>} : memref<128x128xf32, #tpu.memory_space<vmem>>, vector<1x16xf32>,
            %parallel_loop3A_1417 = arith.index_cast %parallel_loop3A_1366 : i32 to index
            %parallel_loop3A_1418 = arith.constant 80 : index
            %parallel_loop3A_1419 = tpu.vector_load %arg12[%parallel_loop3A_1417, %parallel_loop3A_1418] {strides = array<i32>} : memref<128x128xf32, #tpu.memory_space<vmem>>, vector<1x16xf32>,
            %parallel_loop3A_1420 = vector.shape_cast %parallel_loop3A_1419 : vector<1x16xf32> to vector<16xf32>
            %parallel_loop3A_1421 = arith.mulf %parallel_loop3A_1420, %parallel_loop3A_1362 : vector<16xf32>
            %parallel_loop3A_1422 = arith.index_cast %parallel_loop3A_1366 : i32 to index
            %parallel_loop3A_1423 = arith.constant 80 : index
            %parallel_loop3A_1424 = tpu.vector_load %arg12[%parallel_loop3A_1422, %parallel_loop3A_1423] {strides = array<i32>} : memref<128x128xf32, #tpu.memory_space<vmem>>, vector<1x16xf32>,
            %parallel_loop3A_1425 = vector.shape_cast %parallel_loop3A_1424 : vector<1x16xf32> to vector<16xf32>
            %parallel_loop3A_1426 = vector.shape_cast %parallel_loop3A_1421 : vector<16xf32> to vector<1x16xf32>
            tpu.vector_store %arg12[%parallel_loop3A_1422, %parallel_loop3A_1423], %parallel_loop3A_1426 {strides = array<i32>} : memref<128x128xf32, #tpu.memory_space<vmem>>, vector<1x16xf32>,
            %parallel_loop3A_1427 = arith.index_cast %parallel_loop3A_1366 : i32 to index
            %parallel_loop3A_1428 = arith.constant 96 : index
            %parallel_loop3A_1429 = tpu.vector_load %arg12[%parallel_loop3A_1427, %parallel_loop3A_1428] {strides = array<i32>} : memref<128x128xf32, #tpu.memory_space<vmem>>, vector<1x16xf32>,
            %parallel_loop3A_1430 = vector.shape_cast %parallel_loop3A_1429 : vector<1x16xf32> to vector<16xf32>
            %parallel_loop3A_1431 = arith.mulf %parallel_loop3A_1430, %parallel_loop3A_1362 : vector<16xf32>
            %parallel_loop3A_1432 = arith.index_cast %parallel_loop3A_1366 : i32 to index
            %parallel_loop3A_1433 = arith.constant 96 : index
            %parallel_loop3A_1434 = tpu.vector_load %arg12[%parallel_loop3A_1432, %parallel_loop3A_1433] {strides = array<i32>} : memref<128x128xf32, #tpu.memory_space<vmem>>, vector<1x16xf32>,
            %parallel_loop3A_1435 = vector.shape_cast %parallel_loop3A_1434 : vector<1x16xf32> to vector<16xf32>
            %parallel_loop3A_1436 = vector.shape_cast %parallel_loop3A_1431 : vector<16xf32> to vector<1x16xf32>
            tpu.vector_store %arg12[%parallel_loop3A_1432, %parallel_loop3A_1433], %parallel_loop3A_1436 {strides = array<i32>} : memref<128x128xf32, #tpu.memory_space<vmem>>, vector<1x16xf32>,
            %parallel_loop3A_1437 = arith.index_cast %parallel_loop3A_1366 : i32 to index
            %parallel_loop3A_1438 = arith.constant 112 : index
            %parallel_loop3A_1439 = tpu.vector_load %arg12[%parallel_loop3A_1437, %parallel_loop3A_1438] {strides = array<i32>} : memref<128x128xf32, #tpu.memory_space<vmem>>, vector<1x16xf32>,
            %parallel_loop3A_1440 = vector.shape_cast %parallel_loop3A_1439 : vector<1x16xf32> to vector<16xf32>
            %parallel_loop3A_1441 = arith.mulf %parallel_loop3A_1440, %parallel_loop3A_1362 : vector<16xf32>
            %parallel_loop3A_1442 = arith.index_cast %parallel_loop3A_1366 : i32 to index
            %parallel_loop3A_1443 = arith.constant 112 : index
            %parallel_loop3A_1444 = tpu.vector_load %arg12[%parallel_loop3A_1442, %parallel_loop3A_1443] {strides = array<i32>} : memref<128x128xf32, #tpu.memory_space<vmem>>, vector<1x16xf32>,
            %parallel_loop3A_1445 = vector.shape_cast %parallel_loop3A_1444 : vector<1x16xf32> to vector<16xf32>
            %parallel_loop3A_1446 = vector.shape_cast %parallel_loop3A_1441 : vector<16xf32> to vector<1x16xf32>
            tpu.vector_store %arg12[%parallel_loop3A_1442, %parallel_loop3A_1443], %parallel_loop3A_1446 {strides = array<i32>} : memref<128x128xf32, #tpu.memory_space<vmem>>, vector<1x16xf32>,
            %parallel_loop3A_1447 = vector.extract_strided_slice %parallel_loop3A_141 {offsets = [15], sizes = [1], strides = [1]} : vector<16xf32> to vector<1xf32>
            %parallel_loop3A_1448 = vector.extract %parallel_loop3A_1447[0] : f32 from vector<1xf32>
            %parallel_loop3A_1449 = vector.broadcast %parallel_loop3A_1448 : f32 to vector<16xf32>
            %parallel_loop3A_1450 = arith.constant 16 : i32
            %parallel_loop3A_1451 = arith.muli %parallel_loop3A_135, %parallel_loop3A_1450 : i32
            %parallel_loop3A_1452 = arith.constant 15 : i32
            %parallel_loop3A_1453 = arith.addi %parallel_loop3A_1451, %parallel_loop3A_1452 : i32
            %parallel_loop3A_1454 = arith.index_cast %parallel_loop3A_1453 : i32 to index
            %parallel_loop3A_1455 = arith.constant 0 : index
            %parallel_loop3A_1456 = tpu.vector_load %arg12[%parallel_loop3A_1454, %parallel_loop3A_1455] {strides = array<i32>} : memref<128x128xf32, #tpu.memory_space<vmem>>, vector<1x16xf32>,
            %parallel_loop3A_1457 = vector.shape_cast %parallel_loop3A_1456 : vector<1x16xf32> to vector<16xf32>
            %parallel_loop3A_1458 = arith.mulf %parallel_loop3A_1457, %parallel_loop3A_1449 : vector<16xf32>
            %parallel_loop3A_1459 = arith.index_cast %parallel_loop3A_1453 : i32 to index
            %parallel_loop3A_1460 = arith.constant 0 : index
            %parallel_loop3A_1461 = tpu.vector_load %arg12[%parallel_loop3A_1459, %parallel_loop3A_1460] {strides = array<i32>} : memref<128x128xf32, #tpu.memory_space<vmem>>, vector<1x16xf32>,
            %parallel_loop3A_1462 = vector.shape_cast %parallel_loop3A_1461 : vector<1x16xf32> to vector<16xf32>
            %parallel_loop3A_1463 = vector.shape_cast %parallel_loop3A_1458 : vector<16xf32> to vector<1x16xf32>
            tpu.vector_store %arg12[%parallel_loop3A_1459, %parallel_loop3A_1460], %parallel_loop3A_1463 {strides = array<i32>} : memref<128x128xf32, #tpu.memory_space<vmem>>, vector<1x16xf32>,
            %parallel_loop3A_1464 = arith.index_cast %parallel_loop3A_1453 : i32 to index
            %parallel_loop3A_1465 = arith.constant 16 : index
            %parallel_loop3A_1466 = tpu.vector_load %arg12[%parallel_loop3A_1464, %parallel_loop3A_1465] {strides = array<i32>} : memref<128x128xf32, #tpu.memory_space<vmem>>, vector<1x16xf32>,
            %parallel_loop3A_1467 = vector.shape_cast %parallel_loop3A_1466 : vector<1x16xf32> to vector<16xf32>
            %parallel_loop3A_1468 = arith.mulf %parallel_loop3A_1467, %parallel_loop3A_1449 : vector<16xf32>
            %parallel_loop3A_1469 = arith.index_cast %parallel_loop3A_1453 : i32 to index
            %parallel_loop3A_1470 = arith.constant 16 : index
            %parallel_loop3A_1471 = tpu.vector_load %arg12[%parallel_loop3A_1469, %parallel_loop3A_1470] {strides = array<i32>} : memref<128x128xf32, #tpu.memory_space<vmem>>, vector<1x16xf32>,
            %parallel_loop3A_1472 = vector.shape_cast %parallel_loop3A_1471 : vector<1x16xf32> to vector<16xf32>
            %parallel_loop3A_1473 = vector.shape_cast %parallel_loop3A_1468 : vector<16xf32> to vector<1x16xf32>
            tpu.vector_store %arg12[%parallel_loop3A_1469, %parallel_loop3A_1470], %parallel_loop3A_1473 {strides = array<i32>} : memref<128x128xf32, #tpu.memory_space<vmem>>, vector<1x16xf32>,
            %parallel_loop3A_1474 = arith.index_cast %parallel_loop3A_1453 : i32 to index
            %parallel_loop3A_1475 = arith.constant 32 : index
            %parallel_loop3A_1476 = tpu.vector_load %arg12[%parallel_loop3A_1474, %parallel_loop3A_1475] {strides = array<i32>} : memref<128x128xf32, #tpu.memory_space<vmem>>, vector<1x16xf32>,
            %parallel_loop3A_1477 = vector.shape_cast %parallel_loop3A_1476 : vector<1x16xf32> to vector<16xf32>
            %parallel_loop3A_1478 = arith.mulf %parallel_loop3A_1477, %parallel_loop3A_1449 : vector<16xf32>
            %parallel_loop3A_1479 = arith.index_cast %parallel_loop3A_1453 : i32 to index
            %parallel_loop3A_1480 = arith.constant 32 : index
            %parallel_loop3A_1481 = tpu.vector_load %arg12[%parallel_loop3A_1479, %parallel_loop3A_1480] {strides = array<i32>} : memref<128x128xf32, #tpu.memory_space<vmem>>, vector<1x16xf32>,
            %parallel_loop3A_1482 = vector.shape_cast %parallel_loop3A_1481 : vector<1x16xf32> to vector<16xf32>
            %parallel_loop3A_1483 = vector.shape_cast %parallel_loop3A_1478 : vector<16xf32> to vector<1x16xf32>
            tpu.vector_store %arg12[%parallel_loop3A_1479, %parallel_loop3A_1480], %parallel_loop3A_1483 {strides = array<i32>} : memref<128x128xf32, #tpu.memory_space<vmem>>, vector<1x16xf32>,
            %parallel_loop3A_1484 = arith.index_cast %parallel_loop3A_1453 : i32 to index
            %parallel_loop3A_1485 = arith.constant 48 : index
            %parallel_loop3A_1486 = tpu.vector_load %arg12[%parallel_loop3A_1484, %parallel_loop3A_1485] {strides = array<i32>} : memref<128x128xf32, #tpu.memory_space<vmem>>, vector<1x16xf32>,
            %parallel_loop3A_1487 = vector.shape_cast %parallel_loop3A_1486 : vector<1x16xf32> to vector<16xf32>
            %parallel_loop3A_1488 = arith.mulf %parallel_loop3A_1487, %parallel_loop3A_1449 : vector<16xf32>
            %parallel_loop3A_1489 = arith.index_cast %parallel_loop3A_1453 : i32 to index
            %parallel_loop3A_1490 = arith.constant 48 : index
            %parallel_loop3A_1491 = tpu.vector_load %arg12[%parallel_loop3A_1489, %parallel_loop3A_1490] {strides = array<i32>} : memref<128x128xf32, #tpu.memory_space<vmem>>, vector<1x16xf32>,
            %parallel_loop3A_1492 = vector.shape_cast %parallel_loop3A_1491 : vector<1x16xf32> to vector<16xf32>
            %parallel_loop3A_1493 = vector.shape_cast %parallel_loop3A_1488 : vector<16xf32> to vector<1x16xf32>
            tpu.vector_store %arg12[%parallel_loop3A_1489, %parallel_loop3A_1490], %parallel_loop3A_1493 {strides = array<i32>} : memref<128x128xf32, #tpu.memory_space<vmem>>, vector<1x16xf32>,
            %parallel_loop3A_1494 = arith.index_cast %parallel_loop3A_1453 : i32 to index
            %parallel_loop3A_1495 = arith.constant 64 : index
            %parallel_loop3A_1496 = tpu.vector_load %arg12[%parallel_loop3A_1494, %parallel_loop3A_1495] {strides = array<i32>} : memref<128x128xf32, #tpu.memory_space<vmem>>, vector<1x16xf32>,
            %parallel_loop3A_1497 = vector.shape_cast %parallel_loop3A_1496 : vector<1x16xf32> to vector<16xf32>
            %parallel_loop3A_1498 = arith.mulf %parallel_loop3A_1497, %parallel_loop3A_1449 : vector<16xf32>
            %parallel_loop3A_1499 = arith.index_cast %parallel_loop3A_1453 : i32 to index
            %parallel_loop3A_1500 = arith.constant 64 : index
            %parallel_loop3A_1501 = tpu.vector_load %arg12[%parallel_loop3A_1499, %parallel_loop3A_1500] {strides = array<i32>} : memref<128x128xf32, #tpu.memory_space<vmem>>, vector<1x16xf32>,
            %parallel_loop3A_1502 = vector.shape_cast %parallel_loop3A_1501 : vector<1x16xf32> to vector<16xf32>
            %parallel_loop3A_1503 = vector.shape_cast %parallel_loop3A_1498 : vector<16xf32> to vector<1x16xf32>
            tpu.vector_store %arg12[%parallel_loop3A_1499, %parallel_loop3A_1500], %parallel_loop3A_1503 {strides = array<i32>} : memref<128x128xf32, #tpu.memory_space<vmem>>, vector<1x16xf32>,
            %parallel_loop3A_1504 = arith.index_cast %parallel_loop3A_1453 : i32 to index
            %parallel_loop3A_1505 = arith.constant 80 : index
            %parallel_loop3A_1506 = tpu.vector_load %arg12[%parallel_loop3A_1504, %parallel_loop3A_1505] {strides = array<i32>} : memref<128x128xf32, #tpu.memory_space<vmem>>, vector<1x16xf32>,
            %parallel_loop3A_1507 = vector.shape_cast %parallel_loop3A_1506 : vector<1x16xf32> to vector<16xf32>
            %parallel_loop3A_1508 = arith.mulf %parallel_loop3A_1507, %parallel_loop3A_1449 : vector<16xf32>
            %parallel_loop3A_1509 = arith.index_cast %parallel_loop3A_1453 : i32 to index
            %parallel_loop3A_1510 = arith.constant 80 : index
            %parallel_loop3A_1511 = tpu.vector_load %arg12[%parallel_loop3A_1509, %parallel_loop3A_1510] {strides = array<i32>} : memref<128x128xf32, #tpu.memory_space<vmem>>, vector<1x16xf32>,
            %parallel_loop3A_1512 = vector.shape_cast %parallel_loop3A_1511 : vector<1x16xf32> to vector<16xf32>
            %parallel_loop3A_1513 = vector.shape_cast %parallel_loop3A_1508 : vector<16xf32> to vector<1x16xf32>
            tpu.vector_store %arg12[%parallel_loop3A_1509, %parallel_loop3A_1510], %parallel_loop3A_1513 {strides = array<i32>} : memref<128x128xf32, #tpu.memory_space<vmem>>, vector<1x16xf32>,
            %parallel_loop3A_1514 = arith.index_cast %parallel_loop3A_1453 : i32 to index
            %parallel_loop3A_1515 = arith.constant 96 : index
            %parallel_loop3A_1516 = tpu.vector_load %arg12[%parallel_loop3A_1514, %parallel_loop3A_1515] {strides = array<i32>} : memref<128x128xf32, #tpu.memory_space<vmem>>, vector<1x16xf32>,
            %parallel_loop3A_1517 = vector.shape_cast %parallel_loop3A_1516 : vector<1x16xf32> to vector<16xf32>
            %parallel_loop3A_1518 = arith.mulf %parallel_loop3A_1517, %parallel_loop3A_1449 : vector<16xf32>
            %parallel_loop3A_1519 = arith.index_cast %parallel_loop3A_1453 : i32 to index
            %parallel_loop3A_1520 = arith.constant 96 : index
            %parallel_loop3A_1521 = tpu.vector_load %arg12[%parallel_loop3A_1519, %parallel_loop3A_1520] {strides = array<i32>} : memref<128x128xf32, #tpu.memory_space<vmem>>, vector<1x16xf32>,
            %parallel_loop3A_1522 = vector.shape_cast %parallel_loop3A_1521 : vector<1x16xf32> to vector<16xf32>
            %parallel_loop3A_1523 = vector.shape_cast %parallel_loop3A_1518 : vector<16xf32> to vector<1x16xf32>
            tpu.vector_store %arg12[%parallel_loop3A_1519, %parallel_loop3A_1520], %parallel_loop3A_1523 {strides = array<i32>} : memref<128x128xf32, #tpu.memory_space<vmem>>, vector<1x16xf32>,
            %parallel_loop3A_1524 = arith.index_cast %parallel_loop3A_1453 : i32 to index
            %parallel_loop3A_1525 = arith.constant 112 : index
            %parallel_loop3A_1526 = tpu.vector_load %arg12[%parallel_loop3A_1524, %parallel_loop3A_1525] {strides = array<i32>} : memref<128x128xf32, #tpu.memory_space<vmem>>, vector<1x16xf32>,
            %parallel_loop3A_1527 = vector.shape_cast %parallel_loop3A_1526 : vector<1x16xf32> to vector<16xf32>
            %parallel_loop3A_1528 = arith.mulf %parallel_loop3A_1527, %parallel_loop3A_1449 : vector<16xf32>
            %parallel_loop3A_1529 = arith.index_cast %parallel_loop3A_1453 : i32 to index
            %parallel_loop3A_1530 = arith.constant 112 : index
            %parallel_loop3A_1531 = tpu.vector_load %arg12[%parallel_loop3A_1529, %parallel_loop3A_1530] {strides = array<i32>} : memref<128x128xf32, #tpu.memory_space<vmem>>, vector<1x16xf32>,
            %parallel_loop3A_1532 = vector.shape_cast %parallel_loop3A_1531 : vector<1x16xf32> to vector<16xf32>
            %parallel_loop3A_1533 = vector.shape_cast %parallel_loop3A_1528 : vector<16xf32> to vector<1x16xf32>
            tpu.vector_store %arg12[%parallel_loop3A_1529, %parallel_loop3A_1530], %parallel_loop3A_1533 {strides = array<i32>} : memref<128x128xf32, #tpu.memory_space<vmem>>, vector<1x16xf32>,
          } {sc.loop_unroll_factor = 2 : i64, sc.parallel_access}
          "tpu.region"() ({
            %run_scoped3A = tpu.sem_alloc : memref<!tpu.dma_semaphore, #tpu.memory_space<semaphore_mem>>
            %dma_start3A_135 = arith.constant 0 : i32
            %dma_start3A_136 = tpu.memref_slice %arg9[%add3A_84, %dma_start3A_135] : memref<32x128xi32, #tpu.memory_space<vmem>> -> memref<1x128xi32, #tpu.memory_space<vmem>>
            %dma_start3A_137 = tpu.memref_squeeze %dma_start3A_136 : memref<1x128xi32, #tpu.memory_space<vmem>> -> memref<128xi32, #tpu.memory_space<vmem>>
            %dma_start3A_138 = arith.constant 0 : i32
            %dma_start3A_139 = arith.constant 0 : i32
            %dma_start3A_140 = tpu.memref_slice %arg7[%dma_start3A_138, %dma_start3A_139] : memref<10000x128xf32, #tpu.memory_space<vmem_shared>> -> memref<10000x128xf32, #tpu.memory_space<vmem_shared>>
            tpu.enqueue_indirect_dma source(%arg12 : memref<128x128xf32, #tpu.memory_space<vmem>>) target(%dma_start3A_140 : memref<10000x128xf32, #tpu.memory_space<vmem_shared>>) offsets(%dma_start3A_137 : memref<128xi32, #tpu.memory_space<vmem>>) semaphore(%run_scoped3A : memref<!tpu.dma_semaphore, #tpu.memory_space<semaphore_mem>>) {add = true}
            %dma_wait3A_141 = arith.constant 0 : i32
            %dma_wait3A_142 = tpu.memref_slice %arg9[%add3A_84, %dma_wait3A_141] : memref<32x128xi32, #tpu.memory_space<vmem>> -> memref<1x128xi32, #tpu.memory_space<vmem>>
            %dma_wait3A_143 = tpu.memref_squeeze %dma_wait3A_142 : memref<1x128xi32, #tpu.memory_space<vmem>> -> memref<128xi32, #tpu.memory_space<vmem>>
            %dma_wait3A_144 = arith.constant 0 : i32
            %dma_wait3A_145 = arith.constant 0 : i32
            %dma_wait3A_146 = tpu.memref_slice %arg7[%dma_wait3A_144, %dma_wait3A_145] : memref<10000x128xf32, #tpu.memory_space<vmem_shared>> -> memref<10000x128xf32, #tpu.memory_space<vmem_shared>>
            tpu.wait_indirect_dma semaphore(%run_scoped3A : memref<!tpu.dma_semaphore, #tpu.memory_space<semaphore_mem>>) src(%arg12 : memref<128x128xf32, #tpu.memory_space<vmem>>) dst(%dma_wait3A_146 : memref<10000x128xf32, #tpu.memory_space<vmem_shared>>)
            tpu.yield
          }) : () -> ()
        } else {
        }
      }
      %scan3A_79 = arith.constant 32 : i32
    }
    %scan3A_32 = arith.constant 5 : i32
    %barrier3A_33 = arith.constant 0 : index
    tpu.barrier barrier_id(%barrier3A_33)
    %scan3A_34 = arith.constant 0 : i32
    %scan3A_35 = arith.constant 8 : i32
    %scan3A_36 = arith.addi %scan3A_34, %scan3A_35 : i32
    %scan3A_37 = arith.constant 1 : i32
    scf.for %scan3A_39 = %scan3A_34 to %scan3A_36 step %scan3A_37  : i32 {
      %mul3A_40 = arith.constant 1 : i32
      %mul3A_41 = arith.muli %scan3A_39, %mul3A_40 : i32
      %add3A_42 = arith.constant 0 : i32
      %add3A_43 = arith.addi %add3A_42, %mul3A_41 : i32
      %mul3A_44 = arith.constant 16 : i32
      %mul3A_45 = arith.muli %add3A_43, %mul3A_44 : i32
      %add3A_46 = arith.addi %mul3A_45, %arg1 : i32
      %lt3A = arith.constant 125 : i32
      %lt3A_47 = arith.cmpi slt, %add3A_46, %lt3A : i32
      %convert_element_type3A = arith.extui %lt3A_47 : i1 to i32
      %cond3A = arith.constant 0 : i32
      %cond3A_48 = arith.cmpi ne, %convert_element_type3A, %cond3A : i32
      scf.if %cond3A_48 {
        %mul3A_49 = arith.constant 80 : i32
        %mul3A_50 = arith.muli %add3A_46, %mul3A_49 : i32
        "tpu.region"() ({
          %run_scoped3A = tpu.sem_alloc : memref<!tpu.dma_semaphore, #tpu.memory_space<semaphore_mem>>
          %dma_start3A_53 = arith.constant 0 : i32
          %dma_start3A_54 = arith.constant 0 : i32
          %dma_start3A_55 = tpu.memref_slice %arg11[%dma_start3A_53, %dma_start3A_54] : memref<128x128xf32, #tpu.memory_space<vmem>> -> memref<80x128xf32, #tpu.memory_space<vmem>>
          %dma_start3A_56 = arith.constant 0 : i32
          %dma_start3A_57 = tpu.memref_slice %arg7[%mul3A_50, %dma_start3A_56] : memref<10000x128xf32, #tpu.memory_space<vmem_shared>> -> memref<80x128xf32, #tpu.memory_space<vmem_shared>>
          %dma_start3A_58 = arith.constant 0 : i32
          %dma_start3A_59 = arith.constant 0 : i32
          %dma_start3A_60 = tpu.memref_slice %arg11[%dma_start3A_58, %dma_start3A_59] : memref<128x128xf32, #tpu.memory_space<vmem>> -> memref<80x128xf32, #tpu.memory_space<vmem>>
          %dma_start3A_61 = arith.constant 0 : i32
          %dma_start3A_62 = tpu.memref_slice %arg7[%mul3A_50, %dma_start3A_61] : memref<10000x128xf32, #tpu.memory_space<vmem_shared>> -> memref<80x128xf32, #tpu.memory_space<vmem_shared>>
          tpu.enqueue_dma source(%dma_start3A_62 : memref<80x128xf32, #tpu.memory_space<vmem_shared>>) target(%dma_start3A_60 : memref<80x128xf32, #tpu.memory_space<vmem>>) target_semaphore(%run_scoped3A : memref<!tpu.dma_semaphore, #tpu.memory_space<semaphore_mem>>)
          %dma_wait3A = arith.constant 0 : i32
          %dma_wait3A_63 = arith.constant 0 : i32
          %dma_wait3A_64 = tpu.memref_slice %arg11[%dma_wait3A, %dma_wait3A_63] : memref<128x128xf32, #tpu.memory_space<vmem>> -> memref<80x128xf32, #tpu.memory_space<vmem>>
          %dma_wait3A_65 = arith.constant 0 : i32
          %dma_wait3A_66 = tpu.memref_slice %arg7[%mul3A_50, %dma_wait3A_65] : memref<10000x128xf32, #tpu.memory_space<vmem_shared>> -> memref<80x128xf32, #tpu.memory_space<vmem_shared>>
          %dma_wait3A_67 = arith.constant 0 : i32
          %dma_wait3A_68 = arith.constant 0 : i32
          %dma_wait3A_69 = tpu.memref_slice %arg11[%dma_wait3A_67, %dma_wait3A_68] : memref<128x128xf32, #tpu.memory_space<vmem>> -> memref<80x128xf32, #tpu.memory_space<vmem>>
          %dma_wait3A_70 = arith.constant 0 : i32
          %dma_wait3A_71 = tpu.memref_slice %arg7[%mul3A_50, %dma_wait3A_70] : memref<10000x128xf32, #tpu.memory_space<vmem_shared>> -> memref<80x128xf32, #tpu.memory_space<vmem_shared>>
          tpu.wait_dma2 semaphore(%run_scoped3A : memref<!tpu.dma_semaphore, #tpu.memory_space<semaphore_mem>>) src(%dma_wait3A_71 : memref<80x128xf32, #tpu.memory_space<vmem_shared>>) dst(%dma_wait3A_69 : memref<80x128xf32, #tpu.memory_space<vmem>>)
          tpu.yield
        }) : () -> ()
        %mul3A_51 = arith.constant 80 : i32
        %mul3A_52 = arith.muli %add3A_46, %mul3A_51 : i32
        "tpu.region"() ({
          %run_scoped3A = tpu.sem_alloc : memref<!tpu.dma_semaphore, #tpu.memory_space<semaphore_mem>>
          %dma_start3A_53 = arith.constant 0 : i32
          %dma_start3A_54 = arith.constant 0 : i32
          %dma_start3A_55 = tpu.memref_slice %arg11[%dma_start3A_53, %dma_start3A_54] : memref<128x128xf32, #tpu.memory_space<vmem>> -> memref<80x128xf32, #tpu.memory_space<vmem>>
          %dma_start3A_56 = arith.constant 0 : i32
          %dma_start3A_57 = tpu.memref_slice %arg6[%arg0, %mul3A_52, %dma_start3A_56] : memref<2x10000x128xf32, #tpu.memory_space<hbm>> -> memref<1x80x128xf32, #tpu.memory_space<hbm>>
          %dma_start3A_58 = tpu.memref_squeeze %dma_start3A_57 : memref<1x80x128xf32, #tpu.memory_space<hbm>> -> memref<80x128xf32, #tpu.memory_space<hbm>>
          %dma_start3A_59 = arith.constant 0 : i32
          %dma_start3A_60 = tpu.memref_slice %arg6[%arg0, %mul3A_52, %dma_start3A_59] : memref<2x10000x128xf32, #tpu.memory_space<hbm>> -> memref<1x80x128xf32, #tpu.memory_space<hbm>>
          %dma_start3A_61 = tpu.memref_squeeze %dma_start3A_60 : memref<1x80x128xf32, #tpu.memory_space<hbm>> -> memref<80x128xf32, #tpu.memory_space<hbm>>
          %dma_start3A_62 = arith.constant 0 : i32
          %dma_start3A_63 = arith.constant 0 : i32
          %dma_start3A_64 = tpu.memref_slice %arg11[%dma_start3A_62, %dma_start3A_63] : memref<128x128xf32, #tpu.memory_space<vmem>> -> memref<80x128xf32, #tpu.memory_space<vmem>>
          tpu.enqueue_dma source(%dma_start3A_64 : memref<80x128xf32, #tpu.memory_space<vmem>>) target(%dma_start3A_61 : memref<80x128xf32, #tpu.memory_space<hbm>>) target_semaphore(%run_scoped3A : memref<!tpu.dma_semaphore, #tpu.memory_space<semaphore_mem>>)
          %dma_wait3A = arith.constant 0 : i32
          %dma_wait3A_65 = arith.constant 0 : i32
          %dma_wait3A_66 = tpu.memref_slice %arg11[%dma_wait3A, %dma_wait3A_65] : memref<128x128xf32, #tpu.memory_space<vmem>> -> memref<80x128xf32, #tpu.memory_space<vmem>>
          %dma_wait3A_67 = arith.constant 0 : i32
          %dma_wait3A_68 = tpu.memref_slice %arg6[%arg0, %mul3A_52, %dma_wait3A_67] : memref<2x10000x128xf32, #tpu.memory_space<hbm>> -> memref<1x80x128xf32, #tpu.memory_space<hbm>>
          %dma_wait3A_69 = tpu.memref_squeeze %dma_wait3A_68 : memref<1x80x128xf32, #tpu.memory_space<hbm>> -> memref<80x128xf32, #tpu.memory_space<hbm>>
          %dma_wait3A_70 = arith.constant 0 : i32
          %dma_wait3A_71 = tpu.memref_slice %arg6[%arg0, %mul3A_52, %dma_wait3A_70] : memref<2x10000x128xf32, #tpu.memory_space<hbm>> -> memref<1x80x128xf32, #tpu.memory_space<hbm>>
          %dma_wait3A_72 = tpu.memref_squeeze %dma_wait3A_71 : memref<1x80x128xf32, #tpu.memory_space<hbm>> -> memref<80x128xf32, #tpu.memory_space<hbm>>
          %dma_wait3A_73 = arith.constant 0 : i32
          %dma_wait3A_74 = arith.constant 0 : i32
          %dma_wait3A_75 = tpu.memref_slice %arg11[%dma_wait3A_73, %dma_wait3A_74] : memref<128x128xf32, #tpu.memory_space<vmem>> -> memref<80x128xf32, #tpu.memory_space<vmem>>
          tpu.wait_dma2 semaphore(%run_scoped3A : memref<!tpu.dma_semaphore, #tpu.memory_space<semaphore_mem>>) src(%dma_wait3A_75 : memref<80x128xf32, #tpu.memory_space<vmem>>) dst(%dma_wait3A_72 : memref<80x128xf32, #tpu.memory_space<hbm>>)
          tpu.yield
        }) : () -> ()
      } else {
      }
    }
    %scan3A_38 = arith.constant 8 : i32
    return
  }
}

module attributes {stable_mosaic.version = 14 : i64} {
  func.func @_mm_body(%arg0: i32, %arg1: memref<1000x128xf32, #tpu.memory_space<vmem>>, %arg2: memref<1x1000x128xf32, #tpu.memory_space<vmem>>, %arg3: memref<1x1000x128xf32, #tpu.memory_space<vmem>>, %arg4: memref<128x128xf32, #tpu.memory_space<vmem>>, %arg5: memref<128x128xf32, #tpu.memory_space<vmem>>, %arg6: memref<128x128xf32, #tpu.memory_space<vmem>>, %arg7: memref<1000x128xf32, #tpu.memory_space<vmem>>, %arg8: memref<1000x128xf32, #tpu.memory_space<vmem>>, %arg9: memref<1000x128xf32, #tpu.memory_space<vmem>>) attributes {dimension_semantics = [#tpu.dimension_semantics<arbitrary>], iteration_bounds = array<i64: 10>, scalar_prefetch = 0 : i64, scratch_operands = 0 : i64, tpu.core_type = #tpu.core_type<tc>, window_params = [{transform_indices = @transform_0, window_bounds = array<i64: 1000, 128>}, {transform_indices = @transform_1, window_bounds = array<i64: 1, 1000, 128>}, {transform_indices = @transform_2, window_bounds = array<i64: 1, 1000, 128>}, {pipeline_mode = #tpu.pipeline_mode<synchronous>, transform_indices = @transform_3, window_bounds = array<i64: 128, 128>}, {pipeline_mode = #tpu.pipeline_mode<synchronous>, transform_indices = @transform_4, window_bounds = array<i64: 128, 128>}, {pipeline_mode = #tpu.pipeline_mode<synchronous>, transform_indices = @transform_5, window_bounds = array<i64: 128, 128>}, {transform_indices = @transform_6, window_bounds = array<i64: 1000, 128>}, {transform_indices = @transform_7, window_bounds = array<i64: 1000, 128>}, {transform_indices = @transform_8, window_bounds = array<i64: 1000, 128>}]} {
    %get3A = arith.constant 0 : index
    %get3A_0 = arith.constant 0 : index
    %get3A_1 = vector.load %arg1[%get3A, %get3A_0] : memref<1000x128xf32, #tpu.memory_space<vmem>>, vector<1000x128xf32>
    %get3A_2 = arith.constant 0 : index
    %get3A_3 = arith.constant 0 : index
    %get3A_4 = vector.load %arg4[%get3A_2, %get3A_3] : memref<128x128xf32, #tpu.memory_space<vmem>>, vector<128x128xf32>
    %dot_general3A = arith.constant dense<0.000000e+00> : vector<1000x128xf32>
    %dot_general3A_5 = tpu.matmul %get3A_1, %get3A_4, %dot_general3A {dimension_numbers = #tpu.dot_dimension_numbers<[1], [0], [0], [1], [0, 0, 1, 1], [], []>, transpose_lhs_hint = false} : vector<1000x128xf32>, vector<128x128xf32>, vector<1000x128xf32> -> vector<1000x128xf32>
    %swap3A = arith.constant 0 : index
    %swap3A_6 = arith.constant 0 : index
    %swap3A_7 = vector.load %arg7[%swap3A, %swap3A_6] : memref<1000x128xf32, #tpu.memory_space<vmem>>, vector<1000x128xf32>
    tpu.vector_store %arg7[%swap3A, %swap3A_6], %dot_general3A_5 {strides = array<i32>} : memref<1000x128xf32, #tpu.memory_space<vmem>>, vector<1000x128xf32>,
    %get3A_8 = arith.constant 0 : index
    %get3A_9 = arith.constant 0 : index
    %get3A_10 = arith.constant 0 : index
    %get3A_11 = vector.load %arg2[%get3A_8, %get3A_9, %get3A_10] : memref<1x1000x128xf32, #tpu.memory_space<vmem>>, vector<1x1000x128xf32>
    %get3A_12 = vector.shape_cast %get3A_11 : vector<1x1000x128xf32> to vector<1000x128xf32>
    %get3A_13 = arith.constant 0 : index
    %get3A_14 = arith.constant 0 : index
    %get3A_15 = vector.load %arg5[%get3A_13, %get3A_14] : memref<128x128xf32, #tpu.memory_space<vmem>>, vector<128x128xf32>
    %dot_general3A_16 = arith.constant dense<0.000000e+00> : vector<1000x128xf32>
    %dot_general3A_17 = tpu.matmul %get3A_12, %get3A_15, %dot_general3A_16 {dimension_numbers = #tpu.dot_dimension_numbers<[1], [0], [0], [1], [0, 0, 1, 1], [], []>, transpose_lhs_hint = false} : vector<1000x128xf32>, vector<128x128xf32>, vector<1000x128xf32> -> vector<1000x128xf32>
    %swap3A_18 = arith.constant 0 : index
    %swap3A_19 = arith.constant 0 : index
    %swap3A_20 = vector.load %arg8[%swap3A_18, %swap3A_19] : memref<1000x128xf32, #tpu.memory_space<vmem>>, vector<1000x128xf32>
    tpu.vector_store %arg8[%swap3A_18, %swap3A_19], %dot_general3A_17 {strides = array<i32>} : memref<1000x128xf32, #tpu.memory_space<vmem>>, vector<1000x128xf32>,
    %get3A_21 = arith.constant 0 : index
    %get3A_22 = arith.constant 0 : index
    %get3A_23 = arith.constant 0 : index
    %get3A_24 = vector.load %arg3[%get3A_21, %get3A_22, %get3A_23] : memref<1x1000x128xf32, #tpu.memory_space<vmem>>, vector<1x1000x128xf32>
    %get3A_25 = vector.shape_cast %get3A_24 : vector<1x1000x128xf32> to vector<1000x128xf32>
    %get3A_26 = arith.constant 0 : index
    %get3A_27 = arith.constant 0 : index
    %get3A_28 = vector.load %arg6[%get3A_26, %get3A_27] : memref<128x128xf32, #tpu.memory_space<vmem>>, vector<128x128xf32>
    %dot_general3A_29 = arith.constant dense<0.000000e+00> : vector<1000x128xf32>
    %dot_general3A_30 = tpu.matmul %get3A_25, %get3A_28, %dot_general3A_29 {dimension_numbers = #tpu.dot_dimension_numbers<[1], [0], [0], [1], [0, 0, 1, 1], [], []>, transpose_lhs_hint = false} : vector<1000x128xf32>, vector<128x128xf32>, vector<1000x128xf32> -> vector<1000x128xf32>
    %swap3A_31 = arith.constant 0 : index
    %swap3A_32 = arith.constant 0 : index
    %swap3A_33 = vector.load %arg9[%swap3A_31, %swap3A_32] : memref<1000x128xf32, #tpu.memory_space<vmem>>, vector<1000x128xf32>
    tpu.vector_store %arg9[%swap3A_31, %swap3A_32], %dot_general3A_30 {strides = array<i32>} : memref<1000x128xf32, #tpu.memory_space<vmem>>, vector<1000x128xf32>,
    return
  }
  func.func @transform_0(%arg0: i32) -> (i32, i32) {
    %c0_i32 = arith.constant 0 : i32
    %c0_i32_0 = arith.constant 0 : i32
    return %arg0, %c0_i32 : i32, i32
  }
  func.func @transform_1(%arg0: i32) -> (i32, i32, i32) {
    %c0_i32 = arith.constant 0 : i32
    %c0_i32_0 = arith.constant 0 : i32
    %c0_i32_1 = arith.constant 0 : i32
    return %c0_i32, %arg0, %c0_i32_0 : i32, i32, i32
  }
  func.func @transform_2(%arg0: i32) -> (i32, i32, i32) {
    %c1_i32 = arith.constant 1 : i32
    %c0_i32 = arith.constant 0 : i32
    %c0_i32_0 = arith.constant 0 : i32
    return %c1_i32, %arg0, %c0_i32 : i32, i32, i32
  }
  func.func @transform_3(%arg0: i32) -> (i32, i32) {
    %c0_i32 = arith.constant 0 : i32
    %c0_i32_0 = arith.constant 0 : i32
    %c0_i32_1 = arith.constant 0 : i32
    return %c0_i32, %c0_i32_0 : i32, i32
  }
  func.func @transform_4(%arg0: i32) -> (i32, i32) {
    %c0_i32 = arith.constant 0 : i32
    %c0_i32_0 = arith.constant 0 : i32
    %c0_i32_1 = arith.constant 0 : i32
    return %c0_i32, %c0_i32_0 : i32, i32
  }
  func.func @transform_5(%arg0: i32) -> (i32, i32) {
    %c0_i32 = arith.constant 0 : i32
    %c0_i32_0 = arith.constant 0 : i32
    %c0_i32_1 = arith.constant 0 : i32
    return %c0_i32, %c0_i32_0 : i32, i32
  }
  func.func @transform_6(%arg0: i32) -> (i32, i32) {
    %c0_i32 = arith.constant 0 : i32
    %c0_i32_0 = arith.constant 0 : i32
    return %arg0, %c0_i32 : i32, i32
  }
  func.func @transform_7(%arg0: i32) -> (i32, i32) {
    %c0_i32 = arith.constant 0 : i32
    %c0_i32_0 = arith.constant 0 : i32
    return %arg0, %c0_i32 : i32, i32
  }
  func.func @transform_8(%arg0: i32) -> (i32, i32) {
    %c0_i32 = arith.constant 0 : i32
    %c0_i32_0 = arith.constant 0 : i32
    return %arg0, %c0_i32 : i32, i32
  }
}

</mosaic_0001>

<sc_bundles>
// kernel: kernel.4.cloned.1.call-start
scs
__scs_entry_jumppad:
0x0: {  	(pc) =	sbr.rel $0x88, $3  }
0x1: {  	(tag) =	ssettag $0x0;
	lr =	simm.s32 $0x1  }
0x2: {  	[smem:$0x3F99] =	sst lr;
	_ =	strace $0xD0000000  }
0x3: {  	_ = 	snop  }
0x4: {  	_ = 	snop  }
0x5: {  	_ = 	snop  }
0x6: {  	_ = 	snop  }
0x7: {  	_ = 	snop  }
__scs_overlays_trampoline_lowered:
0x8: {  	[smem:$0x3FA8] =	sst s0  }
0x9: {  	[smem:$0x3FA9] =	sst s1  }
0xa: {  	[smem:$0x3FAA] =	sst s2  }
0xb: {  	[smem:$0x3FAB] =	sst s3  }
0xc: {  	[smem:$0x3FAC] =	sst s4  }
0xd: {  	[smem:$0x3FAD] =	sst s5  }
0xe: {  	[smem:$0x3FAE] =	sst s6  }
0xf: {  	[smem:$0x3FAF] =	sst s7  }
0x10: {  	[smem:$0x3FB0] =	sst s8  }
0x11: {  	[smem:$0x3FB1] =	sst s9;
	s0 =	simm.s32 @!p0 $0x0  }
0x12: {  	s1 =	sld [smem:$0x3F97];
	s0 =	simm.s32 @p0 $0x1  }
0x13: {  	[smem:$0x3FB2] =	sst s0;
	s0 =	simm.s32 @!p1 $0x0  }
0x14: {  	s2 =	sld [smem:$0x3F96];
	s0 =	simm.s32 @p1 $0x1  }
0x15: {  	[smem:$0x3FB3] =	sst s0;
	s0 =	simm.s32 @!p2 $0x0  }
0x16: {  	s3 =	sld [smem:$0x3FDB];
	s0 =	simm.s32 @p2 $0x1  }
0x17: {  	s4 =	simm.s32 $0x1BF5;
	[smem:$0x3FB5] =	sst s0  }
0x18: {  	s0 =	sld [smem:$0x3F98];
	_ =	swait.ge [sflag:s4], $0x0  }
0x19: {  	s7 =	sld [smem:$0x3F99]  }
0x1a: {  	s8 =	sadd.s32 $0xFFFFE003, lr  }
0x1b: {  	s9 =	sadd.s32 $0xFFFFFEF7, lr;
	s5 =	simm.s32 $0xFFFFFFFF;
	p2 =	slt.u32 s8, $0xFFFFF086  }
0x1c: {  	p1 =	slt.u32 s9, $0xF7A;
	s5 =	simm.s32 @!p2 $0x0  }
0x1d: {  	s5 =	simm.s32 @p1 $0x1;
	p0 =	seq.s32 s7, s2  }
0x1e: {  	s7 =	smul.u32 @!p0 $0xF7A, s2;
	p2 =	seq.s32 @!p0 s5, $0x0  }
0x1f: {  	s9 =	smul.u32 $0xF7A, s1;
	s8 =	simm.s32 @!p0 $0x1BF5;
	p2 =	por !p2, p0  }
0x20: {  	[sflag:s8] =	ssyncset.s32 @!p0 $0xFFFFF086;
	s6 =	sadd.s32 @!p0 s3, s7;
	s7 =	simm.s32 @!p0 $0x108  }
0x21: {  	s3 =	sadd.s32 s3, s9;
	s6 =	sadd.s32 @!p0 $0x88, s6;
	s7 =	simm.s32 @p2 $0x1082  }
0x22: {  	[simem:s7], [sflag:s8] =	dma.local @!p0 [hbm:s6], $0xF7A  }
0x23: {  	s9 =	sor.u32 $0xD0000000, s2;
	s6 =	simm.s32 $0x108;
	_ =	swait.ge @!p0 [sflag:s8], $0x0  }
0x24: {  	s3 =	sadd.s32 $0x88, s3;
	s6 =	simm.s32 @!p1 $0x1082;
	[sflag:s4] =	ssyncset.s32 $0xFFFFF086  }
0x25: {  	[simem:s6], [sflag:s4] =	dma.local [hbm:s3], $0xF7A  }
0x26: {  	[smem:$0x3F99] =	sst s1;
	(tag) =	ssettag s2;
	_ =	strace s9  }
0x27: {  	s1 =	sld [smem:$0x3FA9]  }
0x28: {  	s2 =	sld [smem:$0x3FAA]  }
0x29: {  	s4 =	sld [smem:$0x3FAC]  }
0x2a: {  	p0 =	seq.s32 s5, $0x0;
	s5 =	sld [smem:$0x3FAD]  }
0x2b: {  	s6 =	sld [smem:$0x3FAE]  }
0x2c: {  	s7 =	sld [smem:$0x3FAF]  }
0x2d: {  	s3 =	simm.s32 $0x108;
	s8 =	sld [smem:$0x3FB0]  }
0x2e: {  	s3 =	simm.s32 @!p0 $0x1082;
	s9 =	sld [smem:$0x3FB1]  }
0x2f: {  	lr =	sadd.s32 s0, s3;
	s0 =	sld [smem:$0x3FA8]  }
0x30: {  	s3 =	sld [smem:$0x3FAB]  }
0x31: {  	[smem:$0x3FB4] =	sst s10  }
0x32: {  	s10 =	sld [smem:$0x3FB2];
	_ =	sdelay $0x3  }
0x33: {  	p0 =	seq.s32 s10, $0x1;
	s10 =	sld [smem:$0x3FB4];
	_ =	sdelay $0x3  }
0x34: {  	[smem:$0x3FB4] =	sst s10  }
0x35: {  	s10 =	sld [smem:$0x3FB3];
	_ =	sdelay $0x3  }
0x36: {  	p1 =	seq.s32 s10, $0x1;
	s10 =	sld [smem:$0x3FB4];
	_ =	sdelay $0x3  }
0x37: {  	[smem:$0x3FB4] =	sst s10  }
0x38: {  	s10 =	sld [smem:$0x3FB5]  }
0x39: {  	_ = 	snop;
	(pc) =	sbr.ind lr, $3  }
0x3a: {  	_ = 	snop  }
0x3b: {  	_ = 	snop  }
0x3c: {  	p2 =	seq.s32 s10, $0x1;
	s10 =	sld [smem:$0x3FB4]  }
0x3d: {  	_ =	shalt  }
0x3e: {  	_ =	shalt  }
0x3f: {  	_ =	shalt  }
0x40: {  	_ =	shalt  }
0x41: {  	_ =	shalt  }
0x42: {  	_ =	shalt  }
0x43: {  	_ =	shalt  }
0x44: {  	_ =	shalt  }
0x45: {  	_ =	shalt  }
0x46: {  	_ =	shalt  }
0x47: {  	_ =	shalt  }
0x48: {  	_ =	shalt  }
0x49: {  	_ =	shalt  }
0x4a: {  	_ =	shalt  }
0x4b: {  	_ =	shalt  }
0x4c: {  	_ =	shalt  }
0x4d: {  	_ =	shalt  }
0x4e: {  	_ =	shalt  }
0x4f: {  	_ =	shalt  }
0x50: {  	_ =	shalt  }
0x51: {  	_ =	shalt  }
0x52: {  	_ =	shalt  }
0x53: {  	_ =	shalt  }
0x54: {  	_ =	shalt  }
0x55: {  	_ =	shalt  }
0x56: {  	_ =	shalt  }
0x57: {  	_ =	shalt  }
0x58: {  	_ =	shalt  }
0x59: {  	_ =	shalt  }
0x5a: {  	_ =	shalt  }
0x5b: {  	_ =	shalt  }
0x5c: {  	_ =	shalt  }
0x5d: {  	_ =	shalt  }
0x5e: {  	_ =	shalt  }
0x5f: {  	_ =	shalt  }
0x60: {  	_ =	shalt  }
0x61: {  	_ =	shalt  }
0x62: {  	_ =	shalt  }
0x63: {  	_ =	shalt  }
0x64: {  	_ =	shalt  }
0x65: {  	_ =	shalt  }
0x66: {  	_ =	shalt  }
0x67: {  	_ =	shalt  }
0x68: {  	_ =	shalt  }
0x69: {  	_ =	shalt  }
0x6a: {  	_ =	shalt  }
0x6b: {  	_ =	shalt  }
0x6c: {  	_ =	shalt  }
0x6d: {  	_ =	shalt  }
0x6e: {  	_ =	shalt  }
0x6f: {  	_ =	shalt  }
0x70: {  	_ =	shalt  }
0x71: {  	_ =	shalt  }
0x72: {  	_ =	shalt  }
0x73: {  	_ =	shalt  }
0x74: {  	_ =	shalt  }
0x75: {  	_ =	shalt  }
0x76: {  	_ =	shalt  }
0x77: {  	_ =	shalt  }
0x78: {  	_ =	shalt  }
0x79: {  	_ =	shalt  }
0x7a: {  	_ =	shalt  }
0x7b: {  	_ =	shalt  }
0x7c: {  	_ =	shalt  }
0x7d: {  	_ =	shalt  }
0x7e: {  	_ =	shalt  }
0x7f: {  	_ =	shalt  }
0x80: {  	_ =	shalt  }
0x81: {  	_ =	shalt  }
0x82: {  	_ =	shalt  }
0x83: {  	_ =	shalt  }
0x84: {  	_ =	shalt  }
0x85: {  	_ =	shalt  }
0x86: {  	_ =	shalt  }
0x87: {  	_ =	shalt  }
.Lfunc_end0:
.L_simem_size_0:
called_computation_lowered:
.L_overlay_start_0:
0x88: {  	s2 =	sld [smem:$0x3FD9]  }
0x89: {  	s3 =	sld [smem:$0x3FFE];
	_ =	sdelay $0x1  }
0x8a: {  	s1 =	srdreg.scid  }
0x8b: {  	s0 =	sand.u32 $0x1, s1  }
0x8c: {  	s14 =	sshll.u32 s0, $0xA;
	s2 =	sadd.s32 s3, s2  }
0x8d: {  	s2 =	sadd.s32 s2, s14  }
0x8e: {  	[smem:$0x3FC0] =	sst s2  }
0x8f: {  	_ = 	snop  }
0x90: {  	s2 =	sld [smem:$0x3FD0];
	_ =	sdelay $0x2  }
0x91: {  	s4 =	simm.s32 $0xA;
	s5 =	simm.s32 $0x10;
	s15 =	sld [smem:$0x3FC9]  }
0x92: {  	[smem:s5], [sflag:s4] =	dma.local [hbm:s2], $0x1  }
0x93: {  	_ =	swait.eq [sflag:s4], $0x1  }
0x94: {  	s16 =	sld [smem:$0x10];
	[sflag:s4] =	ssyncset.done $0x0  }
0x95: {  	s17 =	sld [smem:$0x11];
	[sflag:s4] =	ssyncadd.s32 $0xFFFFFFFF  }
0x96: {  	s18 =	sld [smem:$0x12];
	(tm) =	ssettm $0x1  }
0x97: {  	s6 =	sld [smem:$0x3FFB];
	_ =	sdelay $0x3  }
0x98: {  	_ =	strace s6  }
0x99: {  	s6 =	sld [smem:$0x3FFC];
	_ =	sdelay $0x3  }
0x9a: {  	_ =	strace s6  }
0x9b: {  	s6 =	sld [smem:$0x3FFD];
	_ =	sdelay $0x3  }
0x9c: {  	_ =	strace s6  }
0x9d: {  	_ =	strace $0x8FFFFFFF  }
0x9e: {  	s19 =	sld [smem:$0x3FDB];
	_ =	sdelay $0x1  }
0x9f: {  	s7 =	simm.s32 $_scs_section_size  }
0xa0: {  	s8 =	simm.s32 $_size__tile_overlayer_lowered;
	s9 =	simm.s32 $_tile_overlayer_lowered  }
0xa1: {  	s22 =	simm.s32 $0x1BFF;
	s21 =	sshll.u32 s9, $0x1;
	s6 =	sadd.s32 s7, s19  }
0xa2: {  	s10 =	simm.s32 $0x0;
	s20 =	sshll.u32 s8, $0x1;
	s8 =	sadd.s32 s21, s6  }
0xa3: {  	[timem:s10], [sflag:s22] =	dma.local [hbm:s8], s20  }
0xa4: {  	_ =	swait.ge [sflag:s22], s20  }
0xa5: {  	s7 =	ssub.s32 $0x0, s20;
	[sflag:s22] =	ssyncset.done $0x0  }
0xa6: {  	[sflag:s22] =	ssyncadd.s32 s7;
	_ =	sdelay $0x1  }
0xa7: {  	s23 =	simm.s32 $0x1B8B  }
0xa8: {  	_ =	swait.ge [sflag:s23], $0x1  }
0xa9: {  	[sflag:s23] =	ssyncset.done $0x0  }
0xaa: {  	s25 =	simm.s32 $0x1B8E;
	s24 =	sld [smem:$0x3FFE];
	[sflag:s23] =	ssyncadd.s32 $0xFFFFFFFF  }
0xab: {  	s26 =	simm.s32 $execute0_lowered;
	[smem:$0x3FD2] =	sst s25  }
0xac: {  	s8 =	sshll.u32 s26, $0x1;
	_ =	strace $0x80000046;
	[dreg:$0x1] =	wrdreg $0xFFFFFFFF  }
0xad: {  	s28 =	simm.s32 $_size_execute0_lowered;
	s6 =	sadd.s32 s6, s8;
	[dreg:$0x0] =	wrdreg $0x0  }
0xae: {  	s8 =	sshll.u32 s28, $0x1;
	[dreg:$0x2] =	wrdreg s6  }
0xaf: {  	[dreg:$0x3] =	wrdreg s8  }
0xb0: {  	[dreg:$0x4] =	wrdreg $0xC0  }
0xb1: {  	_ =	task [dreg:s10], $0x5FFFF  }
0xb2: {  	[dreg:$0x1] =	wrdreg $0xFFFFFFFF  }
0xb3: {  	[dreg:$0x0] =	wrdreg $0x60  }
0xb4: {  	[dreg:$0x2] =	wrdreg s18  }
0xb5: {  	[dreg:$0x3] =	wrdreg s17  }
0xb6: {  	[dreg:$0x4] =	wrdreg s16  }
0xb7: {  	[dreg:$0x5] =	wrdreg s15  }
0xb8: {  	[dreg:$0x6] =	wrdreg s24  }
0xb9: {  	[dreg:$0x7] =	wrdreg $0x0  }
0xba: {  	[dreg:$0x8] =	wrdreg $0x9  }
0xbb: {  	_ =	task.clear_ibuf [dreg:s10], $0x9FFFF;
	_ =	strace $0x90000046  }
0xbc: {  	s29 =	simm.s32 $0x9;
	_ =	strace $0x80000048  }
0xbd: {  	_ =	swait.ge [sflag:s29], $0x1  }
0xbe: {  	[sflag:s29] =	ssyncadd.s32 $0xFFFFFFFF  }
0xbf: {  	_ =	strace $0x90000048  }
0xc0: {  	_ =	sfence  }
0xc1: {  	s30 =	sld [smem:$0x0];
	_ =	sdelay $0x2  }
0xc2: {  	s31 =	sshll.u32 s1, $0xD;
	s1 =	sshrl.u32 s1, $0x2  }
0xc3: {  	s3 =	sand.u32 $0x4000, s31;
	s1 =	sadd.s32 s1, s30  }
0xc4: {  	s0 =	sor.u32 s3, s0;
	s1 =	sshll.u32 s1, $0x11  }
0xc5: {  	s0 =	sor.u32 s1, s0  }
0xc6: {  	s0 =	sadd.s32 $0x8F2B, s0  }
0xc7: {  	[sflag:s0] =	ssyncadd.remote.s32 $0x1  }
0xc8: {  	_ =	sfence.sel $0xFFFF  }
0xc9: {  	[dreg:$0x0] =	wrdreg $0xFFFFFFFF;
	(pc) =	sbr.abs _section_cstart, $3  }
0xca: {  	[dreg:$0x1] =	wrdreg $0xFFFFFFFF  }
0xcb: {  	_ =	task.clear_ibuf [dreg:s10], $0x2FFFF;
	_ =	strace $0x9FFFFFFF  }
0xcc: {  	(tm) =	ssettm $0x7FFFFFFF  }
0xcd: {  	_ =	shalt  }
tec
execute0_lowered:
.L_overlay_start_1:
0x0: {  	(tag) =	ssettag $0x1  }
0x1: {  	s0 =	rddreg [dreg:$0x0]  }
0x2: {  	s1 =	rddreg [dreg:$0x1];
	s25 =	stileid.u32  }
0x3: {  	s2 =	srdreg.scid;
	s7 =	smul.u32 $0x5000, s25  }
0x4: {  	s3 =	rddreg [dreg:$0x2];
	s2 =	sand.u32 $0x1, s2;
	s8 =	smul.u32 $0x2800, s25  }
0x5: {  	s4 =	rddreg [dreg:$0x3];
	s5 =	smul.u32 $0x50000, s2  }
0x6: {  	s9 =	rddreg [dreg:$0x4];
	s11 =	sor.u32 $0x10, s25;
	s10 =	smul.u32 $0x138800, s2  }
0x7: {  	s6 =	rddreg [dreg:$0x5];
	s12 =	sor.u32 $0x20, s25;
	s13 =	smul.u32 $0x2800, s11  }
0x8: {  	s30 =	simm.s32 $0x13880;
	s15 =	sor.u32 $0x30, s25;
	s16 =	smul.u32 $0x2800, s12  }
0x9: {  	s31 =	simm.s32 $0x4;
	s19 =	sor.u32 $0x60, s25;
	s17 =	smul.u32 $0x2800, s15  }
0xa: {  	s20 =	sor.u32 $0x70, s25;
	s2 =	ssub.s32 $0x2, s2;
	s23 =	smul.u32 $0x2800, s19  }
0xb: {  	s9 =	sadd.s32 $0xE00, s9;
	s24 =	smul.u32 $0x2800, s20;
	s14 =	sshrl.u32 s2, $0x1  }
0xc: {  	s11 =	smul.u32 $0xA000, s11;
	p0 =	sgt.u32 s20, $0x7C;
	s2 =	ssub.s32 s2, s14  }
0xd: {  	s14 =	sor.u32 $0x40, s25;
	s7 =	sadd.s32 s7, s5;
	s5 =	sor.u32 $0x50, s25  }
0xe: {  	s22 =	sadd.s32 s10, s8;
	s13 =	sadd.s32 s10, s13;
	s16 =	sadd.s32 s10, s16  }
0xf: {  	s17 =	sadd.s32 s10, s17;
	s8 =	simm.s32 $0x0;
	s25 =	smul.u32 $0xA000, s25  }
0x10: {  	s23 =	sadd.s32 s10, s23;
	s11 =	sshrl.u32 s11, $0x2;
	s18 =	smul.u32 $0x2800, s14  }
0x11: {  	s21 =	smul.u32 $0x2800, s5;
	[smem:$0x7FF] =	sst s8;
	s22 =	sshrl.u32 s22, $0x3  }
0x12: {  	s13 =	sshrl.u32 s13, $0x3;
	s26 =	sshrl.u32 s17, $0x3;
	s2 =	smax.u32 s2, $0x1  }
0x13: {  	s5 =	smul.u32 $0xA000, s5;
	_ =	strace $0x80000047;
	s22 =	sadd.s32 s9, s22  }
0x14: {  	s13 =	sadd.s32 s9, s13;
	s17 =	sadd.s32 s9, s26;
	[dreg:$0x12] =	wrdreg s2  }
0x15: {  	s26 =	sshrl.u32 s23, $0x3;
	s18 =	sadd.s32 s10, s18;
	[dreg:$0x7] =	wrdreg s22  }
0x16: {  	s21 =	sadd.s32 s10, s21;
	s10 =	sadd.s32 s10, s24;
	[dreg:$0x8] =	wrdreg s13  }
0x17: {  	s24 =	sshrl.u32 s16, $0x3;
	s16 =	sadd.s32 s9, s26;
	s26 =	smul.u32 $0xA000, s15  }
0x18: {  	[dreg:$0xa] =	wrdreg s17;
	s17 =	sshrl.u32 s7, $0x3;
	s15 =	smul.u32 $0xA000, s19  }
0x19: {  	s13 =	sadd.s32 s9, s24;
	s22 =	sshrl.u32 s18, $0x3;
	s24 =	sshrl.u32 s21, $0x3  }
0x1a: {  	[dreg:$0xd] =	wrdreg s16;
	s10 =	sshrl.u32 s10, $0x3;
	s18 =	smul.u32 $0xA000, s12  }
0x1b: {  	s23 =	sadd.s32 s0, s17;
	s12 =	sshrl.u32 s25, $0x2;
	[dreg:$0x9] =	wrdreg s13  }
0x1c: {  	s13 =	sadd.s32 s9, s22;
	[dreg:$0xf] =	wrdreg s23;
	s21 =	sadd.s32 s12, s6  }
0x1d: {  	s22 =	sadd.s32 s11, s6;
	s2 =	sshrl.u32 s26, $0x2;
	s19 =	sshrl.u32 s15, $0x2  }
0x1e: {  	s11 =	simm.s32 $0x2;
	[dreg:$0xb] =	wrdreg s13;
	s13 =	sadd.s32 s9, s24  }
0x1f: {  	s12 =	simm.s32 $0x5;
	s9 =	sadd.s32 s9, s10;
	[dreg:$0xc] =	wrdreg s13  }
0x20: {  	s24 =	sadd.s32 s1, s17;
	s28 =	sadd.s32 s19, s6;
	[dreg:$0xe] =	wrdreg s9  }
0x21: {  	s10 =	simm.s32 $0x1A880;
	[dreg:$0x10] =	wrdreg s24;
	s13 =	smul.u32 $0xA000, s14  }
0x22: {  	s9 =	sadd.s32 s3, s17;
	s14 =	sshrl.u32 s18, $0x2;
	s17 =	smul.u32 $0xA000, s20  }
.Ltmp0:
0x23: {  	s24 =	sadd.s32 s2, s6;
	s18 =	sshrl.u32 s5, $0x2;
	(pc) =	sbr.rel .LBB2_1-.Ltmp0, $4  }
0x24: {  	s2 =	simm.s32 $0x16880;
	s5 =	simm.s32 $0x1;
	[dreg:$0x11] =	wrdreg s9  }
0x25: {  	s23 =	sadd.s32 s14, s6;
	s26 =	sadd.s32 s18, s6;
	s9 =	simm.s32 $0x80  }
0x26: {  	s14 =	simm.s32 $0x0;
	s16 =	sshrl.u32 s13, $0x2;
	s20 =	sshrl.u32 s17, $0x2  }
0x27: {  	v0 =	vimm.f32 $0.0e+00;
	s13 =	simm.s32 $0x3;
	s25 =	sadd.s32 s16, s6;
	s29 =	sadd.s32 s20, s6  }
.LBB2_14:
0x28: {  	[bflag:$0x0] =	sbarrier.arrive $0xFFFF  }
0x29: {  	[tilespmem:s2], [sflag:$0x5] =	stream.linear.gather [spmem:s21], $0x2800, $0x38;
	[tilespmem:$0x1E880] =	vst v63  }
0x2a: {  	_ =	swait.ge [sflag:s12], $0x2800  }
0x2b: {  	[sflag:s12] =	ssyncset.done $0x0  }
0x2c: {  	s15 =	rddreg [dreg:$0x7];
	[sflag:s12] =	ssyncadd.s32 $0xFFFFD800  }
0x2d: {  	[hbm4b:s15+s8] =	stream.linear.scatter [tilespmem:s2], [sflag:$0x4], $0x2800, $0x38;
	[tilespmem:$0x1E880] =	vst v63  }
0x2e: {  	_ =	swait.ge [sflag:s31], $0x2800  }
0x2f: {  	[sflag:s31] =	ssyncset.done $0x0  }
0x30: {  	[sflag:s31] =	ssyncadd.s32 $0xFFFFD800  }
0x31: {  	[tilespmem:s2], [sflag:$0x5] =	stream.linear.gather [spmem:s22], $0x2800, $0x38;
	[tilespmem:$0x1E880] =	vst v63  }
0x32: {  	_ =	swait.ge [sflag:s12], $0x2800  }
0x33: {  	[sflag:s12] =	ssyncset.done $0x0  }
0x34: {  	s19 =	rddreg [dreg:$0x8];
	[sflag:s12] =	ssyncadd.s32 $0xFFFFD800  }
0x35: {  	[hbm4b:s19+s8] =	stream.linear.scatter [tilespmem:s2], [sflag:$0x4], $0x2800, $0x38;
	[tilespmem:$0x1E880] =	vst v63  }
0x36: {  	_ =	swait.ge [sflag:s31], $0x2800  }
0x37: {  	[sflag:s31] =	ssyncset.done $0x0  }
0x38: {  	[sflag:s31] =	ssyncadd.s32 $0xFFFFD800  }
0x39: {  	[tilespmem:s2], [sflag:$0x5] =	stream.linear.gather [spmem:s23], $0x2800, $0x38;
	[tilespmem:$0x1E880] =	vst v63  }
0x3a: {  	_ =	swait.ge [sflag:s12], $0x2800  }
0x3b: {  	[sflag:s12] =	ssyncset.done $0x0  }
0x3c: {  	s20 =	rddreg [dreg:$0x9];
	[sflag:s12] =	ssyncadd.s32 $0xFFFFD800  }
0x3d: {  	[hbm4b:s20+s8] =	stream.linear.scatter [tilespmem:s2], [sflag:$0x4], $0x2800, $0x38;
	[tilespmem:$0x1E880] =	vst v63  }
0x3e: {  	_ =	swait.ge [sflag:s31], $0x2800  }
0x3f: {  	[sflag:s31] =	ssyncset.done $0x0  }
0x40: {  	[sflag:s31] =	ssyncadd.s32 $0xFFFFD800  }
0x41: {  	[tilespmem:s2], [sflag:$0x5] =	stream.linear.gather [spmem:s24], $0x2800, $0x38;
	[tilespmem:$0x1E880] =	vst v63  }
0x42: {  	_ =	swait.ge [sflag:s12], $0x2800  }
0x43: {  	[sflag:s12] =	ssyncset.done $0x0  }
0x44: {  	s16 =	rddreg [dreg:$0xa];
	[sflag:s12] =	ssyncadd.s32 $0xFFFFD800  }
0x45: {  	[hbm4b:s16+s8] =	stream.linear.scatter [tilespmem:s2], [sflag:$0x4], $0x2800, $0x38;
	[tilespmem:$0x1E880] =	vst v63  }
0x46: {  	_ =	swait.ge [sflag:s31], $0x2800  }
0x47: {  	[sflag:s31] =	ssyncset.done $0x0  }
0x48: {  	[sflag:s31] =	ssyncadd.s32 $0xFFFFD800  }
0x49: {  	[tilespmem:s2], [sflag:$0x5] =	stream.linear.gather [spmem:s25], $0x2800, $0x38;
	[tilespmem:$0x1E880] =	vst v63  }
0x4a: {  	_ =	swait.ge [sflag:s12], $0x2800  }
0x4b: {  	[sflag:s12] =	ssyncset.done $0x0  }
0x4c: {  	s17 =	rddreg [dreg:$0xb];
	[sflag:s12] =	ssyncadd.s32 $0xFFFFD800  }
0x4d: {  	[hbm4b:s17+s8] =	stream.linear.scatter [tilespmem:s2], [sflag:$0x4], $0x2800, $0x38;
	[tilespmem:$0x1E880] =	vst v63  }
0x4e: {  	_ =	swait.ge [sflag:s31], $0x2800  }
0x4f: {  	[sflag:s31] =	ssyncset.done $0x0  }
0x50: {  	[sflag:s31] =	ssyncadd.s32 $0xFFFFD800  }
0x51: {  	[tilespmem:s2], [sflag:$0x5] =	stream.linear.gather [spmem:s26], $0x2800, $0x38;
	[tilespmem:$0x1E880] =	vst v63  }
0x52: {  	_ =	swait.ge [sflag:s12], $0x2800  }
0x53: {  	[sflag:s12] =	ssyncset.done $0x0  }
0x54: {  	s18 =	rddreg [dreg:$0xc];
	[sflag:s12] =	ssyncadd.s32 $0xFFFFD800  }
0x55: {  	[hbm4b:s18+s8] =	stream.linear.scatter [tilespmem:s2], [sflag:$0x4], $0x2800, $0x38;
	[tilespmem:$0x1E880] =	vst v63  }
0x56: {  	_ =	swait.ge [sflag:s31], $0x2800  }
0x57: {  	[sflag:s31] =	ssyncset.done $0x0  }
0x58: {  	[sflag:s31] =	ssyncadd.s32 $0xFFFFD800  }
0x59: {  	[tilespmem:s2], [sflag:$0x5] =	stream.linear.gather [spmem:s28], $0x2800, $0x38;
	[tilespmem:$0x1E880] =	vst v63  }
0x5a: {  	_ =	swait.ge [sflag:s12], $0x2800  }
0x5b: {  	[sflag:s12] =	ssyncset.done $0x0  }
0x5c: {  	s19 =	rddreg [dreg:$0xd];
	[sflag:s12] =	ssyncadd.s32 $0xFFFFD800  }
0x5d: {  	[hbm4b:s19+s8] =	stream.linear.scatter [tilespmem:s2], [sflag:$0x4], $0x2800, $0x38;
	[tilespmem:$0x1E880] =	vst v63  }
0x5e: {  	_ =	swait.ge [sflag:s31], $0x2800  }
0x5f: {  	[sflag:s31] =	ssyncset.done $0x0  }
0x60: {  	s15 =	simm.s32 @!p0 $0x16880;
	s16 =	simm.s32 @!p0 $0x5;
	[sflag:s31] =	ssyncadd.s32 $0xFFFFD800  }
0x61: {  	[tilespmem:s15], [sflag:$0x5] =	stream.linear.gather @!p0 [spmem:s29], $0x2800, $0x38;
	[tilespmem:$0x1E880] =	vst v63  }
0x62: {  	_ =	swait.ge @!p0 [sflag:s16], $0x2800  }
0x63: {  	[sflag:s16] =	ssyncset.done @!p0 $0x0  }
0x64: {  	s17 =	rddreg [dreg:$0xe];
	[sflag:s16] =	ssyncadd.s32 @!p0 $0xFFFFD800;
	s16 =	simm.s32 @!p0 $0x0  }
0x65: {  	[hbm4b:s17+s16] =	stream.linear.scatter @!p0 [tilespmem:s15], [sflag:$0x4], $0x2800, $0x38;
	[tilespmem:$0x1E880] =	vst v63  }
0x66: {  	s15 =	simm.s32 @!p0 $0x4  }
0x67: {  	_ =	swait.ge @!p0 [sflag:s15], $0x2800  }
0x68: {  	s14 =	sadd.s32 $0x1, s14;
	s20 =	rddreg [dreg:$0x12]  }
0x69: {  	p1 =	sne.s32 s14, s20  }
.Ltmp1:
0x6a: {  	_ = 	snop;
	(pc) =	sbr.rel @!p1 .LBB2_15-.Ltmp1, $3  }
0x6b: {  	_ =	sdelay $0x1  }
0x6c: {  	[sflag:s15] =	ssyncset.done @!p0 $0x0  }
0x6d: {  	[sflag:s15] =	ssyncadd.s32 @!p0 $0xFFFFD800  }
.LBB2_1:
0x6e: {  	s15 =	rddreg [dreg:$0xf]  }
0x6f: {  	s18 =	rddreg [dreg:$0x10]  }
0x70: {  	[tilespmem:s30], [sflag:$0x1] =	stream.linear.gather [hbm4b:s15+s8], $0x1000, $0x38;
	[tilespmem:$0x1E880] =	vst v63  }
0x71: {  	s16 =	simm.s32 $0x14880;
	s19 =	rddreg [dreg:$0x11]  }
0x72: {  	[tilespmem:s16], [sflag:$0x1] =	stream.linear.gather [hbm4b:s18+s8], $0x1000, $0x38;
	[tilespmem:$0x1E880] =	vst v63  }
0x73: {  	s20 =	simm.s32 $0x15880;
	s15 =	simm.s32 $0x0;
	s16 =	simm.s32 $0x200  }
0x74: {  	[tilespmem:s20], [sflag:$0x1] =	stream.linear.gather [hbm4b:s19+s8], $0x1000, $0x38;
	[tilespmem:$0x1E880] =	vst v63  }
.LBB2_2:
0x75: {  	p1 =	sne.s32 s16, $0xFE00;
	[tilespmem:s15+$0x168F0] =	vst v0  }
0x76: {  	[tilespmem:s15+$0x16880] =	vst v0  }
0x77: {  	[tilespmem:s15+$0x16890] =	vst v0  }
.Ltmp2:
0x78: {  	[tilespmem:s15+$0x168A0] =	vst v0;
	(pc) =	sbr.rel @p1 .LBB2_2-.Ltmp2, $4  }
0x79: {  	[tilespmem:s15+$0x168B0] =	vst v0  }
0x7a: {  	[tilespmem:s15+$0x168C0] =	vst v0  }
0x7b: {  	[tilespmem:s15+$0x168D0] =	vst v0  }
0x7c: {  	[tilespmem:s15+$0x168E0] =	vst v0;
	s15 =	sshra.s32 s16, $0x2;
	s16 =	sadd.s32 $0x200, s16  }
0x7d: {  	[tilespmem:s15+$0x168F0] =	vst v0  }
0x7e: {  	[tilespmem:s15+$0x16880] =	vst v0  }
0x7f: {  	[tilespmem:s15+$0x16890] =	vst v0  }
0x80: {  	[tilespmem:s15+$0x168A0] =	vst v0  }
0x81: {  	[tilespmem:s15+$0x168B0] =	vst v0  }
0x82: {  	[tilespmem:s15+$0x168C0] =	vst v0  }
0x83: {  	[tilespmem:s15+$0x168D0] =	vst v0  }
0x84: {  	[tilespmem:s15+$0x168E0] =	vst v0  }
0x85: {  	[spmem:s21] =	stream.linear.scatter [tilespmem:s2], [sflag:$0x4], $0x2800, $0x38;
	[tilespmem:$0x1E880] =	vst v63  }
0x86: {  	_ =	swait.ge [sflag:s31], $0x2800  }
0x87: {  	[sflag:s31] =	ssyncset.done $0x0  }
0x88: {  	[sflag:s31] =	ssyncadd.s32 $0xFFFFD800  }
0x89: {  	[spmem:s22] =	stream.linear.scatter [tilespmem:s2], [sflag:$0x4], $0x2800, $0x38;
	[tilespmem:$0x1E880] =	vst v63  }
0x8a: {  	_ =	swait.ge [sflag:s31], $0x2800  }
0x8b: {  	[sflag:s31] =	ssyncset.done $0x0  }
0x8c: {  	[sflag:s31] =	ssyncadd.s32 $0xFFFFD800  }
0x8d: {  	[spmem:s23] =	stream.linear.scatter [tilespmem:s2], [sflag:$0x4], $0x2800, $0x38;
	[tilespmem:$0x1E880] =	vst v63  }
0x8e: {  	_ =	swait.ge [sflag:s31], $0x2800  }
0x8f: {  	[sflag:s31] =	ssyncset.done $0x0  }
0x90: {  	[sflag:s31] =	ssyncadd.s32 $0xFFFFD800  }
0x91: {  	[spmem:s24] =	stream.linear.scatter [tilespmem:s2], [sflag:$0x4], $0x2800, $0x38;
	[tilespmem:$0x1E880] =	vst v63  }
0x92: {  	_ =	swait.ge [sflag:s31], $0x2800  }
0x93: {  	[sflag:s31] =	ssyncset.done $0x0  }
0x94: {  	[sflag:s31] =	ssyncadd.s32 $0xFFFFD800  }
0x95: {  	[spmem:s25] =	stream.linear.scatter [tilespmem:s2], [sflag:$0x4], $0x2800, $0x38;
	[tilespmem:$0x1E880] =	vst v63  }
0x96: {  	_ =	swait.ge [sflag:s31], $0x2800  }
0x97: {  	[sflag:s31] =	ssyncset.done $0x0  }
0x98: {  	[sflag:s31] =	ssyncadd.s32 $0xFFFFD800  }
0x99: {  	[spmem:s26] =	stream.linear.scatter [tilespmem:s2], [sflag:$0x4], $0x2800, $0x38;
	[tilespmem:$0x1E880] =	vst v63  }
0x9a: {  	_ =	swait.ge [sflag:s31], $0x2800  }
0x9b: {  	[sflag:s31] =	ssyncset.done $0x0  }
0x9c: {  	[sflag:s31] =	ssyncadd.s32 $0xFFFFD800  }
0x9d: {  	[spmem:s28] =	stream.linear.scatter [tilespmem:s2], [sflag:$0x4], $0x2800, $0x38;
	[tilespmem:$0x1E880] =	vst v63  }
0x9e: {  	_ =	swait.ge [sflag:s31], $0x2800  }
0x9f: {  	[sflag:s31] =	ssyncset.done $0x0  }
0xa0: {  	s15 =	simm.s32 @!p0 $0x16880;
	[sflag:s31] =	ssyncadd.s32 $0xFFFFD800  }
0xa1: {  	[spmem:s29] =	stream.linear.scatter @!p0 [tilespmem:s15], [sflag:$0x4], $0x2800, $0x38;
	[tilespmem:$0x1E880] =	vst v63  }
0xa2: {  	s15 =	simm.s32 @!p0 $0x4  }
.Ltmp3:
0xa3: {  	_ =	swait.ge @!p0 [sflag:s15], $0x2800;
	(pc) =	sbr.rel .LBB2_4-.Ltmp3, $4  }
0xa4: {  	[sflag:s15] =	ssyncset.done @!p0 $0x0  }
0xa5: {  	[sflag:s15] =	ssyncadd.s32 @!p0 $0xFFFFD800  }
0xa6: {  	[bflag:$0x0] =	sbarrier.arrive $0xFFFF  }
0xa7: {  	s15 =	simm.s32 $0x0  }
.LBB2_13:
0xa8: {  	s15 =	sadd.s32 $0x1, s15  }
0xa9: {  	p1 =	sne.s32 s15, $0x5  }
.Ltmp4:
0xaa: {  	_ = 	snop;
	(pc) =	sbr.rel @!p1 .LBB2_14-.Ltmp4, $1  }
0xab: {  	_ =	sdelay $0x3  }
.LBB2_4:
0xac: {  	p1 =	seq.s32 s15, $0x0  }
0xad: {  	s16 =	sshll.u32 @!p1 s15, $0xC  }
0xae: {  	s16 =	sadd.s32 @!p1 s16, s7  }
0xaf: {  	s16 =	sshrl.u32 @!p1 s16, $0x3  }
0xb0: {  	s18 =	simm.s32 @!p1 $0x0;
	s19 =	simm.s32 @!p1 $0x13880;
	s17 =	sadd.s32 @!p1 s0, s16  }
0xb1: {  	[tilespmem:s19], [sflag:$0x1] =	stream.linear.gather @!p1 [hbm4b:s17+s18], $0x1000, $0x38;
	[tilespmem:$0x1E880] =	vst v63  }
0xb2: {  	s17 =	sadd.s32 @!p1 s1, s16;
	s19 =	simm.s32 @!p1 $0x14880  }
0xb3: {  	[tilespmem:s19], [sflag:$0x1] =	stream.linear.gather @!p1 [hbm4b:s17+s18], $0x1000, $0x38;
	[tilespmem:$0x1E880] =	vst v63  }
0xb4: {  	s16 =	sadd.s32 @!p1 s3, s16;
	s17 =	simm.s32 @!p1 $0x15880  }
0xb5: {  	[tilespmem:s17], [sflag:$0x1] =	stream.linear.gather @!p1 [hbm4b:s16+s18], $0x1000, $0x38;
	[tilespmem:$0x1E880] =	vst v63  }
0xb6: {  	_ =	swait.ge [sflag:s5], $0x1000  }
0xb7: {  	[sflag:s5] =	ssyncset.done $0x0  }
0xb8: {  	[sflag:s5] =	ssyncadd.s32 $0xFFFFF000  }
0xb9: {  	_ =	swait.ge [sflag:s5], $0x1000  }
0xba: {  	[sflag:s5] =	ssyncset.done $0x0  }
.Ltmp5:
0xbb: {  	[sflag:s5] =	ssyncadd.s32 $0xFFFFF000;
	(pc) =	sbr.rel .LBB2_5-.Ltmp5, $4  }
0xbc: {  	_ =	swait.ge [sflag:s5], $0x1000  }
0xbd: {  	[sflag:s5] =	ssyncset.done $0x0  }
0xbe: {  	s16 =	simm.s32 $0x0;
	[sflag:s5] =	ssyncadd.s32 $0xFFFFF000  }
0xbf: {  	[tilespmem:s2], [sflag:$0x2] =	stream.indirect.gather [hbm4b:s4+s9], $0x80, s30, s9, $0xb8;
	[tilespmem:$0x1E880] =	vst v63  }
.LBB2_8:
0xc0: {  	s17 =	sadd.s32 $0x14880, s17  }
0xc1: {  	[spmem:s6] =	stream.indirect.scatter.add.f32 [tilespmem:s10], [sflag:$0x4], $0x80, s17, s9, $0xb8;
	[tilespmem:$0x1E880] =	vst v63  }
0xc2: {  	s17 =	simm.s32 $0x4  }
.LBB2_12:
0xc3: {  	s16 =	sadd.s32 $0x1, s16  }
0xc4: {  	p1 =	sne.s32 s16, $0x20  }
.Ltmp6:
0xc5: {  	_ = 	snop;
	(pc) =	sbr.rel @!p1 .LBB2_13-.Ltmp6, $4  }
0xc6: {  	_ = 	snop  }
0xc7: {  	_ =	swait.ge [sflag:s17], $0x4000  }
0xc8: {  	[sflag:s17] =	ssyncset.done $0x0  }
0xc9: {  	[sflag:s17] =	ssyncadd.s32 $0xFFFFC000  }
.LBB2_5:
0xca: {  	s17 =	sand.u32 $0x1, s16  }
0xcb: {  	p1 =	seq.s32 s17, $0x0  }
.Ltmp7:
0xcc: {  	_ = 	snop;
	(pc) =	sbr.rel @!p1 .LBB2_6-.Ltmp7, $1  }
0xcd: {  	_ =	sdelay $0x3  }
0xce: {  	s17 =	sshll.u32 s16, $0x9  }
0xcf: {  	s17 =	sshrl.u32 s17, $0x2  }
0xd0: {  	s18 =	sadd.s32 $0x13900, s17;
	s19 =	sadd.s32 $0x15880, s17  }
0xd1: {  	[tilespmem:s10], [sflag:$0x3] =	stream.indirect.gather [hbm4b:s4+s9], $0x80, s18, s9, $0xb8;
	[tilespmem:$0x1E880] =	vst v63  }
0xd2: {  	v1 =	vmov s19;
	_ =	swait.ge [sflag:s11], $0x4000  }
0xd3: {  	[sflag:s11] =	ssyncset.done $0x0  }
0xd4: {  	s18 =	simm.s32 $0x0;
	[sflag:s11] =	ssyncadd.s32 $0xFFFFC000  }
.LBB2_10:
0xd5: {  	s20 =	sshll.u32 s18, $0x4  }
0xd6: {  	s19 =	sand.u32 $0x3FFFFFF0, s20  }
0xd7: {  	v3 =	vld.idx.msk [tilespmem:v1+s19+$0x0 ss:$0x1], $0xffff;
	s19 =	sshll.u32 s18, $0xB  }
0xd8: {  	s19 =	sand.u32 $0x3FFFF800, s19  }
0xd9: {  	v2 =	vld [tilespmem:s19+$0x16880]  }
0xda: {  	v4 =	vld [tilespmem:s19+$0x16890]  }
0xdb: {  	v5 =	vld [tilespmem:s19+$0x168A0]  }
0xdc: {  	v7 =	vld [tilespmem:s19+$0x168B0];
	v6 =	vbroadcast v3, $0x0  }
0xdd: {  	v8 =	vld [tilespmem:s19+$0x168C0]  }
0xde: {  	v9 =	vld [tilespmem:s19+$0x168D0];
	v2 =	vmul.f32 v6, v2  }
0xdf: {  	v10 =	vld [tilespmem:s19+$0x168E0];
	v4 =	vmul.f32 v4, v6  }
0xe0: {  	[tilespmem:s19+$0x16880] =	vst v2;
	v2 =	vmul.f32 v5, v6  }
0xe1: {  	v20 =	vmul.f32 v7, v6;
	[tilespmem:s19+$0x16890] =	vst v4  }
0xe2: {  	[tilespmem:s19+$0x168A0] =	vst v2;
	v2 =	vmul.f32 v8, v6  }
0xe3: {  	v21 =	vmul.f32 v9, v6;
	[tilespmem:s19+$0x168B0] =	vst v20  }
0xe4: {  	[tilespmem:s19+$0x168C0] =	vst v2;
	v2 =	vmul.f32 v10, v6  }
0xe5: {  	[tilespmem:s19+$0x168D0] =	vst v21  }
0xe6: {  	[tilespmem:s19+$0x168E0] =	vst v2  }
0xe7: {  	v2 =	vld [tilespmem:s19+$0x168F0]  }
0xe8: {  	v22 =	vld [tilespmem:s19+$0x16900]  }
0xe9: {  	v23 =	vld [tilespmem:s19+$0x16910]  }
0xea: {  	v24 =	vld [tilespmem:s19+$0x16920]  }
0xeb: {  	v25 =	vld [tilespmem:s19+$0x16930]  }
0xec: {  	v26 =	vbroadcast v3, $0x1;
	v27 =	vld [tilespmem:s19+$0x16940]  }
0xed: {  	v28 =	vld [tilespmem:s19+$0x16950];
	v2 =	vmul.f32 v2, v6  }
0xee: {  	v11 =	vld [tilespmem:s19+$0x16960];
	v4 =	vmul.f32 v22, v26  }
0xef: {  	v29 =	vld [tilespmem:s19+$0x16970];
	v30 =	vmul.f32 v24, v26;
	[tilespmem:s19+$0x168F0] =	vst v2  }
0xf0: {  	v31 =	vld [tilespmem:s19+$0x16980];
	v2 =	vmul.f32 v23, v26;
	[tilespmem:s19+$0x16900] =	vst v4  }
0xf1: {  	v32 =	vld [tilespmem:s19+$0x16990];
	v33 =	vmul.f32 v27, v26;
	[tilespmem:s19+$0x16920] =	vst v30  }
0xf2: {  	v34 =	vld [tilespmem:s19+$0x169A0];
	[tilespmem:s19+$0x16910] =	vst v2;
	v2 =	vmul.f32 v25, v26  }
0xf3: {  	v37 =	vbroadcast v3, $0x2;
	v35 =	vld [tilespmem:s19+$0x169B0];
	v36 =	vmul.f32 v11, v26;
	[tilespmem:s19+$0x16940] =	vst v33  }
0xf4: {  	v12 =	vld [tilespmem:s19+$0x169C0];
	[tilespmem:s19+$0x16930] =	vst v2;
	v2 =	vmul.f32 v28, v26  }
0xf5: {  	v38 =	vld [tilespmem:s19+$0x169D0];
	v39 =	vmul.f32 v31, v37;
	[tilespmem:s19+$0x16960] =	vst v36  }
0xf6: {  	v40 =	vld [tilespmem:s19+$0x169E0];
	[tilespmem:s19+$0x16950] =	vst v2;
	v2 =	vmul.f32 v29, v26  }
0xf7: {  	v41 =	vld [tilespmem:s19+$0x169F0];
	v42 =	vmul.f32 v34, v37;
	[tilespmem:s19+$0x16980] =	vst v39  }
0xf8: {  	v43 =	vld [tilespmem:s19+$0x16A00];
	[tilespmem:s19+$0x16970] =	vst v2;
	v2 =	vmul.f32 v32, v37  }
0xf9: {  	v44 =	vld [tilespmem:s19+$0x16A10];
	v45 =	vmul.f32 v12, v37;
	[tilespmem:s19+$0x169A0] =	vst v42  }
0xfa: {  	v46 =	vld [tilespmem:s19+$0x16A20];
	[tilespmem:s19+$0x16990] =	vst v2;
	v2 =	vmul.f32 v35, v37  }
0xfb: {  	v49 =	vbroadcast v3, $0x3;
	v47 =	vld [tilespmem:s19+$0x16A30];
	v48 =	vmul.f32 v40, v37;
	[tilespmem:s19+$0x169C0] =	vst v45  }
0xfc: {  	v50 =	vld [tilespmem:s19+$0x16A40];
	[tilespmem:s19+$0x169B0] =	vst v2;
	v2 =	vmul.f32 v38, v37  }
0xfd: {  	v51 =	vld [tilespmem:s19+$0x16A50];
	v52 =	vmul.f32 v43, v49;
	[tilespmem:s19+$0x169E0] =	vst v48  }
0xfe: {  	v53 =	vld [tilespmem:s19+$0x16A60];
	[tilespmem:s19+$0x169D0] =	vst v2;
	v2 =	vmul.f32 v41, v37  }
0xff: {  	v54 =	vld [tilespmem:s19+$0x16A70];
	v55 =	vmul.f32 v46, v49;
	[tilespmem:s19+$0x16A00] =	vst v52  }
0x100: {  	v56 =	vld [tilespmem:s19+$0x16A80];
	[tilespmem:s19+$0x169F0] =	vst v2;
	v2 =	vmul.f32 v44, v49  }
0x101: {  	v57 =	vld [tilespmem:s19+$0x16A90];
	v58 =	vmul.f32 v50, v49;
	[tilespmem:s19+$0x16A20] =	vst v55  }
0x102: {  	v59 =	vld [tilespmem:s19+$0x16AA0];
	[tilespmem:s19+$0x16A10] =	vst v2;
	v2 =	vmul.f32 v47, v49  }
0x103: {  	v62 =	vbroadcast v3, $0x4;
	v60 =	vld [tilespmem:s19+$0x16AB0];
	v61 =	vmul.f32 v53, v49;
	[tilespmem:s19+$0x16A40] =	vst v58  }
0x104: {  	v63 =	vld [tilespmem:s19+$0x16AC0];
	[tilespmem:s19+$0x16A30] =	vst v2;
	v2 =	vmul.f32 v51, v49  }
0x105: {  	v14 =	vld [tilespmem:s19+$0x16AD0];
	v15 =	vmul.f32 v56, v62;
	[tilespmem:s19+$0x16A60] =	vst v61  }
0x106: {  	v16 =	vld [tilespmem:s19+$0x16AE0];
	[tilespmem:s19+$0x16A50] =	vst v2;
	v2 =	vmul.f32 v54, v49  }
0x107: {  	v17 =	vld [tilespmem:s19+$0x16AF0];
	v18 =	vmul.f32 v59, v62;
	[tilespmem:s19+$0x16A80] =	vst v15  }
0x108: {  	v19 =	vld [tilespmem:s19+$0x16B00];
	[tilespmem:s19+$0x16A70] =	vst v2;
	v2 =	vmul.f32 v57, v62  }
0x109: {  	v20 =	vld [tilespmem:s19+$0x16B10];
	v21 =	vmul.f32 v63, v62;
	[tilespmem:s19+$0x16AA0] =	vst v18  }
0x10a: {  	v22 =	vld [tilespmem:s19+$0x16B20];
	[tilespmem:s19+$0x16A90] =	vst v2;
	v2 =	vmul.f32 v60, v62  }
0x10b: {  	v24 =	vmul.f32 v16, v62;
	v27 =	vld [tilespmem:s19+$0x16B50];
	[tilespmem:s19+$0x16AC0] =	vst v21;
	v25 =	vbroadcast v3, $0x5  }
0x10c: {  	v58 =	vld [tilespmem:s19+$0x16C80];
	[tilespmem:s19+$0x16AB0] =	vst v2;
	v2 =	vmul.f32 v14, v62  }
0x10d: {  	v23 =	vld [tilespmem:s19+$0x16B30];
	[tilespmem:s19+$0x16AE0] =	vst v24;
	v28 =	vmul.f32 v19, v25  }
0x10e: {  	v61 =	vld [tilespmem:s19+$0x16CA0];
	[tilespmem:s19+$0x16AD0] =	vst v2;
	v2 =	vmul.f32 v17, v62  }
0x10f: {  	v40 =	vld [tilespmem:s19+$0x16BD0];
	v16 =	vbroadcast v3, $0x8;
	v31 =	vmul.f32 v22, v25;
	[tilespmem:s19+$0x16B00] =	vst v28  }
0x110: {  	v26 =	vld [tilespmem:s19+$0x16B40];
	[tilespmem:s19+$0x16AF0] =	vst v2;
	v2 =	vmul.f32 v20, v25  }
0x111: {  	v30 =	vld [tilespmem:s19+$0x16B70];
	v19 =	vmul.f32 v58, v16;
	[tilespmem:s19+$0x16B20] =	vst v31  }
0x112: {  	v29 =	vld [tilespmem:s19+$0x16B60];
	[tilespmem:s19+$0x16B10] =	vst v2;
	v2 =	vmul.f32 v23, v25  }
0x113: {  	v33 =	vld [tilespmem:s19+$0x16B90];
	v22 =	vmul.f32 v61, v16;
	[tilespmem:s19+$0x16C80] =	vst v19  }
0x114: {  	v32 =	vld [tilespmem:s19+$0x16B80];
	[tilespmem:s19+$0x16B30] =	vst v2;
	v2 =	vmul.f32 v27, v25  }
0x115: {  	v36 =	vld [tilespmem:s19+$0x16BB0];
	[tilespmem:s19+$0x16CA0] =	vst v22;
	v34 =	vmul.f32 v26, v25  }
0x116: {  	v42 =	vld [tilespmem:s19+$0x16BE0];
	v38 =	vbroadcast v3, $0x6;
	[tilespmem:s19+$0x16B50] =	vst v2;
	v2 =	vmul.f32 v30, v25  }
0x117: {  	v43 =	vld [tilespmem:s19+$0x16BF0];
	[tilespmem:s19+$0x16B40] =	vst v34;
	v37 =	vmul.f32 v29, v25  }
0x118: {  	v35 =	vld [tilespmem:s19+$0x16BA0];
	[tilespmem:s19+$0x16B70] =	vst v2;
	v2 =	vmul.f32 v33, v38  }
0x119: {  	v46 =	vld [tilespmem:s19+$0x16C10];
	v41 =	vmul.f32 v32, v38;
	[tilespmem:s19+$0x16B60] =	vst v37  }
0x11a: {  	v26 =	vld [tilespmem:s19+$0x16D20];
	[tilespmem:s19+$0x16B90] =	vst v2;
	v2 =	vmul.f32 v36, v38  }
0x11b: {  	v53 =	vld [tilespmem:s19+$0x16C50];
	v50 =	vmul.f32 v42, v38;
	[tilespmem:s19+$0x16B80] =	vst v41  }
0x11c: {  	v39 =	vld [tilespmem:s19+$0x16BC0];
	[tilespmem:s19+$0x16BB0] =	vst v2;
	v2 =	vmul.f32 v40, v38  }
0x11d: {  	v29 =	vbroadcast v3, $0x9;
	v44 =	vmul.f32 v35, v38;
	[tilespmem:s19+$0x16BE0] =	vst v50;
	v49 =	vld [tilespmem:s19+$0x16C30]  }
0x11e: {  	v45 =	vld [tilespmem:s19+$0x16C00];
	v51 =	vbroadcast v3, $0x7;
	[tilespmem:s19+$0x16BD0] =	vst v2;
	v2 =	vmul.f32 v43, v38  }
0x11f: {  	v56 =	vld [tilespmem:s19+$0x16C70];
	v35 =	vmul.f32 v26, v29;
	[tilespmem:s19+$0x16BA0] =	vst v44  }
0x120: {  	v55 =	vld [tilespmem:s19+$0x16C60];
	[tilespmem:s19+$0x16BF0] =	vst v2;
	v2 =	vmul.f32 v46, v51  }
0x121: {  	v59 =	vld [tilespmem:s19+$0x16C90];
	v47 =	vmul.f32 v39, v38;
	[tilespmem:s19+$0x16D20] =	vst v35  }
0x122: {  	v48 =	vld [tilespmem:s19+$0x16C20];
	[tilespmem:s19+$0x16C10] =	vst v2;
	v2 =	vmul.f32 v49, v51  }
0x123: {  	v52 =	vld [tilespmem:s19+$0x16C40];
	[tilespmem:s19+$0x16BC0] =	vst v47;
	v54 =	vmul.f32 v45, v51  }
0x124: {  	v39 =	vld [tilespmem:s19+$0x16DA0];
	[tilespmem:s19+$0x16C30] =	vst v2;
	v2 =	vmul.f32 v53, v51  }
0x125: {  	v63 =	vmul.f32 v55, v51;
	[tilespmem:s19+$0x16C00] =	vst v54;
	v62 =	vld [tilespmem:s19+$0x16CB0]  }
0x126: {  	v18 =	vld [tilespmem:s19+$0x16CD0];
	[tilespmem:s19+$0x16C50] =	vst v2;
	v2 =	vmul.f32 v56, v51  }
0x127: {  	v21 =	vld [tilespmem:s19+$0x16CF0];
	v42 =	vbroadcast v3, $0xA;
	v57 =	vmul.f32 v48, v51;
	[tilespmem:s19+$0x16C60] =	vst v63  }
0x128: {  	v60 =	vmul.f32 v52, v51;
	v52 =	vld [tilespmem:s19+$0x16E20];
	[tilespmem:s19+$0x16C70] =	vst v2;
	v2 =	vmul.f32 v59, v16  }
0x129: {  	v24 =	vld [tilespmem:s19+$0x16D10];
	v48 =	vmul.f32 v39, v42;
	[tilespmem:s19+$0x16C20] =	vst v57  }
0x12a: {  	v20 =	vld [tilespmem:s19+$0x16CE0];
	[tilespmem:s19+$0x16C90] =	vst v2;
	v2 =	vmul.f32 v62, v16  }
0x12b: {  	v31 =	vld [tilespmem:s19+$0x16D50];
	v55 =	vbroadcast v3, $0xB;
	[tilespmem:s19+$0x16DA0] =	vst v48  }
0x12c: {  	v17 =	vld [tilespmem:s19+$0x16CC0];
	[tilespmem:s19+$0x16CB0] =	vst v2;
	v2 =	vmul.f32 v18, v16  }
0x12d: {  	[tilespmem:s19+$0x16C40] =	vst v60;
	v61 =	vmul.f32 v52, v55;
	v27 =	vld [tilespmem:s19+$0x16D30]  }
0x12e: {  	v23 =	vld [tilespmem:s19+$0x16D00];
	[tilespmem:s19+$0x16CD0] =	vst v2;
	v2 =	vmul.f32 v21, v16  }
0x12f: {  	v34 =	vld [tilespmem:s19+$0x16D70];
	[tilespmem:s19+$0x16E20] =	vst v61;
	v28 =	vmul.f32 v20, v16  }
0x130: {  	v20 =	vld [tilespmem:s19+$0x16EC0];
	[tilespmem:s19+$0x16CF0] =	vst v2;
	v2 =	vmul.f32 v24, v29  }
0x131: {  	v37 =	vld [tilespmem:s19+$0x16D90];
	v25 =	vmul.f32 v17, v16;
	[tilespmem:s19+$0x16CE0] =	vst v28  }
0x132: {  	v26 =	vld [tilespmem:s19+$0x16F00];
	[tilespmem:s19+$0x16D10] =	vst v2;
	v2 =	vmul.f32 v27, v29  }
0x133: {  	v19 =	vbroadcast v3, $0xC;
	v50 =	vld [tilespmem:s19+$0x16E10];
	v32 =	vmul.f32 v23, v29;
	[tilespmem:s19+$0x16CC0] =	vst v25  }
0x134: {  	v33 =	vld [tilespmem:s19+$0x16D60];
	[tilespmem:s19+$0x16D30] =	vst v2;
	v2 =	vmul.f32 v31, v29  }
0x135: {  	[tilespmem:s19+$0x16D00] =	vst v32;
	v32 =	vbroadcast v3, $0xD;
	v28 =	vmul.f32 v20, v19;
	v40 =	vld [tilespmem:s19+$0x16DB0]  }
0x136: {  	v30 =	vld [tilespmem:s19+$0x16D40];
	[tilespmem:s19+$0x16D50] =	vst v2;
	v2 =	vmul.f32 v34, v29  }
0x137: {  	v44 =	vld [tilespmem:s19+$0x16DD0];
	v35 =	vmul.f32 v26, v32;
	[tilespmem:s19+$0x16EC0] =	vst v28  }
0x138: {  	v36 =	vld [tilespmem:s19+$0x16D80];
	[tilespmem:s19+$0x16D70] =	vst v2;
	v2 =	vmul.f32 v37, v42  }
0x139: {  	v47 =	vld [tilespmem:s19+$0x16DF0];
	v41 =	vmul.f32 v33, v29;
	[tilespmem:s19+$0x16F00] =	vst v35  }
0x13a: {  	v33 =	vld [tilespmem:s19+$0x16F40];
	[tilespmem:s19+$0x16D90] =	vst v2;
	v2 =	vmul.f32 v40, v42  }
0x13b: {  	v63 =	vld [tilespmem:s19+$0x16E90];
	v38 =	vmul.f32 v30, v29;
	[tilespmem:s19+$0x16D60] =	vst v41  }
0x13c: {  	v39 =	vld [tilespmem:s19+$0x16F80];
	[tilespmem:s19+$0x16DB0] =	vst v2;
	v2 =	vmul.f32 v44, v42  }
0x13d: {  	v45 =	vmul.f32 v36, v42;
	[tilespmem:s19+$0x16D40] =	vst v38;
	v53 =	vld [tilespmem:s19+$0x16E30]  }
0x13e: {  	v52 =	vld [tilespmem:s19+$0x17000];
	[tilespmem:s19+$0x16DD0] =	vst v2;
	v2 =	vmul.f32 v47, v42  }
0x13f: {  	v57 =	vld [tilespmem:s19+$0x16E50];
	[tilespmem:s19+$0x16D80] =	vst v45;
	v45 =	vbroadcast v3, $0xE;
	v41 =	vmul.f32 v33, v32  }
0x140: {  	v46 =	vld [tilespmem:s19+$0x16DE0];
	[tilespmem:s19+$0x16DF0] =	vst v2;
	v2 =	vmul.f32 v50, v55  }
0x141: {  	v60 =	vld [tilespmem:s19+$0x16E70];
	v3 =	vbroadcast v3, $0xF;
	v48 =	vmul.f32 v39, v45;
	[tilespmem:s19+$0x16F40] =	vst v41  }
0x142: {  	v43 =	vld [tilespmem:s19+$0x16DC0];
	[tilespmem:s19+$0x16E10] =	vst v2;
	v2 =	vmul.f32 v53, v55  }
0x143: {  	v17 =	vld [tilespmem:s19+$0x16EB0];
	v61 =	vmul.f32 v52, v3;
	[tilespmem:s19+$0x16F80] =	vst v48  }
0x144: {  	v49 =	vld [tilespmem:s19+$0x16E00];
	[tilespmem:s19+$0x16E30] =	vst v2;
	v2 =	vmul.f32 v57, v55  }
0x145: {  	v23 =	vld [tilespmem:s19+$0x16EE0];
	v54 =	vmul.f32 v46, v42;
	[tilespmem:s19+$0x17000] =	vst v61  }
0x146: {  	v56 =	vld [tilespmem:s19+$0x16E40];
	[tilespmem:s19+$0x16E50] =	vst v2;
	v2 =	vmul.f32 v60, v55  }
0x147: {  	v51 =	vmul.f32 v43, v42;
	[tilespmem:s19+$0x16DE0] =	vst v54;
	v21 =	vld [tilespmem:s19+$0x16ED0]  }
0x148: {  	v43 =	vld [tilespmem:s19+$0x16FB0];
	[tilespmem:s19+$0x16E70] =	vst v2;
	v2 =	vmul.f32 v63, v19  }
0x149: {  	v58 =	vmul.f32 v49, v55;
	[tilespmem:s19+$0x16DC0] =	vst v51;
	v24 =	vld [tilespmem:s19+$0x16EF0]  }
0x14a: {  	v49 =	vld [tilespmem:s19+$0x16FE0];
	[tilespmem:s19+$0x16E90] =	vst v2;
	v2 =	vmul.f32 v17, v19  }
0x14b: {  	[tilespmem:s19+$0x16E00] =	vst v58;
	v15 =	vmul.f32 v56, v55;
	v27 =	vld [tilespmem:s19+$0x16F10]  }
0x14c: {  	v59 =	vld [tilespmem:s19+$0x16E60];
	[tilespmem:s19+$0x16EB0] =	vst v2;
	v2 =	vmul.f32 v21, v19  }
0x14d: {  	v30 =	vld [tilespmem:s19+$0x16F30];
	v6 =	vmul.f32 v43, v45;
	[tilespmem:s19+$0x16E40] =	vst v15  }
0x14e: {  	v62 =	vld [tilespmem:s19+$0x16E80];
	[tilespmem:s19+$0x16ED0] =	vst v2;
	v2 =	vmul.f32 v24, v19  }
0x14f: {  	v56 =	vmul.f32 v49, v45;
	[tilespmem:s19+$0x16FB0] =	vst v6;
	v34 =	vld [tilespmem:s19+$0x16F50]  }
0x150: {  	v16 =	vld [tilespmem:s19+$0x16EA0];
	[tilespmem:s19+$0x16EF0] =	vst v2;
	v2 =	vmul.f32 v27, v32  }
0x151: {  	v18 =	vmul.f32 v59, v55;
	[tilespmem:s19+$0x16FE0] =	vst v56;
	v37 =	vld [tilespmem:s19+$0x16F70]  }
0x152: {  	v20 =	vld [tilespmem:s19+$0x17040];
	[tilespmem:s19+$0x16F10] =	vst v2;
	v2 =	vmul.f32 v30, v32  }
0x153: {  	v36 =	vld [tilespmem:s19+$0x16F60];
	[tilespmem:s19+$0x16E60] =	vst v18;
	v22 =	vmul.f32 v62, v19  }
0x154: {  	v29 =	vld [tilespmem:s19+$0x16F20];
	[tilespmem:s19+$0x16F30] =	vst v2;
	v2 =	vmul.f32 v34, v32  }
0x155: {  	[tilespmem:s19+$0x16E80] =	vst v22;
	v22 =	vld [tilespmem:s19+$0x17060];
	v25 =	vmul.f32 v16, v19  }
0x156: {  	v46 =	vld [tilespmem:s19+$0x16FC0];
	[tilespmem:s19+$0x16F50] =	vst v2;
	v2 =	vmul.f32 v37, v32  }
0x157: {  	s20 =	sor.u32 $0x10, s20;
	v31 =	vmul.f32 v23, v19;
	[tilespmem:s19+$0x16EA0] =	vst v25;
	v40 =	vld [tilespmem:s19+$0x16F90]  }
0x158: {  	v25 =	vmul.f32 v20, v3;
	[tilespmem:s19+$0x16F70] =	vst v2;
	v2 =	vld.idx.msk [tilespmem:v1+s20+$0x0 ss:$0x1], $0xffff;
	s20 =	sshll.u32 s20, $0x7  }
0x159: {  	[tilespmem:s19+$0x16EE0] =	vst v31;
	v38 =	vmul.f32 v29, v32;
	v42 =	vld [tilespmem:s19+$0x16FA0];
	s20 =	sand.u32 $0x3FFFF800, s20  }
0x15a: {  	[tilespmem:s19+$0x17040] =	vst v25;
	v29 =	vmul.f32 v22, v3;
	v54 =	vld [tilespmem:s20+$0x16880]  }
0x15b: {  	v44 =	vmul.f32 v36, v32;
	[tilespmem:s19+$0x16F20] =	vst v38;
	v55 =	vld [tilespmem:s20+$0x16890]  }
0x15c: {  	[tilespmem:s19+$0x17060] =	vst v29;
	v7 =	vmul.f32 v40, v45;
	v57 =	vld [tilespmem:s20+$0x168A0]  }
0x15d: {  	[tilespmem:s19+$0x16F60] =	vst v44;
	v53 =	vmul.f32 v46, v45;
	v60 =	vld [tilespmem:s20+$0x168B0];
	v59 =	vbroadcast v2, $0x0  }
0x15e: {  	[tilespmem:s19+$0x16F90] =	vst v7;
	v51 =	vmul.f32 v42, v45;
	v62 =	vld [tilespmem:s20+$0x168C0]  }
0x15f: {  	[tilespmem:s19+$0x16FC0] =	vst v53;
	v12 =	vld [tilespmem:s20+$0x168D0];
	v63 =	vmul.f32 v59, v54  }
0x160: {  	[tilespmem:s19+$0x16FA0] =	vst v51;
	v14 =	vld [tilespmem:s20+$0x168E0];
	v13 =	vmul.f32 v55, v59  }
0x161: {  	v16 =	vld [tilespmem:s20+$0x168F0];
	v15 =	vmul.f32 v57, v59;
	[tilespmem:s20+$0x16880] =	vst v63  }
0x162: {  	v47 =	vld [tilespmem:s19+$0x16FD0];
	v10 =	vmul.f32 v60, v59;
	[tilespmem:s20+$0x16890] =	vst v13  }
0x163: {  	v50 =	vld [tilespmem:s19+$0x16FF0];
	v7 =	vmul.f32 v62, v59;
	[tilespmem:s20+$0x168A0] =	vst v15  }
0x164: {  	v18 =	vld [tilespmem:s19+$0x17020];
	v11 =	vmul.f32 v12, v59;
	[tilespmem:s20+$0x168B0] =	vst v10  }
0x165: {  	v17 =	vld [tilespmem:s19+$0x17010];
	v6 =	vmul.f32 v14, v59;
	[tilespmem:s20+$0x168C0] =	vst v7  }
0x166: {  	v21 =	vld [tilespmem:s19+$0x17050];
	v8 =	vmul.f32 v16, v59;
	[tilespmem:s20+$0x168D0] =	vst v11  }
0x167: {  	v5 =	vmul.f32 v47, v45;
	v19 =	vld [tilespmem:s19+$0x17030];
	[tilespmem:s20+$0x168E0] =	vst v6  }
0x168: {  	v23 =	vld [tilespmem:s19+$0x17070];
	v58 =	vmul.f32 v50, v45;
	[tilespmem:s20+$0x168F0] =	vst v8  }
0x169: {  	[tilespmem:s19+$0x16FD0] =	vst v5;
	v5 =	vmul.f32 v18, v3;
	v8 =	vld [tilespmem:s19+$0x17100]  }
0x16a: {  	[tilespmem:s19+$0x16FF0] =	vst v58;
	v4 =	vmul.f32 v17, v3;
	v26 =	vld [tilespmem:s19+$0x17110]  }
0x16b: {  	[tilespmem:s19+$0x17020] =	vst v5;
	v27 =	vmul.f32 v21, v3;
	v28 =	vld [tilespmem:s19+$0x17120]  }
0x16c: {  	[tilespmem:s19+$0x17010] =	vst v4;
	v24 =	vmul.f32 v19, v3;
	v30 =	vbroadcast v2, $0x1;
	v32 =	vld [tilespmem:s19+$0x17140]  }
0x16d: {  	[tilespmem:s19+$0x17050] =	vst v27;
	v3 =	vmul.f32 v23, v3;
	v31 =	vld [tilespmem:s19+$0x17130]  }
0x16e: {  	[tilespmem:s19+$0x17030] =	vst v24;
	v35 =	vld [tilespmem:s19+$0x17160];
	v33 =	vmul.f32 v8, v30  }
0x16f: {  	[tilespmem:s19+$0x17070] =	vst v3;
	v34 =	vld [tilespmem:s19+$0x17150];
	v3 =	vmul.f32 v26, v30  }
0x170: {  	v38 =	vld [tilespmem:s19+$0x17180];
	v36 =	vmul.f32 v28, v30;
	[tilespmem:s19+$0x17100] =	vst v33  }
0x171: {  	v37 =	vld [tilespmem:s19+$0x17170];
	v4 =	vmul.f32 v32, v30;
	[tilespmem:s19+$0x17110] =	vst v3  }
0x172: {  	v40 =	vld [tilespmem:s19+$0x171A0];
	v3 =	vmul.f32 v31, v30;
	[tilespmem:s19+$0x17120] =	vst v36  }
0x173: {  	v42 =	vbroadcast v2, $0x2;
	v39 =	vld [tilespmem:s19+$0x17190];
	v41 =	vmul.f32 v35, v30;
	[tilespmem:s19+$0x17140] =	vst v4  }
0x174: {  	v44 =	vld [tilespmem:s19+$0x171C0];
	[tilespmem:s19+$0x17130] =	vst v3;
	v3 =	vmul.f32 v34, v30  }
0x175: {  	v43 =	vld [tilespmem:s19+$0x171B0];
	v45 =	vmul.f32 v38, v42;
	[tilespmem:s19+$0x17160] =	vst v41  }
0x176: {  	v47 =	vld [tilespmem:s19+$0x171E0];
	[tilespmem:s19+$0x17150] =	vst v3;
	v3 =	vmul.f32 v37, v30  }
0x177: {  	v46 =	vld [tilespmem:s19+$0x171D0];
	v48 =	vmul.f32 v40, v42;
	[tilespmem:s19+$0x17180] =	vst v45  }
0x178: {  	v50 =	vld [tilespmem:s19+$0x17200];
	[tilespmem:s19+$0x17170] =	vst v3;
	v3 =	vmul.f32 v39, v42  }
0x179: {  	v49 =	vld [tilespmem:s19+$0x171F0];
	v51 =	vmul.f32 v44, v42;
	[tilespmem:s19+$0x171A0] =	vst v48  }
0x17a: {  	v53 =	vld [tilespmem:s19+$0x17220];
	[tilespmem:s19+$0x17190] =	vst v3;
	v3 =	vmul.f32 v43, v42  }
0x17b: {  	v55 =	vbroadcast v2, $0x3;
	v52 =	vld [tilespmem:s19+$0x17210];
	v54 =	vmul.f32 v47, v42;
	[tilespmem:s19+$0x171C0] =	vst v51  }
0x17c: {  	v57 =	vld [tilespmem:s19+$0x17240];
	[tilespmem:s19+$0x171B0] =	vst v3;
	v3 =	vmul.f32 v46, v42  }
0x17d: {  	v56 =	vld [tilespmem:s19+$0x17230];
	v58 =	vmul.f32 v50, v55;
	[tilespmem:s19+$0x171E0] =	vst v54  }
0x17e: {  	v60 =	vld [tilespmem:s19+$0x17260];
	[tilespmem:s19+$0x171D0] =	vst v3;
	v3 =	vmul.f32 v49, v42  }
0x17f: {  	v59 =	vld [tilespmem:s19+$0x17250];
	v61 =	vmul.f32 v53, v55;
	[tilespmem:s19+$0x17200] =	vst v58  }
0x180: {  	v63 =	vld [tilespmem:s19+$0x17280];
	[tilespmem:s19+$0x171F0] =	vst v3;
	v3 =	vmul.f32 v52, v55  }
0x181: {  	v62 =	vld [tilespmem:s19+$0x17270];
	v12 =	vmul.f32 v57, v55;
	[tilespmem:s19+$0x17220] =	vst v61  }
0x182: {  	v14 =	vld [tilespmem:s19+$0x172A0];
	[tilespmem:s19+$0x17210] =	vst v3;
	v3 =	vmul.f32 v56, v55  }
0x183: {  	v16 =	vbroadcast v2, $0x4;
	v13 =	vld [tilespmem:s19+$0x17290];
	v15 =	vmul.f32 v60, v55;
	[tilespmem:s19+$0x17240] =	vst v12  }
0x184: {  	v18 =	vld [tilespmem:s19+$0x172C0];
	[tilespmem:s19+$0x17230] =	vst v3;
	v3 =	vmul.f32 v59, v55  }
0x185: {  	v17 =	vld [tilespmem:s19+$0x172B0];
	v19 =	vmul.f32 v63, v16;
	[tilespmem:s19+$0x17260] =	vst v15  }
0x186: {  	v21 =	vld [tilespmem:s19+$0x172E0];
	[tilespmem:s19+$0x17250] =	vst v3;
	v3 =	vmul.f32 v62, v55  }
0x187: {  	v20 =	vld [tilespmem:s19+$0x172D0];
	v22 =	vmul.f32 v14, v16;
	[tilespmem:s19+$0x17280] =	vst v19  }
0x188: {  	v24 =	vld [tilespmem:s19+$0x17300];
	[tilespmem:s19+$0x17270] =	vst v3;
	v3 =	vmul.f32 v13, v16  }
0x189: {  	v23 =	vld [tilespmem:s19+$0x172F0];
	v25 =	vmul.f32 v18, v16;
	[tilespmem:s19+$0x172A0] =	vst v22  }
0x18a: {  	v27 =	vld [tilespmem:s19+$0x17320];
	[tilespmem:s19+$0x17290] =	vst v3;
	v3 =	vmul.f32 v17, v16  }
0x18b: {  	v29 =	vbroadcast v2, $0x5;
	v26 =	vld [tilespmem:s19+$0x17310];
	v28 =	vmul.f32 v21, v16;
	[tilespmem:s19+$0x172C0] =	vst v25  }
0x18c: {  	v31 =	vld [tilespmem:s19+$0x17340];
	[tilespmem:s19+$0x172B0] =	vst v3;
	v3 =	vmul.f32 v20, v16  }
0x18d: {  	v32 =	vmul.f32 v24, v29;
	[tilespmem:s19+$0x172E0] =	vst v28;
	v30 =	vld [tilespmem:s19+$0x17330]  }
0x18e: {  	v34 =	vld [tilespmem:s19+$0x17360];
	[tilespmem:s19+$0x172D0] =	vst v3;
	v3 =	vmul.f32 v23, v16  }
0x18f: {  	v35 =	vmul.f32 v27, v29;
	v33 =	vld [tilespmem:s19+$0x17350];
	[tilespmem:s19+$0x17300] =	vst v32  }
0x190: {  	v37 =	vld [tilespmem:s19+$0x17380];
	[tilespmem:s19+$0x172F0] =	vst v3;
	v3 =	vmul.f32 v26, v29  }
0x191: {  	v36 =	vld [tilespmem:s19+$0x17370];
	[tilespmem:s19+$0x17320] =	vst v35;
	v38 =	vmul.f32 v31, v29  }
0x192: {  	v40 =	vld [tilespmem:s19+$0x173A0];
	[tilespmem:s19+$0x17310] =	vst v3;
	v3 =	vmul.f32 v30, v29  }
0x193: {  	v39 =	vld [tilespmem:s19+$0x17390];
	[tilespmem:s19+$0x17340] =	vst v38;
	v41 =	vmul.f32 v34, v29;
	v42 =	vbroadcast v2, $0x6  }
0x194: {  	v44 =	vld [tilespmem:s19+$0x173C0];
	[tilespmem:s19+$0x17330] =	vst v3;
	v3 =	vmul.f32 v33, v29  }
0x195: {  	v43 =	vld [tilespmem:s19+$0x173B0];
	[tilespmem:s19+$0x17360] =	vst v41;
	v45 =	vmul.f32 v37, v42  }
0x196: {  	v47 =	vld [tilespmem:s19+$0x173E0];
	[tilespmem:s19+$0x17350] =	vst v3;
	v3 =	vmul.f32 v36, v29  }
0x197: {  	v46 =	vld [tilespmem:s19+$0x173D0];
	v48 =	vmul.f32 v40, v42;
	[tilespmem:s19+$0x17380] =	vst v45  }
0x198: {  	v50 =	vld [tilespmem:s19+$0x17400];
	[tilespmem:s19+$0x17370] =	vst v3;
	v3 =	vmul.f32 v39, v42  }
0x199: {  	v49 =	vld [tilespmem:s19+$0x173F0];
	v51 =	vmul.f32 v44, v42;
	[tilespmem:s19+$0x173A0] =	vst v48  }
0x19a: {  	v53 =	vld [tilespmem:s19+$0x17420];
	[tilespmem:s19+$0x17390] =	vst v3;
	v3 =	vmul.f32 v43, v42  }
0x19b: {  	v52 =	vld [tilespmem:s19+$0x17410];
	v54 =	vmul.f32 v47, v42;
	[tilespmem:s19+$0x173C0] =	vst v51;
	v55 =	vbroadcast v2, $0x7  }
0x19c: {  	v57 =	vld [tilespmem:s19+$0x17440];
	[tilespmem:s19+$0x173B0] =	vst v3;
	v3 =	vmul.f32 v46, v42  }
0x19d: {  	v56 =	vld [tilespmem:s19+$0x17430];
	[tilespmem:s19+$0x173E0] =	vst v54;
	v58 =	vmul.f32 v50, v55  }
0x19e: {  	v60 =	vld [tilespmem:s19+$0x17460];
	[tilespmem:s19+$0x173D0] =	vst v3;
	v3 =	vmul.f32 v49, v42  }
0x19f: {  	v59 =	vld [tilespmem:s19+$0x17450];
	v61 =	vmul.f32 v53, v55;
	[tilespmem:s19+$0x17400] =	vst v58  }
0x1a0: {  	v63 =	vld [tilespmem:s19+$0x17480];
	[tilespmem:s19+$0x173F0] =	vst v3;
	v3 =	vmul.f32 v52, v55  }
0x1a1: {  	v62 =	vld [tilespmem:s19+$0x17470];
	v12 =	vmul.f32 v57, v55;
	[tilespmem:s19+$0x17420] =	vst v61  }
0x1a2: {  	v14 =	vld [tilespmem:s19+$0x174A0];
	[tilespmem:s19+$0x17410] =	vst v3;
	v3 =	vmul.f32 v56, v55  }
0x1a3: {  	v13 =	vld [tilespmem:s19+$0x17490];
	v15 =	vmul.f32 v60, v55;
	[tilespmem:s19+$0x17440] =	vst v12;
	v16 =	vbroadcast v2, $0x8  }
0x1a4: {  	v18 =	vld [tilespmem:s19+$0x174C0];
	[tilespmem:s19+$0x17430] =	vst v3;
	v3 =	vmul.f32 v59, v55  }
0x1a5: {  	v17 =	vld [tilespmem:s19+$0x174B0];
	[tilespmem:s19+$0x17460] =	vst v15;
	v19 =	vmul.f32 v63, v16  }
0x1a6: {  	v21 =	vld [tilespmem:s19+$0x174E0];
	[tilespmem:s19+$0x17450] =	vst v3;
	v3 =	vmul.f32 v62, v55  }
0x1a7: {  	v20 =	vld [tilespmem:s19+$0x174D0];
	v22 =	vmul.f32 v14, v16;
	[tilespmem:s19+$0x17480] =	vst v19  }
0x1a8: {  	v24 =	vld [tilespmem:s19+$0x17500];
	[tilespmem:s19+$0x17470] =	vst v3;
	v3 =	vmul.f32 v13, v16  }
0x1a9: {  	v23 =	vld [tilespmem:s19+$0x174F0];
	v25 =	vmul.f32 v18, v16;
	[tilespmem:s19+$0x174A0] =	vst v22  }
0x1aa: {  	v27 =	vld [tilespmem:s19+$0x17520];
	[tilespmem:s19+$0x17490] =	vst v3;
	v3 =	vmul.f32 v17, v16  }
0x1ab: {  	v26 =	vld [tilespmem:s19+$0x17510];
	v28 =	vmul.f32 v21, v16;
	[tilespmem:s19+$0x174C0] =	vst v25;
	v29 =	vbroadcast v2, $0x9  }
0x1ac: {  	v31 =	vld [tilespmem:s19+$0x17540];
	[tilespmem:s19+$0x174B0] =	vst v3;
	v3 =	vmul.f32 v20, v16  }
0x1ad: {  	v30 =	vld [tilespmem:s19+$0x17530];
	[tilespmem:s19+$0x174E0] =	vst v28;
	v32 =	vmul.f32 v24, v29  }
0x1ae: {  	v34 =	vld [tilespmem:s19+$0x17560];
	[tilespmem:s19+$0x174D0] =	vst v3;
	v3 =	vmul.f32 v23, v16  }
0x1af: {  	v33 =	vld [tilespmem:s19+$0x17550];
	v35 =	vmul.f32 v27, v29;
	[tilespmem:s19+$0x17500] =	vst v32  }
0x1b0: {  	v37 =	vld [tilespmem:s19+$0x17580];
	[tilespmem:s19+$0x174F0] =	vst v3;
	v3 =	vmul.f32 v26, v29  }
0x1b1: {  	v36 =	vld [tilespmem:s19+$0x17570];
	v38 =	vmul.f32 v31, v29;
	[tilespmem:s19+$0x17520] =	vst v35  }
0x1b2: {  	v40 =	vld [tilespmem:s19+$0x175A0];
	[tilespmem:s19+$0x17510] =	vst v3;
	v3 =	vmul.f32 v30, v29  }
0x1b3: {  	v39 =	vld [tilespmem:s19+$0x17590];
	v41 =	vmul.f32 v34, v29;
	[tilespmem:s19+$0x17540] =	vst v38;
	v42 =	vbroadcast v2, $0xA  }
0x1b4: {  	v44 =	vld [tilespmem:s19+$0x175C0];
	[tilespmem:s19+$0x17530] =	vst v3;
	v3 =	vmul.f32 v33, v29  }
0x1b5: {  	v43 =	vld [tilespmem:s19+$0x175B0];
	[tilespmem:s19+$0x17560] =	vst v41;
	v45 =	vmul.f32 v37, v42  }
0x1b6: {  	v47 =	vld [tilespmem:s19+$0x175E0];
	[tilespmem:s19+$0x17550] =	vst v3;
	v3 =	vmul.f32 v36, v29  }
0x1b7: {  	v46 =	vld [tilespmem:s19+$0x175D0];
	v48 =	vmul.f32 v40, v42;
	[tilespmem:s19+$0x17580] =	vst v45  }
0x1b8: {  	v50 =	vld [tilespmem:s19+$0x17600];
	[tilespmem:s19+$0x17570] =	vst v3;
	v3 =	vmul.f32 v39, v42  }
0x1b9: {  	v49 =	vld [tilespmem:s19+$0x175F0];
	v51 =	vmul.f32 v44, v42;
	[tilespmem:s19+$0x175A0] =	vst v48  }
0x1ba: {  	v53 =	vld [tilespmem:s19+$0x17620];
	[tilespmem:s19+$0x17590] =	vst v3;
	v3 =	vmul.f32 v43, v42  }
0x1bb: {  	v52 =	vld [tilespmem:s19+$0x17610];
	v54 =	vmul.f32 v47, v42;
	[tilespmem:s19+$0x175C0] =	vst v51;
	v55 =	vbroadcast v2, $0xB  }
0x1bc: {  	v57 =	vld [tilespmem:s19+$0x17640];
	[tilespmem:s19+$0x175B0] =	vst v3;
	v3 =	vmul.f32 v46, v42  }
0x1bd: {  	v56 =	vld [tilespmem:s19+$0x17630];
	[tilespmem:s19+$0x175E0] =	vst v54;
	v58 =	vmul.f32 v50, v55  }
0x1be: {  	v60 =	vld [tilespmem:s19+$0x17660];
	[tilespmem:s19+$0x175D0] =	vst v3;
	v3 =	vmul.f32 v49, v42  }
0x1bf: {  	v59 =	vld [tilespmem:s19+$0x17650];
	v61 =	vmul.f32 v53, v55;
	[tilespmem:s19+$0x17600] =	vst v58  }
0x1c0: {  	v63 =	vld [tilespmem:s19+$0x17680];
	[tilespmem:s19+$0x175F0] =	vst v3;
	v3 =	vmul.f32 v52, v55  }
0x1c1: {  	v62 =	vld [tilespmem:s19+$0x17670];
	v12 =	vmul.f32 v57, v55;
	[tilespmem:s19+$0x17620] =	vst v61  }
0x1c2: {  	v14 =	vld [tilespmem:s19+$0x176A0];
	[tilespmem:s19+$0x17610] =	vst v3;
	v3 =	vmul.f32 v56, v55  }
0x1c3: {  	v13 =	vld [tilespmem:s19+$0x17690];
	v15 =	vmul.f32 v60, v55;
	[tilespmem:s19+$0x17640] =	vst v12;
	v16 =	vbroadcast v2, $0xC  }
0x1c4: {  	v18 =	vld [tilespmem:s19+$0x176C0];
	[tilespmem:s19+$0x17630] =	vst v3;
	v3 =	vmul.f32 v59, v55  }
0x1c5: {  	v17 =	vld [tilespmem:s19+$0x176B0];
	[tilespmem:s19+$0x17660] =	vst v15;
	v19 =	vmul.f32 v63, v16  }
0x1c6: {  	v21 =	vld [tilespmem:s19+$0x176E0];
	[tilespmem:s19+$0x17650] =	vst v3;
	v3 =	vmul.f32 v62, v55  }
0x1c7: {  	v20 =	vld [tilespmem:s19+$0x176D0];
	v22 =	vmul.f32 v14, v16;
	[tilespmem:s19+$0x17680] =	vst v19  }
0x1c8: {  	v24 =	vld [tilespmem:s19+$0x17700];
	[tilespmem:s19+$0x17670] =	vst v3;
	v3 =	vmul.f32 v13, v16  }
0x1c9: {  	v23 =	vld [tilespmem:s19+$0x176F0];
	v25 =	vmul.f32 v18, v16;
	[tilespmem:s19+$0x176A0] =	vst v22  }
0x1ca: {  	v27 =	vld [tilespmem:s19+$0x17720];
	[tilespmem:s19+$0x17690] =	vst v3;
	v3 =	vmul.f32 v17, v16  }
0x1cb: {  	v26 =	vld [tilespmem:s19+$0x17710];
	v28 =	vmul.f32 v21, v16;
	[tilespmem:s19+$0x176C0] =	vst v25;
	v29 =	vbroadcast v2, $0xD  }
0x1cc: {  	v31 =	vld [tilespmem:s19+$0x17740];
	[tilespmem:s19+$0x176B0] =	vst v3;
	v3 =	vmul.f32 v20, v16  }
0x1cd: {  	v30 =	vld [tilespmem:s19+$0x17730];
	[tilespmem:s19+$0x176E0] =	vst v28;
	v32 =	vmul.f32 v24, v29  }
0x1ce: {  	v34 =	vld [tilespmem:s19+$0x17760];
	[tilespmem:s19+$0x176D0] =	vst v3;
	v3 =	vmul.f32 v23, v16  }
0x1cf: {  	v33 =	vld [tilespmem:s19+$0x17750];
	v35 =	vmul.f32 v27, v29;
	[tilespmem:s19+$0x17700] =	vst v32  }
0x1d0: {  	v37 =	vld [tilespmem:s19+$0x17780];
	[tilespmem:s19+$0x176F0] =	vst v3;
	v3 =	vmul.f32 v26, v29  }
0x1d1: {  	v36 =	vld [tilespmem:s19+$0x17770];
	v38 =	vmul.f32 v31, v29;
	[tilespmem:s19+$0x17720] =	vst v35  }
0x1d2: {  	v40 =	vld [tilespmem:s19+$0x177A0];
	[tilespmem:s19+$0x17710] =	vst v3;
	v3 =	vmul.f32 v30, v29  }
0x1d3: {  	v39 =	vld [tilespmem:s19+$0x17790];
	v41 =	vmul.f32 v34, v29;
	[tilespmem:s19+$0x17740] =	vst v38;
	v42 =	vbroadcast v2, $0xE  }
0x1d4: {  	v44 =	vld [tilespmem:s19+$0x177C0];
	[tilespmem:s19+$0x17730] =	vst v3;
	v3 =	vmul.f32 v33, v29  }
0x1d5: {  	v43 =	vld [tilespmem:s19+$0x177B0];
	[tilespmem:s19+$0x17760] =	vst v41;
	v45 =	vmul.f32 v37, v42  }
0x1d6: {  	v47 =	vld [tilespmem:s19+$0x177E0];
	[tilespmem:s19+$0x17750] =	vst v3;
	v3 =	vmul.f32 v36, v29  }
0x1d7: {  	v46 =	vld [tilespmem:s19+$0x177D0];
	v48 =	vmul.f32 v40, v42;
	[tilespmem:s19+$0x17780] =	vst v45  }
0x1d8: {  	v50 =	vld [tilespmem:s19+$0x17800];
	[tilespmem:s19+$0x17770] =	vst v3;
	v3 =	vmul.f32 v39, v42  }
0x1d9: {  	v49 =	vld [tilespmem:s19+$0x177F0];
	v51 =	vmul.f32 v44, v42;
	[tilespmem:s19+$0x177A0] =	vst v48  }
0x1da: {  	v53 =	vld [tilespmem:s19+$0x17820];
	[tilespmem:s19+$0x17790] =	vst v3;
	v3 =	vmul.f32 v43, v42  }
0x1db: {  	v2 =	vbroadcast v2, $0xF;
	v52 =	vld [tilespmem:s19+$0x17810];
	v54 =	vmul.f32 v47, v42;
	[tilespmem:s19+$0x177C0] =	vst v51  }
0x1dc: {  	v56 =	vld [tilespmem:s19+$0x17840];
	[tilespmem:s19+$0x177B0] =	vst v3;
	v3 =	vmul.f32 v46, v42  }
0x1dd: {  	v57 =	vmul.f32 v50, v2;
	[tilespmem:s19+$0x177E0] =	vst v54;
	v55 =	vld [tilespmem:s19+$0x17830]  }
0x1de: {  	v59 =	vld [tilespmem:s19+$0x17860];
	[tilespmem:s19+$0x177D0] =	vst v3;
	v3 =	vmul.f32 v49, v42  }
0x1df: {  	v58 =	vld [tilespmem:s19+$0x17850];
	v60 =	vmul.f32 v53, v2;
	[tilespmem:s19+$0x17800] =	vst v57  }
0x1e0: {  	v61 =	vld [tilespmem:s19+$0x17870];
	[tilespmem:s19+$0x177F0] =	vst v3;
	v3 =	vmul.f32 v52, v2  }
0x1e1: {  	[tilespmem:s19+$0x17820] =	vst v60;
	v62 =	vmul.f32 v56, v2  }
0x1e2: {  	p1 =	slt.u32 s18, $0x6;
	[tilespmem:s19+$0x17810] =	vst v3;
	v3 =	vmul.f32 v55, v2  }
.Ltmp8:
0x1e3: {  	[tilespmem:s19+$0x17840] =	vst v62;
	v63 =	vmul.f32 v59, v2;
	(pc) =	sbr.rel @p1 .LBB2_10-.Ltmp8, $4  }
0x1e4: {  	[tilespmem:s19+$0x17830] =	vst v3;
	v3 =	vmul.f32 v58, v2  }
0x1e5: {  	[tilespmem:s19+$0x17860] =	vst v63;
	v2 =	vmul.f32 v61, v2  }
0x1e6: {  	s20 =	sadd.s32 $0x2, s18;
	[tilespmem:s19+$0x17850] =	vst v3  }
0x1e7: {  	s18 =	smov.u32 s20;
	[tilespmem:s19+$0x17870] =	vst v2  }
.Ltmp9:
0x1e8: {  	(pc) =	sbr.rel .LBB2_12-.Ltmp9, $4  }
0x1e9: {  	_ = 	snop  }
0x1ea: {  	s17 =	sadd.s32 $0x14880, s17  }
0x1eb: {  	[spmem:s6] =	stream.indirect.scatter.add.f32 [tilespmem:s2], [sflag:$0x5], $0x80, s17, s9, $0xb8;
	[tilespmem:$0x1E880] =	vst v63  }
0x1ec: {  	s17 =	simm.s32 $0x5  }
.LBB2_6:
0x1ed: {  	p1 =	seq.s32 s16, $0x1F  }
0x1ee: {  	s17 =	sshll.u32 @!p1 s16, $0x9  }
0x1ef: {  	s19 =	simm.s32 @!p1 $0x80;
	s18 =	sshrl.u32 @!p1 s17, $0x2;
	s17 =	simm.s32 @p1 $0x3E00  }
0x1f0: {  	s20 =	simm.s32 @!p1 $0x16880;
	s18 =	sadd.s32 @!p1 $0x13900, s18;
	s17 =	sshrl.u32 s17, $0x2  }
0x1f1: {  	[tilespmem:s20], [sflag:$0x2] =	stream.indirect.gather @!p1 [hbm4b:s4+s19], $0x80, s18, s19, $0xb8;
	[tilespmem:$0x1E880] =	vst v63  }
0x1f2: {  	s20 =	sadd.s32 $0x15880, s17  }
0x1f3: {  	_ =	swait.ge [sflag:s13], $0x4000;
	v1 =	vmov s20  }
0x1f4: {  	[sflag:s13] =	ssyncset.done $0x0  }
0x1f5: {  	s18 =	simm.s32 $0x0;
	[sflag:s13] =	ssyncadd.s32 $0xFFFFC000  }
.LBB2_7:
0x1f6: {  	s20 =	sshll.u32 s18, $0x4  }
0x1f7: {  	s19 =	sand.u32 $0x3FFFFFF0, s20  }
0x1f8: {  	v3 =	vld.idx.msk [tilespmem:v1+s19+$0x0 ss:$0x1], $0xffff;
	s19 =	sshll.u32 s18, $0xB  }
0x1f9: {  	s19 =	sand.u32 $0x3FFFF800, s19  }
0x1fa: {  	v2 =	vld [tilespmem:s19+$0x1A880]  }
0x1fb: {  	v4 =	vld [tilespmem:s19+$0x1A890]  }
0x1fc: {  	v5 =	vld [tilespmem:s19+$0x1A8A0]  }
0x1fd: {  	v7 =	vld [tilespmem:s19+$0x1A8B0];
	v6 =	vbroadcast v3, $0x0  }
0x1fe: {  	v8 =	vld [tilespmem:s19+$0x1A8C0]  }
0x1ff: {  	v9 =	vld [tilespmem:s19+$0x1A8D0];
	v2 =	vmul.f32 v6, v2  }
0x200: {  	v10 =	vld [tilespmem:s19+$0x1A8E0];
	v4 =	vmul.f32 v4, v6  }
0x201: {  	[tilespmem:s19+$0x1A880] =	vst v2;
	v2 =	vmul.f32 v5, v6  }
0x202: {  	v20 =	vmul.f32 v7, v6;
	[tilespmem:s19+$0x1A890] =	vst v4  }
0x203: {  	[tilespmem:s19+$0x1A8A0] =	vst v2;
	v2 =	vmul.f32 v8, v6  }
0x204: {  	v21 =	vmul.f32 v9, v6;
	[tilespmem:s19+$0x1A8B0] =	vst v20  }
0x205: {  	[tilespmem:s19+$0x1A8C0] =	vst v2;
	v2 =	vmul.f32 v10, v6  }
0x206: {  	[tilespmem:s19+$0x1A8D0] =	vst v21  }
0x207: {  	[tilespmem:s19+$0x1A8E0] =	vst v2  }
0x208: {  	v2 =	vld [tilespmem:s19+$0x1A8F0]  }
0x209: {  	v22 =	vld [tilespmem:s19+$0x1A900]  }
0x20a: {  	v23 =	vld [tilespmem:s19+$0x1A910]  }
0x20b: {  	v24 =	vld [tilespmem:s19+$0x1A920]  }
0x20c: {  	v25 =	vld [tilespmem:s19+$0x1A930]  }
0x20d: {  	v26 =	vbroadcast v3, $0x1;
	v27 =	vld [tilespmem:s19+$0x1A940]  }
0x20e: {  	v28 =	vld [tilespmem:s19+$0x1A950];
	v2 =	vmul.f32 v2, v6  }
0x20f: {  	v11 =	vld [tilespmem:s19+$0x1A960];
	v4 =	vmul.f32 v22, v26  }
0x210: {  	v29 =	vld [tilespmem:s19+$0x1A970];
	v30 =	vmul.f32 v24, v26;
	[tilespmem:s19+$0x1A8F0] =	vst v2  }
0x211: {  	v31 =	vld [tilespmem:s19+$0x1A980];
	v2 =	vmul.f32 v23, v26;
	[tilespmem:s19+$0x1A900] =	vst v4  }
0x212: {  	v32 =	vld [tilespmem:s19+$0x1A990];
	v33 =	vmul.f32 v27, v26;
	[tilespmem:s19+$0x1A920] =	vst v30  }
0x213: {  	v34 =	vld [tilespmem:s19+$0x1A9A0];
	[tilespmem:s19+$0x1A910] =	vst v2;
	v2 =	vmul.f32 v25, v26  }
0x214: {  	v37 =	vbroadcast v3, $0x2;
	v35 =	vld [tilespmem:s19+$0x1A9B0];
	v36 =	vmul.f32 v11, v26;
	[tilespmem:s19+$0x1A940] =	vst v33  }
0x215: {  	v12 =	vld [tilespmem:s19+$0x1A9C0];
	[tilespmem:s19+$0x1A930] =	vst v2;
	v2 =	vmul.f32 v28, v26  }
0x216: {  	v38 =	vld [tilespmem:s19+$0x1A9D0];
	v39 =	vmul.f32 v31, v37;
	[tilespmem:s19+$0x1A960] =	vst v36  }
0x217: {  	v40 =	vld [tilespmem:s19+$0x1A9E0];
	[tilespmem:s19+$0x1A950] =	vst v2;
	v2 =	vmul.f32 v29, v26  }
0x218: {  	v41 =	vld [tilespmem:s19+$0x1A9F0];
	v42 =	vmul.f32 v34, v37;
	[tilespmem:s19+$0x1A980] =	vst v39  }
0x219: {  	v43 =	vld [tilespmem:s19+$0x1AA00];
	[tilespmem:s19+$0x1A970] =	vst v2;
	v2 =	vmul.f32 v32, v37  }
0x21a: {  	v44 =	vld [tilespmem:s19+$0x1AA10];
	v45 =	vmul.f32 v12, v37;
	[tilespmem:s19+$0x1A9A0] =	vst v42  }
0x21b: {  	v46 =	vld [tilespmem:s19+$0x1AA20];
	[tilespmem:s19+$0x1A990] =	vst v2;
	v2 =	vmul.f32 v35, v37  }
0x21c: {  	v49 =	vbroadcast v3, $0x3;
	v47 =	vld [tilespmem:s19+$0x1AA30];
	v48 =	vmul.f32 v40, v37;
	[tilespmem:s19+$0x1A9C0] =	vst v45  }
0x21d: {  	v50 =	vld [tilespmem:s19+$0x1AA40];
	[tilespmem:s19+$0x1A9B0] =	vst v2;
	v2 =	vmul.f32 v38, v37  }
0x21e: {  	v51 =	vld [tilespmem:s19+$0x1AA50];
	v52 =	vmul.f32 v43, v49;
	[tilespmem:s19+$0x1A9E0] =	vst v48  }
0x21f: {  	v53 =	vld [tilespmem:s19+$0x1AA60];
	[tilespmem:s19+$0x1A9D0] =	vst v2;
	v2 =	vmul.f32 v41, v37  }
0x220: {  	v54 =	vld [tilespmem:s19+$0x1AA70];
	v55 =	vmul.f32 v46, v49;
	[tilespmem:s19+$0x1AA00] =	vst v52  }
0x221: {  	v56 =	vld [tilespmem:s19+$0x1AA80];
	[tilespmem:s19+$0x1A9F0] =	vst v2;
	v2 =	vmul.f32 v44, v49  }
0x222: {  	v57 =	vld [tilespmem:s19+$0x1AA90];
	v58 =	vmul.f32 v50, v49;
	[tilespmem:s19+$0x1AA20] =	vst v55  }
0x223: {  	v59 =	vld [tilespmem:s19+$0x1AAA0];
	[tilespmem:s19+$0x1AA10] =	vst v2;
	v2 =	vmul.f32 v47, v49  }
0x224: {  	v62 =	vbroadcast v3, $0x4;
	v60 =	vld [tilespmem:s19+$0x1AAB0];
	v61 =	vmul.f32 v53, v49;
	[tilespmem:s19+$0x1AA40] =	vst v58  }
0x225: {  	v63 =	vld [tilespmem:s19+$0x1AAC0];
	[tilespmem:s19+$0x1AA30] =	vst v2;
	v2 =	vmul.f32 v51, v49  }
0x226: {  	v14 =	vld [tilespmem:s19+$0x1AAD0];
	v15 =	vmul.f32 v56, v62;
	[tilespmem:s19+$0x1AA60] =	vst v61  }
0x227: {  	v16 =	vld [tilespmem:s19+$0x1AAE0];
	[tilespmem:s19+$0x1AA50] =	vst v2;
	v2 =	vmul.f32 v54, v49  }
0x228: {  	v17 =	vld [tilespmem:s19+$0x1AAF0];
	v18 =	vmul.f32 v59, v62;
	[tilespmem:s19+$0x1AA80] =	vst v15  }
0x229: {  	v19 =	vld [tilespmem:s19+$0x1AB00];
	[tilespmem:s19+$0x1AA70] =	vst v2;
	v2 =	vmul.f32 v57, v62  }
0x22a: {  	v20 =	vld [tilespmem:s19+$0x1AB10];
	v21 =	vmul.f32 v63, v62;
	[tilespmem:s19+$0x1AAA0] =	vst v18  }
0x22b: {  	v22 =	vld [tilespmem:s19+$0x1AB20];
	[tilespmem:s19+$0x1AA90] =	vst v2;
	v2 =	vmul.f32 v60, v62  }
0x22c: {  	v24 =	vmul.f32 v16, v62;
	v27 =	vld [tilespmem:s19+$0x1AB50];
	[tilespmem:s19+$0x1AAC0] =	vst v21;
	v25 =	vbroadcast v3, $0x5  }
0x22d: {  	v58 =	vld [tilespmem:s19+$0x1AC80];
	[tilespmem:s19+$0x1AAB0] =	vst v2;
	v2 =	vmul.f32 v14, v62  }
0x22e: {  	v23 =	vld [tilespmem:s19+$0x1AB30];
	[tilespmem:s19+$0x1AAE0] =	vst v24;
	v28 =	vmul.f32 v19, v25  }
0x22f: {  	v61 =	vld [tilespmem:s19+$0x1ACA0];
	[tilespmem:s19+$0x1AAD0] =	vst v2;
	v2 =	vmul.f32 v17, v62  }
0x230: {  	v40 =	vld [tilespmem:s19+$0x1ABD0];
	v16 =	vbroadcast v3, $0x8;
	v31 =	vmul.f32 v22, v25;
	[tilespmem:s19+$0x1AB00] =	vst v28  }
0x231: {  	v26 =	vld [tilespmem:s19+$0x1AB40];
	[tilespmem:s19+$0x1AAF0] =	vst v2;
	v2 =	vmul.f32 v20, v25  }
0x232: {  	v30 =	vld [tilespmem:s19+$0x1AB70];
	v19 =	vmul.f32 v58, v16;
	[tilespmem:s19+$0x1AB20] =	vst v31  }
0x233: {  	v29 =	vld [tilespmem:s19+$0x1AB60];
	[tilespmem:s19+$0x1AB10] =	vst v2;
	v2 =	vmul.f32 v23, v25  }
0x234: {  	v33 =	vld [tilespmem:s19+$0x1AB90];
	v22 =	vmul.f32 v61, v16;
	[tilespmem:s19+$0x1AC80] =	vst v19  }
0x235: {  	v32 =	vld [tilespmem:s19+$0x1AB80];
	[tilespmem:s19+$0x1AB30] =	vst v2;
	v2 =	vmul.f32 v27, v25  }
0x236: {  	v36 =	vld [tilespmem:s19+$0x1ABB0];
	[tilespmem:s19+$0x1ACA0] =	vst v22;
	v34 =	vmul.f32 v26, v25  }
0x237: {  	v42 =	vld [tilespmem:s19+$0x1ABE0];
	v38 =	vbroadcast v3, $0x6;
	[tilespmem:s19+$0x1AB50] =	vst v2;
	v2 =	vmul.f32 v30, v25  }
0x238: {  	v43 =	vld [tilespmem:s19+$0x1ABF0];
	[tilespmem:s19+$0x1AB40] =	vst v34;
	v37 =	vmul.f32 v29, v25  }
0x239: {  	v35 =	vld [tilespmem:s19+$0x1ABA0];
	[tilespmem:s19+$0x1AB70] =	vst v2;
	v2 =	vmul.f32 v33, v38  }
0x23a: {  	v46 =	vld [tilespmem:s19+$0x1AC10];
	v41 =	vmul.f32 v32, v38;
	[tilespmem:s19+$0x1AB60] =	vst v37  }
0x23b: {  	v26 =	vld [tilespmem:s19+$0x1AD20];
	[tilespmem:s19+$0x1AB90] =	vst v2;
	v2 =	vmul.f32 v36, v38  }
0x23c: {  	v53 =	vld [tilespmem:s19+$0x1AC50];
	v50 =	vmul.f32 v42, v38;
	[tilespmem:s19+$0x1AB80] =	vst v41  }
0x23d: {  	v39 =	vld [tilespmem:s19+$0x1ABC0];
	[tilespmem:s19+$0x1ABB0] =	vst v2;
	v2 =	vmul.f32 v40, v38  }
0x23e: {  	v29 =	vbroadcast v3, $0x9;
	v44 =	vmul.f32 v35, v38;
	[tilespmem:s19+$0x1ABE0] =	vst v50;
	v49 =	vld [tilespmem:s19+$0x1AC30]  }
0x23f: {  	v45 =	vld [tilespmem:s19+$0x1AC00];
	v51 =	vbroadcast v3, $0x7;
	[tilespmem:s19+$0x1ABD0] =	vst v2;
	v2 =	vmul.f32 v43, v38  }
0x240: {  	v56 =	vld [tilespmem:s19+$0x1AC70];
	v35 =	vmul.f32 v26, v29;
	[tilespmem:s19+$0x1ABA0] =	vst v44  }
0x241: {  	v55 =	vld [tilespmem:s19+$0x1AC60];
	[tilespmem:s19+$0x1ABF0] =	vst v2;
	v2 =	vmul.f32 v46, v51  }
0x242: {  	v59 =	vld [tilespmem:s19+$0x1AC90];
	v47 =	vmul.f32 v39, v38;
	[tilespmem:s19+$0x1AD20] =	vst v35  }
0x243: {  	v48 =	vld [tilespmem:s19+$0x1AC20];
	[tilespmem:s19+$0x1AC10] =	vst v2;
	v2 =	vmul.f32 v49, v51  }
0x244: {  	v52 =	vld [tilespmem:s19+$0x1AC40];
	[tilespmem:s19+$0x1ABC0] =	vst v47;
	v54 =	vmul.f32 v45, v51  }
0x245: {  	v39 =	vld [tilespmem:s19+$0x1ADA0];
	[tilespmem:s19+$0x1AC30] =	vst v2;
	v2 =	vmul.f32 v53, v51  }
0x246: {  	v63 =	vmul.f32 v55, v51;
	[tilespmem:s19+$0x1AC00] =	vst v54;
	v62 =	vld [tilespmem:s19+$0x1ACB0]  }
0x247: {  	v18 =	vld [tilespmem:s19+$0x1ACD0];
	[tilespmem:s19+$0x1AC50] =	vst v2;
	v2 =	vmul.f32 v56, v51  }
0x248: {  	v21 =	vld [tilespmem:s19+$0x1ACF0];
	v42 =	vbroadcast v3, $0xA;
	v57 =	vmul.f32 v48, v51;
	[tilespmem:s19+$0x1AC60] =	vst v63  }
0x249: {  	v60 =	vmul.f32 v52, v51;
	v52 =	vld [tilespmem:s19+$0x1AE20];
	[tilespmem:s19+$0x1AC70] =	vst v2;
	v2 =	vmul.f32 v59, v16  }
0x24a: {  	v24 =	vld [tilespmem:s19+$0x1AD10];
	v48 =	vmul.f32 v39, v42;
	[tilespmem:s19+$0x1AC20] =	vst v57  }
0x24b: {  	v20 =	vld [tilespmem:s19+$0x1ACE0];
	[tilespmem:s19+$0x1AC90] =	vst v2;
	v2 =	vmul.f32 v62, v16  }
0x24c: {  	v31 =	vld [tilespmem:s19+$0x1AD50];
	v55 =	vbroadcast v3, $0xB;
	[tilespmem:s19+$0x1ADA0] =	vst v48  }
0x24d: {  	v17 =	vld [tilespmem:s19+$0x1ACC0];
	[tilespmem:s19+$0x1ACB0] =	vst v2;
	v2 =	vmul.f32 v18, v16  }
0x24e: {  	[tilespmem:s19+$0x1AC40] =	vst v60;
	v61 =	vmul.f32 v52, v55;
	v27 =	vld [tilespmem:s19+$0x1AD30]  }
0x24f: {  	v23 =	vld [tilespmem:s19+$0x1AD00];
	[tilespmem:s19+$0x1ACD0] =	vst v2;
	v2 =	vmul.f32 v21, v16  }
0x250: {  	v34 =	vld [tilespmem:s19+$0x1AD70];
	[tilespmem:s19+$0x1AE20] =	vst v61;
	v28 =	vmul.f32 v20, v16  }
0x251: {  	v20 =	vld [tilespmem:s19+$0x1AEC0];
	[tilespmem:s19+$0x1ACF0] =	vst v2;
	v2 =	vmul.f32 v24, v29  }
0x252: {  	v37 =	vld [tilespmem:s19+$0x1AD90];
	v25 =	vmul.f32 v17, v16;
	[tilespmem:s19+$0x1ACE0] =	vst v28  }
0x253: {  	v26 =	vld [tilespmem:s19+$0x1AF00];
	[tilespmem:s19+$0x1AD10] =	vst v2;
	v2 =	vmul.f32 v27, v29  }
0x254: {  	v19 =	vbroadcast v3, $0xC;
	v50 =	vld [tilespmem:s19+$0x1AE10];
	v32 =	vmul.f32 v23, v29;
	[tilespmem:s19+$0x1ACC0] =	vst v25  }
0x255: {  	v33 =	vld [tilespmem:s19+$0x1AD60];
	[tilespmem:s19+$0x1AD30] =	vst v2;
	v2 =	vmul.f32 v31, v29  }
0x256: {  	[tilespmem:s19+$0x1AD00] =	vst v32;
	v32 =	vbroadcast v3, $0xD;
	v28 =	vmul.f32 v20, v19;
	v40 =	vld [tilespmem:s19+$0x1ADB0]  }
0x257: {  	v30 =	vld [tilespmem:s19+$0x1AD40];
	[tilespmem:s19+$0x1AD50] =	vst v2;
	v2 =	vmul.f32 v34, v29  }
0x258: {  	v44 =	vld [tilespmem:s19+$0x1ADD0];
	v35 =	vmul.f32 v26, v32;
	[tilespmem:s19+$0x1AEC0] =	vst v28  }
0x259: {  	v36 =	vld [tilespmem:s19+$0x1AD80];
	[tilespmem:s19+$0x1AD70] =	vst v2;
	v2 =	vmul.f32 v37, v42  }
0x25a: {  	v47 =	vld [tilespmem:s19+$0x1ADF0];
	v41 =	vmul.f32 v33, v29;
	[tilespmem:s19+$0x1AF00] =	vst v35  }
0x25b: {  	v33 =	vld [tilespmem:s19+$0x1AF40];
	[tilespmem:s19+$0x1AD90] =	vst v2;
	v2 =	vmul.f32 v40, v42  }
0x25c: {  	v63 =	vld [tilespmem:s19+$0x1AE90];
	v38 =	vmul.f32 v30, v29;
	[tilespmem:s19+$0x1AD60] =	vst v41  }
0x25d: {  	v39 =	vld [tilespmem:s19+$0x1AF80];
	[tilespmem:s19+$0x1ADB0] =	vst v2;
	v2 =	vmul.f32 v44, v42  }
0x25e: {  	v45 =	vmul.f32 v36, v42;
	[tilespmem:s19+$0x1AD40] =	vst v38;
	v53 =	vld [tilespmem:s19+$0x1AE30]  }
0x25f: {  	v52 =	vld [tilespmem:s19+$0x1B000];
	[tilespmem:s19+$0x1ADD0] =	vst v2;
	v2 =	vmul.f32 v47, v42  }
0x260: {  	v57 =	vld [tilespmem:s19+$0x1AE50];
	[tilespmem:s19+$0x1AD80] =	vst v45;
	v45 =	vbroadcast v3, $0xE;
	v41 =	vmul.f32 v33, v32  }
0x261: {  	v46 =	vld [tilespmem:s19+$0x1ADE0];
	[tilespmem:s19+$0x1ADF0] =	vst v2;
	v2 =	vmul.f32 v50, v55  }
0x262: {  	v60 =	vld [tilespmem:s19+$0x1AE70];
	v3 =	vbroadcast v3, $0xF;
	v48 =	vmul.f32 v39, v45;
	[tilespmem:s19+$0x1AF40] =	vst v41  }
0x263: {  	v43 =	vld [tilespmem:s19+$0x1ADC0];
	[tilespmem:s19+$0x1AE10] =	vst v2;
	v2 =	vmul.f32 v53, v55  }
0x264: {  	v17 =	vld [tilespmem:s19+$0x1AEB0];
	v61 =	vmul.f32 v52, v3;
	[tilespmem:s19+$0x1AF80] =	vst v48  }
0x265: {  	v49 =	vld [tilespmem:s19+$0x1AE00];
	[tilespmem:s19+$0x1AE30] =	vst v2;
	v2 =	vmul.f32 v57, v55  }
0x266: {  	v23 =	vld [tilespmem:s19+$0x1AEE0];
	v54 =	vmul.f32 v46, v42;
	[tilespmem:s19+$0x1B000] =	vst v61  }
0x267: {  	v56 =	vld [tilespmem:s19+$0x1AE40];
	[tilespmem:s19+$0x1AE50] =	vst v2;
	v2 =	vmul.f32 v60, v55  }
0x268: {  	v51 =	vmul.f32 v43, v42;
	[tilespmem:s19+$0x1ADE0] =	vst v54;
	v21 =	vld [tilespmem:s19+$0x1AED0]  }
0x269: {  	v43 =	vld [tilespmem:s19+$0x1AFB0];
	[tilespmem:s19+$0x1AE70] =	vst v2;
	v2 =	vmul.f32 v63, v19  }
0x26a: {  	v58 =	vmul.f32 v49, v55;
	[tilespmem:s19+$0x1ADC0] =	vst v51;
	v24 =	vld [tilespmem:s19+$0x1AEF0]  }
0x26b: {  	v49 =	vld [tilespmem:s19+$0x1AFE0];
	[tilespmem:s19+$0x1AE90] =	vst v2;
	v2 =	vmul.f32 v17, v19  }
0x26c: {  	[tilespmem:s19+$0x1AE00] =	vst v58;
	v15 =	vmul.f32 v56, v55;
	v27 =	vld [tilespmem:s19+$0x1AF10]  }
0x26d: {  	v59 =	vld [tilespmem:s19+$0x1AE60];
	[tilespmem:s19+$0x1AEB0] =	vst v2;
	v2 =	vmul.f32 v21, v19  }
0x26e: {  	v30 =	vld [tilespmem:s19+$0x1AF30];
	v6 =	vmul.f32 v43, v45;
	[tilespmem:s19+$0x1AE40] =	vst v15  }
0x26f: {  	v62 =	vld [tilespmem:s19+$0x1AE80];
	[tilespmem:s19+$0x1AED0] =	vst v2;
	v2 =	vmul.f32 v24, v19  }
0x270: {  	v56 =	vmul.f32 v49, v45;
	[tilespmem:s19+$0x1AFB0] =	vst v6;
	v34 =	vld [tilespmem:s19+$0x1AF50]  }
0x271: {  	v16 =	vld [tilespmem:s19+$0x1AEA0];
	[tilespmem:s19+$0x1AEF0] =	vst v2;
	v2 =	vmul.f32 v27, v32  }
0x272: {  	v18 =	vmul.f32 v59, v55;
	[tilespmem:s19+$0x1AFE0] =	vst v56;
	v37 =	vld [tilespmem:s19+$0x1AF70]  }
0x273: {  	v20 =	vld [tilespmem:s19+$0x1B040];
	[tilespmem:s19+$0x1AF10] =	vst v2;
	v2 =	vmul.f32 v30, v32  }
0x274: {  	v36 =	vld [tilespmem:s19+$0x1AF60];
	[tilespmem:s19+$0x1AE60] =	vst v18;
	v22 =	vmul.f32 v62, v19  }
0x275: {  	v29 =	vld [tilespmem:s19+$0x1AF20];
	[tilespmem:s19+$0x1AF30] =	vst v2;
	v2 =	vmul.f32 v34, v32  }
0x276: {  	[tilespmem:s19+$0x1AE80] =	vst v22;
	v22 =	vld [tilespmem:s19+$0x1B060];
	v25 =	vmul.f32 v16, v19  }
0x277: {  	v46 =	vld [tilespmem:s19+$0x1AFC0];
	[tilespmem:s19+$0x1AF50] =	vst v2;
	v2 =	vmul.f32 v37, v32  }
0x278: {  	s20 =	sor.u32 $0x10, s20;
	v31 =	vmul.f32 v23, v19;
	[tilespmem:s19+$0x1AEA0] =	vst v25;
	v40 =	vld [tilespmem:s19+$0x1AF90]  }
0x279: {  	v25 =	vmul.f32 v20, v3;
	[tilespmem:s19+$0x1AF70] =	vst v2;
	v2 =	vld.idx.msk [tilespmem:v1+s20+$0x0 ss:$0x1], $0xffff;
	s20 =	sshll.u32 s20, $0x7  }
0x27a: {  	[tilespmem:s19+$0x1AEE0] =	vst v31;
	v38 =	vmul.f32 v29, v32;
	v42 =	vld [tilespmem:s19+$0x1AFA0];
	s20 =	sand.u32 $0x3FFFF800, s20  }
0x27b: {  	[tilespmem:s19+$0x1B040] =	vst v25;
	v29 =	vmul.f32 v22, v3;
	v54 =	vld [tilespmem:s20+$0x1A880]  }
0x27c: {  	v44 =	vmul.f32 v36, v32;
	[tilespmem:s19+$0x1AF20] =	vst v38;
	v55 =	vld [tilespmem:s20+$0x1A890]  }
0x27d: {  	[tilespmem:s19+$0x1B060] =	vst v29;
	v7 =	vmul.f32 v40, v45;
	v57 =	vld [tilespmem:s20+$0x1A8A0]  }
0x27e: {  	[tilespmem:s19+$0x1AF60] =	vst v44;
	v53 =	vmul.f32 v46, v45;
	v60 =	vld [tilespmem:s20+$0x1A8B0];
	v59 =	vbroadcast v2, $0x0  }
0x27f: {  	[tilespmem:s19+$0x1AF90] =	vst v7;
	v51 =	vmul.f32 v42, v45;
	v62 =	vld [tilespmem:s20+$0x1A8C0]  }
0x280: {  	[tilespmem:s19+$0x1AFC0] =	vst v53;
	v12 =	vld [tilespmem:s20+$0x1A8D0];
	v63 =	vmul.f32 v59, v54  }
0x281: {  	[tilespmem:s19+$0x1AFA0] =	vst v51;
	v14 =	vld [tilespmem:s20+$0x1A8E0];
	v13 =	vmul.f32 v55, v59  }
0x282: {  	v16 =	vld [tilespmem:s20+$0x1A8F0];
	v15 =	vmul.f32 v57, v59;
	[tilespmem:s20+$0x1A880] =	vst v63  }
0x283: {  	v47 =	vld [tilespmem:s19+$0x1AFD0];
	v10 =	vmul.f32 v60, v59;
	[tilespmem:s20+$0x1A890] =	vst v13  }
0x284: {  	v50 =	vld [tilespmem:s19+$0x1AFF0];
	v7 =	vmul.f32 v62, v59;
	[tilespmem:s20+$0x1A8A0] =	vst v15  }
0x285: {  	v18 =	vld [tilespmem:s19+$0x1B020];
	v11 =	vmul.f32 v12, v59;
	[tilespmem:s20+$0x1A8B0] =	vst v10  }
0x286: {  	v17 =	vld [tilespmem:s19+$0x1B010];
	v6 =	vmul.f32 v14, v59;
	[tilespmem:s20+$0x1A8C0] =	vst v7  }
0x287: {  	v21 =	vld [tilespmem:s19+$0x1B050];
	v8 =	vmul.f32 v16, v59;
	[tilespmem:s20+$0x1A8D0] =	vst v11  }
0x288: {  	v5 =	vmul.f32 v47, v45;
	v19 =	vld [tilespmem:s19+$0x1B030];
	[tilespmem:s20+$0x1A8E0] =	vst v6  }
0x289: {  	v23 =	vld [tilespmem:s19+$0x1B070];
	v58 =	vmul.f32 v50, v45;
	[tilespmem:s20+$0x1A8F0] =	vst v8  }
0x28a: {  	[tilespmem:s19+$0x1AFD0] =	vst v5;
	v5 =	vmul.f32 v18, v3;
	v8 =	vld [tilespmem:s19+$0x1B100]  }
0x28b: {  	[tilespmem:s19+$0x1AFF0] =	vst v58;
	v4 =	vmul.f32 v17, v3;
	v26 =	vld [tilespmem:s19+$0x1B110]  }
0x28c: {  	[tilespmem:s19+$0x1B020] =	vst v5;
	v27 =	vmul.f32 v21, v3;
	v28 =	vld [tilespmem:s19+$0x1B120]  }
0x28d: {  	[tilespmem:s19+$0x1B010] =	vst v4;
	v24 =	vmul.f32 v19, v3;
	v30 =	vbroadcast v2, $0x1;
	v32 =	vld [tilespmem:s19+$0x1B140]  }
0x28e: {  	[tilespmem:s19+$0x1B050] =	vst v27;
	v3 =	vmul.f32 v23, v3;
	v31 =	vld [tilespmem:s19+$0x1B130]  }
0x28f: {  	[tilespmem:s19+$0x1B030] =	vst v24;
	v35 =	vld [tilespmem:s19+$0x1B160];
	v33 =	vmul.f32 v8, v30  }
0x290: {  	[tilespmem:s19+$0x1B070] =	vst v3;
	v34 =	vld [tilespmem:s19+$0x1B150];
	v3 =	vmul.f32 v26, v30  }
0x291: {  	v38 =	vld [tilespmem:s19+$0x1B180];
	v36 =	vmul.f32 v28, v30;
	[tilespmem:s19+$0x1B100] =	vst v33  }
0x292: {  	v37 =	vld [tilespmem:s19+$0x1B170];
	v4 =	vmul.f32 v32, v30;
	[tilespmem:s19+$0x1B110] =	vst v3  }
0x293: {  	v40 =	vld [tilespmem:s19+$0x1B1A0];
	v3 =	vmul.f32 v31, v30;
	[tilespmem:s19+$0x1B120] =	vst v36  }
0x294: {  	v42 =	vbroadcast v2, $0x2;
	v39 =	vld [tilespmem:s19+$0x1B190];
	v41 =	vmul.f32 v35, v30;
	[tilespmem:s19+$0x1B140] =	vst v4  }
0x295: {  	v44 =	vld [tilespmem:s19+$0x1B1C0];
	[tilespmem:s19+$0x1B130] =	vst v3;
	v3 =	vmul.f32 v34, v30  }
0x296: {  	v43 =	vld [tilespmem:s19+$0x1B1B0];
	v45 =	vmul.f32 v38, v42;
	[tilespmem:s19+$0x1B160] =	vst v41  }
0x297: {  	v47 =	vld [tilespmem:s19+$0x1B1E0];
	[tilespmem:s19+$0x1B150] =	vst v3;
	v3 =	vmul.f32 v37, v30  }
0x298: {  	v46 =	vld [tilespmem:s19+$0x1B1D0];
	v48 =	vmul.f32 v40, v42;
	[tilespmem:s19+$0x1B180] =	vst v45  }
0x299: {  	v50 =	vld [tilespmem:s19+$0x1B200];
	[tilespmem:s19+$0x1B170] =	vst v3;
	v3 =	vmul.f32 v39, v42  }
0x29a: {  	v49 =	vld [tilespmem:s19+$0x1B1F0];
	v51 =	vmul.f32 v44, v42;
	[tilespmem:s19+$0x1B1A0] =	vst v48  }
0x29b: {  	v53 =	vld [tilespmem:s19+$0x1B220];
	[tilespmem:s19+$0x1B190] =	vst v3;
	v3 =	vmul.f32 v43, v42  }
0x29c: {  	v55 =	vbroadcast v2, $0x3;
	v52 =	vld [tilespmem:s19+$0x1B210];
	v54 =	vmul.f32 v47, v42;
	[tilespmem:s19+$0x1B1C0] =	vst v51  }
0x29d: {  	v57 =	vld [tilespmem:s19+$0x1B240];
	[tilespmem:s19+$0x1B1B0] =	vst v3;
	v3 =	vmul.f32 v46, v42  }
0x29e: {  	v56 =	vld [tilespmem:s19+$0x1B230];
	v58 =	vmul.f32 v50, v55;
	[tilespmem:s19+$0x1B1E0] =	vst v54  }
0x29f: {  	v60 =	vld [tilespmem:s19+$0x1B260];
	[tilespmem:s19+$0x1B1D0] =	vst v3;
	v3 =	vmul.f32 v49, v42  }
0x2a0: {  	v59 =	vld [tilespmem:s19+$0x1B250];
	v61 =	vmul.f32 v53, v55;
	[tilespmem:s19+$0x1B200] =	vst v58  }
0x2a1: {  	v63 =	vld [tilespmem:s19+$0x1B280];
	[tilespmem:s19+$0x1B1F0] =	vst v3;
	v3 =	vmul.f32 v52, v55  }
0x2a2: {  	v62 =	vld [tilespmem:s19+$0x1B270];
	v12 =	vmul.f32 v57, v55;
	[tilespmem:s19+$0x1B220] =	vst v61  }
0x2a3: {  	v14 =	vld [tilespmem:s19+$0x1B2A0];
	[tilespmem:s19+$0x1B210] =	vst v3;
	v3 =	vmul.f32 v56, v55  }
0x2a4: {  	v16 =	vbroadcast v2, $0x4;
	v13 =	vld [tilespmem:s19+$0x1B290];
	v15 =	vmul.f32 v60, v55;
	[tilespmem:s19+$0x1B240] =	vst v12  }
0x2a5: {  	v18 =	vld [tilespmem:s19+$0x1B2C0];
	[tilespmem:s19+$0x1B230] =	vst v3;
	v3 =	vmul.f32 v59, v55  }
0x2a6: {  	v17 =	vld [tilespmem:s19+$0x1B2B0];
	v19 =	vmul.f32 v63, v16;
	[tilespmem:s19+$0x1B260] =	vst v15  }
0x2a7: {  	v21 =	vld [tilespmem:s19+$0x1B2E0];
	[tilespmem:s19+$0x1B250] =	vst v3;
	v3 =	vmul.f32 v62, v55  }
0x2a8: {  	v20 =	vld [tilespmem:s19+$0x1B2D0];
	v22 =	vmul.f32 v14, v16;
	[tilespmem:s19+$0x1B280] =	vst v19  }
0x2a9: {  	v24 =	vld [tilespmem:s19+$0x1B300];
	[tilespmem:s19+$0x1B270] =	vst v3;
	v3 =	vmul.f32 v13, v16  }
0x2aa: {  	v23 =	vld [tilespmem:s19+$0x1B2F0];
	v25 =	vmul.f32 v18, v16;
	[tilespmem:s19+$0x1B2A0] =	vst v22  }
0x2ab: {  	v27 =	vld [tilespmem:s19+$0x1B320];
	[tilespmem:s19+$0x1B290] =	vst v3;
	v3 =	vmul.f32 v17, v16  }
0x2ac: {  	v29 =	vbroadcast v2, $0x5;
	v26 =	vld [tilespmem:s19+$0x1B310];
	v28 =	vmul.f32 v21, v16;
	[tilespmem:s19+$0x1B2C0] =	vst v25  }
0x2ad: {  	v31 =	vld [tilespmem:s19+$0x1B340];
	[tilespmem:s19+$0x1B2B0] =	vst v3;
	v3 =	vmul.f32 v20, v16  }
0x2ae: {  	v32 =	vmul.f32 v24, v29;
	[tilespmem:s19+$0x1B2E0] =	vst v28;
	v30 =	vld [tilespmem:s19+$0x1B330]  }
0x2af: {  	v34 =	vld [tilespmem:s19+$0x1B360];
	[tilespmem:s19+$0x1B2D0] =	vst v3;
	v3 =	vmul.f32 v23, v16  }
0x2b0: {  	v35 =	vmul.f32 v27, v29;
	v33 =	vld [tilespmem:s19+$0x1B350];
	[tilespmem:s19+$0x1B300] =	vst v32  }
0x2b1: {  	v37 =	vld [tilespmem:s19+$0x1B380];
	[tilespmem:s19+$0x1B2F0] =	vst v3;
	v3 =	vmul.f32 v26, v29  }
0x2b2: {  	v36 =	vld [tilespmem:s19+$0x1B370];
	[tilespmem:s19+$0x1B320] =	vst v35;
	v38 =	vmul.f32 v31, v29  }
0x2b3: {  	v40 =	vld [tilespmem:s19+$0x1B3A0];
	[tilespmem:s19+$0x1B310] =	vst v3;
	v3 =	vmul.f32 v30, v29  }
0x2b4: {  	v39 =	vld [tilespmem:s19+$0x1B390];
	[tilespmem:s19+$0x1B340] =	vst v38;
	v41 =	vmul.f32 v34, v29;
	v42 =	vbroadcast v2, $0x6  }
0x2b5: {  	v44 =	vld [tilespmem:s19+$0x1B3C0];
	[tilespmem:s19+$0x1B330] =	vst v3;
	v3 =	vmul.f32 v33, v29  }
0x2b6: {  	v43 =	vld [tilespmem:s19+$0x1B3B0];
	[tilespmem:s19+$0x1B360] =	vst v41;
	v45 =	vmul.f32 v37, v42  }
0x2b7: {  	v47 =	vld [tilespmem:s19+$0x1B3E0];
	[tilespmem:s19+$0x1B350] =	vst v3;
	v3 =	vmul.f32 v36, v29  }
0x2b8: {  	v46 =	vld [tilespmem:s19+$0x1B3D0];
	v48 =	vmul.f32 v40, v42;
	[tilespmem:s19+$0x1B380] =	vst v45  }
0x2b9: {  	v50 =	vld [tilespmem:s19+$0x1B400];
	[tilespmem:s19+$0x1B370] =	vst v3;
	v3 =	vmul.f32 v39, v42  }
0x2ba: {  	v49 =	vld [tilespmem:s19+$0x1B3F0];
	v51 =	vmul.f32 v44, v42;
	[tilespmem:s19+$0x1B3A0] =	vst v48  }
0x2bb: {  	v53 =	vld [tilespmem:s19+$0x1B420];
	[tilespmem:s19+$0x1B390] =	vst v3;
	v3 =	vmul.f32 v43, v42  }
0x2bc: {  	v52 =	vld [tilespmem:s19+$0x1B410];
	v54 =	vmul.f32 v47, v42;
	[tilespmem:s19+$0x1B3C0] =	vst v51;
	v55 =	vbroadcast v2, $0x7  }
0x2bd: {  	v57 =	vld [tilespmem:s19+$0x1B440];
	[tilespmem:s19+$0x1B3B0] =	vst v3;
	v3 =	vmul.f32 v46, v42  }
0x2be: {  	v56 =	vld [tilespmem:s19+$0x1B430];
	[tilespmem:s19+$0x1B3E0] =	vst v54;
	v58 =	vmul.f32 v50, v55  }
0x2bf: {  	v60 =	vld [tilespmem:s19+$0x1B460];
	[tilespmem:s19+$0x1B3D0] =	vst v3;
	v3 =	vmul.f32 v49, v42  }
0x2c0: {  	v59 =	vld [tilespmem:s19+$0x1B450];
	v61 =	vmul.f32 v53, v55;
	[tilespmem:s19+$0x1B400] =	vst v58  }
0x2c1: {  	v63 =	vld [tilespmem:s19+$0x1B480];
	[tilespmem:s19+$0x1B3F0] =	vst v3;
	v3 =	vmul.f32 v52, v55  }
0x2c2: {  	v62 =	vld [tilespmem:s19+$0x1B470];
	v12 =	vmul.f32 v57, v55;
	[tilespmem:s19+$0x1B420] =	vst v61  }
0x2c3: {  	v14 =	vld [tilespmem:s19+$0x1B4A0];
	[tilespmem:s19+$0x1B410] =	vst v3;
	v3 =	vmul.f32 v56, v55  }
0x2c4: {  	v13 =	vld [tilespmem:s19+$0x1B490];
	v15 =	vmul.f32 v60, v55;
	[tilespmem:s19+$0x1B440] =	vst v12;
	v16 =	vbroadcast v2, $0x8  }
0x2c5: {  	v18 =	vld [tilespmem:s19+$0x1B4C0];
	[tilespmem:s19+$0x1B430] =	vst v3;
	v3 =	vmul.f32 v59, v55  }
0x2c6: {  	v17 =	vld [tilespmem:s19+$0x1B4B0];
	[tilespmem:s19+$0x1B460] =	vst v15;
	v19 =	vmul.f32 v63, v16  }
0x2c7: {  	v21 =	vld [tilespmem:s19+$0x1B4E0];
	[tilespmem:s19+$0x1B450] =	vst v3;
	v3 =	vmul.f32 v62, v55  }
0x2c8: {  	v20 =	vld [tilespmem:s19+$0x1B4D0];
	v22 =	vmul.f32 v14, v16;
	[tilespmem:s19+$0x1B480] =	vst v19  }
0x2c9: {  	v24 =	vld [tilespmem:s19+$0x1B500];
	[tilespmem:s19+$0x1B470] =	vst v3;
	v3 =	vmul.f32 v13, v16  }
0x2ca: {  	v23 =	vld [tilespmem:s19+$0x1B4F0];
	v25 =	vmul.f32 v18, v16;
	[tilespmem:s19+$0x1B4A0] =	vst v22  }
0x2cb: {  	v27 =	vld [tilespmem:s19+$0x1B520];
	[tilespmem:s19+$0x1B490] =	vst v3;
	v3 =	vmul.f32 v17, v16  }
0x2cc: {  	v26 =	vld [tilespmem:s19+$0x1B510];
	v28 =	vmul.f32 v21, v16;
	[tilespmem:s19+$0x1B4C0] =	vst v25;
	v29 =	vbroadcast v2, $0x9  }
0x2cd: {  	v31 =	vld [tilespmem:s19+$0x1B540];
	[tilespmem:s19+$0x1B4B0] =	vst v3;
	v3 =	vmul.f32 v20, v16  }
0x2ce: {  	v30 =	vld [tilespmem:s19+$0x1B530];
	[tilespmem:s19+$0x1B4E0] =	vst v28;
	v32 =	vmul.f32 v24, v29  }
0x2cf: {  	v34 =	vld [tilespmem:s19+$0x1B560];
	[tilespmem:s19+$0x1B4D0] =	vst v3;
	v3 =	vmul.f32 v23, v16  }
0x2d0: {  	v33 =	vld [tilespmem:s19+$0x1B550];
	v35 =	vmul.f32 v27, v29;
	[tilespmem:s19+$0x1B500] =	vst v32  }
0x2d1: {  	v37 =	vld [tilespmem:s19+$0x1B580];
	[tilespmem:s19+$0x1B4F0] =	vst v3;
	v3 =	vmul.f32 v26, v29  }
0x2d2: {  	v36 =	vld [tilespmem:s19+$0x1B570];
	v38 =	vmul.f32 v31, v29;
	[tilespmem:s19+$0x1B520] =	vst v35  }
0x2d3: {  	v40 =	vld [tilespmem:s19+$0x1B5A0];
	[tilespmem:s19+$0x1B510] =	vst v3;
	v3 =	vmul.f32 v30, v29  }
0x2d4: {  	v39 =	vld [tilespmem:s19+$0x1B590];
	v41 =	vmul.f32 v34, v29;
	[tilespmem:s19+$0x1B540] =	vst v38;
	v42 =	vbroadcast v2, $0xA  }
0x2d5: {  	v44 =	vld [tilespmem:s19+$0x1B5C0];
	[tilespmem:s19+$0x1B530] =	vst v3;
	v3 =	vmul.f32 v33, v29  }
0x2d6: {  	v43 =	vld [tilespmem:s19+$0x1B5B0];
	[tilespmem:s19+$0x1B560] =	vst v41;
	v45 =	vmul.f32 v37, v42  }
0x2d7: {  	v47 =	vld [tilespmem:s19+$0x1B5E0];
	[tilespmem:s19+$0x1B550] =	vst v3;
	v3 =	vmul.f32 v36, v29  }
0x2d8: {  	v46 =	vld [tilespmem:s19+$0x1B5D0];
	v48 =	vmul.f32 v40, v42;
	[tilespmem:s19+$0x1B580] =	vst v45  }
0x2d9: {  	v50 =	vld [tilespmem:s19+$0x1B600];
	[tilespmem:s19+$0x1B570] =	vst v3;
	v3 =	vmul.f32 v39, v42  }
0x2da: {  	v49 =	vld [tilespmem:s19+$0x1B5F0];
	v51 =	vmul.f32 v44, v42;
	[tilespmem:s19+$0x1B5A0] =	vst v48  }
0x2db: {  	v53 =	vld [tilespmem:s19+$0x1B620];
	[tilespmem:s19+$0x1B590] =	vst v3;
	v3 =	vmul.f32 v43, v42  }
0x2dc: {  	v52 =	vld [tilespmem:s19+$0x1B610];
	v54 =	vmul.f32 v47, v42;
	[tilespmem:s19+$0x1B5C0] =	vst v51;
	v55 =	vbroadcast v2, $0xB  }
0x2dd: {  	v57 =	vld [tilespmem:s19+$0x1B640];
	[tilespmem:s19+$0x1B5B0] =	vst v3;
	v3 =	vmul.f32 v46, v42  }
0x2de: {  	v56 =	vld [tilespmem:s19+$0x1B630];
	[tilespmem:s19+$0x1B5E0] =	vst v54;
	v58 =	vmul.f32 v50, v55  }
0x2df: {  	v60 =	vld [tilespmem:s19+$0x1B660];
	[tilespmem:s19+$0x1B5D0] =	vst v3;
	v3 =	vmul.f32 v49, v42  }
0x2e0: {  	v59 =	vld [tilespmem:s19+$0x1B650];
	v61 =	vmul.f32 v53, v55;
	[tilespmem:s19+$0x1B600] =	vst v58  }
0x2e1: {  	v63 =	vld [tilespmem:s19+$0x1B680];
	[tilespmem:s19+$0x1B5F0] =	vst v3;
	v3 =	vmul.f32 v52, v55  }
0x2e2: {  	v62 =	vld [tilespmem:s19+$0x1B670];
	v12 =	vmul.f32 v57, v55;
	[tilespmem:s19+$0x1B620] =	vst v61  }
0x2e3: {  	v14 =	vld [tilespmem:s19+$0x1B6A0];
	[tilespmem:s19+$0x1B610] =	vst v3;
	v3 =	vmul.f32 v56, v55  }
0x2e4: {  	v13 =	vld [tilespmem:s19+$0x1B690];
	v15 =	vmul.f32 v60, v55;
	[tilespmem:s19+$0x1B640] =	vst v12;
	v16 =	vbroadcast v2, $0xC  }
0x2e5: {  	v18 =	vld [tilespmem:s19+$0x1B6C0];
	[tilespmem:s19+$0x1B630] =	vst v3;
	v3 =	vmul.f32 v59, v55  }
0x2e6: {  	v17 =	vld [tilespmem:s19+$0x1B6B0];
	[tilespmem:s19+$0x1B660] =	vst v15;
	v19 =	vmul.f32 v63, v16  }
0x2e7: {  	v21 =	vld [tilespmem:s19+$0x1B6E0];
	[tilespmem:s19+$0x1B650] =	vst v3;
	v3 =	vmul.f32 v62, v55  }
0x2e8: {  	v20 =	vld [tilespmem:s19+$0x1B6D0];
	v22 =	vmul.f32 v14, v16;
	[tilespmem:s19+$0x1B680] =	vst v19  }
0x2e9: {  	v24 =	vld [tilespmem:s19+$0x1B700];
	[tilespmem:s19+$0x1B670] =	vst v3;
	v3 =	vmul.f32 v13, v16  }
0x2ea: {  	v23 =	vld [tilespmem:s19+$0x1B6F0];
	v25 =	vmul.f32 v18, v16;
	[tilespmem:s19+$0x1B6A0] =	vst v22  }
0x2eb: {  	v27 =	vld [tilespmem:s19+$0x1B720];
	[tilespmem:s19+$0x1B690] =	vst v3;
	v3 =	vmul.f32 v17, v16  }
0x2ec: {  	v26 =	vld [tilespmem:s19+$0x1B710];
	v28 =	vmul.f32 v21, v16;
	[tilespmem:s19+$0x1B6C0] =	vst v25;
	v29 =	vbroadcast v2, $0xD  }
0x2ed: {  	v31 =	vld [tilespmem:s19+$0x1B740];
	[tilespmem:s19+$0x1B6B0] =	vst v3;
	v3 =	vmul.f32 v20, v16  }
0x2ee: {  	v30 =	vld [tilespmem:s19+$0x1B730];
	[tilespmem:s19+$0x1B6E0] =	vst v28;
	v32 =	vmul.f32 v24, v29  }
0x2ef: {  	v34 =	vld [tilespmem:s19+$0x1B760];
	[tilespmem:s19+$0x1B6D0] =	vst v3;
	v3 =	vmul.f32 v23, v16  }
0x2f0: {  	v33 =	vld [tilespmem:s19+$0x1B750];
	v35 =	vmul.f32 v27, v29;
	[tilespmem:s19+$0x1B700] =	vst v32  }
0x2f1: {  	v37 =	vld [tilespmem:s19+$0x1B780];
	[tilespmem:s19+$0x1B6F0] =	vst v3;
	v3 =	vmul.f32 v26, v29  }
0x2f2: {  	v36 =	vld [tilespmem:s19+$0x1B770];
	v38 =	vmul.f32 v31, v29;
	[tilespmem:s19+$0x1B720] =	vst v35  }
0x2f3: {  	v40 =	vld [tilespmem:s19+$0x1B7A0];
	[tilespmem:s19+$0x1B710] =	vst v3;
	v3 =	vmul.f32 v30, v29  }
0x2f4: {  	v39 =	vld [tilespmem:s19+$0x1B790];
	v41 =	vmul.f32 v34, v29;
	[tilespmem:s19+$0x1B740] =	vst v38;
	v42 =	vbroadcast v2, $0xE  }
0x2f5: {  	v44 =	vld [tilespmem:s19+$0x1B7C0];
	[tilespmem:s19+$0x1B730] =	vst v3;
	v3 =	vmul.f32 v33, v29  }
0x2f6: {  	v43 =	vld [tilespmem:s19+$0x1B7B0];
	[tilespmem:s19+$0x1B760] =	vst v41;
	v45 =	vmul.f32 v37, v42  }
0x2f7: {  	v47 =	vld [tilespmem:s19+$0x1B7E0];
	[tilespmem:s19+$0x1B750] =	vst v3;
	v3 =	vmul.f32 v36, v29  }
0x2f8: {  	v46 =	vld [tilespmem:s19+$0x1B7D0];
	v48 =	vmul.f32 v40, v42;
	[tilespmem:s19+$0x1B780] =	vst v45  }
0x2f9: {  	v50 =	vld [tilespmem:s19+$0x1B800];
	[tilespmem:s19+$0x1B770] =	vst v3;
	v3 =	vmul.f32 v39, v42  }
0x2fa: {  	v49 =	vld [tilespmem:s19+$0x1B7F0];
	v51 =	vmul.f32 v44, v42;
	[tilespmem:s19+$0x1B7A0] =	vst v48  }
0x2fb: {  	v53 =	vld [tilespmem:s19+$0x1B820];
	[tilespmem:s19+$0x1B790] =	vst v3;
	v3 =	vmul.f32 v43, v42  }
0x2fc: {  	v2 =	vbroadcast v2, $0xF;
	v52 =	vld [tilespmem:s19+$0x1B810];
	v54 =	vmul.f32 v47, v42;
	[tilespmem:s19+$0x1B7C0] =	vst v51  }
0x2fd: {  	v56 =	vld [tilespmem:s19+$0x1B840];
	[tilespmem:s19+$0x1B7B0] =	vst v3;
	v3 =	vmul.f32 v46, v42  }
0x2fe: {  	v57 =	vmul.f32 v50, v2;
	[tilespmem:s19+$0x1B7E0] =	vst v54;
	v55 =	vld [tilespmem:s19+$0x1B830]  }
0x2ff: {  	v59 =	vld [tilespmem:s19+$0x1B860];
	[tilespmem:s19+$0x1B7D0] =	vst v3;
	v3 =	vmul.f32 v49, v42  }
0x300: {  	v58 =	vld [tilespmem:s19+$0x1B850];
	v60 =	vmul.f32 v53, v2;
	[tilespmem:s19+$0x1B800] =	vst v57  }
0x301: {  	v61 =	vld [tilespmem:s19+$0x1B870];
	[tilespmem:s19+$0x1B7F0] =	vst v3;
	v3 =	vmul.f32 v52, v2  }
0x302: {  	[tilespmem:s19+$0x1B820] =	vst v60;
	v62 =	vmul.f32 v56, v2  }
0x303: {  	p1 =	slt.u32 s18, $0x6;
	[tilespmem:s19+$0x1B810] =	vst v3;
	v3 =	vmul.f32 v55, v2  }
.Ltmp10:
0x304: {  	[tilespmem:s19+$0x1B840] =	vst v62;
	v63 =	vmul.f32 v59, v2;
	(pc) =	sbr.rel @p1 .LBB2_7-.Ltmp10, $4  }
0x305: {  	[tilespmem:s19+$0x1B830] =	vst v3;
	v3 =	vmul.f32 v58, v2  }
0x306: {  	[tilespmem:s19+$0x1B860] =	vst v63;
	v2 =	vmul.f32 v61, v2  }
0x307: {  	s20 =	sadd.s32 $0x2, s18;
	[tilespmem:s19+$0x1B850] =	vst v3  }
0x308: {  	s18 =	smov.u32 s20;
	[tilespmem:s19+$0x1B870] =	vst v2  }
.Ltmp11:
0x309: {  	_ = 	snop;
	(pc) =	sbr.rel .LBB2_8-.Ltmp11, $1  }
0x30a: {  	_ =	sdelay $0x3  }
.LBB2_15:
0x30b: {  	_ =	sfence.sel $0x180000  }
0x30c: {  	[bflag:$0x0] =	sbarrier.arrive $0xFFFF  }
0x30d: {  	_ =	strace $0x90000047  }
0x30e: {  	s0 =	stileid.u32;
	[bflag:$0x2] =	sbarrier.arrive $0xFFFF  }
0x30f: {  	p0 =	sne.s32 s0, $0x0;
	s0 =	rddreg [dreg:$0x6]  }
0x310: {  	s0 =	sadd.s32 @!p0 $0x100000, s0  }
0x311: {  	[sflag:s0] =	ssyncadd.tile.s32 @!p0 $0x1;
	_ =	shalt  }
.Lfunc_end2:
_tile_overlayer_lowered:
.L_overlay_start_2:
0x312: {  	(tag) =	ssettag $0x2  }
0x313: {  	s0 =	rddreg [dreg:$0x0];
	s2 =	stileid.u32  }
0x314: {  	s1 =	rddreg [dreg:$0x1];
	p0 =	sne.s32 s2, $0x0  }
0x315: {  	s3 =	rddreg [dreg:$0x2];
	[bflag:$0x3] =	sbarrier.arrive $0xFFFF;
	s2 =	simm.s32 @!p0 $0x1C04  }
0x316: {  	[timem:s3], [sflag:s2] =	dma.local @!p0 [hbm:s0], s1  }
0x317: {  	s0 =	simm.s32 @!p0 $0x4  }
0x318: {  	_ =	swait.ge @!p0 [sflag:s0], s1  }
0x319: {  	s1 =	ssub.s32 @!p0 $0x0, s1;
	[sflag:s0] =	ssyncset.done @!p0 $0x0  }
0x31a: {  	[sflag:s0] =	ssyncadd.s32 @!p0 s1  }
0x31b: {  	[bflag:$0x3] =	sbarrier.arrive $0xFFFF  }
0x31c: {  	_ =	shalt  }

</sc_bundles>
